<compile_context>
chip_gen: v7x
topology: tpu7x:2x2x1
jax: 0.10.2.dev20260603
libtpu: 0.0.44.dev20260713+nightly
codegen_flags: <defaults>
</compile_context>

<pallas_src>
import functools

import jax
import jax.numpy as jnp
from jax import lax
from jax.experimental import pallas as pl
from jax.experimental.pallas import tpu as pltpu
from jax.experimental.pallas import tpu_sc as plsc

_LANE = 128
_SUP = 13


@functools.lru_cache(maxsize=None)
def _build_gather(num_idx, d):
    info = plsc.get_sparse_core_info()
    nc, ns = info.num_cores, info.num_subcores
    nw = nc * ns
    per_w = num_idx // nw
    assert per_w * nw == num_idx
    n_stream = per_w // _LANE
    assert n_stream * _LANE == per_w
    n_sup = n_stream // _SUP
    assert n_sup * _SUP == n_stream

    mesh = plsc.VectorSubcoreMesh(core_axis_name="c", subcore_axis_name="s")

    @functools.partial(
        pl.kernel,
        mesh=mesh,
        compiler_params=pltpu.CompilerParams(use_tc_tiling_on_sc=False),
        out_type=jax.ShapeDtypeStruct((num_idx, d), jnp.float32),
        scratch_types=(
            [pltpu.VMEM((n_stream, _LANE), jnp.int32)]
            + [pltpu.VMEM((_SUP * _LANE, d), jnp.float32)] * 2
            + [pltpu.SemaphoreType.DMA] * 4
        ),
    )
    def gather_k(idx_hbm, table_hbm, out_hbm, idx_v, buf0, buf1, g0, g1, o0, o1):
        gbufs = (buf0, buf1)
        gsems = (g0, g1)
        osems = (o0, o1)
        wid = lax.axis_index("s") * nc + lax.axis_index("c")
        pltpu.sync_copy(idx_hbm.at[wid], idx_v)

        def stream_copy(t, a):
            return pltpu.make_async_copy(
                table_hbm.at[idx_v.at[t * _SUP + a]],
                gbufs[t % 2].at[pl.ds(a * _LANE, _LANE)],
                gsems[t % 2],
            )

        def out_copy(t):
            return pltpu.make_async_copy(
                gbufs[t % 2],
                out_hbm.at[pl.ds((wid * n_sup + t) * _SUP * _LANE, _SUP * _LANE)],
                osems[t % 2],
            )

        def fire(t):
            for a in range(_SUP):
                stream_copy(t, a).start()

        fire(0)
        for t in range(n_sup):
            for a in range(_SUP):
                stream_copy(t, a).wait()
            out_copy(t).start()
            if t + 1 < n_sup:
                if t >= 1:
                    out_copy(t - 1).wait()
                fire(t + 1)
        out_copy(n_sup - 2).wait()
        out_copy(n_sup - 1).wait()

    return gather_k, nw, n_stream


@functools.lru_cache(maxsize=None)
def _build_matmul(bsz, k, d, blk):
    def mm_k(x_ref, w_ref, b_ref, o_ref):
        o_ref[...] = jnp.broadcast_to(b_ref[...], (blk, d)) + jnp.dot(
            x_ref[...], w_ref[...], preferred_element_type=jnp.float32)

    return pl.pallas_call(
        mm_k,
        grid=(bsz // blk,),
        in_specs=[
            pl.BlockSpec((blk, k), lambda i: (i, 0)),
            pl.BlockSpec((k, d), lambda i: (0, 0)),
            pl.BlockSpec((1, d), lambda i: (0, 0)),
        ],
        out_specs=pl.BlockSpec((blk, d), lambda i: (i, 0)),
        out_shape=jax.ShapeDtypeStruct((bsz, d), jnp.float32),
    )


def kernel(inputs, table, W, b):
    bsz, f = inputs.shape
    d = table.shape[1]
    num_idx = bsz * f

    gather_fn, nw, n_stream = _build_gather(num_idx, d)
    idx3 = inputs.astype(jnp.int32).reshape(nw, n_stream, _LANE)
    x = gather_fn(idx3, table)

    mm = _build_matmul(bsz, f * d, d, 512)
    return mm(x.reshape(bsz, f * d), W, b.reshape(1, d))

# --- scband reference (transcript-rebuilt; emitter-appended) ---
"""Pipeline reference for scband-wide-layer-9371618639964 (READ-ONLY COPY).

The authoritative reference and input builder live on the scoring server;
editing this copy changes nothing except your own understanding.
"""

import jax, jax.numpy as jnp
import numpy as np

VOCA_SIZE = 1000000
OUTPUT_DIM = 16
BATCH = 16384
N_FIELDS = 26

def setup_inputs(seed: int = 0) -> dict:
    key = jax.random.key(seed)
    k_idx, k_tab, k_w, k_b = jax.random.split(key, 4)
    inputs = jax.random.randint(k_idx, (BATCH, N_FIELDS), 0, VOCA_SIZE, dtype=jnp.int64 if jax.config.jax_enable_x64 else jnp.int32)
    # Embedding table: (voca_size + 1, output_dim)
    table = jax.random.normal(k_tab, (VOCA_SIZE + 1, OUTPUT_DIM), dtype=jnp.float32) * 0.05
    # Dense: flattened dim = N_FIELDS * OUTPUT_DIM -> OUTPUT_DIM
    W = jax.random.normal(k_w, (N_FIELDS * OUTPUT_DIM, OUTPUT_DIM), dtype=jnp.float32) * 0.05
    b = jnp.zeros((OUTPUT_DIM,), dtype=jnp.float32)
    return {"inputs": inputs, "table": table, "W": W, "b": b}

def reference(inputs, table, W, b):
    # Embedding lookup: [B, F] -> [B, F, D]
    wide_features = jnp.take(table, inputs, axis=0)
    # Flatten: [B, F*D]
    flattened = wide_features.reshape(wide_features.shape[0], -1)
    # Dense: [B, D]
    return flattened @ W + b

if __name__ == "__main__":
    import jax
    _d = setup_inputs()
    print(jax.jit(kernel)(*tuple(_d.values())))

</pallas_src>

<mosaic_0001>
#map = affine_map<(d0, d1) -> (0, 0, 0)>
#map1 = affine_map<(d0, d1) -> (0, 0)>
module attributes {stable_mosaic.version = 14 : i64} {
  func.func @gather_k(%arg0: i32, %arg1: i32, %arg2: memref<32x104x128xi32, #tpu.memory_space<hbm>>, %arg3: memref<1000001x16xf32, #tpu.memory_space<hbm>>, %arg4: memref<425984x16xf32, #tpu.memory_space<hbm>>, %arg5: memref<104x128xi32, #tpu.memory_space<vmem>>, %arg6: memref<1664x16xf32, #tpu.memory_space<vmem>>, %arg7: memref<1664x16xf32, #tpu.memory_space<vmem>>, %arg8: memref<!tpu.dma_semaphore, #tpu.memory_space<semaphore_mem>>, %arg9: memref<!tpu.dma_semaphore, #tpu.memory_space<semaphore_mem>>, %arg10: memref<!tpu.dma_semaphore, #tpu.memory_space<semaphore_mem>>, %arg11: memref<!tpu.dma_semaphore, #tpu.memory_space<semaphore_mem>>) attributes {dimension_semantics = [#tpu.dimension_semantics<core_parallel>, #tpu.dimension_semantics<subcore_parallel>], iteration_bounds = array<i64: 2, 16>, scalar_prefetch = 0 : i64, scratch_operands = 7 : i64, tpu.core_type = #tpu.core_type<sc_vector_subcore>, window_params = [{transform_indices = #map}, {transform_indices = #map1}, {transform_indices = #map1}]} {
    %mul3A = arith.constant 2 : i32
    %mul3A_0 = arith.muli %arg1, %mul3A : i32
    %add3A = arith.addi %mul3A_0, %arg0 : i32
    "tpu.region"() ({
      %run_scoped3A = tpu.sem_alloc : memref<!tpu.dma_semaphore, #tpu.memory_space<semaphore_mem>>
      %dma_start3A_2271 = arith.constant 0 : i32
      %dma_start3A_2272 = arith.constant 0 : i32
      %dma_start3A_2273 = tpu.memref_slice %arg2[%add3A, %dma_start3A_2271, %dma_start3A_2272] : memref<32x104x128xi32, #tpu.memory_space<hbm>> -> memref<1x104x128xi32, #tpu.memory_space<hbm>>
      %dma_start3A_2274 = tpu.memref_squeeze %dma_start3A_2273 : memref<1x104x128xi32, #tpu.memory_space<hbm>> -> memref<104x128xi32, #tpu.memory_space<hbm>>
      %dma_start3A_2275 = arith.constant 0 : i32
      %dma_start3A_2276 = arith.constant 0 : i32
      %dma_start3A_2277 = tpu.memref_slice %arg2[%add3A, %dma_start3A_2275, %dma_start3A_2276] : memref<32x104x128xi32, #tpu.memory_space<hbm>> -> memref<1x104x128xi32, #tpu.memory_space<hbm>>
      %dma_start3A_2278 = tpu.memref_squeeze %dma_start3A_2277 : memref<1x104x128xi32, #tpu.memory_space<hbm>> -> memref<104x128xi32, #tpu.memory_space<hbm>>
      tpu.enqueue_dma source(%dma_start3A_2278 : memref<104x128xi32, #tpu.memory_space<hbm>>) target(%arg5 : memref<104x128xi32, #tpu.memory_space<vmem>>) target_semaphore(%run_scoped3A : memref<!tpu.dma_semaphore, #tpu.memory_space<semaphore_mem>>)
      %dma_wait3A_2279 = arith.constant 0 : i32
      %dma_wait3A_2280 = arith.constant 0 : i32
      %dma_wait3A_2281 = tpu.memref_slice %arg2[%add3A, %dma_wait3A_2279, %dma_wait3A_2280] : memref<32x104x128xi32, #tpu.memory_space<hbm>> -> memref<1x104x128xi32, #tpu.memory_space<hbm>>
      %dma_wait3A_2282 = tpu.memref_squeeze %dma_wait3A_2281 : memref<1x104x128xi32, #tpu.memory_space<hbm>> -> memref<104x128xi32, #tpu.memory_space<hbm>>
      %dma_wait3A_2283 = arith.constant 0 : i32
      %dma_wait3A_2284 = arith.constant 0 : i32
      %dma_wait3A_2285 = tpu.memref_slice %arg2[%add3A, %dma_wait3A_2283, %dma_wait3A_2284] : memref<32x104x128xi32, #tpu.memory_space<hbm>> -> memref<1x104x128xi32, #tpu.memory_space<hbm>>
      %dma_wait3A_2286 = tpu.memref_squeeze %dma_wait3A_2285 : memref<1x104x128xi32, #tpu.memory_space<hbm>> -> memref<104x128xi32, #tpu.memory_space<hbm>>
      tpu.wait_dma2 semaphore(%run_scoped3A : memref<!tpu.dma_semaphore, #tpu.memory_space<semaphore_mem>>) src(%dma_wait3A_2286 : memref<104x128xi32, #tpu.memory_space<hbm>>) dst(%arg5 : memref<104x128xi32, #tpu.memory_space<vmem>>)
      tpu.yield
    }) : () -> ()
    %dma_start3A = arith.constant 0 : i32
    %dma_start3A_1 = arith.constant 0 : i32
    %dma_start3A_2 = arith.constant 0 : i32
    %dma_start3A_3 = tpu.memref_slice %arg6[%dma_start3A_1, %dma_start3A_2] : memref<1664x16xf32, #tpu.memory_space<vmem>> -> memref<128x16xf32, #tpu.memory_space<vmem>>
    %dma_start3A_4 = arith.constant 0 : i32
    %dma_start3A_5 = tpu.memref_slice %arg5[%dma_start3A, %dma_start3A_4] : memref<104x128xi32, #tpu.memory_space<vmem>> -> memref<1x128xi32, #tpu.memory_space<vmem>>
    %dma_start3A_6 = tpu.memref_squeeze %dma_start3A_5 : memref<1x128xi32, #tpu.memory_space<vmem>> -> memref<128xi32, #tpu.memory_space<vmem>>
    %dma_start3A_7 = arith.constant 0 : i32
    %dma_start3A_8 = arith.constant 0 : i32
    %dma_start3A_9 = tpu.memref_slice %arg3[%dma_start3A_7, %dma_start3A_8] : memref<1000001x16xf32, #tpu.memory_space<hbm>> -> memref<1000001x16xf32, #tpu.memory_space<hbm>>
    tpu.enqueue_indirect_dma source(%dma_start3A_9 : memref<1000001x16xf32, #tpu.memory_space<hbm>>) target(%dma_start3A_3 : memref<128x16xf32, #tpu.memory_space<vmem>>) offsets(%dma_start3A_6 : memref<128xi32, #tpu.memory_space<vmem>>) semaphore(%arg8 : memref<!tpu.dma_semaphore, #tpu.memory_space<semaphore_mem>>)
    %dma_start3A_10 = arith.constant 1 : i32
    %dma_start3A_11 = arith.constant 128 : i32
    %dma_start3A_12 = arith.constant 0 : i32
    %dma_start3A_13 = tpu.memref_slice %arg6[%dma_start3A_11, %dma_start3A_12] : memref<1664x16xf32, #tpu.memory_space<vmem>> -> memref<128x16xf32, #tpu.memory_space<vmem>>
    %dma_start3A_14 = arith.constant 0 : i32
    %dma_start3A_15 = tpu.memref_slice %arg5[%dma_start3A_10, %dma_start3A_14] : memref<104x128xi32, #tpu.memory_space<vmem>> -> memref<1x128xi32, #tpu.memory_space<vmem>>
    %dma_start3A_16 = tpu.memref_squeeze %dma_start3A_15 : memref<1x128xi32, #tpu.memory_space<vmem>> -> memref<128xi32, #tpu.memory_space<vmem>>
    %dma_start3A_17 = arith.constant 0 : i32
    %dma_start3A_18 = arith.constant 0 : i32
    %dma_start3A_19 = tpu.memref_slice %arg3[%dma_start3A_17, %dma_start3A_18] : memref<1000001x16xf32, #tpu.memory_space<hbm>> -> memref<1000001x16xf32, #tpu.memory_space<hbm>>
    tpu.enqueue_indirect_dma source(%dma_start3A_19 : memref<1000001x16xf32, #tpu.memory_space<hbm>>) target(%dma_start3A_13 : memref<128x16xf32, #tpu.memory_space<vmem>>) offsets(%dma_start3A_16 : memref<128xi32, #tpu.memory_space<vmem>>) semaphore(%arg8 : memref<!tpu.dma_semaphore, #tpu.memory_space<semaphore_mem>>)
    %dma_start3A_20 = arith.constant 2 : i32
    %dma_start3A_21 = arith.constant 256 : i32
    %dma_start3A_22 = arith.constant 0 : i32
    %dma_start3A_23 = tpu.memref_slice %arg6[%dma_start3A_21, %dma_start3A_22] : memref<1664x16xf32, #tpu.memory_space<vmem>> -> memref<128x16xf32, #tpu.memory_space<vmem>>
    %dma_start3A_24 = arith.constant 0 : i32
    %dma_start3A_25 = tpu.memref_slice %arg5[%dma_start3A_20, %dma_start3A_24] : memref<104x128xi32, #tpu.memory_space<vmem>> -> memref<1x128xi32, #tpu.memory_space<vmem>>
    %dma_start3A_26 = tpu.memref_squeeze %dma_start3A_25 : memref<1x128xi32, #tpu.memory_space<vmem>> -> memref<128xi32, #tpu.memory_space<vmem>>
    %dma_start3A_27 = arith.constant 0 : i32
    %dma_start3A_28 = arith.constant 0 : i32
    %dma_start3A_29 = tpu.memref_slice %arg3[%dma_start3A_27, %dma_start3A_28] : memref<1000001x16xf32, #tpu.memory_space<hbm>> -> memref<1000001x16xf32, #tpu.memory_space<hbm>>
    tpu.enqueue_indirect_dma source(%dma_start3A_29 : memref<1000001x16xf32, #tpu.memory_space<hbm>>) target(%dma_start3A_23 : memref<128x16xf32, #tpu.memory_space<vmem>>) offsets(%dma_start3A_26 : memref<128xi32, #tpu.memory_space<vmem>>) semaphore(%arg8 : memref<!tpu.dma_semaphore, #tpu.memory_space<semaphore_mem>>)
    %dma_start3A_30 = arith.constant 3 : i32
    %dma_start3A_31 = arith.constant 384 : i32
    %dma_start3A_32 = arith.constant 0 : i32
    %dma_start3A_33 = tpu.memref_slice %arg6[%dma_start3A_31, %dma_start3A_32] : memref<1664x16xf32, #tpu.memory_space<vmem>> -> memref<128x16xf32, #tpu.memory_space<vmem>>
    %dma_start3A_34 = arith.constant 0 : i32
    %dma_start3A_35 = tpu.memref_slice %arg5[%dma_start3A_30, %dma_start3A_34] : memref<104x128xi32, #tpu.memory_space<vmem>> -> memref<1x128xi32, #tpu.memory_space<vmem>>
    %dma_start3A_36 = tpu.memref_squeeze %dma_start3A_35 : memref<1x128xi32, #tpu.memory_space<vmem>> -> memref<128xi32, #tpu.memory_space<vmem>>
    %dma_start3A_37 = arith.constant 0 : i32
    %dma_start3A_38 = arith.constant 0 : i32
    %dma_start3A_39 = tpu.memref_slice %arg3[%dma_start3A_37, %dma_start3A_38] : memref<1000001x16xf32, #tpu.memory_space<hbm>> -> memref<1000001x16xf32, #tpu.memory_space<hbm>>
    tpu.enqueue_indirect_dma source(%dma_start3A_39 : memref<1000001x16xf32, #tpu.memory_space<hbm>>) target(%dma_start3A_33 : memref<128x16xf32, #tpu.memory_space<vmem>>) offsets(%dma_start3A_36 : memref<128xi32, #tpu.memory_space<vmem>>) semaphore(%arg8 : memref<!tpu.dma_semaphore, #tpu.memory_space<semaphore_mem>>)
    %dma_start3A_40 = arith.constant 4 : i32
    %dma_start3A_41 = arith.constant 512 : i32
    %dma_start3A_42 = arith.constant 0 : i32
    %dma_start3A_43 = tpu.memref_slice %arg6[%dma_start3A_41, %dma_start3A_42] : memref<1664x16xf32, #tpu.memory_space<vmem>> -> memref<128x16xf32, #tpu.memory_space<vmem>>
    %dma_start3A_44 = arith.constant 0 : i32
    %dma_start3A_45 = tpu.memref_slice %arg5[%dma_start3A_40, %dma_start3A_44] : memref<104x128xi32, #tpu.memory_space<vmem>> -> memref<1x128xi32, #tpu.memory_space<vmem>>
    %dma_start3A_46 = tpu.memref_squeeze %dma_start3A_45 : memref<1x128xi32, #tpu.memory_space<vmem>> -> memref<128xi32, #tpu.memory_space<vmem>>
    %dma_start3A_47 = arith.constant 0 : i32
    %dma_start3A_48 = arith.constant 0 : i32
    %dma_start3A_49 = tpu.memref_slice %arg3[%dma_start3A_47, %dma_start3A_48] : memref<1000001x16xf32, #tpu.memory_space<hbm>> -> memref<1000001x16xf32, #tpu.memory_space<hbm>>
    tpu.enqueue_indirect_dma source(%dma_start3A_49 : memref<1000001x16xf32, #tpu.memory_space<hbm>>) target(%dma_start3A_43 : memref<128x16xf32, #tpu.memory_space<vmem>>) offsets(%dma_start3A_46 : memref<128xi32, #tpu.memory_space<vmem>>) semaphore(%arg8 : memref<!tpu.dma_semaphore, #tpu.memory_space<semaphore_mem>>)
    %dma_start3A_50 = arith.constant 5 : i32
    %dma_start3A_51 = arith.constant 640 : i32
    %dma_start3A_52 = arith.constant 0 : i32
    %dma_start3A_53 = tpu.memref_slice %arg6[%dma_start3A_51, %dma_start3A_52] : memref<1664x16xf32, #tpu.memory_space<vmem>> -> memref<128x16xf32, #tpu.memory_space<vmem>>
    %dma_start3A_54 = arith.constant 0 : i32
    %dma_start3A_55 = tpu.memref_slice %arg5[%dma_start3A_50, %dma_start3A_54] : memref<104x128xi32, #tpu.memory_space<vmem>> -> memref<1x128xi32, #tpu.memory_space<vmem>>
    %dma_start3A_56 = tpu.memref_squeeze %dma_start3A_55 : memref<1x128xi32, #tpu.memory_space<vmem>> -> memref<128xi32, #tpu.memory_space<vmem>>
    %dma_start3A_57 = arith.constant 0 : i32
    %dma_start3A_58 = arith.constant 0 : i32
    %dma_start3A_59 = tpu.memref_slice %arg3[%dma_start3A_57, %dma_start3A_58] : memref<1000001x16xf32, #tpu.memory_space<hbm>> -> memref<1000001x16xf32, #tpu.memory_space<hbm>>
    tpu.enqueue_indirect_dma source(%dma_start3A_59 : memref<1000001x16xf32, #tpu.memory_space<hbm>>) target(%dma_start3A_53 : memref<128x16xf32, #tpu.memory_space<vmem>>) offsets(%dma_start3A_56 : memref<128xi32, #tpu.memory_space<vmem>>) semaphore(%arg8 : memref<!tpu.dma_semaphore, #tpu.memory_space<semaphore_mem>>)
    %dma_start3A_60 = arith.constant 6 : i32
    %dma_start3A_61 = arith.constant 768 : i32
    %dma_start3A_62 = arith.constant 0 : i32
    %dma_start3A_63 = tpu.memref_slice %arg6[%dma_start3A_61, %dma_start3A_62] : memref<1664x16xf32, #tpu.memory_space<vmem>> -> memref<128x16xf32, #tpu.memory_space<vmem>>
    %dma_start3A_64 = arith.constant 0 : i32
    %dma_start3A_65 = tpu.memref_slice %arg5[%dma_start3A_60, %dma_start3A_64] : memref<104x128xi32, #tpu.memory_space<vmem>> -> memref<1x128xi32, #tpu.memory_space<vmem>>
    %dma_start3A_66 = tpu.memref_squeeze %dma_start3A_65 : memref<1x128xi32, #tpu.memory_space<vmem>> -> memref<128xi32, #tpu.memory_space<vmem>>
    %dma_start3A_67 = arith.constant 0 : i32
    %dma_start3A_68 = arith.constant 0 : i32
    %dma_start3A_69 = tpu.memref_slice %arg3[%dma_start3A_67, %dma_start3A_68] : memref<1000001x16xf32, #tpu.memory_space<hbm>> -> memref<1000001x16xf32, #tpu.memory_space<hbm>>
    tpu.enqueue_indirect_dma source(%dma_start3A_69 : memref<1000001x16xf32, #tpu.memory_space<hbm>>) target(%dma_start3A_63 : memref<128x16xf32, #tpu.memory_space<vmem>>) offsets(%dma_start3A_66 : memref<128xi32, #tpu.memory_space<vmem>>) semaphore(%arg8 : memref<!tpu.dma_semaphore, #tpu.memory_space<semaphore_mem>>)
    %dma_start3A_70 = arith.constant 7 : i32
    %dma_start3A_71 = arith.constant 896 : i32
    %dma_start3A_72 = arith.constant 0 : i32
    %dma_start3A_73 = tpu.memref_slice %arg6[%dma_start3A_71, %dma_start3A_72] : memref<1664x16xf32, #tpu.memory_space<vmem>> -> memref<128x16xf32, #tpu.memory_space<vmem>>
    %dma_start3A_74 = arith.constant 0 : i32
    %dma_start3A_75 = tpu.memref_slice %arg5[%dma_start3A_70, %dma_start3A_74] : memref<104x128xi32, #tpu.memory_space<vmem>> -> memref<1x128xi32, #tpu.memory_space<vmem>>
    %dma_start3A_76 = tpu.memref_squeeze %dma_start3A_75 : memref<1x128xi32, #tpu.memory_space<vmem>> -> memref<128xi32, #tpu.memory_space<vmem>>
    %dma_start3A_77 = arith.constant 0 : i32
    %dma_start3A_78 = arith.constant 0 : i32
    %dma_start3A_79 = tpu.memref_slice %arg3[%dma_start3A_77, %dma_start3A_78] : memref<1000001x16xf32, #tpu.memory_space<hbm>> -> memref<1000001x16xf32, #tpu.memory_space<hbm>>
    tpu.enqueue_indirect_dma source(%dma_start3A_79 : memref<1000001x16xf32, #tpu.memory_space<hbm>>) target(%dma_start3A_73 : memref<128x16xf32, #tpu.memory_space<vmem>>) offsets(%dma_start3A_76 : memref<128xi32, #tpu.memory_space<vmem>>) semaphore(%arg8 : memref<!tpu.dma_semaphore, #tpu.memory_space<semaphore_mem>>)
    %dma_start3A_80 = arith.constant 8 : i32
    %dma_start3A_81 = arith.constant 1024 : i32
    %dma_start3A_82 = arith.constant 0 : i32
    %dma_start3A_83 = tpu.memref_slice %arg6[%dma_start3A_81, %dma_start3A_82] : memref<1664x16xf32, #tpu.memory_space<vmem>> -> memref<128x16xf32, #tpu.memory_space<vmem>>
    %dma_start3A_84 = arith.constant 0 : i32
    %dma_start3A_85 = tpu.memref_slice %arg5[%dma_start3A_80, %dma_start3A_84] : memref<104x128xi32, #tpu.memory_space<vmem>> -> memref<1x128xi32, #tpu.memory_space<vmem>>
    %dma_start3A_86 = tpu.memref_squeeze %dma_start3A_85 : memref<1x128xi32, #tpu.memory_space<vmem>> -> memref<128xi32, #tpu.memory_space<vmem>>
    %dma_start3A_87 = arith.constant 0 : i32
    %dma_start3A_88 = arith.constant 0 : i32
    %dma_start3A_89 = tpu.memref_slice %arg3[%dma_start3A_87, %dma_start3A_88] : memref<1000001x16xf32, #tpu.memory_space<hbm>> -> memref<1000001x16xf32, #tpu.memory_space<hbm>>
    tpu.enqueue_indirect_dma source(%dma_start3A_89 : memref<1000001x16xf32, #tpu.memory_space<hbm>>) target(%dma_start3A_83 : memref<128x16xf32, #tpu.memory_space<vmem>>) offsets(%dma_start3A_86 : memref<128xi32, #tpu.memory_space<vmem>>) semaphore(%arg8 : memref<!tpu.dma_semaphore, #tpu.memory_space<semaphore_mem>>)
    %dma_start3A_90 = arith.constant 9 : i32
    %dma_start3A_91 = arith.constant 1152 : i32
    %dma_start3A_92 = arith.constant 0 : i32
    %dma_start3A_93 = tpu.memref_slice %arg6[%dma_start3A_91, %dma_start3A_92] : memref<1664x16xf32, #tpu.memory_space<vmem>> -> memref<128x16xf32, #tpu.memory_space<vmem>>
    %dma_start3A_94 = arith.constant 0 : i32
    %dma_start3A_95 = tpu.memref_slice %arg5[%dma_start3A_90, %dma_start3A_94] : memref<104x128xi32, #tpu.memory_space<vmem>> -> memref<1x128xi32, #tpu.memory_space<vmem>>
    %dma_start3A_96 = tpu.memref_squeeze %dma_start3A_95 : memref<1x128xi32, #tpu.memory_space<vmem>> -> memref<128xi32, #tpu.memory_space<vmem>>
    %dma_start3A_97 = arith.constant 0 : i32
    %dma_start3A_98 = arith.constant 0 : i32
    %dma_start3A_99 = tpu.memref_slice %arg3[%dma_start3A_97, %dma_start3A_98] : memref<1000001x16xf32, #tpu.memory_space<hbm>> -> memref<1000001x16xf32, #tpu.memory_space<hbm>>
    tpu.enqueue_indirect_dma source(%dma_start3A_99 : memref<1000001x16xf32, #tpu.memory_space<hbm>>) target(%dma_start3A_93 : memref<128x16xf32, #tpu.memory_space<vmem>>) offsets(%dma_start3A_96 : memref<128xi32, #tpu.memory_space<vmem>>) semaphore(%arg8 : memref<!tpu.dma_semaphore, #tpu.memory_space<semaphore_mem>>)
    %dma_start3A_100 = arith.constant 10 : i32
    %dma_start3A_101 = arith.constant 1280 : i32
    %dma_start3A_102 = arith.constant 0 : i32
    %dma_start3A_103 = tpu.memref_slice %arg6[%dma_start3A_101, %dma_start3A_102] : memref<1664x16xf32, #tpu.memory_space<vmem>> -> memref<128x16xf32, #tpu.memory_space<vmem>>
    %dma_start3A_104 = arith.constant 0 : i32
    %dma_start3A_105 = tpu.memref_slice %arg5[%dma_start3A_100, %dma_start3A_104] : memref<104x128xi32, #tpu.memory_space<vmem>> -> memref<1x128xi32, #tpu.memory_space<vmem>>
    %dma_start3A_106 = tpu.memref_squeeze %dma_start3A_105 : memref<1x128xi32, #tpu.memory_space<vmem>> -> memref<128xi32, #tpu.memory_space<vmem>>
    %dma_start3A_107 = arith.constant 0 : i32
    %dma_start3A_108 = arith.constant 0 : i32
    %dma_start3A_109 = tpu.memref_slice %arg3[%dma_start3A_107, %dma_start3A_108] : memref<1000001x16xf32, #tpu.memory_space<hbm>> -> memref<1000001x16xf32, #tpu.memory_space<hbm>>
    tpu.enqueue_indirect_dma source(%dma_start3A_109 : memref<1000001x16xf32, #tpu.memory_space<hbm>>) target(%dma_start3A_103 : memref<128x16xf32, #tpu.memory_space<vmem>>) offsets(%dma_start3A_106 : memref<128xi32, #tpu.memory_space<vmem>>) semaphore(%arg8 : memref<!tpu.dma_semaphore, #tpu.memory_space<semaphore_mem>>)
    %dma_start3A_110 = arith.constant 11 : i32
    %dma_start3A_111 = arith.constant 1408 : i32
    %dma_start3A_112 = arith.constant 0 : i32
    %dma_start3A_113 = tpu.memref_slice %arg6[%dma_start3A_111, %dma_start3A_112] : memref<1664x16xf32, #tpu.memory_space<vmem>> -> memref<128x16xf32, #tpu.memory_space<vmem>>
    %dma_start3A_114 = arith.constant 0 : i32
    %dma_start3A_115 = tpu.memref_slice %arg5[%dma_start3A_110, %dma_start3A_114] : memref<104x128xi32, #tpu.memory_space<vmem>> -> memref<1x128xi32, #tpu.memory_space<vmem>>
    %dma_start3A_116 = tpu.memref_squeeze %dma_start3A_115 : memref<1x128xi32, #tpu.memory_space<vmem>> -> memref<128xi32, #tpu.memory_space<vmem>>
    %dma_start3A_117 = arith.constant 0 : i32
    %dma_start3A_118 = arith.constant 0 : i32
    %dma_start3A_119 = tpu.memref_slice %arg3[%dma_start3A_117, %dma_start3A_118] : memref<1000001x16xf32, #tpu.memory_space<hbm>> -> memref<1000001x16xf32, #tpu.memory_space<hbm>>
    tpu.enqueue_indirect_dma source(%dma_start3A_119 : memref<1000001x16xf32, #tpu.memory_space<hbm>>) target(%dma_start3A_113 : memref<128x16xf32, #tpu.memory_space<vmem>>) offsets(%dma_start3A_116 : memref<128xi32, #tpu.memory_space<vmem>>) semaphore(%arg8 : memref<!tpu.dma_semaphore, #tpu.memory_space<semaphore_mem>>)
    %dma_start3A_120 = arith.constant 12 : i32
    %dma_start3A_121 = arith.constant 1536 : i32
    %dma_start3A_122 = arith.constant 0 : i32
    %dma_start3A_123 = tpu.memref_slice %arg6[%dma_start3A_121, %dma_start3A_122] : memref<1664x16xf32, #tpu.memory_space<vmem>> -> memref<128x16xf32, #tpu.memory_space<vmem>>
    %dma_start3A_124 = arith.constant 0 : i32
    %dma_start3A_125 = tpu.memref_slice %arg5[%dma_start3A_120, %dma_start3A_124] : memref<104x128xi32, #tpu.memory_space<vmem>> -> memref<1x128xi32, #tpu.memory_space<vmem>>
    %dma_start3A_126 = tpu.memref_squeeze %dma_start3A_125 : memref<1x128xi32, #tpu.memory_space<vmem>> -> memref<128xi32, #tpu.memory_space<vmem>>
    %dma_start3A_127 = arith.constant 0 : i32
    %dma_start3A_128 = arith.constant 0 : i32
    %dma_start3A_129 = tpu.memref_slice %arg3[%dma_start3A_127, %dma_start3A_128] : memref<1000001x16xf32, #tpu.memory_space<hbm>> -> memref<1000001x16xf32, #tpu.memory_space<hbm>>
    tpu.enqueue_indirect_dma source(%dma_start3A_129 : memref<1000001x16xf32, #tpu.memory_space<hbm>>) target(%dma_start3A_123 : memref<128x16xf32, #tpu.memory_space<vmem>>) offsets(%dma_start3A_126 : memref<128xi32, #tpu.memory_space<vmem>>) semaphore(%arg8 : memref<!tpu.dma_semaphore, #tpu.memory_space<semaphore_mem>>)
    %dma_wait3A = arith.constant 0 : i32
    %dma_wait3A_130 = arith.constant 0 : i32
    %dma_wait3A_131 = arith.constant 0 : i32
    %dma_wait3A_132 = tpu.memref_slice %arg6[%dma_wait3A_130, %dma_wait3A_131] : memref<1664x16xf32, #tpu.memory_space<vmem>> -> memref<128x16xf32, #tpu.memory_space<vmem>>
    %dma_wait3A_133 = arith.constant 0 : i32
    %dma_wait3A_134 = tpu.memref_slice %arg5[%dma_wait3A, %dma_wait3A_133] : memref<104x128xi32, #tpu.memory_space<vmem>> -> memref<1x128xi32, #tpu.memory_space<vmem>>
    %dma_wait3A_135 = tpu.memref_squeeze %dma_wait3A_134 : memref<1x128xi32, #tpu.memory_space<vmem>> -> memref<128xi32, #tpu.memory_space<vmem>>
    %dma_wait3A_136 = arith.constant 0 : i32
    %dma_wait3A_137 = arith.constant 0 : i32
    %dma_wait3A_138 = tpu.memref_slice %arg3[%dma_wait3A_136, %dma_wait3A_137] : memref<1000001x16xf32, #tpu.memory_space<hbm>> -> memref<1000001x16xf32, #tpu.memory_space<hbm>>
    tpu.wait_indirect_dma semaphore(%arg8 : memref<!tpu.dma_semaphore, #tpu.memory_space<semaphore_mem>>) src(%dma_wait3A_138 : memref<1000001x16xf32, #tpu.memory_space<hbm>>) dst(%dma_wait3A_132 : memref<128x16xf32, #tpu.memory_space<vmem>>)
    %dma_wait3A_139 = arith.constant 1 : i32
    %dma_wait3A_140 = arith.constant 128 : i32
    %dma_wait3A_141 = arith.constant 0 : i32
    %dma_wait3A_142 = tpu.memref_slice %arg6[%dma_wait3A_140, %dma_wait3A_141] : memref<1664x16xf32, #tpu.memory_space<vmem>> -> memref<128x16xf32, #tpu.memory_space<vmem>>
    %dma_wait3A_143 = arith.constant 0 : i32
    %dma_wait3A_144 = tpu.memref_slice %arg5[%dma_wait3A_139, %dma_wait3A_143] : memref<104x128xi32, #tpu.memory_space<vmem>> -> memref<1x128xi32, #tpu.memory_space<vmem>>
    %dma_wait3A_145 = tpu.memref_squeeze %dma_wait3A_144 : memref<1x128xi32, #tpu.memory_space<vmem>> -> memref<128xi32, #tpu.memory_space<vmem>>
    %dma_wait3A_146 = arith.constant 0 : i32
    %dma_wait3A_147 = arith.constant 0 : i32
    %dma_wait3A_148 = tpu.memref_slice %arg3[%dma_wait3A_146, %dma_wait3A_147] : memref<1000001x16xf32, #tpu.memory_space<hbm>> -> memref<1000001x16xf32, #tpu.memory_space<hbm>>
    tpu.wait_indirect_dma semaphore(%arg8 : memref<!tpu.dma_semaphore, #tpu.memory_space<semaphore_mem>>) src(%dma_wait3A_148 : memref<1000001x16xf32, #tpu.memory_space<hbm>>) dst(%dma_wait3A_142 : memref<128x16xf32, #tpu.memory_space<vmem>>)
    %dma_wait3A_149 = arith.constant 2 : i32
    %dma_wait3A_150 = arith.constant 256 : i32
    %dma_wait3A_151 = arith.constant 0 : i32
    %dma_wait3A_152 = tpu.memref_slice %arg6[%dma_wait3A_150, %dma_wait3A_151] : memref<1664x16xf32, #tpu.memory_space<vmem>> -> memref<128x16xf32, #tpu.memory_space<vmem>>
    %dma_wait3A_153 = arith.constant 0 : i32
    %dma_wait3A_154 = tpu.memref_slice %arg5[%dma_wait3A_149, %dma_wait3A_153] : memref<104x128xi32, #tpu.memory_space<vmem>> -> memref<1x128xi32, #tpu.memory_space<vmem>>
    %dma_wait3A_155 = tpu.memref_squeeze %dma_wait3A_154 : memref<1x128xi32, #tpu.memory_space<vmem>> -> memref<128xi32, #tpu.memory_space<vmem>>
    %dma_wait3A_156 = arith.constant 0 : i32
    %dma_wait3A_157 = arith.constant 0 : i32
    %dma_wait3A_158 = tpu.memref_slice %arg3[%dma_wait3A_156, %dma_wait3A_157] : memref<1000001x16xf32, #tpu.memory_space<hbm>> -> memref<1000001x16xf32, #tpu.memory_space<hbm>>
    tpu.wait_indirect_dma semaphore(%arg8 : memref<!tpu.dma_semaphore, #tpu.memory_space<semaphore_mem>>) src(%dma_wait3A_158 : memref<1000001x16xf32, #tpu.memory_space<hbm>>) dst(%dma_wait3A_152 : memref<128x16xf32, #tpu.memory_space<vmem>>)
    %dma_wait3A_159 = arith.constant 3 : i32
    %dma_wait3A_160 = arith.constant 384 : i32
    %dma_wait3A_161 = arith.constant 0 : i32
    %dma_wait3A_162 = tpu.memref_slice %arg6[%dma_wait3A_160, %dma_wait3A_161] : memref<1664x16xf32, #tpu.memory_space<vmem>> -> memref<128x16xf32, #tpu.memory_space<vmem>>
    %dma_wait3A_163 = arith.constant 0 : i32
    %dma_wait3A_164 = tpu.memref_slice %arg5[%dma_wait3A_159, %dma_wait3A_163] : memref<104x128xi32, #tpu.memory_space<vmem>> -> memref<1x128xi32, #tpu.memory_space<vmem>>
    %dma_wait3A_165 = tpu.memref_squeeze %dma_wait3A_164 : memref<1x128xi32, #tpu.memory_space<vmem>> -> memref<128xi32, #tpu.memory_space<vmem>>
    %dma_wait3A_166 = arith.constant 0 : i32
    %dma_wait3A_167 = arith.constant 0 : i32
    %dma_wait3A_168 = tpu.memref_slice %arg3[%dma_wait3A_166, %dma_wait3A_167] : memref<1000001x16xf32, #tpu.memory_space<hbm>> -> memref<1000001x16xf32, #tpu.memory_space<hbm>>
    tpu.wait_indirect_dma semaphore(%arg8 : memref<!tpu.dma_semaphore, #tpu.memory_space<semaphore_mem>>) src(%dma_wait3A_168 : memref<1000001x16xf32, #tpu.memory_space<hbm>>) dst(%dma_wait3A_162 : memref<128x16xf32, #tpu.memory_space<vmem>>)
    %dma_wait3A_169 = arith.constant 4 : i32
    %dma_wait3A_170 = arith.constant 512 : i32
    %dma_wait3A_171 = arith.constant 0 : i32
    %dma_wait3A_172 = tpu.memref_slice %arg6[%dma_wait3A_170, %dma_wait3A_171] : memref<1664x16xf32, #tpu.memory_space<vmem>> -> memref<128x16xf32, #tpu.memory_space<vmem>>
    %dma_wait3A_173 = arith.constant 0 : i32
    %dma_wait3A_174 = tpu.memref_slice %arg5[%dma_wait3A_169, %dma_wait3A_173] : memref<104x128xi32, #tpu.memory_space<vmem>> -> memref<1x128xi32, #tpu.memory_space<vmem>>
    %dma_wait3A_175 = tpu.memref_squeeze %dma_wait3A_174 : memref<1x128xi32, #tpu.memory_space<vmem>> -> memref<128xi32, #tpu.memory_space<vmem>>
    %dma_wait3A_176 = arith.constant 0 : i32
    %dma_wait3A_177 = arith.constant 0 : i32
    %dma_wait3A_178 = tpu.memref_slice %arg3[%dma_wait3A_176, %dma_wait3A_177] : memref<1000001x16xf32, #tpu.memory_space<hbm>> -> memref<1000001x16xf32, #tpu.memory_space<hbm>>
    tpu.wait_indirect_dma semaphore(%arg8 : memref<!tpu.dma_semaphore, #tpu.memory_space<semaphore_mem>>) src(%dma_wait3A_178 : memref<1000001x16xf32, #tpu.memory_space<hbm>>) dst(%dma_wait3A_172 : memref<128x16xf32, #tpu.memory_space<vmem>>)
    %dma_wait3A_179 = arith.constant 5 : i32
    %dma_wait3A_180 = arith.constant 640 : i32
    %dma_wait3A_181 = arith.constant 0 : i32
    %dma_wait3A_182 = tpu.memref_slice %arg6[%dma_wait3A_180, %dma_wait3A_181] : memref<1664x16xf32, #tpu.memory_space<vmem>> -> memref<128x16xf32, #tpu.memory_space<vmem>>
    %dma_wait3A_183 = arith.constant 0 : i32
    %dma_wait3A_184 = tpu.memref_slice %arg5[%dma_wait3A_179, %dma_wait3A_183] : memref<104x128xi32, #tpu.memory_space<vmem>> -> memref<1x128xi32, #tpu.memory_space<vmem>>
    %dma_wait3A_185 = tpu.memref_squeeze %dma_wait3A_184 : memref<1x128xi32, #tpu.memory_space<vmem>> -> memref<128xi32, #tpu.memory_space<vmem>>
    %dma_wait3A_186 = arith.constant 0 : i32
    %dma_wait3A_187 = arith.constant 0 : i32
    %dma_wait3A_188 = tpu.memref_slice %arg3[%dma_wait3A_186, %dma_wait3A_187] : memref<1000001x16xf32, #tpu.memory_space<hbm>> -> memref<1000001x16xf32, #tpu.memory_space<hbm>>
    tpu.wait_indirect_dma semaphore(%arg8 : memref<!tpu.dma_semaphore, #tpu.memory_space<semaphore_mem>>) src(%dma_wait3A_188 : memref<1000001x16xf32, #tpu.memory_space<hbm>>) dst(%dma_wait3A_182 : memref<128x16xf32, #tpu.memory_space<vmem>>)
    %dma_wait3A_189 = arith.constant 6 : i32
    %dma_wait3A_190 = arith.constant 768 : i32
    %dma_wait3A_191 = arith.constant 0 : i32
    %dma_wait3A_192 = tpu.memref_slice %arg6[%dma_wait3A_190, %dma_wait3A_191] : memref<1664x16xf32, #tpu.memory_space<vmem>> -> memref<128x16xf32, #tpu.memory_space<vmem>>
    %dma_wait3A_193 = arith.constant 0 : i32
    %dma_wait3A_194 = tpu.memref_slice %arg5[%dma_wait3A_189, %dma_wait3A_193] : memref<104x128xi32, #tpu.memory_space<vmem>> -> memref<1x128xi32, #tpu.memory_space<vmem>>
    %dma_wait3A_195 = tpu.memref_squeeze %dma_wait3A_194 : memref<1x128xi32, #tpu.memory_space<vmem>> -> memref<128xi32, #tpu.memory_space<vmem>>
    %dma_wait3A_196 = arith.constant 0 : i32
    %dma_wait3A_197 = arith.constant 0 : i32
    %dma_wait3A_198 = tpu.memref_slice %arg3[%dma_wait3A_196, %dma_wait3A_197] : memref<1000001x16xf32, #tpu.memory_space<hbm>> -> memref<1000001x16xf32, #tpu.memory_space<hbm>>
    tpu.wait_indirect_dma semaphore(%arg8 : memref<!tpu.dma_semaphore, #tpu.memory_space<semaphore_mem>>) src(%dma_wait3A_198 : memref<1000001x16xf32, #tpu.memory_space<hbm>>) dst(%dma_wait3A_192 : memref<128x16xf32, #tpu.memory_space<vmem>>)
    %dma_wait3A_199 = arith.constant 7 : i32
    %dma_wait3A_200 = arith.constant 896 : i32
    %dma_wait3A_201 = arith.constant 0 : i32
    %dma_wait3A_202 = tpu.memref_slice %arg6[%dma_wait3A_200, %dma_wait3A_201] : memref<1664x16xf32, #tpu.memory_space<vmem>> -> memref<128x16xf32, #tpu.memory_space<vmem>>
    %dma_wait3A_203 = arith.constant 0 : i32
    %dma_wait3A_204 = tpu.memref_slice %arg5[%dma_wait3A_199, %dma_wait3A_203] : memref<104x128xi32, #tpu.memory_space<vmem>> -> memref<1x128xi32, #tpu.memory_space<vmem>>
    %dma_wait3A_205 = tpu.memref_squeeze %dma_wait3A_204 : memref<1x128xi32, #tpu.memory_space<vmem>> -> memref<128xi32, #tpu.memory_space<vmem>>
    %dma_wait3A_206 = arith.constant 0 : i32
    %dma_wait3A_207 = arith.constant 0 : i32
    %dma_wait3A_208 = tpu.memref_slice %arg3[%dma_wait3A_206, %dma_wait3A_207] : memref<1000001x16xf32, #tpu.memory_space<hbm>> -> memref<1000001x16xf32, #tpu.memory_space<hbm>>
    tpu.wait_indirect_dma semaphore(%arg8 : memref<!tpu.dma_semaphore, #tpu.memory_space<semaphore_mem>>) src(%dma_wait3A_208 : memref<1000001x16xf32, #tpu.memory_space<hbm>>) dst(%dma_wait3A_202 : memref<128x16xf32, #tpu.memory_space<vmem>>)
    %dma_wait3A_209 = arith.constant 8 : i32
    %dma_wait3A_210 = arith.constant 1024 : i32
    %dma_wait3A_211 = arith.constant 0 : i32
    %dma_wait3A_212 = tpu.memref_slice %arg6[%dma_wait3A_210, %dma_wait3A_211] : memref<1664x16xf32, #tpu.memory_space<vmem>> -> memref<128x16xf32, #tpu.memory_space<vmem>>
    %dma_wait3A_213 = arith.constant 0 : i32
    %dma_wait3A_214 = tpu.memref_slice %arg5[%dma_wait3A_209, %dma_wait3A_213] : memref<104x128xi32, #tpu.memory_space<vmem>> -> memref<1x128xi32, #tpu.memory_space<vmem>>
    %dma_wait3A_215 = tpu.memref_squeeze %dma_wait3A_214 : memref<1x128xi32, #tpu.memory_space<vmem>> -> memref<128xi32, #tpu.memory_space<vmem>>
    %dma_wait3A_216 = arith.constant 0 : i32
    %dma_wait3A_217 = arith.constant 0 : i32
    %dma_wait3A_218 = tpu.memref_slice %arg3[%dma_wait3A_216, %dma_wait3A_217] : memref<1000001x16xf32, #tpu.memory_space<hbm>> -> memref<1000001x16xf32, #tpu.memory_space<hbm>>
    tpu.wait_indirect_dma semaphore(%arg8 : memref<!tpu.dma_semaphore, #tpu.memory_space<semaphore_mem>>) src(%dma_wait3A_218 : memref<1000001x16xf32, #tpu.memory_space<hbm>>) dst(%dma_wait3A_212 : memref<128x16xf32, #tpu.memory_space<vmem>>)
    %dma_wait3A_219 = arith.constant 9 : i32
    %dma_wait3A_220 = arith.constant 1152 : i32
    %dma_wait3A_221 = arith.constant 0 : i32
    %dma_wait3A_222 = tpu.memref_slice %arg6[%dma_wait3A_220, %dma_wait3A_221] : memref<1664x16xf32, #tpu.memory_space<vmem>> -> memref<128x16xf32, #tpu.memory_space<vmem>>
    %dma_wait3A_223 = arith.constant 0 : i32
    %dma_wait3A_224 = tpu.memref_slice %arg5[%dma_wait3A_219, %dma_wait3A_223] : memref<104x128xi32, #tpu.memory_space<vmem>> -> memref<1x128xi32, #tpu.memory_space<vmem>>
    %dma_wait3A_225 = tpu.memref_squeeze %dma_wait3A_224 : memref<1x128xi32, #tpu.memory_space<vmem>> -> memref<128xi32, #tpu.memory_space<vmem>>
    %dma_wait3A_226 = arith.constant 0 : i32
    %dma_wait3A_227 = arith.constant 0 : i32
    %dma_wait3A_228 = tpu.memref_slice %arg3[%dma_wait3A_226, %dma_wait3A_227] : memref<1000001x16xf32, #tpu.memory_space<hbm>> -> memref<1000001x16xf32, #tpu.memory_space<hbm>>
    tpu.wait_indirect_dma semaphore(%arg8 : memref<!tpu.dma_semaphore, #tpu.memory_space<semaphore_mem>>) src(%dma_wait3A_228 : memref<1000001x16xf32, #tpu.memory_space<hbm>>) dst(%dma_wait3A_222 : memref<128x16xf32, #tpu.memory_space<vmem>>)
    %dma_wait3A_229 = arith.constant 10 : i32
    %dma_wait3A_230 = arith.constant 1280 : i32
    %dma_wait3A_231 = arith.constant 0 : i32
    %dma_wait3A_232 = tpu.memref_slice %arg6[%dma_wait3A_230, %dma_wait3A_231] : memref<1664x16xf32, #tpu.memory_space<vmem>> -> memref<128x16xf32, #tpu.memory_space<vmem>>
    %dma_wait3A_233 = arith.constant 0 : i32
    %dma_wait3A_234 = tpu.memref_slice %arg5[%dma_wait3A_229, %dma_wait3A_233] : memref<104x128xi32, #tpu.memory_space<vmem>> -> memref<1x128xi32, #tpu.memory_space<vmem>>
    %dma_wait3A_235 = tpu.memref_squeeze %dma_wait3A_234 : memref<1x128xi32, #tpu.memory_space<vmem>> -> memref<128xi32, #tpu.memory_space<vmem>>
    %dma_wait3A_236 = arith.constant 0 : i32
    %dma_wait3A_237 = arith.constant 0 : i32
    %dma_wait3A_238 = tpu.memref_slice %arg3[%dma_wait3A_236, %dma_wait3A_237] : memref<1000001x16xf32, #tpu.memory_space<hbm>> -> memref<1000001x16xf32, #tpu.memory_space<hbm>>
    tpu.wait_indirect_dma semaphore(%arg8 : memref<!tpu.dma_semaphore, #tpu.memory_space<semaphore_mem>>) src(%dma_wait3A_238 : memref<1000001x16xf32, #tpu.memory_space<hbm>>) dst(%dma_wait3A_232 : memref<128x16xf32, #tpu.memory_space<vmem>>)
    %dma_wait3A_239 = arith.constant 11 : i32
    %dma_wait3A_240 = arith.constant 1408 : i32
    %dma_wait3A_241 = arith.constant 0 : i32
    %dma_wait3A_242 = tpu.memref_slice %arg6[%dma_wait3A_240, %dma_wait3A_241] : memref<1664x16xf32, #tpu.memory_space<vmem>> -> memref<128x16xf32, #tpu.memory_space<vmem>>
    %dma_wait3A_243 = arith.constant 0 : i32
    %dma_wait3A_244 = tpu.memref_slice %arg5[%dma_wait3A_239, %dma_wait3A_243] : memref<104x128xi32, #tpu.memory_space<vmem>> -> memref<1x128xi32, #tpu.memory_space<vmem>>
    %dma_wait3A_245 = tpu.memref_squeeze %dma_wait3A_244 : memref<1x128xi32, #tpu.memory_space<vmem>> -> memref<128xi32, #tpu.memory_space<vmem>>
    %dma_wait3A_246 = arith.constant 0 : i32
    %dma_wait3A_247 = arith.constant 0 : i32
    %dma_wait3A_248 = tpu.memref_slice %arg3[%dma_wait3A_246, %dma_wait3A_247] : memref<1000001x16xf32, #tpu.memory_space<hbm>> -> memref<1000001x16xf32, #tpu.memory_space<hbm>>
    tpu.wait_indirect_dma semaphore(%arg8 : memref<!tpu.dma_semaphore, #tpu.memory_space<semaphore_mem>>) src(%dma_wait3A_248 : memref<1000001x16xf32, #tpu.memory_space<hbm>>) dst(%dma_wait3A_242 : memref<128x16xf32, #tpu.memory_space<vmem>>)
    %dma_wait3A_249 = arith.constant 12 : i32
    %dma_wait3A_250 = arith.constant 1536 : i32
    %dma_wait3A_251 = arith.constant 0 : i32
    %dma_wait3A_252 = tpu.memref_slice %arg6[%dma_wait3A_250, %dma_wait3A_251] : memref<1664x16xf32, #tpu.memory_space<vmem>> -> memref<128x16xf32, #tpu.memory_space<vmem>>
    %dma_wait3A_253 = arith.constant 0 : i32
    %dma_wait3A_254 = tpu.memref_slice %arg5[%dma_wait3A_249, %dma_wait3A_253] : memref<104x128xi32, #tpu.memory_space<vmem>> -> memref<1x128xi32, #tpu.memory_space<vmem>>
    %dma_wait3A_255 = tpu.memref_squeeze %dma_wait3A_254 : memref<1x128xi32, #tpu.memory_space<vmem>> -> memref<128xi32, #tpu.memory_space<vmem>>
    %dma_wait3A_256 = arith.constant 0 : i32
    %dma_wait3A_257 = arith.constant 0 : i32
    %dma_wait3A_258 = tpu.memref_slice %arg3[%dma_wait3A_256, %dma_wait3A_257] : memref<1000001x16xf32, #tpu.memory_space<hbm>> -> memref<1000001x16xf32, #tpu.memory_space<hbm>>
    tpu.wait_indirect_dma semaphore(%arg8 : memref<!tpu.dma_semaphore, #tpu.memory_space<semaphore_mem>>) src(%dma_wait3A_258 : memref<1000001x16xf32, #tpu.memory_space<hbm>>) dst(%dma_wait3A_252 : memref<128x16xf32, #tpu.memory_space<vmem>>)
    %mul3A_259 = arith.constant 8 : i32
    %mul3A_260 = arith.muli %add3A, %mul3A_259 : i32
    %add3A_261 = arith.constant 0 : i32
    %add3A_262 = arith.addi %mul3A_260, %add3A_261 : i32
    %mul3A_263 = arith.constant 13 : i32
    %mul3A_264 = arith.muli %add3A_262, %mul3A_263 : i32
    %mul3A_265 = arith.constant 128 : i32
    %mul3A_266 = arith.muli %mul3A_264, %mul3A_265 : i32
    %dma_start3A_267 = arith.constant 0 : i32
    %dma_start3A_268 = tpu.memref_slice %arg4[%mul3A_266, %dma_start3A_267] : memref<425984x16xf32, #tpu.memory_space<hbm>> -> memref<1664x16xf32, #tpu.memory_space<hbm>>
    %dma_start3A_269 = arith.constant 0 : i32
    %dma_start3A_270 = tpu.memref_slice %arg4[%mul3A_266, %dma_start3A_269] : memref<425984x16xf32, #tpu.memory_space<hbm>> -> memref<1664x16xf32, #tpu.memory_space<hbm>>
    tpu.enqueue_dma source(%arg6 : memref<1664x16xf32, #tpu.memory_space<vmem>>) target(%dma_start3A_270 : memref<1664x16xf32, #tpu.memory_space<hbm>>) target_semaphore(%arg10 : memref<!tpu.dma_semaphore, #tpu.memory_space<semaphore_mem>>)
    %dma_start3A_271 = arith.constant 13 : i32
    %dma_start3A_272 = arith.constant 0 : i32
    %dma_start3A_273 = arith.constant 0 : i32
    %dma_start3A_274 = tpu.memref_slice %arg7[%dma_start3A_272, %dma_start3A_273] : memref<1664x16xf32, #tpu.memory_space<vmem>> -> memref<128x16xf32, #tpu.memory_space<vmem>>
    %dma_start3A_275 = arith.constant 0 : i32
    %dma_start3A_276 = tpu.memref_slice %arg5[%dma_start3A_271, %dma_start3A_275] : memref<104x128xi32, #tpu.memory_space<vmem>> -> memref<1x128xi32, #tpu.memory_space<vmem>>
    %dma_start3A_277 = tpu.memref_squeeze %dma_start3A_276 : memref<1x128xi32, #tpu.memory_space<vmem>> -> memref<128xi32, #tpu.memory_space<vmem>>
    %dma_start3A_278 = arith.constant 0 : i32
    %dma_start3A_279 = arith.constant 0 : i32
    %dma_start3A_280 = tpu.memref_slice %arg3[%dma_start3A_278, %dma_start3A_279] : memref<1000001x16xf32, #tpu.memory_space<hbm>> -> memref<1000001x16xf32, #tpu.memory_space<hbm>>
    tpu.enqueue_indirect_dma source(%dma_start3A_280 : memref<1000001x16xf32, #tpu.memory_space<hbm>>) target(%dma_start3A_274 : memref<128x16xf32, #tpu.memory_space<vmem>>) offsets(%dma_start3A_277 : memref<128xi32, #tpu.memory_space<vmem>>) semaphore(%arg9 : memref<!tpu.dma_semaphore, #tpu.memory_space<semaphore_mem>>)
    %dma_start3A_281 = arith.constant 14 : i32
    %dma_start3A_282 = arith.constant 128 : i32
    %dma_start3A_283 = arith.constant 0 : i32
    %dma_start3A_284 = tpu.memref_slice %arg7[%dma_start3A_282, %dma_start3A_283] : memref<1664x16xf32, #tpu.memory_space<vmem>> -> memref<128x16xf32, #tpu.memory_space<vmem>>
    %dma_start3A_285 = arith.constant 0 : i32
    %dma_start3A_286 = tpu.memref_slice %arg5[%dma_start3A_281, %dma_start3A_285] : memref<104x128xi32, #tpu.memory_space<vmem>> -> memref<1x128xi32, #tpu.memory_space<vmem>>
    %dma_start3A_287 = tpu.memref_squeeze %dma_start3A_286 : memref<1x128xi32, #tpu.memory_space<vmem>> -> memref<128xi32, #tpu.memory_space<vmem>>
    %dma_start3A_288 = arith.constant 0 : i32
    %dma_start3A_289 = arith.constant 0 : i32
    %dma_start3A_290 = tpu.memref_slice %arg3[%dma_start3A_288, %dma_start3A_289] : memref<1000001x16xf32, #tpu.memory_space<hbm>> -> memref<1000001x16xf32, #tpu.memory_space<hbm>>
    tpu.enqueue_indirect_dma source(%dma_start3A_290 : memref<1000001x16xf32, #tpu.memory_space<hbm>>) target(%dma_start3A_284 : memref<128x16xf32, #tpu.memory_space<vmem>>) offsets(%dma_start3A_287 : memref<128xi32, #tpu.memory_space<vmem>>) semaphore(%arg9 : memref<!tpu.dma_semaphore, #tpu.memory_space<semaphore_mem>>)
    %dma_start3A_291 = arith.constant 15 : i32
    %dma_start3A_292 = arith.constant 256 : i32
    %dma_start3A_293 = arith.constant 0 : i32
    %dma_start3A_294 = tpu.memref_slice %arg7[%dma_start3A_292, %dma_start3A_293] : memref<1664x16xf32, #tpu.memory_space<vmem>> -> memref<128x16xf32, #tpu.memory_space<vmem>>
    %dma_start3A_295 = arith.constant 0 : i32
    %dma_start3A_296 = tpu.memref_slice %arg5[%dma_start3A_291, %dma_start3A_295] : memref<104x128xi32, #tpu.memory_space<vmem>> -> memref<1x128xi32, #tpu.memory_space<vmem>>
    %dma_start3A_297 = tpu.memref_squeeze %dma_start3A_296 : memref<1x128xi32, #tpu.memory_space<vmem>> -> memref<128xi32, #tpu.memory_space<vmem>>
    %dma_start3A_298 = arith.constant 0 : i32
    %dma_start3A_299 = arith.constant 0 : i32
    %dma_start3A_300 = tpu.memref_slice %arg3[%dma_start3A_298, %dma_start3A_299] : memref<1000001x16xf32, #tpu.memory_space<hbm>> -> memref<1000001x16xf32, #tpu.memory_space<hbm>>
    tpu.enqueue_indirect_dma source(%dma_start3A_300 : memref<1000001x16xf32, #tpu.memory_space<hbm>>) target(%dma_start3A_294 : memref<128x16xf32, #tpu.memory_space<vmem>>) offsets(%dma_start3A_297 : memref<128xi32, #tpu.memory_space<vmem>>) semaphore(%arg9 : memref<!tpu.dma_semaphore, #tpu.memory_space<semaphore_mem>>)
    %dma_start3A_301 = arith.constant 16 : i32
    %dma_start3A_302 = arith.constant 384 : i32
    %dma_start3A_303 = arith.constant 0 : i32
    %dma_start3A_304 = tpu.memref_slice %arg7[%dma_start3A_302, %dma_start3A_303] : memref<1664x16xf32, #tpu.memory_space<vmem>> -> memref<128x16xf32, #tpu.memory_space<vmem>>
    %dma_start3A_305 = arith.constant 0 : i32
    %dma_start3A_306 = tpu.memref_slice %arg5[%dma_start3A_301, %dma_start3A_305] : memref<104x128xi32, #tpu.memory_space<vmem>> -> memref<1x128xi32, #tpu.memory_space<vmem>>
    %dma_start3A_307 = tpu.memref_squeeze %dma_start3A_306 : memref<1x128xi32, #tpu.memory_space<vmem>> -> memref<128xi32, #tpu.memory_space<vmem>>
    %dma_start3A_308 = arith.constant 0 : i32
    %dma_start3A_309 = arith.constant 0 : i32
    %dma_start3A_310 = tpu.memref_slice %arg3[%dma_start3A_308, %dma_start3A_309] : memref<1000001x16xf32, #tpu.memory_space<hbm>> -> memref<1000001x16xf32, #tpu.memory_space<hbm>>
    tpu.enqueue_indirect_dma source(%dma_start3A_310 : memref<1000001x16xf32, #tpu.memory_space<hbm>>) target(%dma_start3A_304 : memref<128x16xf32, #tpu.memory_space<vmem>>) offsets(%dma_start3A_307 : memref<128xi32, #tpu.memory_space<vmem>>) semaphore(%arg9 : memref<!tpu.dma_semaphore, #tpu.memory_space<semaphore_mem>>)
    %dma_start3A_311 = arith.constant 17 : i32
    %dma_start3A_312 = arith.constant 512 : i32
    %dma_start3A_313 = arith.constant 0 : i32
    %dma_start3A_314 = tpu.memref_slice %arg7[%dma_start3A_312, %dma_start3A_313] : memref<1664x16xf32, #tpu.memory_space<vmem>> -> memref<128x16xf32, #tpu.memory_space<vmem>>
    %dma_start3A_315 = arith.constant 0 : i32
    %dma_start3A_316 = tpu.memref_slice %arg5[%dma_start3A_311, %dma_start3A_315] : memref<104x128xi32, #tpu.memory_space<vmem>> -> memref<1x128xi32, #tpu.memory_space<vmem>>
    %dma_start3A_317 = tpu.memref_squeeze %dma_start3A_316 : memref<1x128xi32, #tpu.memory_space<vmem>> -> memref<128xi32, #tpu.memory_space<vmem>>
    %dma_start3A_318 = arith.constant 0 : i32
    %dma_start3A_319 = arith.constant 0 : i32
    %dma_start3A_320 = tpu.memref_slice %arg3[%dma_start3A_318, %dma_start3A_319] : memref<1000001x16xf32, #tpu.memory_space<hbm>> -> memref<1000001x16xf32, #tpu.memory_space<hbm>>
    tpu.enqueue_indirect_dma source(%dma_start3A_320 : memref<1000001x16xf32, #tpu.memory_space<hbm>>) target(%dma_start3A_314 : memref<128x16xf32, #tpu.memory_space<vmem>>) offsets(%dma_start3A_317 : memref<128xi32, #tpu.memory_space<vmem>>) semaphore(%arg9 : memref<!tpu.dma_semaphore, #tpu.memory_space<semaphore_mem>>)
    %dma_start3A_321 = arith.constant 18 : i32
    %dma_start3A_322 = arith.constant 640 : i32
    %dma_start3A_323 = arith.constant 0 : i32
    %dma_start3A_324 = tpu.memref_slice %arg7[%dma_start3A_322, %dma_start3A_323] : memref<1664x16xf32, #tpu.memory_space<vmem>> -> memref<128x16xf32, #tpu.memory_space<vmem>>
    %dma_start3A_325 = arith.constant 0 : i32
    %dma_start3A_326 = tpu.memref_slice %arg5[%dma_start3A_321, %dma_start3A_325] : memref<104x128xi32, #tpu.memory_space<vmem>> -> memref<1x128xi32, #tpu.memory_space<vmem>>
    %dma_start3A_327 = tpu.memref_squeeze %dma_start3A_326 : memref<1x128xi32, #tpu.memory_space<vmem>> -> memref<128xi32, #tpu.memory_space<vmem>>
    %dma_start3A_328 = arith.constant 0 : i32
    %dma_start3A_329 = arith.constant 0 : i32
    %dma_start3A_330 = tpu.memref_slice %arg3[%dma_start3A_328, %dma_start3A_329] : memref<1000001x16xf32, #tpu.memory_space<hbm>> -> memref<1000001x16xf32, #tpu.memory_space<hbm>>
    tpu.enqueue_indirect_dma source(%dma_start3A_330 : memref<1000001x16xf32, #tpu.memory_space<hbm>>) target(%dma_start3A_324 : memref<128x16xf32, #tpu.memory_space<vmem>>) offsets(%dma_start3A_327 : memref<128xi32, #tpu.memory_space<vmem>>) semaphore(%arg9 : memref<!tpu.dma_semaphore, #tpu.memory_space<semaphore_mem>>)
    %dma_start3A_331 = arith.constant 19 : i32
    %dma_start3A_332 = arith.constant 768 : i32
    %dma_start3A_333 = arith.constant 0 : i32
    %dma_start3A_334 = tpu.memref_slice %arg7[%dma_start3A_332, %dma_start3A_333] : memref<1664x16xf32, #tpu.memory_space<vmem>> -> memref<128x16xf32, #tpu.memory_space<vmem>>
    %dma_start3A_335 = arith.constant 0 : i32
    %dma_start3A_336 = tpu.memref_slice %arg5[%dma_start3A_331, %dma_start3A_335] : memref<104x128xi32, #tpu.memory_space<vmem>> -> memref<1x128xi32, #tpu.memory_space<vmem>>
    %dma_start3A_337 = tpu.memref_squeeze %dma_start3A_336 : memref<1x128xi32, #tpu.memory_space<vmem>> -> memref<128xi32, #tpu.memory_space<vmem>>
    %dma_start3A_338 = arith.constant 0 : i32
    %dma_start3A_339 = arith.constant 0 : i32
    %dma_start3A_340 = tpu.memref_slice %arg3[%dma_start3A_338, %dma_start3A_339] : memref<1000001x16xf32, #tpu.memory_space<hbm>> -> memref<1000001x16xf32, #tpu.memory_space<hbm>>
    tpu.enqueue_indirect_dma source(%dma_start3A_340 : memref<1000001x16xf32, #tpu.memory_space<hbm>>) target(%dma_start3A_334 : memref<128x16xf32, #tpu.memory_space<vmem>>) offsets(%dma_start3A_337 : memref<128xi32, #tpu.memory_space<vmem>>) semaphore(%arg9 : memref<!tpu.dma_semaphore, #tpu.memory_space<semaphore_mem>>)
    %dma_start3A_341 = arith.constant 20 : i32
    %dma_start3A_342 = arith.constant 896 : i32
    %dma_start3A_343 = arith.constant 0 : i32
    %dma_start3A_344 = tpu.memref_slice %arg7[%dma_start3A_342, %dma_start3A_343] : memref<1664x16xf32, #tpu.memory_space<vmem>> -> memref<128x16xf32, #tpu.memory_space<vmem>>
    %dma_start3A_345 = arith.constant 0 : i32
    %dma_start3A_346 = tpu.memref_slice %arg5[%dma_start3A_341, %dma_start3A_345] : memref<104x128xi32, #tpu.memory_space<vmem>> -> memref<1x128xi32, #tpu.memory_space<vmem>>
    %dma_start3A_347 = tpu.memref_squeeze %dma_start3A_346 : memref<1x128xi32, #tpu.memory_space<vmem>> -> memref<128xi32, #tpu.memory_space<vmem>>
    %dma_start3A_348 = arith.constant 0 : i32
    %dma_start3A_349 = arith.constant 0 : i32
    %dma_start3A_350 = tpu.memref_slice %arg3[%dma_start3A_348, %dma_start3A_349] : memref<1000001x16xf32, #tpu.memory_space<hbm>> -> memref<1000001x16xf32, #tpu.memory_space<hbm>>
    tpu.enqueue_indirect_dma source(%dma_start3A_350 : memref<1000001x16xf32, #tpu.memory_space<hbm>>) target(%dma_start3A_344 : memref<128x16xf32, #tpu.memory_space<vmem>>) offsets(%dma_start3A_347 : memref<128xi32, #tpu.memory_space<vmem>>) semaphore(%arg9 : memref<!tpu.dma_semaphore, #tpu.memory_space<semaphore_mem>>)
    %dma_start3A_351 = arith.constant 21 : i32
    %dma_start3A_352 = arith.constant 1024 : i32
    %dma_start3A_353 = arith.constant 0 : i32
    %dma_start3A_354 = tpu.memref_slice %arg7[%dma_start3A_352, %dma_start3A_353] : memref<1664x16xf32, #tpu.memory_space<vmem>> -> memref<128x16xf32, #tpu.memory_space<vmem>>
    %dma_start3A_355 = arith.constant 0 : i32
    %dma_start3A_356 = tpu.memref_slice %arg5[%dma_start3A_351, %dma_start3A_355] : memref<104x128xi32, #tpu.memory_space<vmem>> -> memref<1x128xi32, #tpu.memory_space<vmem>>
    %dma_start3A_357 = tpu.memref_squeeze %dma_start3A_356 : memref<1x128xi32, #tpu.memory_space<vmem>> -> memref<128xi32, #tpu.memory_space<vmem>>
    %dma_start3A_358 = arith.constant 0 : i32
    %dma_start3A_359 = arith.constant 0 : i32
    %dma_start3A_360 = tpu.memref_slice %arg3[%dma_start3A_358, %dma_start3A_359] : memref<1000001x16xf32, #tpu.memory_space<hbm>> -> memref<1000001x16xf32, #tpu.memory_space<hbm>>
    tpu.enqueue_indirect_dma source(%dma_start3A_360 : memref<1000001x16xf32, #tpu.memory_space<hbm>>) target(%dma_start3A_354 : memref<128x16xf32, #tpu.memory_space<vmem>>) offsets(%dma_start3A_357 : memref<128xi32, #tpu.memory_space<vmem>>) semaphore(%arg9 : memref<!tpu.dma_semaphore, #tpu.memory_space<semaphore_mem>>)
    %dma_start3A_361 = arith.constant 22 : i32
    %dma_start3A_362 = arith.constant 1152 : i32
    %dma_start3A_363 = arith.constant 0 : i32
    %dma_start3A_364 = tpu.memref_slice %arg7[%dma_start3A_362, %dma_start3A_363] : memref<1664x16xf32, #tpu.memory_space<vmem>> -> memref<128x16xf32, #tpu.memory_space<vmem>>
    %dma_start3A_365 = arith.constant 0 : i32
    %dma_start3A_366 = tpu.memref_slice %arg5[%dma_start3A_361, %dma_start3A_365] : memref<104x128xi32, #tpu.memory_space<vmem>> -> memref<1x128xi32, #tpu.memory_space<vmem>>
    %dma_start3A_367 = tpu.memref_squeeze %dma_start3A_366 : memref<1x128xi32, #tpu.memory_space<vmem>> -> memref<128xi32, #tpu.memory_space<vmem>>
    %dma_start3A_368 = arith.constant 0 : i32
    %dma_start3A_369 = arith.constant 0 : i32
    %dma_start3A_370 = tpu.memref_slice %arg3[%dma_start3A_368, %dma_start3A_369] : memref<1000001x16xf32, #tpu.memory_space<hbm>> -> memref<1000001x16xf32, #tpu.memory_space<hbm>>
    tpu.enqueue_indirect_dma source(%dma_start3A_370 : memref<1000001x16xf32, #tpu.memory_space<hbm>>) target(%dma_start3A_364 : memref<128x16xf32, #tpu.memory_space<vmem>>) offsets(%dma_start3A_367 : memref<128xi32, #tpu.memory_space<vmem>>) semaphore(%arg9 : memref<!tpu.dma_semaphore, #tpu.memory_space<semaphore_mem>>)
    %dma_start3A_371 = arith.constant 23 : i32
    %dma_start3A_372 = arith.constant 1280 : i32
    %dma_start3A_373 = arith.constant 0 : i32
    %dma_start3A_374 = tpu.memref_slice %arg7[%dma_start3A_372, %dma_start3A_373] : memref<1664x16xf32, #tpu.memory_space<vmem>> -> memref<128x16xf32, #tpu.memory_space<vmem>>
    %dma_start3A_375 = arith.constant 0 : i32
    %dma_start3A_376 = tpu.memref_slice %arg5[%dma_start3A_371, %dma_start3A_375] : memref<104x128xi32, #tpu.memory_space<vmem>> -> memref<1x128xi32, #tpu.memory_space<vmem>>
    %dma_start3A_377 = tpu.memref_squeeze %dma_start3A_376 : memref<1x128xi32, #tpu.memory_space<vmem>> -> memref<128xi32, #tpu.memory_space<vmem>>
    %dma_start3A_378 = arith.constant 0 : i32
    %dma_start3A_379 = arith.constant 0 : i32
    %dma_start3A_380 = tpu.memref_slice %arg3[%dma_start3A_378, %dma_start3A_379] : memref<1000001x16xf32, #tpu.memory_space<hbm>> -> memref<1000001x16xf32, #tpu.memory_space<hbm>>
    tpu.enqueue_indirect_dma source(%dma_start3A_380 : memref<1000001x16xf32, #tpu.memory_space<hbm>>) target(%dma_start3A_374 : memref<128x16xf32, #tpu.memory_space<vmem>>) offsets(%dma_start3A_377 : memref<128xi32, #tpu.memory_space<vmem>>) semaphore(%arg9 : memref<!tpu.dma_semaphore, #tpu.memory_space<semaphore_mem>>)
    %dma_start3A_381 = arith.constant 24 : i32
    %dma_start3A_382 = arith.constant 1408 : i32
    %dma_start3A_383 = arith.constant 0 : i32
    %dma_start3A_384 = tpu.memref_slice %arg7[%dma_start3A_382, %dma_start3A_383] : memref<1664x16xf32, #tpu.memory_space<vmem>> -> memref<128x16xf32, #tpu.memory_space<vmem>>
    %dma_start3A_385 = arith.constant 0 : i32
    %dma_start3A_386 = tpu.memref_slice %arg5[%dma_start3A_381, %dma_start3A_385] : memref<104x128xi32, #tpu.memory_space<vmem>> -> memref<1x128xi32, #tpu.memory_space<vmem>>
    %dma_start3A_387 = tpu.memref_squeeze %dma_start3A_386 : memref<1x128xi32, #tpu.memory_space<vmem>> -> memref<128xi32, #tpu.memory_space<vmem>>
    %dma_start3A_388 = arith.constant 0 : i32
    %dma_start3A_389 = arith.constant 0 : i32
    %dma_start3A_390 = tpu.memref_slice %arg3[%dma_start3A_388, %dma_start3A_389] : memref<1000001x16xf32, #tpu.memory_space<hbm>> -> memref<1000001x16xf32, #tpu.memory_space<hbm>>
    tpu.enqueue_indirect_dma source(%dma_start3A_390 : memref<1000001x16xf32, #tpu.memory_space<hbm>>) target(%dma_start3A_384 : memref<128x16xf32, #tpu.memory_space<vmem>>) offsets(%dma_start3A_387 : memref<128xi32, #tpu.memory_space<vmem>>) semaphore(%arg9 : memref<!tpu.dma_semaphore, #tpu.memory_space<semaphore_mem>>)
    %dma_start3A_391 = arith.constant 25 : i32
    %dma_start3A_392 = arith.constant 1536 : i32
    %dma_start3A_393 = arith.constant 0 : i32
    %dma_start3A_394 = tpu.memref_slice %arg7[%dma_start3A_392, %dma_start3A_393] : memref<1664x16xf32, #tpu.memory_space<vmem>> -> memref<128x16xf32, #tpu.memory_space<vmem>>
    %dma_start3A_395 = arith.constant 0 : i32
    %dma_start3A_396 = tpu.memref_slice %arg5[%dma_start3A_391, %dma_start3A_395] : memref<104x128xi32, #tpu.memory_space<vmem>> -> memref<1x128xi32, #tpu.memory_space<vmem>>
    %dma_start3A_397 = tpu.memref_squeeze %dma_start3A_396 : memref<1x128xi32, #tpu.memory_space<vmem>> -> memref<128xi32, #tpu.memory_space<vmem>>
    %dma_start3A_398 = arith.constant 0 : i32
    %dma_start3A_399 = arith.constant 0 : i32
    %dma_start3A_400 = tpu.memref_slice %arg3[%dma_start3A_398, %dma_start3A_399] : memref<1000001x16xf32, #tpu.memory_space<hbm>> -> memref<1000001x16xf32, #tpu.memory_space<hbm>>
    tpu.enqueue_indirect_dma source(%dma_start3A_400 : memref<1000001x16xf32, #tpu.memory_space<hbm>>) target(%dma_start3A_394 : memref<128x16xf32, #tpu.memory_space<vmem>>) offsets(%dma_start3A_397 : memref<128xi32, #tpu.memory_space<vmem>>) semaphore(%arg9 : memref<!tpu.dma_semaphore, #tpu.memory_space<semaphore_mem>>)
    %dma_wait3A_401 = arith.constant 13 : i32
    %dma_wait3A_402 = arith.constant 0 : i32
    %dma_wait3A_403 = arith.constant 0 : i32
    %dma_wait3A_404 = tpu.memref_slice %arg7[%dma_wait3A_402, %dma_wait3A_403] : memref<1664x16xf32, #tpu.memory_space<vmem>> -> memref<128x16xf32, #tpu.memory_space<vmem>>
    %dma_wait3A_405 = arith.constant 0 : i32
    %dma_wait3A_406 = tpu.memref_slice %arg5[%dma_wait3A_401, %dma_wait3A_405] : memref<104x128xi32, #tpu.memory_space<vmem>> -> memref<1x128xi32, #tpu.memory_space<vmem>>
    %dma_wait3A_407 = tpu.memref_squeeze %dma_wait3A_406 : memref<1x128xi32, #tpu.memory_space<vmem>> -> memref<128xi32, #tpu.memory_space<vmem>>
    %dma_wait3A_408 = arith.constant 0 : i32
    %dma_wait3A_409 = arith.constant 0 : i32
    %dma_wait3A_410 = tpu.memref_slice %arg3[%dma_wait3A_408, %dma_wait3A_409] : memref<1000001x16xf32, #tpu.memory_space<hbm>> -> memref<1000001x16xf32, #tpu.memory_space<hbm>>
    tpu.wait_indirect_dma semaphore(%arg9 : memref<!tpu.dma_semaphore, #tpu.memory_space<semaphore_mem>>) src(%dma_wait3A_410 : memref<1000001x16xf32, #tpu.memory_space<hbm>>) dst(%dma_wait3A_404 : memref<128x16xf32, #tpu.memory_space<vmem>>)
    %dma_wait3A_411 = arith.constant 14 : i32
    %dma_wait3A_412 = arith.constant 128 : i32
    %dma_wait3A_413 = arith.constant 0 : i32
    %dma_wait3A_414 = tpu.memref_slice %arg7[%dma_wait3A_412, %dma_wait3A_413] : memref<1664x16xf32, #tpu.memory_space<vmem>> -> memref<128x16xf32, #tpu.memory_space<vmem>>
    %dma_wait3A_415 = arith.constant 0 : i32
    %dma_wait3A_416 = tpu.memref_slice %arg5[%dma_wait3A_411, %dma_wait3A_415] : memref<104x128xi32, #tpu.memory_space<vmem>> -> memref<1x128xi32, #tpu.memory_space<vmem>>
    %dma_wait3A_417 = tpu.memref_squeeze %dma_wait3A_416 : memref<1x128xi32, #tpu.memory_space<vmem>> -> memref<128xi32, #tpu.memory_space<vmem>>
    %dma_wait3A_418 = arith.constant 0 : i32
    %dma_wait3A_419 = arith.constant 0 : i32
    %dma_wait3A_420 = tpu.memref_slice %arg3[%dma_wait3A_418, %dma_wait3A_419] : memref<1000001x16xf32, #tpu.memory_space<hbm>> -> memref<1000001x16xf32, #tpu.memory_space<hbm>>
    tpu.wait_indirect_dma semaphore(%arg9 : memref<!tpu.dma_semaphore, #tpu.memory_space<semaphore_mem>>) src(%dma_wait3A_420 : memref<1000001x16xf32, #tpu.memory_space<hbm>>) dst(%dma_wait3A_414 : memref<128x16xf32, #tpu.memory_space<vmem>>)
    %dma_wait3A_421 = arith.constant 15 : i32
    %dma_wait3A_422 = arith.constant 256 : i32
    %dma_wait3A_423 = arith.constant 0 : i32
    %dma_wait3A_424 = tpu.memref_slice %arg7[%dma_wait3A_422, %dma_wait3A_423] : memref<1664x16xf32, #tpu.memory_space<vmem>> -> memref<128x16xf32, #tpu.memory_space<vmem>>
    %dma_wait3A_425 = arith.constant 0 : i32
    %dma_wait3A_426 = tpu.memref_slice %arg5[%dma_wait3A_421, %dma_wait3A_425] : memref<104x128xi32, #tpu.memory_space<vmem>> -> memref<1x128xi32, #tpu.memory_space<vmem>>
    %dma_wait3A_427 = tpu.memref_squeeze %dma_wait3A_426 : memref<1x128xi32, #tpu.memory_space<vmem>> -> memref<128xi32, #tpu.memory_space<vmem>>
    %dma_wait3A_428 = arith.constant 0 : i32
    %dma_wait3A_429 = arith.constant 0 : i32
    %dma_wait3A_430 = tpu.memref_slice %arg3[%dma_wait3A_428, %dma_wait3A_429] : memref<1000001x16xf32, #tpu.memory_space<hbm>> -> memref<1000001x16xf32, #tpu.memory_space<hbm>>
    tpu.wait_indirect_dma semaphore(%arg9 : memref<!tpu.dma_semaphore, #tpu.memory_space<semaphore_mem>>) src(%dma_wait3A_430 : memref<1000001x16xf32, #tpu.memory_space<hbm>>) dst(%dma_wait3A_424 : memref<128x16xf32, #tpu.memory_space<vmem>>)
    %dma_wait3A_431 = arith.constant 16 : i32
    %dma_wait3A_432 = arith.constant 384 : i32
    %dma_wait3A_433 = arith.constant 0 : i32
    %dma_wait3A_434 = tpu.memref_slice %arg7[%dma_wait3A_432, %dma_wait3A_433] : memref<1664x16xf32, #tpu.memory_space<vmem>> -> memref<128x16xf32, #tpu.memory_space<vmem>>
    %dma_wait3A_435 = arith.constant 0 : i32
    %dma_wait3A_436 = tpu.memref_slice %arg5[%dma_wait3A_431, %dma_wait3A_435] : memref<104x128xi32, #tpu.memory_space<vmem>> -> memref<1x128xi32, #tpu.memory_space<vmem>>
    %dma_wait3A_437 = tpu.memref_squeeze %dma_wait3A_436 : memref<1x128xi32, #tpu.memory_space<vmem>> -> memref<128xi32, #tpu.memory_space<vmem>>
    %dma_wait3A_438 = arith.constant 0 : i32
    %dma_wait3A_439 = arith.constant 0 : i32
    %dma_wait3A_440 = tpu.memref_slice %arg3[%dma_wait3A_438, %dma_wait3A_439] : memref<1000001x16xf32, #tpu.memory_space<hbm>> -> memref<1000001x16xf32, #tpu.memory_space<hbm>>
    tpu.wait_indirect_dma semaphore(%arg9 : memref<!tpu.dma_semaphore, #tpu.memory_space<semaphore_mem>>) src(%dma_wait3A_440 : memref<1000001x16xf32, #tpu.memory_space<hbm>>) dst(%dma_wait3A_434 : memref<128x16xf32, #tpu.memory_space<vmem>>)
    %dma_wait3A_441 = arith.constant 17 : i32
    %dma_wait3A_442 = arith.constant 512 : i32
    %dma_wait3A_443 = arith.constant 0 : i32
    %dma_wait3A_444 = tpu.memref_slice %arg7[%dma_wait3A_442, %dma_wait3A_443] : memref<1664x16xf32, #tpu.memory_space<vmem>> -> memref<128x16xf32, #tpu.memory_space<vmem>>
    %dma_wait3A_445 = arith.constant 0 : i32
    %dma_wait3A_446 = tpu.memref_slice %arg5[%dma_wait3A_441, %dma_wait3A_445] : memref<104x128xi32, #tpu.memory_space<vmem>> -> memref<1x128xi32, #tpu.memory_space<vmem>>
    %dma_wait3A_447 = tpu.memref_squeeze %dma_wait3A_446 : memref<1x128xi32, #tpu.memory_space<vmem>> -> memref<128xi32, #tpu.memory_space<vmem>>
    %dma_wait3A_448 = arith.constant 0 : i32
    %dma_wait3A_449 = arith.constant 0 : i32
    %dma_wait3A_450 = tpu.memref_slice %arg3[%dma_wait3A_448, %dma_wait3A_449] : memref<1000001x16xf32, #tpu.memory_space<hbm>> -> memref<1000001x16xf32, #tpu.memory_space<hbm>>
    tpu.wait_indirect_dma semaphore(%arg9 : memref<!tpu.dma_semaphore, #tpu.memory_space<semaphore_mem>>) src(%dma_wait3A_450 : memref<1000001x16xf32, #tpu.memory_space<hbm>>) dst(%dma_wait3A_444 : memref<128x16xf32, #tpu.memory_space<vmem>>)
    %dma_wait3A_451 = arith.constant 18 : i32
    %dma_wait3A_452 = arith.constant 640 : i32
    %dma_wait3A_453 = arith.constant 0 : i32
    %dma_wait3A_454 = tpu.memref_slice %arg7[%dma_wait3A_452, %dma_wait3A_453] : memref<1664x16xf32, #tpu.memory_space<vmem>> -> memref<128x16xf32, #tpu.memory_space<vmem>>
    %dma_wait3A_455 = arith.constant 0 : i32
    %dma_wait3A_456 = tpu.memref_slice %arg5[%dma_wait3A_451, %dma_wait3A_455] : memref<104x128xi32, #tpu.memory_space<vmem>> -> memref<1x128xi32, #tpu.memory_space<vmem>>
    %dma_wait3A_457 = tpu.memref_squeeze %dma_wait3A_456 : memref<1x128xi32, #tpu.memory_space<vmem>> -> memref<128xi32, #tpu.memory_space<vmem>>
    %dma_wait3A_458 = arith.constant 0 : i32
    %dma_wait3A_459 = arith.constant 0 : i32
    %dma_wait3A_460 = tpu.memref_slice %arg3[%dma_wait3A_458, %dma_wait3A_459] : memref<1000001x16xf32, #tpu.memory_space<hbm>> -> memref<1000001x16xf32, #tpu.memory_space<hbm>>
    tpu.wait_indirect_dma semaphore(%arg9 : memref<!tpu.dma_semaphore, #tpu.memory_space<semaphore_mem>>) src(%dma_wait3A_460 : memref<1000001x16xf32, #tpu.memory_space<hbm>>) dst(%dma_wait3A_454 : memref<128x16xf32, #tpu.memory_space<vmem>>)
    %dma_wait3A_461 = arith.constant 19 : i32
    %dma_wait3A_462 = arith.constant 768 : i32
    %dma_wait3A_463 = arith.constant 0 : i32
    %dma_wait3A_464 = tpu.memref_slice %arg7[%dma_wait3A_462, %dma_wait3A_463] : memref<1664x16xf32, #tpu.memory_space<vmem>> -> memref<128x16xf32, #tpu.memory_space<vmem>>
    %dma_wait3A_465 = arith.constant 0 : i32
    %dma_wait3A_466 = tpu.memref_slice %arg5[%dma_wait3A_461, %dma_wait3A_465] : memref<104x128xi32, #tpu.memory_space<vmem>> -> memref<1x128xi32, #tpu.memory_space<vmem>>
    %dma_wait3A_467 = tpu.memref_squeeze %dma_wait3A_466 : memref<1x128xi32, #tpu.memory_space<vmem>> -> memref<128xi32, #tpu.memory_space<vmem>>
    %dma_wait3A_468 = arith.constant 0 : i32
    %dma_wait3A_469 = arith.constant 0 : i32
    %dma_wait3A_470 = tpu.memref_slice %arg3[%dma_wait3A_468, %dma_wait3A_469] : memref<1000001x16xf32, #tpu.memory_space<hbm>> -> memref<1000001x16xf32, #tpu.memory_space<hbm>>
    tpu.wait_indirect_dma semaphore(%arg9 : memref<!tpu.dma_semaphore, #tpu.memory_space<semaphore_mem>>) src(%dma_wait3A_470 : memref<1000001x16xf32, #tpu.memory_space<hbm>>) dst(%dma_wait3A_464 : memref<128x16xf32, #tpu.memory_space<vmem>>)
    %dma_wait3A_471 = arith.constant 20 : i32
    %dma_wait3A_472 = arith.constant 896 : i32
    %dma_wait3A_473 = arith.constant 0 : i32
    %dma_wait3A_474 = tpu.memref_slice %arg7[%dma_wait3A_472, %dma_wait3A_473] : memref<1664x16xf32, #tpu.memory_space<vmem>> -> memref<128x16xf32, #tpu.memory_space<vmem>>
    %dma_wait3A_475 = arith.constant 0 : i32
    %dma_wait3A_476 = tpu.memref_slice %arg5[%dma_wait3A_471, %dma_wait3A_475] : memref<104x128xi32, #tpu.memory_space<vmem>> -> memref<1x128xi32, #tpu.memory_space<vmem>>
    %dma_wait3A_477 = tpu.memref_squeeze %dma_wait3A_476 : memref<1x128xi32, #tpu.memory_space<vmem>> -> memref<128xi32, #tpu.memory_space<vmem>>
    %dma_wait3A_478 = arith.constant 0 : i32
    %dma_wait3A_479 = arith.constant 0 : i32
    %dma_wait3A_480 = tpu.memref_slice %arg3[%dma_wait3A_478, %dma_wait3A_479] : memref<1000001x16xf32, #tpu.memory_space<hbm>> -> memref<1000001x16xf32, #tpu.memory_space<hbm>>
    tpu.wait_indirect_dma semaphore(%arg9 : memref<!tpu.dma_semaphore, #tpu.memory_space<semaphore_mem>>) src(%dma_wait3A_480 : memref<1000001x16xf32, #tpu.memory_space<hbm>>) dst(%dma_wait3A_474 : memref<128x16xf32, #tpu.memory_space<vmem>>)
    %dma_wait3A_481 = arith.constant 21 : i32
    %dma_wait3A_482 = arith.constant 1024 : i32
    %dma_wait3A_483 = arith.constant 0 : i32
    %dma_wait3A_484 = tpu.memref_slice %arg7[%dma_wait3A_482, %dma_wait3A_483] : memref<1664x16xf32, #tpu.memory_space<vmem>> -> memref<128x16xf32, #tpu.memory_space<vmem>>
    %dma_wait3A_485 = arith.constant 0 : i32
    %dma_wait3A_486 = tpu.memref_slice %arg5[%dma_wait3A_481, %dma_wait3A_485] : memref<104x128xi32, #tpu.memory_space<vmem>> -> memref<1x128xi32, #tpu.memory_space<vmem>>
    %dma_wait3A_487 = tpu.memref_squeeze %dma_wait3A_486 : memref<1x128xi32, #tpu.memory_space<vmem>> -> memref<128xi32, #tpu.memory_space<vmem>>
    %dma_wait3A_488 = arith.constant 0 : i32
    %dma_wait3A_489 = arith.constant 0 : i32
    %dma_wait3A_490 = tpu.memref_slice %arg3[%dma_wait3A_488, %dma_wait3A_489] : memref<1000001x16xf32, #tpu.memory_space<hbm>> -> memref<1000001x16xf32, #tpu.memory_space<hbm>>
    tpu.wait_indirect_dma semaphore(%arg9 : memref<!tpu.dma_semaphore, #tpu.memory_space<semaphore_mem>>) src(%dma_wait3A_490 : memref<1000001x16xf32, #tpu.memory_space<hbm>>) dst(%dma_wait3A_484 : memref<128x16xf32, #tpu.memory_space<vmem>>)
    %dma_wait3A_491 = arith.constant 22 : i32
    %dma_wait3A_492 = arith.constant 1152 : i32
    %dma_wait3A_493 = arith.constant 0 : i32
    %dma_wait3A_494 = tpu.memref_slice %arg7[%dma_wait3A_492, %dma_wait3A_493] : memref<1664x16xf32, #tpu.memory_space<vmem>> -> memref<128x16xf32, #tpu.memory_space<vmem>>
    %dma_wait3A_495 = arith.constant 0 : i32
    %dma_wait3A_496 = tpu.memref_slice %arg5[%dma_wait3A_491, %dma_wait3A_495] : memref<104x128xi32, #tpu.memory_space<vmem>> -> memref<1x128xi32, #tpu.memory_space<vmem>>
    %dma_wait3A_497 = tpu.memref_squeeze %dma_wait3A_496 : memref<1x128xi32, #tpu.memory_space<vmem>> -> memref<128xi32, #tpu.memory_space<vmem>>
    %dma_wait3A_498 = arith.constant 0 : i32
    %dma_wait3A_499 = arith.constant 0 : i32
    %dma_wait3A_500 = tpu.memref_slice %arg3[%dma_wait3A_498, %dma_wait3A_499] : memref<1000001x16xf32, #tpu.memory_space<hbm>> -> memref<1000001x16xf32, #tpu.memory_space<hbm>>
    tpu.wait_indirect_dma semaphore(%arg9 : memref<!tpu.dma_semaphore, #tpu.memory_space<semaphore_mem>>) src(%dma_wait3A_500 : memref<1000001x16xf32, #tpu.memory_space<hbm>>) dst(%dma_wait3A_494 : memref<128x16xf32, #tpu.memory_space<vmem>>)
    %dma_wait3A_501 = arith.constant 23 : i32
    %dma_wait3A_502 = arith.constant 1280 : i32
    %dma_wait3A_503 = arith.constant 0 : i32
    %dma_wait3A_504 = tpu.memref_slice %arg7[%dma_wait3A_502, %dma_wait3A_503] : memref<1664x16xf32, #tpu.memory_space<vmem>> -> memref<128x16xf32, #tpu.memory_space<vmem>>
    %dma_wait3A_505 = arith.constant 0 : i32
    %dma_wait3A_506 = tpu.memref_slice %arg5[%dma_wait3A_501, %dma_wait3A_505] : memref<104x128xi32, #tpu.memory_space<vmem>> -> memref<1x128xi32, #tpu.memory_space<vmem>>
    %dma_wait3A_507 = tpu.memref_squeeze %dma_wait3A_506 : memref<1x128xi32, #tpu.memory_space<vmem>> -> memref<128xi32, #tpu.memory_space<vmem>>
    %dma_wait3A_508 = arith.constant 0 : i32
    %dma_wait3A_509 = arith.constant 0 : i32
    %dma_wait3A_510 = tpu.memref_slice %arg3[%dma_wait3A_508, %dma_wait3A_509] : memref<1000001x16xf32, #tpu.memory_space<hbm>> -> memref<1000001x16xf32, #tpu.memory_space<hbm>>
    tpu.wait_indirect_dma semaphore(%arg9 : memref<!tpu.dma_semaphore, #tpu.memory_space<semaphore_mem>>) src(%dma_wait3A_510 : memref<1000001x16xf32, #tpu.memory_space<hbm>>) dst(%dma_wait3A_504 : memref<128x16xf32, #tpu.memory_space<vmem>>)
    %dma_wait3A_511 = arith.constant 24 : i32
    %dma_wait3A_512 = arith.constant 1408 : i32
    %dma_wait3A_513 = arith.constant 0 : i32
    %dma_wait3A_514 = tpu.memref_slice %arg7[%dma_wait3A_512, %dma_wait3A_513] : memref<1664x16xf32, #tpu.memory_space<vmem>> -> memref<128x16xf32, #tpu.memory_space<vmem>>
    %dma_wait3A_515 = arith.constant 0 : i32
    %dma_wait3A_516 = tpu.memref_slice %arg5[%dma_wait3A_511, %dma_wait3A_515] : memref<104x128xi32, #tpu.memory_space<vmem>> -> memref<1x128xi32, #tpu.memory_space<vmem>>
    %dma_wait3A_517 = tpu.memref_squeeze %dma_wait3A_516 : memref<1x128xi32, #tpu.memory_space<vmem>> -> memref<128xi32, #tpu.memory_space<vmem>>
    %dma_wait3A_518 = arith.constant 0 : i32
    %dma_wait3A_519 = arith.constant 0 : i32
    %dma_wait3A_520 = tpu.memref_slice %arg3[%dma_wait3A_518, %dma_wait3A_519] : memref<1000001x16xf32, #tpu.memory_space<hbm>> -> memref<1000001x16xf32, #tpu.memory_space<hbm>>
    tpu.wait_indirect_dma semaphore(%arg9 : memref<!tpu.dma_semaphore, #tpu.memory_space<semaphore_mem>>) src(%dma_wait3A_520 : memref<1000001x16xf32, #tpu.memory_space<hbm>>) dst(%dma_wait3A_514 : memref<128x16xf32, #tpu.memory_space<vmem>>)
    %dma_wait3A_521 = arith.constant 25 : i32
    %dma_wait3A_522 = arith.constant 1536 : i32
    %dma_wait3A_523 = arith.constant 0 : i32
    %dma_wait3A_524 = tpu.memref_slice %arg7[%dma_wait3A_522, %dma_wait3A_523] : memref<1664x16xf32, #tpu.memory_space<vmem>> -> memref<128x16xf32, #tpu.memory_space<vmem>>
    %dma_wait3A_525 = arith.constant 0 : i32
    %dma_wait3A_526 = tpu.memref_slice %arg5[%dma_wait3A_521, %dma_wait3A_525] : memref<104x128xi32, #tpu.memory_space<vmem>> -> memref<1x128xi32, #tpu.memory_space<vmem>>
    %dma_wait3A_527 = tpu.memref_squeeze %dma_wait3A_526 : memref<1x128xi32, #tpu.memory_space<vmem>> -> memref<128xi32, #tpu.memory_space<vmem>>
    %dma_wait3A_528 = arith.constant 0 : i32
    %dma_wait3A_529 = arith.constant 0 : i32
    %dma_wait3A_530 = tpu.memref_slice %arg3[%dma_wait3A_528, %dma_wait3A_529] : memref<1000001x16xf32, #tpu.memory_space<hbm>> -> memref<1000001x16xf32, #tpu.memory_space<hbm>>
    tpu.wait_indirect_dma semaphore(%arg9 : memref<!tpu.dma_semaphore, #tpu.memory_space<semaphore_mem>>) src(%dma_wait3A_530 : memref<1000001x16xf32, #tpu.memory_space<hbm>>) dst(%dma_wait3A_524 : memref<128x16xf32, #tpu.memory_space<vmem>>)
    %mul3A_531 = arith.constant 8 : i32
    %mul3A_532 = arith.muli %add3A, %mul3A_531 : i32
    %add3A_533 = arith.constant 1 : i32
    %add3A_534 = arith.addi %mul3A_532, %add3A_533 : i32
    %mul3A_535 = arith.constant 13 : i32
    %mul3A_536 = arith.muli %add3A_534, %mul3A_535 : i32
    %mul3A_537 = arith.constant 128 : i32
    %mul3A_538 = arith.muli %mul3A_536, %mul3A_537 : i32
    %dma_start3A_539 = arith.constant 0 : i32
    %dma_start3A_540 = tpu.memref_slice %arg4[%mul3A_538, %dma_start3A_539] : memref<425984x16xf32, #tpu.memory_space<hbm>> -> memref<1664x16xf32, #tpu.memory_space<hbm>>
    %dma_start3A_541 = arith.constant 0 : i32
    %dma_start3A_542 = tpu.memref_slice %arg4[%mul3A_538, %dma_start3A_541] : memref<425984x16xf32, #tpu.memory_space<hbm>> -> memref<1664x16xf32, #tpu.memory_space<hbm>>
    tpu.enqueue_dma source(%arg7 : memref<1664x16xf32, #tpu.memory_space<vmem>>) target(%dma_start3A_542 : memref<1664x16xf32, #tpu.memory_space<hbm>>) target_semaphore(%arg11 : memref<!tpu.dma_semaphore, #tpu.memory_space<semaphore_mem>>)
    %mul3A_543 = arith.constant 8 : i32
    %mul3A_544 = arith.muli %add3A, %mul3A_543 : i32
    %add3A_545 = arith.constant 0 : i32
    %add3A_546 = arith.addi %mul3A_544, %add3A_545 : i32
    %mul3A_547 = arith.constant 13 : i32
    %mul3A_548 = arith.muli %add3A_546, %mul3A_547 : i32
    %mul3A_549 = arith.constant 128 : i32
    %mul3A_550 = arith.muli %mul3A_548, %mul3A_549 : i32
    %dma_wait3A_551 = arith.constant 0 : i32
    %dma_wait3A_552 = tpu.memref_slice %arg4[%mul3A_550, %dma_wait3A_551] : memref<425984x16xf32, #tpu.memory_space<hbm>> -> memref<1664x16xf32, #tpu.memory_space<hbm>>
    %dma_wait3A_553 = arith.constant 0 : i32
    %dma_wait3A_554 = tpu.memref_slice %arg4[%mul3A_550, %dma_wait3A_553] : memref<425984x16xf32, #tpu.memory_space<hbm>> -> memref<1664x16xf32, #tpu.memory_space<hbm>>
    tpu.wait_dma2 semaphore(%arg10 : memref<!tpu.dma_semaphore, #tpu.memory_space<semaphore_mem>>) src(%arg6 : memref<1664x16xf32, #tpu.memory_space<vmem>>) dst(%dma_wait3A_554 : memref<1664x16xf32, #tpu.memory_space<hbm>>)
    %dma_start3A_555 = arith.constant 26 : i32
    %dma_start3A_556 = arith.constant 0 : i32
    %dma_start3A_557 = arith.constant 0 : i32
    %dma_start3A_558 = tpu.memref_slice %arg6[%dma_start3A_556, %dma_start3A_557] : memref<1664x16xf32, #tpu.memory_space<vmem>> -> memref<128x16xf32, #tpu.memory_space<vmem>>
    %dma_start3A_559 = arith.constant 0 : i32
    %dma_start3A_560 = tpu.memref_slice %arg5[%dma_start3A_555, %dma_start3A_559] : memref<104x128xi32, #tpu.memory_space<vmem>> -> memref<1x128xi32, #tpu.memory_space<vmem>>
    %dma_start3A_561 = tpu.memref_squeeze %dma_start3A_560 : memref<1x128xi32, #tpu.memory_space<vmem>> -> memref<128xi32, #tpu.memory_space<vmem>>
    %dma_start3A_562 = arith.constant 0 : i32
    %dma_start3A_563 = arith.constant 0 : i32
    %dma_start3A_564 = tpu.memref_slice %arg3[%dma_start3A_562, %dma_start3A_563] : memref<1000001x16xf32, #tpu.memory_space<hbm>> -> memref<1000001x16xf32, #tpu.memory_space<hbm>>
    tpu.enqueue_indirect_dma source(%dma_start3A_564 : memref<1000001x16xf32, #tpu.memory_space<hbm>>) target(%dma_start3A_558 : memref<128x16xf32, #tpu.memory_space<vmem>>) offsets(%dma_start3A_561 : memref<128xi32, #tpu.memory_space<vmem>>) semaphore(%arg8 : memref<!tpu.dma_semaphore, #tpu.memory_space<semaphore_mem>>)
    %dma_start3A_565 = arith.constant 27 : i32
    %dma_start3A_566 = arith.constant 128 : i32
    %dma_start3A_567 = arith.constant 0 : i32
    %dma_start3A_568 = tpu.memref_slice %arg6[%dma_start3A_566, %dma_start3A_567] : memref<1664x16xf32, #tpu.memory_space<vmem>> -> memref<128x16xf32, #tpu.memory_space<vmem>>
    %dma_start3A_569 = arith.constant 0 : i32
    %dma_start3A_570 = tpu.memref_slice %arg5[%dma_start3A_565, %dma_start3A_569] : memref<104x128xi32, #tpu.memory_space<vmem>> -> memref<1x128xi32, #tpu.memory_space<vmem>>
    %dma_start3A_571 = tpu.memref_squeeze %dma_start3A_570 : memref<1x128xi32, #tpu.memory_space<vmem>> -> memref<128xi32, #tpu.memory_space<vmem>>
    %dma_start3A_572 = arith.constant 0 : i32
    %dma_start3A_573 = arith.constant 0 : i32
    %dma_start3A_574 = tpu.memref_slice %arg3[%dma_start3A_572, %dma_start3A_573] : memref<1000001x16xf32, #tpu.memory_space<hbm>> -> memref<1000001x16xf32, #tpu.memory_space<hbm>>
    tpu.enqueue_indirect_dma source(%dma_start3A_574 : memref<1000001x16xf32, #tpu.memory_space<hbm>>) target(%dma_start3A_568 : memref<128x16xf32, #tpu.memory_space<vmem>>) offsets(%dma_start3A_571 : memref<128xi32, #tpu.memory_space<vmem>>) semaphore(%arg8 : memref<!tpu.dma_semaphore, #tpu.memory_space<semaphore_mem>>)
    %dma_start3A_575 = arith.constant 28 : i32
    %dma_start3A_576 = arith.constant 256 : i32
    %dma_start3A_577 = arith.constant 0 : i32
    %dma_start3A_578 = tpu.memref_slice %arg6[%dma_start3A_576, %dma_start3A_577] : memref<1664x16xf32, #tpu.memory_space<vmem>> -> memref<128x16xf32, #tpu.memory_space<vmem>>
    %dma_start3A_579 = arith.constant 0 : i32
    %dma_start3A_580 = tpu.memref_slice %arg5[%dma_start3A_575, %dma_start3A_579] : memref<104x128xi32, #tpu.memory_space<vmem>> -> memref<1x128xi32, #tpu.memory_space<vmem>>
    %dma_start3A_581 = tpu.memref_squeeze %dma_start3A_580 : memref<1x128xi32, #tpu.memory_space<vmem>> -> memref<128xi32, #tpu.memory_space<vmem>>
    %dma_start3A_582 = arith.constant 0 : i32
    %dma_start3A_583 = arith.constant 0 : i32
    %dma_start3A_584 = tpu.memref_slice %arg3[%dma_start3A_582, %dma_start3A_583] : memref<1000001x16xf32, #tpu.memory_space<hbm>> -> memref<1000001x16xf32, #tpu.memory_space<hbm>>
    tpu.enqueue_indirect_dma source(%dma_start3A_584 : memref<1000001x16xf32, #tpu.memory_space<hbm>>) target(%dma_start3A_578 : memref<128x16xf32, #tpu.memory_space<vmem>>) offsets(%dma_start3A_581 : memref<128xi32, #tpu.memory_space<vmem>>) semaphore(%arg8 : memref<!tpu.dma_semaphore, #tpu.memory_space<semaphore_mem>>)
    %dma_start3A_585 = arith.constant 29 : i32
    %dma_start3A_586 = arith.constant 384 : i32
    %dma_start3A_587 = arith.constant 0 : i32
    %dma_start3A_588 = tpu.memref_slice %arg6[%dma_start3A_586, %dma_start3A_587] : memref<1664x16xf32, #tpu.memory_space<vmem>> -> memref<128x16xf32, #tpu.memory_space<vmem>>
    %dma_start3A_589 = arith.constant 0 : i32
    %dma_start3A_590 = tpu.memref_slice %arg5[%dma_start3A_585, %dma_start3A_589] : memref<104x128xi32, #tpu.memory_space<vmem>> -> memref<1x128xi32, #tpu.memory_space<vmem>>
    %dma_start3A_591 = tpu.memref_squeeze %dma_start3A_590 : memref<1x128xi32, #tpu.memory_space<vmem>> -> memref<128xi32, #tpu.memory_space<vmem>>
    %dma_start3A_592 = arith.constant 0 : i32
    %dma_start3A_593 = arith.constant 0 : i32
    %dma_start3A_594 = tpu.memref_slice %arg3[%dma_start3A_592, %dma_start3A_593] : memref<1000001x16xf32, #tpu.memory_space<hbm>> -> memref<1000001x16xf32, #tpu.memory_space<hbm>>
    tpu.enqueue_indirect_dma source(%dma_start3A_594 : memref<1000001x16xf32, #tpu.memory_space<hbm>>) target(%dma_start3A_588 : memref<128x16xf32, #tpu.memory_space<vmem>>) offsets(%dma_start3A_591 : memref<128xi32, #tpu.memory_space<vmem>>) semaphore(%arg8 : memref<!tpu.dma_semaphore, #tpu.memory_space<semaphore_mem>>)
    %dma_start3A_595 = arith.constant 30 : i32
    %dma_start3A_596 = arith.constant 512 : i32
    %dma_start3A_597 = arith.constant 0 : i32
    %dma_start3A_598 = tpu.memref_slice %arg6[%dma_start3A_596, %dma_start3A_597] : memref<1664x16xf32, #tpu.memory_space<vmem>> -> memref<128x16xf32, #tpu.memory_space<vmem>>
    %dma_start3A_599 = arith.constant 0 : i32
    %dma_start3A_600 = tpu.memref_slice %arg5[%dma_start3A_595, %dma_start3A_599] : memref<104x128xi32, #tpu.memory_space<vmem>> -> memref<1x128xi32, #tpu.memory_space<vmem>>
    %dma_start3A_601 = tpu.memref_squeeze %dma_start3A_600 : memref<1x128xi32, #tpu.memory_space<vmem>> -> memref<128xi32, #tpu.memory_space<vmem>>
    %dma_start3A_602 = arith.constant 0 : i32
    %dma_start3A_603 = arith.constant 0 : i32
    %dma_start3A_604 = tpu.memref_slice %arg3[%dma_start3A_602, %dma_start3A_603] : memref<1000001x16xf32, #tpu.memory_space<hbm>> -> memref<1000001x16xf32, #tpu.memory_space<hbm>>
    tpu.enqueue_indirect_dma source(%dma_start3A_604 : memref<1000001x16xf32, #tpu.memory_space<hbm>>) target(%dma_start3A_598 : memref<128x16xf32, #tpu.memory_space<vmem>>) offsets(%dma_start3A_601 : memref<128xi32, #tpu.memory_space<vmem>>) semaphore(%arg8 : memref<!tpu.dma_semaphore, #tpu.memory_space<semaphore_mem>>)
    %dma_start3A_605 = arith.constant 31 : i32
    %dma_start3A_606 = arith.constant 640 : i32
    %dma_start3A_607 = arith.constant 0 : i32
    %dma_start3A_608 = tpu.memref_slice %arg6[%dma_start3A_606, %dma_start3A_607] : memref<1664x16xf32, #tpu.memory_space<vmem>> -> memref<128x16xf32, #tpu.memory_space<vmem>>
    %dma_start3A_609 = arith.constant 0 : i32
    %dma_start3A_610 = tpu.memref_slice %arg5[%dma_start3A_605, %dma_start3A_609] : memref<104x128xi32, #tpu.memory_space<vmem>> -> memref<1x128xi32, #tpu.memory_space<vmem>>
    %dma_start3A_611 = tpu.memref_squeeze %dma_start3A_610 : memref<1x128xi32, #tpu.memory_space<vmem>> -> memref<128xi32, #tpu.memory_space<vmem>>
    %dma_start3A_612 = arith.constant 0 : i32
    %dma_start3A_613 = arith.constant 0 : i32
    %dma_start3A_614 = tpu.memref_slice %arg3[%dma_start3A_612, %dma_start3A_613] : memref<1000001x16xf32, #tpu.memory_space<hbm>> -> memref<1000001x16xf32, #tpu.memory_space<hbm>>
    tpu.enqueue_indirect_dma source(%dma_start3A_614 : memref<1000001x16xf32, #tpu.memory_space<hbm>>) target(%dma_start3A_608 : memref<128x16xf32, #tpu.memory_space<vmem>>) offsets(%dma_start3A_611 : memref<128xi32, #tpu.memory_space<vmem>>) semaphore(%arg8 : memref<!tpu.dma_semaphore, #tpu.memory_space<semaphore_mem>>)
    %dma_start3A_615 = arith.constant 32 : i32
    %dma_start3A_616 = arith.constant 768 : i32
    %dma_start3A_617 = arith.constant 0 : i32
    %dma_start3A_618 = tpu.memref_slice %arg6[%dma_start3A_616, %dma_start3A_617] : memref<1664x16xf32, #tpu.memory_space<vmem>> -> memref<128x16xf32, #tpu.memory_space<vmem>>
    %dma_start3A_619 = arith.constant 0 : i32
    %dma_start3A_620 = tpu.memref_slice %arg5[%dma_start3A_615, %dma_start3A_619] : memref<104x128xi32, #tpu.memory_space<vmem>> -> memref<1x128xi32, #tpu.memory_space<vmem>>
    %dma_start3A_621 = tpu.memref_squeeze %dma_start3A_620 : memref<1x128xi32, #tpu.memory_space<vmem>> -> memref<128xi32, #tpu.memory_space<vmem>>
    %dma_start3A_622 = arith.constant 0 : i32
    %dma_start3A_623 = arith.constant 0 : i32
    %dma_start3A_624 = tpu.memref_slice %arg3[%dma_start3A_622, %dma_start3A_623] : memref<1000001x16xf32, #tpu.memory_space<hbm>> -> memref<1000001x16xf32, #tpu.memory_space<hbm>>
    tpu.enqueue_indirect_dma source(%dma_start3A_624 : memref<1000001x16xf32, #tpu.memory_space<hbm>>) target(%dma_start3A_618 : memref<128x16xf32, #tpu.memory_space<vmem>>) offsets(%dma_start3A_621 : memref<128xi32, #tpu.memory_space<vmem>>) semaphore(%arg8 : memref<!tpu.dma_semaphore, #tpu.memory_space<semaphore_mem>>)
    %dma_start3A_625 = arith.constant 33 : i32
    %dma_start3A_626 = arith.constant 896 : i32
    %dma_start3A_627 = arith.constant 0 : i32
    %dma_start3A_628 = tpu.memref_slice %arg6[%dma_start3A_626, %dma_start3A_627] : memref<1664x16xf32, #tpu.memory_space<vmem>> -> memref<128x16xf32, #tpu.memory_space<vmem>>
    %dma_start3A_629 = arith.constant 0 : i32
    %dma_start3A_630 = tpu.memref_slice %arg5[%dma_start3A_625, %dma_start3A_629] : memref<104x128xi32, #tpu.memory_space<vmem>> -> memref<1x128xi32, #tpu.memory_space<vmem>>
    %dma_start3A_631 = tpu.memref_squeeze %dma_start3A_630 : memref<1x128xi32, #tpu.memory_space<vmem>> -> memref<128xi32, #tpu.memory_space<vmem>>
    %dma_start3A_632 = arith.constant 0 : i32
    %dma_start3A_633 = arith.constant 0 : i32
    %dma_start3A_634 = tpu.memref_slice %arg3[%dma_start3A_632, %dma_start3A_633] : memref<1000001x16xf32, #tpu.memory_space<hbm>> -> memref<1000001x16xf32, #tpu.memory_space<hbm>>
    tpu.enqueue_indirect_dma source(%dma_start3A_634 : memref<1000001x16xf32, #tpu.memory_space<hbm>>) target(%dma_start3A_628 : memref<128x16xf32, #tpu.memory_space<vmem>>) offsets(%dma_start3A_631 : memref<128xi32, #tpu.memory_space<vmem>>) semaphore(%arg8 : memref<!tpu.dma_semaphore, #tpu.memory_space<semaphore_mem>>)
    %dma_start3A_635 = arith.constant 34 : i32
    %dma_start3A_636 = arith.constant 1024 : i32
    %dma_start3A_637 = arith.constant 0 : i32
    %dma_start3A_638 = tpu.memref_slice %arg6[%dma_start3A_636, %dma_start3A_637] : memref<1664x16xf32, #tpu.memory_space<vmem>> -> memref<128x16xf32, #tpu.memory_space<vmem>>
    %dma_start3A_639 = arith.constant 0 : i32
    %dma_start3A_640 = tpu.memref_slice %arg5[%dma_start3A_635, %dma_start3A_639] : memref<104x128xi32, #tpu.memory_space<vmem>> -> memref<1x128xi32, #tpu.memory_space<vmem>>
    %dma_start3A_641 = tpu.memref_squeeze %dma_start3A_640 : memref<1x128xi32, #tpu.memory_space<vmem>> -> memref<128xi32, #tpu.memory_space<vmem>>
    %dma_start3A_642 = arith.constant 0 : i32
    %dma_start3A_643 = arith.constant 0 : i32
    %dma_start3A_644 = tpu.memref_slice %arg3[%dma_start3A_642, %dma_start3A_643] : memref<1000001x16xf32, #tpu.memory_space<hbm>> -> memref<1000001x16xf32, #tpu.memory_space<hbm>>
    tpu.enqueue_indirect_dma source(%dma_start3A_644 : memref<1000001x16xf32, #tpu.memory_space<hbm>>) target(%dma_start3A_638 : memref<128x16xf32, #tpu.memory_space<vmem>>) offsets(%dma_start3A_641 : memref<128xi32, #tpu.memory_space<vmem>>) semaphore(%arg8 : memref<!tpu.dma_semaphore, #tpu.memory_space<semaphore_mem>>)
    %dma_start3A_645 = arith.constant 35 : i32
    %dma_start3A_646 = arith.constant 1152 : i32
    %dma_start3A_647 = arith.constant 0 : i32
    %dma_start3A_648 = tpu.memref_slice %arg6[%dma_start3A_646, %dma_start3A_647] : memref<1664x16xf32, #tpu.memory_space<vmem>> -> memref<128x16xf32, #tpu.memory_space<vmem>>
    %dma_start3A_649 = arith.constant 0 : i32
    %dma_start3A_650 = tpu.memref_slice %arg5[%dma_start3A_645, %dma_start3A_649] : memref<104x128xi32, #tpu.memory_space<vmem>> -> memref<1x128xi32, #tpu.memory_space<vmem>>
    %dma_start3A_651 = tpu.memref_squeeze %dma_start3A_650 : memref<1x128xi32, #tpu.memory_space<vmem>> -> memref<128xi32, #tpu.memory_space<vmem>>
    %dma_start3A_652 = arith.constant 0 : i32
    %dma_start3A_653 = arith.constant 0 : i32
    %dma_start3A_654 = tpu.memref_slice %arg3[%dma_start3A_652, %dma_start3A_653] : memref<1000001x16xf32, #tpu.memory_space<hbm>> -> memref<1000001x16xf32, #tpu.memory_space<hbm>>
    tpu.enqueue_indirect_dma source(%dma_start3A_654 : memref<1000001x16xf32, #tpu.memory_space<hbm>>) target(%dma_start3A_648 : memref<128x16xf32, #tpu.memory_space<vmem>>) offsets(%dma_start3A_651 : memref<128xi32, #tpu.memory_space<vmem>>) semaphore(%arg8 : memref<!tpu.dma_semaphore, #tpu.memory_space<semaphore_mem>>)
    %dma_start3A_655 = arith.constant 36 : i32
    %dma_start3A_656 = arith.constant 1280 : i32
    %dma_start3A_657 = arith.constant 0 : i32
    %dma_start3A_658 = tpu.memref_slice %arg6[%dma_start3A_656, %dma_start3A_657] : memref<1664x16xf32, #tpu.memory_space<vmem>> -> memref<128x16xf32, #tpu.memory_space<vmem>>
    %dma_start3A_659 = arith.constant 0 : i32
    %dma_start3A_660 = tpu.memref_slice %arg5[%dma_start3A_655, %dma_start3A_659] : memref<104x128xi32, #tpu.memory_space<vmem>> -> memref<1x128xi32, #tpu.memory_space<vmem>>
    %dma_start3A_661 = tpu.memref_squeeze %dma_start3A_660 : memref<1x128xi32, #tpu.memory_space<vmem>> -> memref<128xi32, #tpu.memory_space<vmem>>
    %dma_start3A_662 = arith.constant 0 : i32
    %dma_start3A_663 = arith.constant 0 : i32
    %dma_start3A_664 = tpu.memref_slice %arg3[%dma_start3A_662, %dma_start3A_663] : memref<1000001x16xf32, #tpu.memory_space<hbm>> -> memref<1000001x16xf32, #tpu.memory_space<hbm>>
    tpu.enqueue_indirect_dma source(%dma_start3A_664 : memref<1000001x16xf32, #tpu.memory_space<hbm>>) target(%dma_start3A_658 : memref<128x16xf32, #tpu.memory_space<vmem>>) offsets(%dma_start3A_661 : memref<128xi32, #tpu.memory_space<vmem>>) semaphore(%arg8 : memref<!tpu.dma_semaphore, #tpu.memory_space<semaphore_mem>>)
    %dma_start3A_665 = arith.constant 37 : i32
    %dma_start3A_666 = arith.constant 1408 : i32
    %dma_start3A_667 = arith.constant 0 : i32
    %dma_start3A_668 = tpu.memref_slice %arg6[%dma_start3A_666, %dma_start3A_667] : memref<1664x16xf32, #tpu.memory_space<vmem>> -> memref<128x16xf32, #tpu.memory_space<vmem>>
    %dma_start3A_669 = arith.constant 0 : i32
    %dma_start3A_670 = tpu.memref_slice %arg5[%dma_start3A_665, %dma_start3A_669] : memref<104x128xi32, #tpu.memory_space<vmem>> -> memref<1x128xi32, #tpu.memory_space<vmem>>
    %dma_start3A_671 = tpu.memref_squeeze %dma_start3A_670 : memref<1x128xi32, #tpu.memory_space<vmem>> -> memref<128xi32, #tpu.memory_space<vmem>>
    %dma_start3A_672 = arith.constant 0 : i32
    %dma_start3A_673 = arith.constant 0 : i32
    %dma_start3A_674 = tpu.memref_slice %arg3[%dma_start3A_672, %dma_start3A_673] : memref<1000001x16xf32, #tpu.memory_space<hbm>> -> memref<1000001x16xf32, #tpu.memory_space<hbm>>
    tpu.enqueue_indirect_dma source(%dma_start3A_674 : memref<1000001x16xf32, #tpu.memory_space<hbm>>) target(%dma_start3A_668 : memref<128x16xf32, #tpu.memory_space<vmem>>) offsets(%dma_start3A_671 : memref<128xi32, #tpu.memory_space<vmem>>) semaphore(%arg8 : memref<!tpu.dma_semaphore, #tpu.memory_space<semaphore_mem>>)
    %dma_start3A_675 = arith.constant 38 : i32
    %dma_start3A_676 = arith.constant 1536 : i32
    %dma_start3A_677 = arith.constant 0 : i32
    %dma_start3A_678 = tpu.memref_slice %arg6[%dma_start3A_676, %dma_start3A_677] : memref<1664x16xf32, #tpu.memory_space<vmem>> -> memref<128x16xf32, #tpu.memory_space<vmem>>
    %dma_start3A_679 = arith.constant 0 : i32
    %dma_start3A_680 = tpu.memref_slice %arg5[%dma_start3A_675, %dma_start3A_679] : memref<104x128xi32, #tpu.memory_space<vmem>> -> memref<1x128xi32, #tpu.memory_space<vmem>>
    %dma_start3A_681 = tpu.memref_squeeze %dma_start3A_680 : memref<1x128xi32, #tpu.memory_space<vmem>> -> memref<128xi32, #tpu.memory_space<vmem>>
    %dma_start3A_682 = arith.constant 0 : i32
    %dma_start3A_683 = arith.constant 0 : i32
    %dma_start3A_684 = tpu.memref_slice %arg3[%dma_start3A_682, %dma_start3A_683] : memref<1000001x16xf32, #tpu.memory_space<hbm>> -> memref<1000001x16xf32, #tpu.memory_space<hbm>>
    tpu.enqueue_indirect_dma source(%dma_start3A_684 : memref<1000001x16xf32, #tpu.memory_space<hbm>>) target(%dma_start3A_678 : memref<128x16xf32, #tpu.memory_space<vmem>>) offsets(%dma_start3A_681 : memref<128xi32, #tpu.memory_space<vmem>>) semaphore(%arg8 : memref<!tpu.dma_semaphore, #tpu.memory_space<semaphore_mem>>)
    %dma_wait3A_685 = arith.constant 26 : i32
    %dma_wait3A_686 = arith.constant 0 : i32
    %dma_wait3A_687 = arith.constant 0 : i32
    %dma_wait3A_688 = tpu.memref_slice %arg6[%dma_wait3A_686, %dma_wait3A_687] : memref<1664x16xf32, #tpu.memory_space<vmem>> -> memref<128x16xf32, #tpu.memory_space<vmem>>
    %dma_wait3A_689 = arith.constant 0 : i32
    %dma_wait3A_690 = tpu.memref_slice %arg5[%dma_wait3A_685, %dma_wait3A_689] : memref<104x128xi32, #tpu.memory_space<vmem>> -> memref<1x128xi32, #tpu.memory_space<vmem>>
    %dma_wait3A_691 = tpu.memref_squeeze %dma_wait3A_690 : memref<1x128xi32, #tpu.memory_space<vmem>> -> memref<128xi32, #tpu.memory_space<vmem>>
    %dma_wait3A_692 = arith.constant 0 : i32
    %dma_wait3A_693 = arith.constant 0 : i32
    %dma_wait3A_694 = tpu.memref_slice %arg3[%dma_wait3A_692, %dma_wait3A_693] : memref<1000001x16xf32, #tpu.memory_space<hbm>> -> memref<1000001x16xf32, #tpu.memory_space<hbm>>
    tpu.wait_indirect_dma semaphore(%arg8 : memref<!tpu.dma_semaphore, #tpu.memory_space<semaphore_mem>>) src(%dma_wait3A_694 : memref<1000001x16xf32, #tpu.memory_space<hbm>>) dst(%dma_wait3A_688 : memref<128x16xf32, #tpu.memory_space<vmem>>)
    %dma_wait3A_695 = arith.constant 27 : i32
    %dma_wait3A_696 = arith.constant 128 : i32
    %dma_wait3A_697 = arith.constant 0 : i32
    %dma_wait3A_698 = tpu.memref_slice %arg6[%dma_wait3A_696, %dma_wait3A_697] : memref<1664x16xf32, #tpu.memory_space<vmem>> -> memref<128x16xf32, #tpu.memory_space<vmem>>
    %dma_wait3A_699 = arith.constant 0 : i32
    %dma_wait3A_700 = tpu.memref_slice %arg5[%dma_wait3A_695, %dma_wait3A_699] : memref<104x128xi32, #tpu.memory_space<vmem>> -> memref<1x128xi32, #tpu.memory_space<vmem>>
    %dma_wait3A_701 = tpu.memref_squeeze %dma_wait3A_700 : memref<1x128xi32, #tpu.memory_space<vmem>> -> memref<128xi32, #tpu.memory_space<vmem>>
    %dma_wait3A_702 = arith.constant 0 : i32
    %dma_wait3A_703 = arith.constant 0 : i32
    %dma_wait3A_704 = tpu.memref_slice %arg3[%dma_wait3A_702, %dma_wait3A_703] : memref<1000001x16xf32, #tpu.memory_space<hbm>> -> memref<1000001x16xf32, #tpu.memory_space<hbm>>
    tpu.wait_indirect_dma semaphore(%arg8 : memref<!tpu.dma_semaphore, #tpu.memory_space<semaphore_mem>>) src(%dma_wait3A_704 : memref<1000001x16xf32, #tpu.memory_space<hbm>>) dst(%dma_wait3A_698 : memref<128x16xf32, #tpu.memory_space<vmem>>)
    %dma_wait3A_705 = arith.constant 28 : i32
    %dma_wait3A_706 = arith.constant 256 : i32
    %dma_wait3A_707 = arith.constant 0 : i32
    %dma_wait3A_708 = tpu.memref_slice %arg6[%dma_wait3A_706, %dma_wait3A_707] : memref<1664x16xf32, #tpu.memory_space<vmem>> -> memref<128x16xf32, #tpu.memory_space<vmem>>
    %dma_wait3A_709 = arith.constant 0 : i32
    %dma_wait3A_710 = tpu.memref_slice %arg5[%dma_wait3A_705, %dma_wait3A_709] : memref<104x128xi32, #tpu.memory_space<vmem>> -> memref<1x128xi32, #tpu.memory_space<vmem>>
    %dma_wait3A_711 = tpu.memref_squeeze %dma_wait3A_710 : memref<1x128xi32, #tpu.memory_space<vmem>> -> memref<128xi32, #tpu.memory_space<vmem>>
    %dma_wait3A_712 = arith.constant 0 : i32
    %dma_wait3A_713 = arith.constant 0 : i32
    %dma_wait3A_714 = tpu.memref_slice %arg3[%dma_wait3A_712, %dma_wait3A_713] : memref<1000001x16xf32, #tpu.memory_space<hbm>> -> memref<1000001x16xf32, #tpu.memory_space<hbm>>
    tpu.wait_indirect_dma semaphore(%arg8 : memref<!tpu.dma_semaphore, #tpu.memory_space<semaphore_mem>>) src(%dma_wait3A_714 : memref<1000001x16xf32, #tpu.memory_space<hbm>>) dst(%dma_wait3A_708 : memref<128x16xf32, #tpu.memory_space<vmem>>)
    %dma_wait3A_715 = arith.constant 29 : i32
    %dma_wait3A_716 = arith.constant 384 : i32
    %dma_wait3A_717 = arith.constant 0 : i32
    %dma_wait3A_718 = tpu.memref_slice %arg6[%dma_wait3A_716, %dma_wait3A_717] : memref<1664x16xf32, #tpu.memory_space<vmem>> -> memref<128x16xf32, #tpu.memory_space<vmem>>
    %dma_wait3A_719 = arith.constant 0 : i32
    %dma_wait3A_720 = tpu.memref_slice %arg5[%dma_wait3A_715, %dma_wait3A_719] : memref<104x128xi32, #tpu.memory_space<vmem>> -> memref<1x128xi32, #tpu.memory_space<vmem>>
    %dma_wait3A_721 = tpu.memref_squeeze %dma_wait3A_720 : memref<1x128xi32, #tpu.memory_space<vmem>> -> memref<128xi32, #tpu.memory_space<vmem>>
    %dma_wait3A_722 = arith.constant 0 : i32
    %dma_wait3A_723 = arith.constant 0 : i32
    %dma_wait3A_724 = tpu.memref_slice %arg3[%dma_wait3A_722, %dma_wait3A_723] : memref<1000001x16xf32, #tpu.memory_space<hbm>> -> memref<1000001x16xf32, #tpu.memory_space<hbm>>
    tpu.wait_indirect_dma semaphore(%arg8 : memref<!tpu.dma_semaphore, #tpu.memory_space<semaphore_mem>>) src(%dma_wait3A_724 : memref<1000001x16xf32, #tpu.memory_space<hbm>>) dst(%dma_wait3A_718 : memref<128x16xf32, #tpu.memory_space<vmem>>)
    %dma_wait3A_725 = arith.constant 30 : i32
    %dma_wait3A_726 = arith.constant 512 : i32
    %dma_wait3A_727 = arith.constant 0 : i32
    %dma_wait3A_728 = tpu.memref_slice %arg6[%dma_wait3A_726, %dma_wait3A_727] : memref<1664x16xf32, #tpu.memory_space<vmem>> -> memref<128x16xf32, #tpu.memory_space<vmem>>
    %dma_wait3A_729 = arith.constant 0 : i32
    %dma_wait3A_730 = tpu.memref_slice %arg5[%dma_wait3A_725, %dma_wait3A_729] : memref<104x128xi32, #tpu.memory_space<vmem>> -> memref<1x128xi32, #tpu.memory_space<vmem>>
    %dma_wait3A_731 = tpu.memref_squeeze %dma_wait3A_730 : memref<1x128xi32, #tpu.memory_space<vmem>> -> memref<128xi32, #tpu.memory_space<vmem>>
    %dma_wait3A_732 = arith.constant 0 : i32
    %dma_wait3A_733 = arith.constant 0 : i32
    %dma_wait3A_734 = tpu.memref_slice %arg3[%dma_wait3A_732, %dma_wait3A_733] : memref<1000001x16xf32, #tpu.memory_space<hbm>> -> memref<1000001x16xf32, #tpu.memory_space<hbm>>
    tpu.wait_indirect_dma semaphore(%arg8 : memref<!tpu.dma_semaphore, #tpu.memory_space<semaphore_mem>>) src(%dma_wait3A_734 : memref<1000001x16xf32, #tpu.memory_space<hbm>>) dst(%dma_wait3A_728 : memref<128x16xf32, #tpu.memory_space<vmem>>)
    %dma_wait3A_735 = arith.constant 31 : i32
    %dma_wait3A_736 = arith.constant 640 : i32
    %dma_wait3A_737 = arith.constant 0 : i32
    %dma_wait3A_738 = tpu.memref_slice %arg6[%dma_wait3A_736, %dma_wait3A_737] : memref<1664x16xf32, #tpu.memory_space<vmem>> -> memref<128x16xf32, #tpu.memory_space<vmem>>
    %dma_wait3A_739 = arith.constant 0 : i32
    %dma_wait3A_740 = tpu.memref_slice %arg5[%dma_wait3A_735, %dma_wait3A_739] : memref<104x128xi32, #tpu.memory_space<vmem>> -> memref<1x128xi32, #tpu.memory_space<vmem>>
    %dma_wait3A_741 = tpu.memref_squeeze %dma_wait3A_740 : memref<1x128xi32, #tpu.memory_space<vmem>> -> memref<128xi32, #tpu.memory_space<vmem>>
    %dma_wait3A_742 = arith.constant 0 : i32
    %dma_wait3A_743 = arith.constant 0 : i32
    %dma_wait3A_744 = tpu.memref_slice %arg3[%dma_wait3A_742, %dma_wait3A_743] : memref<1000001x16xf32, #tpu.memory_space<hbm>> -> memref<1000001x16xf32, #tpu.memory_space<hbm>>
    tpu.wait_indirect_dma semaphore(%arg8 : memref<!tpu.dma_semaphore, #tpu.memory_space<semaphore_mem>>) src(%dma_wait3A_744 : memref<1000001x16xf32, #tpu.memory_space<hbm>>) dst(%dma_wait3A_738 : memref<128x16xf32, #tpu.memory_space<vmem>>)
    %dma_wait3A_745 = arith.constant 32 : i32
    %dma_wait3A_746 = arith.constant 768 : i32
    %dma_wait3A_747 = arith.constant 0 : i32
    %dma_wait3A_748 = tpu.memref_slice %arg6[%dma_wait3A_746, %dma_wait3A_747] : memref<1664x16xf32, #tpu.memory_space<vmem>> -> memref<128x16xf32, #tpu.memory_space<vmem>>
    %dma_wait3A_749 = arith.constant 0 : i32
    %dma_wait3A_750 = tpu.memref_slice %arg5[%dma_wait3A_745, %dma_wait3A_749] : memref<104x128xi32, #tpu.memory_space<vmem>> -> memref<1x128xi32, #tpu.memory_space<vmem>>
    %dma_wait3A_751 = tpu.memref_squeeze %dma_wait3A_750 : memref<1x128xi32, #tpu.memory_space<vmem>> -> memref<128xi32, #tpu.memory_space<vmem>>
    %dma_wait3A_752 = arith.constant 0 : i32
    %dma_wait3A_753 = arith.constant 0 : i32
    %dma_wait3A_754 = tpu.memref_slice %arg3[%dma_wait3A_752, %dma_wait3A_753] : memref<1000001x16xf32, #tpu.memory_space<hbm>> -> memref<1000001x16xf32, #tpu.memory_space<hbm>>
    tpu.wait_indirect_dma semaphore(%arg8 : memref<!tpu.dma_semaphore, #tpu.memory_space<semaphore_mem>>) src(%dma_wait3A_754 : memref<1000001x16xf32, #tpu.memory_space<hbm>>) dst(%dma_wait3A_748 : memref<128x16xf32, #tpu.memory_space<vmem>>)
    %dma_wait3A_755 = arith.constant 33 : i32
    %dma_wait3A_756 = arith.constant 896 : i32
    %dma_wait3A_757 = arith.constant 0 : i32
    %dma_wait3A_758 = tpu.memref_slice %arg6[%dma_wait3A_756, %dma_wait3A_757] : memref<1664x16xf32, #tpu.memory_space<vmem>> -> memref<128x16xf32, #tpu.memory_space<vmem>>
    %dma_wait3A_759 = arith.constant 0 : i32
    %dma_wait3A_760 = tpu.memref_slice %arg5[%dma_wait3A_755, %dma_wait3A_759] : memref<104x128xi32, #tpu.memory_space<vmem>> -> memref<1x128xi32, #tpu.memory_space<vmem>>
    %dma_wait3A_761 = tpu.memref_squeeze %dma_wait3A_760 : memref<1x128xi32, #tpu.memory_space<vmem>> -> memref<128xi32, #tpu.memory_space<vmem>>
    %dma_wait3A_762 = arith.constant 0 : i32
    %dma_wait3A_763 = arith.constant 0 : i32
    %dma_wait3A_764 = tpu.memref_slice %arg3[%dma_wait3A_762, %dma_wait3A_763] : memref<1000001x16xf32, #tpu.memory_space<hbm>> -> memref<1000001x16xf32, #tpu.memory_space<hbm>>
    tpu.wait_indirect_dma semaphore(%arg8 : memref<!tpu.dma_semaphore, #tpu.memory_space<semaphore_mem>>) src(%dma_wait3A_764 : memref<1000001x16xf32, #tpu.memory_space<hbm>>) dst(%dma_wait3A_758 : memref<128x16xf32, #tpu.memory_space<vmem>>)
    %dma_wait3A_765 = arith.constant 34 : i32
    %dma_wait3A_766 = arith.constant 1024 : i32
    %dma_wait3A_767 = arith.constant 0 : i32
    %dma_wait3A_768 = tpu.memref_slice %arg6[%dma_wait3A_766, %dma_wait3A_767] : memref<1664x16xf32, #tpu.memory_space<vmem>> -> memref<128x16xf32, #tpu.memory_space<vmem>>
    %dma_wait3A_769 = arith.constant 0 : i32
    %dma_wait3A_770 = tpu.memref_slice %arg5[%dma_wait3A_765, %dma_wait3A_769] : memref<104x128xi32, #tpu.memory_space<vmem>> -> memref<1x128xi32, #tpu.memory_space<vmem>>
    %dma_wait3A_771 = tpu.memref_squeeze %dma_wait3A_770 : memref<1x128xi32, #tpu.memory_space<vmem>> -> memref<128xi32, #tpu.memory_space<vmem>>
    %dma_wait3A_772 = arith.constant 0 : i32
    %dma_wait3A_773 = arith.constant 0 : i32
    %dma_wait3A_774 = tpu.memref_slice %arg3[%dma_wait3A_772, %dma_wait3A_773] : memref<1000001x16xf32, #tpu.memory_space<hbm>> -> memref<1000001x16xf32, #tpu.memory_space<hbm>>
    tpu.wait_indirect_dma semaphore(%arg8 : memref<!tpu.dma_semaphore, #tpu.memory_space<semaphore_mem>>) src(%dma_wait3A_774 : memref<1000001x16xf32, #tpu.memory_space<hbm>>) dst(%dma_wait3A_768 : memref<128x16xf32, #tpu.memory_space<vmem>>)
    %dma_wait3A_775 = arith.constant 35 : i32
    %dma_wait3A_776 = arith.constant 1152 : i32
    %dma_wait3A_777 = arith.constant 0 : i32
    %dma_wait3A_778 = tpu.memref_slice %arg6[%dma_wait3A_776, %dma_wait3A_777] : memref<1664x16xf32, #tpu.memory_space<vmem>> -> memref<128x16xf32, #tpu.memory_space<vmem>>
    %dma_wait3A_779 = arith.constant 0 : i32
    %dma_wait3A_780 = tpu.memref_slice %arg5[%dma_wait3A_775, %dma_wait3A_779] : memref<104x128xi32, #tpu.memory_space<vmem>> -> memref<1x128xi32, #tpu.memory_space<vmem>>
    %dma_wait3A_781 = tpu.memref_squeeze %dma_wait3A_780 : memref<1x128xi32, #tpu.memory_space<vmem>> -> memref<128xi32, #tpu.memory_space<vmem>>
    %dma_wait3A_782 = arith.constant 0 : i32
    %dma_wait3A_783 = arith.constant 0 : i32
    %dma_wait3A_784 = tpu.memref_slice %arg3[%dma_wait3A_782, %dma_wait3A_783] : memref<1000001x16xf32, #tpu.memory_space<hbm>> -> memref<1000001x16xf32, #tpu.memory_space<hbm>>
    tpu.wait_indirect_dma semaphore(%arg8 : memref<!tpu.dma_semaphore, #tpu.memory_space<semaphore_mem>>) src(%dma_wait3A_784 : memref<1000001x16xf32, #tpu.memory_space<hbm>>) dst(%dma_wait3A_778 : memref<128x16xf32, #tpu.memory_space<vmem>>)
    %dma_wait3A_785 = arith.constant 36 : i32
    %dma_wait3A_786 = arith.constant 1280 : i32
    %dma_wait3A_787 = arith.constant 0 : i32
    %dma_wait3A_788 = tpu.memref_slice %arg6[%dma_wait3A_786, %dma_wait3A_787] : memref<1664x16xf32, #tpu.memory_space<vmem>> -> memref<128x16xf32, #tpu.memory_space<vmem>>
    %dma_wait3A_789 = arith.constant 0 : i32
    %dma_wait3A_790 = tpu.memref_slice %arg5[%dma_wait3A_785, %dma_wait3A_789] : memref<104x128xi32, #tpu.memory_space<vmem>> -> memref<1x128xi32, #tpu.memory_space<vmem>>
    %dma_wait3A_791 = tpu.memref_squeeze %dma_wait3A_790 : memref<1x128xi32, #tpu.memory_space<vmem>> -> memref<128xi32, #tpu.memory_space<vmem>>
    %dma_wait3A_792 = arith.constant 0 : i32
    %dma_wait3A_793 = arith.constant 0 : i32
    %dma_wait3A_794 = tpu.memref_slice %arg3[%dma_wait3A_792, %dma_wait3A_793] : memref<1000001x16xf32, #tpu.memory_space<hbm>> -> memref<1000001x16xf32, #tpu.memory_space<hbm>>
    tpu.wait_indirect_dma semaphore(%arg8 : memref<!tpu.dma_semaphore, #tpu.memory_space<semaphore_mem>>) src(%dma_wait3A_794 : memref<1000001x16xf32, #tpu.memory_space<hbm>>) dst(%dma_wait3A_788 : memref<128x16xf32, #tpu.memory_space<vmem>>)
    %dma_wait3A_795 = arith.constant 37 : i32
    %dma_wait3A_796 = arith.constant 1408 : i32
    %dma_wait3A_797 = arith.constant 0 : i32
    %dma_wait3A_798 = tpu.memref_slice %arg6[%dma_wait3A_796, %dma_wait3A_797] : memref<1664x16xf32, #tpu.memory_space<vmem>> -> memref<128x16xf32, #tpu.memory_space<vmem>>
    %dma_wait3A_799 = arith.constant 0 : i32
    %dma_wait3A_800 = tpu.memref_slice %arg5[%dma_wait3A_795, %dma_wait3A_799] : memref<104x128xi32, #tpu.memory_space<vmem>> -> memref<1x128xi32, #tpu.memory_space<vmem>>
    %dma_wait3A_801 = tpu.memref_squeeze %dma_wait3A_800 : memref<1x128xi32, #tpu.memory_space<vmem>> -> memref<128xi32, #tpu.memory_space<vmem>>
    %dma_wait3A_802 = arith.constant 0 : i32
    %dma_wait3A_803 = arith.constant 0 : i32
    %dma_wait3A_804 = tpu.memref_slice %arg3[%dma_wait3A_802, %dma_wait3A_803] : memref<1000001x16xf32, #tpu.memory_space<hbm>> -> memref<1000001x16xf32, #tpu.memory_space<hbm>>
    tpu.wait_indirect_dma semaphore(%arg8 : memref<!tpu.dma_semaphore, #tpu.memory_space<semaphore_mem>>) src(%dma_wait3A_804 : memref<1000001x16xf32, #tpu.memory_space<hbm>>) dst(%dma_wait3A_798 : memref<128x16xf32, #tpu.memory_space<vmem>>)
    %dma_wait3A_805 = arith.constant 38 : i32
    %dma_wait3A_806 = arith.constant 1536 : i32
    %dma_wait3A_807 = arith.constant 0 : i32
    %dma_wait3A_808 = tpu.memref_slice %arg6[%dma_wait3A_806, %dma_wait3A_807] : memref<1664x16xf32, #tpu.memory_space<vmem>> -> memref<128x16xf32, #tpu.memory_space<vmem>>
    %dma_wait3A_809 = arith.constant 0 : i32
    %dma_wait3A_810 = tpu.memref_slice %arg5[%dma_wait3A_805, %dma_wait3A_809] : memref<104x128xi32, #tpu.memory_space<vmem>> -> memref<1x128xi32, #tpu.memory_space<vmem>>
    %dma_wait3A_811 = tpu.memref_squeeze %dma_wait3A_810 : memref<1x128xi32, #tpu.memory_space<vmem>> -> memref<128xi32, #tpu.memory_space<vmem>>
    %dma_wait3A_812 = arith.constant 0 : i32
    %dma_wait3A_813 = arith.constant 0 : i32
    %dma_wait3A_814 = tpu.memref_slice %arg3[%dma_wait3A_812, %dma_wait3A_813] : memref<1000001x16xf32, #tpu.memory_space<hbm>> -> memref<1000001x16xf32, #tpu.memory_space<hbm>>
    tpu.wait_indirect_dma semaphore(%arg8 : memref<!tpu.dma_semaphore, #tpu.memory_space<semaphore_mem>>) src(%dma_wait3A_814 : memref<1000001x16xf32, #tpu.memory_space<hbm>>) dst(%dma_wait3A_808 : memref<128x16xf32, #tpu.memory_space<vmem>>)
    %mul3A_815 = arith.constant 8 : i32
    %mul3A_816 = arith.muli %add3A, %mul3A_815 : i32
    %add3A_817 = arith.constant 2 : i32
    %add3A_818 = arith.addi %mul3A_816, %add3A_817 : i32
    %mul3A_819 = arith.constant 13 : i32
    %mul3A_820 = arith.muli %add3A_818, %mul3A_819 : i32
    %mul3A_821 = arith.constant 128 : i32
    %mul3A_822 = arith.muli %mul3A_820, %mul3A_821 : i32
    %dma_start3A_823 = arith.constant 0 : i32
    %dma_start3A_824 = tpu.memref_slice %arg4[%mul3A_822, %dma_start3A_823] : memref<425984x16xf32, #tpu.memory_space<hbm>> -> memref<1664x16xf32, #tpu.memory_space<hbm>>
    %dma_start3A_825 = arith.constant 0 : i32
    %dma_start3A_826 = tpu.memref_slice %arg4[%mul3A_822, %dma_start3A_825] : memref<425984x16xf32, #tpu.memory_space<hbm>> -> memref<1664x16xf32, #tpu.memory_space<hbm>>
    tpu.enqueue_dma source(%arg6 : memref<1664x16xf32, #tpu.memory_space<vmem>>) target(%dma_start3A_826 : memref<1664x16xf32, #tpu.memory_space<hbm>>) target_semaphore(%arg10 : memref<!tpu.dma_semaphore, #tpu.memory_space<semaphore_mem>>)
    %mul3A_827 = arith.constant 8 : i32
    %mul3A_828 = arith.muli %add3A, %mul3A_827 : i32
    %add3A_829 = arith.constant 1 : i32
    %add3A_830 = arith.addi %mul3A_828, %add3A_829 : i32
    %mul3A_831 = arith.constant 13 : i32
    %mul3A_832 = arith.muli %add3A_830, %mul3A_831 : i32
    %mul3A_833 = arith.constant 128 : i32
    %mul3A_834 = arith.muli %mul3A_832, %mul3A_833 : i32
    %dma_wait3A_835 = arith.constant 0 : i32
    %dma_wait3A_836 = tpu.memref_slice %arg4[%mul3A_834, %dma_wait3A_835] : memref<425984x16xf32, #tpu.memory_space<hbm>> -> memref<1664x16xf32, #tpu.memory_space<hbm>>
    %dma_wait3A_837 = arith.constant 0 : i32
    %dma_wait3A_838 = tpu.memref_slice %arg4[%mul3A_834, %dma_wait3A_837] : memref<425984x16xf32, #tpu.memory_space<hbm>> -> memref<1664x16xf32, #tpu.memory_space<hbm>>
    tpu.wait_dma2 semaphore(%arg11 : memref<!tpu.dma_semaphore, #tpu.memory_space<semaphore_mem>>) src(%arg7 : memref<1664x16xf32, #tpu.memory_space<vmem>>) dst(%dma_wait3A_838 : memref<1664x16xf32, #tpu.memory_space<hbm>>)
    %dma_start3A_839 = arith.constant 39 : i32
    %dma_start3A_840 = arith.constant 0 : i32
    %dma_start3A_841 = arith.constant 0 : i32
    %dma_start3A_842 = tpu.memref_slice %arg7[%dma_start3A_840, %dma_start3A_841] : memref<1664x16xf32, #tpu.memory_space<vmem>> -> memref<128x16xf32, #tpu.memory_space<vmem>>
    %dma_start3A_843 = arith.constant 0 : i32
    %dma_start3A_844 = tpu.memref_slice %arg5[%dma_start3A_839, %dma_start3A_843] : memref<104x128xi32, #tpu.memory_space<vmem>> -> memref<1x128xi32, #tpu.memory_space<vmem>>
    %dma_start3A_845 = tpu.memref_squeeze %dma_start3A_844 : memref<1x128xi32, #tpu.memory_space<vmem>> -> memref<128xi32, #tpu.memory_space<vmem>>
    %dma_start3A_846 = arith.constant 0 : i32
    %dma_start3A_847 = arith.constant 0 : i32
    %dma_start3A_848 = tpu.memref_slice %arg3[%dma_start3A_846, %dma_start3A_847] : memref<1000001x16xf32, #tpu.memory_space<hbm>> -> memref<1000001x16xf32, #tpu.memory_space<hbm>>
    tpu.enqueue_indirect_dma source(%dma_start3A_848 : memref<1000001x16xf32, #tpu.memory_space<hbm>>) target(%dma_start3A_842 : memref<128x16xf32, #tpu.memory_space<vmem>>) offsets(%dma_start3A_845 : memref<128xi32, #tpu.memory_space<vmem>>) semaphore(%arg9 : memref<!tpu.dma_semaphore, #tpu.memory_space<semaphore_mem>>)
    %dma_start3A_849 = arith.constant 40 : i32
    %dma_start3A_850 = arith.constant 128 : i32
    %dma_start3A_851 = arith.constant 0 : i32
    %dma_start3A_852 = tpu.memref_slice %arg7[%dma_start3A_850, %dma_start3A_851] : memref<1664x16xf32, #tpu.memory_space<vmem>> -> memref<128x16xf32, #tpu.memory_space<vmem>>
    %dma_start3A_853 = arith.constant 0 : i32
    %dma_start3A_854 = tpu.memref_slice %arg5[%dma_start3A_849, %dma_start3A_853] : memref<104x128xi32, #tpu.memory_space<vmem>> -> memref<1x128xi32, #tpu.memory_space<vmem>>
    %dma_start3A_855 = tpu.memref_squeeze %dma_start3A_854 : memref<1x128xi32, #tpu.memory_space<vmem>> -> memref<128xi32, #tpu.memory_space<vmem>>
    %dma_start3A_856 = arith.constant 0 : i32
    %dma_start3A_857 = arith.constant 0 : i32
    %dma_start3A_858 = tpu.memref_slice %arg3[%dma_start3A_856, %dma_start3A_857] : memref<1000001x16xf32, #tpu.memory_space<hbm>> -> memref<1000001x16xf32, #tpu.memory_space<hbm>>
    tpu.enqueue_indirect_dma source(%dma_start3A_858 : memref<1000001x16xf32, #tpu.memory_space<hbm>>) target(%dma_start3A_852 : memref<128x16xf32, #tpu.memory_space<vmem>>) offsets(%dma_start3A_855 : memref<128xi32, #tpu.memory_space<vmem>>) semaphore(%arg9 : memref<!tpu.dma_semaphore, #tpu.memory_space<semaphore_mem>>)
    %dma_start3A_859 = arith.constant 41 : i32
    %dma_start3A_860 = arith.constant 256 : i32
    %dma_start3A_861 = arith.constant 0 : i32
    %dma_start3A_862 = tpu.memref_slice %arg7[%dma_start3A_860, %dma_start3A_861] : memref<1664x16xf32, #tpu.memory_space<vmem>> -> memref<128x16xf32, #tpu.memory_space<vmem>>
    %dma_start3A_863 = arith.constant 0 : i32
    %dma_start3A_864 = tpu.memref_slice %arg5[%dma_start3A_859, %dma_start3A_863] : memref<104x128xi32, #tpu.memory_space<vmem>> -> memref<1x128xi32, #tpu.memory_space<vmem>>
    %dma_start3A_865 = tpu.memref_squeeze %dma_start3A_864 : memref<1x128xi32, #tpu.memory_space<vmem>> -> memref<128xi32, #tpu.memory_space<vmem>>
    %dma_start3A_866 = arith.constant 0 : i32
    %dma_start3A_867 = arith.constant 0 : i32
    %dma_start3A_868 = tpu.memref_slice %arg3[%dma_start3A_866, %dma_start3A_867] : memref<1000001x16xf32, #tpu.memory_space<hbm>> -> memref<1000001x16xf32, #tpu.memory_space<hbm>>
    tpu.enqueue_indirect_dma source(%dma_start3A_868 : memref<1000001x16xf32, #tpu.memory_space<hbm>>) target(%dma_start3A_862 : memref<128x16xf32, #tpu.memory_space<vmem>>) offsets(%dma_start3A_865 : memref<128xi32, #tpu.memory_space<vmem>>) semaphore(%arg9 : memref<!tpu.dma_semaphore, #tpu.memory_space<semaphore_mem>>)
    %dma_start3A_869 = arith.constant 42 : i32
    %dma_start3A_870 = arith.constant 384 : i32
    %dma_start3A_871 = arith.constant 0 : i32
    %dma_start3A_872 = tpu.memref_slice %arg7[%dma_start3A_870, %dma_start3A_871] : memref<1664x16xf32, #tpu.memory_space<vmem>> -> memref<128x16xf32, #tpu.memory_space<vmem>>
    %dma_start3A_873 = arith.constant 0 : i32
    %dma_start3A_874 = tpu.memref_slice %arg5[%dma_start3A_869, %dma_start3A_873] : memref<104x128xi32, #tpu.memory_space<vmem>> -> memref<1x128xi32, #tpu.memory_space<vmem>>
    %dma_start3A_875 = tpu.memref_squeeze %dma_start3A_874 : memref<1x128xi32, #tpu.memory_space<vmem>> -> memref<128xi32, #tpu.memory_space<vmem>>
    %dma_start3A_876 = arith.constant 0 : i32
    %dma_start3A_877 = arith.constant 0 : i32
    %dma_start3A_878 = tpu.memref_slice %arg3[%dma_start3A_876, %dma_start3A_877] : memref<1000001x16xf32, #tpu.memory_space<hbm>> -> memref<1000001x16xf32, #tpu.memory_space<hbm>>
    tpu.enqueue_indirect_dma source(%dma_start3A_878 : memref<1000001x16xf32, #tpu.memory_space<hbm>>) target(%dma_start3A_872 : memref<128x16xf32, #tpu.memory_space<vmem>>) offsets(%dma_start3A_875 : memref<128xi32, #tpu.memory_space<vmem>>) semaphore(%arg9 : memref<!tpu.dma_semaphore, #tpu.memory_space<semaphore_mem>>)
    %dma_start3A_879 = arith.constant 43 : i32
    %dma_start3A_880 = arith.constant 512 : i32
    %dma_start3A_881 = arith.constant 0 : i32
    %dma_start3A_882 = tpu.memref_slice %arg7[%dma_start3A_880, %dma_start3A_881] : memref<1664x16xf32, #tpu.memory_space<vmem>> -> memref<128x16xf32, #tpu.memory_space<vmem>>
    %dma_start3A_883 = arith.constant 0 : i32
    %dma_start3A_884 = tpu.memref_slice %arg5[%dma_start3A_879, %dma_start3A_883] : memref<104x128xi32, #tpu.memory_space<vmem>> -> memref<1x128xi32, #tpu.memory_space<vmem>>
    %dma_start3A_885 = tpu.memref_squeeze %dma_start3A_884 : memref<1x128xi32, #tpu.memory_space<vmem>> -> memref<128xi32, #tpu.memory_space<vmem>>
    %dma_start3A_886 = arith.constant 0 : i32
    %dma_start3A_887 = arith.constant 0 : i32
    %dma_start3A_888 = tpu.memref_slice %arg3[%dma_start3A_886, %dma_start3A_887] : memref<1000001x16xf32, #tpu.memory_space<hbm>> -> memref<1000001x16xf32, #tpu.memory_space<hbm>>
    tpu.enqueue_indirect_dma source(%dma_start3A_888 : memref<1000001x16xf32, #tpu.memory_space<hbm>>) target(%dma_start3A_882 : memref<128x16xf32, #tpu.memory_space<vmem>>) offsets(%dma_start3A_885 : memref<128xi32, #tpu.memory_space<vmem>>) semaphore(%arg9 : memref<!tpu.dma_semaphore, #tpu.memory_space<semaphore_mem>>)
    %dma_start3A_889 = arith.constant 44 : i32
    %dma_start3A_890 = arith.constant 640 : i32
    %dma_start3A_891 = arith.constant 0 : i32
    %dma_start3A_892 = tpu.memref_slice %arg7[%dma_start3A_890, %dma_start3A_891] : memref<1664x16xf32, #tpu.memory_space<vmem>> -> memref<128x16xf32, #tpu.memory_space<vmem>>
    %dma_start3A_893 = arith.constant 0 : i32
    %dma_start3A_894 = tpu.memref_slice %arg5[%dma_start3A_889, %dma_start3A_893] : memref<104x128xi32, #tpu.memory_space<vmem>> -> memref<1x128xi32, #tpu.memory_space<vmem>>
    %dma_start3A_895 = tpu.memref_squeeze %dma_start3A_894 : memref<1x128xi32, #tpu.memory_space<vmem>> -> memref<128xi32, #tpu.memory_space<vmem>>
    %dma_start3A_896 = arith.constant 0 : i32
    %dma_start3A_897 = arith.constant 0 : i32
    %dma_start3A_898 = tpu.memref_slice %arg3[%dma_start3A_896, %dma_start3A_897] : memref<1000001x16xf32, #tpu.memory_space<hbm>> -> memref<1000001x16xf32, #tpu.memory_space<hbm>>
    tpu.enqueue_indirect_dma source(%dma_start3A_898 : memref<1000001x16xf32, #tpu.memory_space<hbm>>) target(%dma_start3A_892 : memref<128x16xf32, #tpu.memory_space<vmem>>) offsets(%dma_start3A_895 : memref<128xi32, #tpu.memory_space<vmem>>) semaphore(%arg9 : memref<!tpu.dma_semaphore, #tpu.memory_space<semaphore_mem>>)
    %dma_start3A_899 = arith.constant 45 : i32
    %dma_start3A_900 = arith.constant 768 : i32
    %dma_start3A_901 = arith.constant 0 : i32
    %dma_start3A_902 = tpu.memref_slice %arg7[%dma_start3A_900, %dma_start3A_901] : memref<1664x16xf32, #tpu.memory_space<vmem>> -> memref<128x16xf32, #tpu.memory_space<vmem>>
    %dma_start3A_903 = arith.constant 0 : i32
    %dma_start3A_904 = tpu.memref_slice %arg5[%dma_start3A_899, %dma_start3A_903] : memref<104x128xi32, #tpu.memory_space<vmem>> -> memref<1x128xi32, #tpu.memory_space<vmem>>
    %dma_start3A_905 = tpu.memref_squeeze %dma_start3A_904 : memref<1x128xi32, #tpu.memory_space<vmem>> -> memref<128xi32, #tpu.memory_space<vmem>>
    %dma_start3A_906 = arith.constant 0 : i32
    %dma_start3A_907 = arith.constant 0 : i32
    %dma_start3A_908 = tpu.memref_slice %arg3[%dma_start3A_906, %dma_start3A_907] : memref<1000001x16xf32, #tpu.memory_space<hbm>> -> memref<1000001x16xf32, #tpu.memory_space<hbm>>
    tpu.enqueue_indirect_dma source(%dma_start3A_908 : memref<1000001x16xf32, #tpu.memory_space<hbm>>) target(%dma_start3A_902 : memref<128x16xf32, #tpu.memory_space<vmem>>) offsets(%dma_start3A_905 : memref<128xi32, #tpu.memory_space<vmem>>) semaphore(%arg9 : memref<!tpu.dma_semaphore, #tpu.memory_space<semaphore_mem>>)
    %dma_start3A_909 = arith.constant 46 : i32
    %dma_start3A_910 = arith.constant 896 : i32
    %dma_start3A_911 = arith.constant 0 : i32
    %dma_start3A_912 = tpu.memref_slice %arg7[%dma_start3A_910, %dma_start3A_911] : memref<1664x16xf32, #tpu.memory_space<vmem>> -> memref<128x16xf32, #tpu.memory_space<vmem>>
    %dma_start3A_913 = arith.constant 0 : i32
    %dma_start3A_914 = tpu.memref_slice %arg5[%dma_start3A_909, %dma_start3A_913] : memref<104x128xi32, #tpu.memory_space<vmem>> -> memref<1x128xi32, #tpu.memory_space<vmem>>
    %dma_start3A_915 = tpu.memref_squeeze %dma_start3A_914 : memref<1x128xi32, #tpu.memory_space<vmem>> -> memref<128xi32, #tpu.memory_space<vmem>>
    %dma_start3A_916 = arith.constant 0 : i32
    %dma_start3A_917 = arith.constant 0 : i32
    %dma_start3A_918 = tpu.memref_slice %arg3[%dma_start3A_916, %dma_start3A_917] : memref<1000001x16xf32, #tpu.memory_space<hbm>> -> memref<1000001x16xf32, #tpu.memory_space<hbm>>
    tpu.enqueue_indirect_dma source(%dma_start3A_918 : memref<1000001x16xf32, #tpu.memory_space<hbm>>) target(%dma_start3A_912 : memref<128x16xf32, #tpu.memory_space<vmem>>) offsets(%dma_start3A_915 : memref<128xi32, #tpu.memory_space<vmem>>) semaphore(%arg9 : memref<!tpu.dma_semaphore, #tpu.memory_space<semaphore_mem>>)
    %dma_start3A_919 = arith.constant 47 : i32
    %dma_start3A_920 = arith.constant 1024 : i32
    %dma_start3A_921 = arith.constant 0 : i32
    %dma_start3A_922 = tpu.memref_slice %arg7[%dma_start3A_920, %dma_start3A_921] : memref<1664x16xf32, #tpu.memory_space<vmem>> -> memref<128x16xf32, #tpu.memory_space<vmem>>
    %dma_start3A_923 = arith.constant 0 : i32
    %dma_start3A_924 = tpu.memref_slice %arg5[%dma_start3A_919, %dma_start3A_923] : memref<104x128xi32, #tpu.memory_space<vmem>> -> memref<1x128xi32, #tpu.memory_space<vmem>>
    %dma_start3A_925 = tpu.memref_squeeze %dma_start3A_924 : memref<1x128xi32, #tpu.memory_space<vmem>> -> memref<128xi32, #tpu.memory_space<vmem>>
    %dma_start3A_926 = arith.constant 0 : i32
    %dma_start3A_927 = arith.constant 0 : i32
    %dma_start3A_928 = tpu.memref_slice %arg3[%dma_start3A_926, %dma_start3A_927] : memref<1000001x16xf32, #tpu.memory_space<hbm>> -> memref<1000001x16xf32, #tpu.memory_space<hbm>>
    tpu.enqueue_indirect_dma source(%dma_start3A_928 : memref<1000001x16xf32, #tpu.memory_space<hbm>>) target(%dma_start3A_922 : memref<128x16xf32, #tpu.memory_space<vmem>>) offsets(%dma_start3A_925 : memref<128xi32, #tpu.memory_space<vmem>>) semaphore(%arg9 : memref<!tpu.dma_semaphore, #tpu.memory_space<semaphore_mem>>)
    %dma_start3A_929 = arith.constant 48 : i32
    %dma_start3A_930 = arith.constant 1152 : i32
    %dma_start3A_931 = arith.constant 0 : i32
    %dma_start3A_932 = tpu.memref_slice %arg7[%dma_start3A_930, %dma_start3A_931] : memref<1664x16xf32, #tpu.memory_space<vmem>> -> memref<128x16xf32, #tpu.memory_space<vmem>>
    %dma_start3A_933 = arith.constant 0 : i32
    %dma_start3A_934 = tpu.memref_slice %arg5[%dma_start3A_929, %dma_start3A_933] : memref<104x128xi32, #tpu.memory_space<vmem>> -> memref<1x128xi32, #tpu.memory_space<vmem>>
    %dma_start3A_935 = tpu.memref_squeeze %dma_start3A_934 : memref<1x128xi32, #tpu.memory_space<vmem>> -> memref<128xi32, #tpu.memory_space<vmem>>
    %dma_start3A_936 = arith.constant 0 : i32
    %dma_start3A_937 = arith.constant 0 : i32
    %dma_start3A_938 = tpu.memref_slice %arg3[%dma_start3A_936, %dma_start3A_937] : memref<1000001x16xf32, #tpu.memory_space<hbm>> -> memref<1000001x16xf32, #tpu.memory_space<hbm>>
    tpu.enqueue_indirect_dma source(%dma_start3A_938 : memref<1000001x16xf32, #tpu.memory_space<hbm>>) target(%dma_start3A_932 : memref<128x16xf32, #tpu.memory_space<vmem>>) offsets(%dma_start3A_935 : memref<128xi32, #tpu.memory_space<vmem>>) semaphore(%arg9 : memref<!tpu.dma_semaphore, #tpu.memory_space<semaphore_mem>>)
    %dma_start3A_939 = arith.constant 49 : i32
    %dma_start3A_940 = arith.constant 1280 : i32
    %dma_start3A_941 = arith.constant 0 : i32
    %dma_start3A_942 = tpu.memref_slice %arg7[%dma_start3A_940, %dma_start3A_941] : memref<1664x16xf32, #tpu.memory_space<vmem>> -> memref<128x16xf32, #tpu.memory_space<vmem>>
    %dma_start3A_943 = arith.constant 0 : i32
    %dma_start3A_944 = tpu.memref_slice %arg5[%dma_start3A_939, %dma_start3A_943] : memref<104x128xi32, #tpu.memory_space<vmem>> -> memref<1x128xi32, #tpu.memory_space<vmem>>
    %dma_start3A_945 = tpu.memref_squeeze %dma_start3A_944 : memref<1x128xi32, #tpu.memory_space<vmem>> -> memref<128xi32, #tpu.memory_space<vmem>>
    %dma_start3A_946 = arith.constant 0 : i32
    %dma_start3A_947 = arith.constant 0 : i32
    %dma_start3A_948 = tpu.memref_slice %arg3[%dma_start3A_946, %dma_start3A_947] : memref<1000001x16xf32, #tpu.memory_space<hbm>> -> memref<1000001x16xf32, #tpu.memory_space<hbm>>
    tpu.enqueue_indirect_dma source(%dma_start3A_948 : memref<1000001x16xf32, #tpu.memory_space<hbm>>) target(%dma_start3A_942 : memref<128x16xf32, #tpu.memory_space<vmem>>) offsets(%dma_start3A_945 : memref<128xi32, #tpu.memory_space<vmem>>) semaphore(%arg9 : memref<!tpu.dma_semaphore, #tpu.memory_space<semaphore_mem>>)
    %dma_start3A_949 = arith.constant 50 : i32
    %dma_start3A_950 = arith.constant 1408 : i32
    %dma_start3A_951 = arith.constant 0 : i32
    %dma_start3A_952 = tpu.memref_slice %arg7[%dma_start3A_950, %dma_start3A_951] : memref<1664x16xf32, #tpu.memory_space<vmem>> -> memref<128x16xf32, #tpu.memory_space<vmem>>
    %dma_start3A_953 = arith.constant 0 : i32
    %dma_start3A_954 = tpu.memref_slice %arg5[%dma_start3A_949, %dma_start3A_953] : memref<104x128xi32, #tpu.memory_space<vmem>> -> memref<1x128xi32, #tpu.memory_space<vmem>>
    %dma_start3A_955 = tpu.memref_squeeze %dma_start3A_954 : memref<1x128xi32, #tpu.memory_space<vmem>> -> memref<128xi32, #tpu.memory_space<vmem>>
    %dma_start3A_956 = arith.constant 0 : i32
    %dma_start3A_957 = arith.constant 0 : i32
    %dma_start3A_958 = tpu.memref_slice %arg3[%dma_start3A_956, %dma_start3A_957] : memref<1000001x16xf32, #tpu.memory_space<hbm>> -> memref<1000001x16xf32, #tpu.memory_space<hbm>>
    tpu.enqueue_indirect_dma source(%dma_start3A_958 : memref<1000001x16xf32, #tpu.memory_space<hbm>>) target(%dma_start3A_952 : memref<128x16xf32, #tpu.memory_space<vmem>>) offsets(%dma_start3A_955 : memref<128xi32, #tpu.memory_space<vmem>>) semaphore(%arg9 : memref<!tpu.dma_semaphore, #tpu.memory_space<semaphore_mem>>)
    %dma_start3A_959 = arith.constant 51 : i32
    %dma_start3A_960 = arith.constant 1536 : i32
    %dma_start3A_961 = arith.constant 0 : i32
    %dma_start3A_962 = tpu.memref_slice %arg7[%dma_start3A_960, %dma_start3A_961] : memref<1664x16xf32, #tpu.memory_space<vmem>> -> memref<128x16xf32, #tpu.memory_space<vmem>>
    %dma_start3A_963 = arith.constant 0 : i32
    %dma_start3A_964 = tpu.memref_slice %arg5[%dma_start3A_959, %dma_start3A_963] : memref<104x128xi32, #tpu.memory_space<vmem>> -> memref<1x128xi32, #tpu.memory_space<vmem>>
    %dma_start3A_965 = tpu.memref_squeeze %dma_start3A_964 : memref<1x128xi32, #tpu.memory_space<vmem>> -> memref<128xi32, #tpu.memory_space<vmem>>
    %dma_start3A_966 = arith.constant 0 : i32
    %dma_start3A_967 = arith.constant 0 : i32
    %dma_start3A_968 = tpu.memref_slice %arg3[%dma_start3A_966, %dma_start3A_967] : memref<1000001x16xf32, #tpu.memory_space<hbm>> -> memref<1000001x16xf32, #tpu.memory_space<hbm>>
    tpu.enqueue_indirect_dma source(%dma_start3A_968 : memref<1000001x16xf32, #tpu.memory_space<hbm>>) target(%dma_start3A_962 : memref<128x16xf32, #tpu.memory_space<vmem>>) offsets(%dma_start3A_965 : memref<128xi32, #tpu.memory_space<vmem>>) semaphore(%arg9 : memref<!tpu.dma_semaphore, #tpu.memory_space<semaphore_mem>>)
    %dma_wait3A_969 = arith.constant 39 : i32
    %dma_wait3A_970 = arith.constant 0 : i32
    %dma_wait3A_971 = arith.constant 0 : i32
    %dma_wait3A_972 = tpu.memref_slice %arg7[%dma_wait3A_970, %dma_wait3A_971] : memref<1664x16xf32, #tpu.memory_space<vmem>> -> memref<128x16xf32, #tpu.memory_space<vmem>>
    %dma_wait3A_973 = arith.constant 0 : i32
    %dma_wait3A_974 = tpu.memref_slice %arg5[%dma_wait3A_969, %dma_wait3A_973] : memref<104x128xi32, #tpu.memory_space<vmem>> -> memref<1x128xi32, #tpu.memory_space<vmem>>
    %dma_wait3A_975 = tpu.memref_squeeze %dma_wait3A_974 : memref<1x128xi32, #tpu.memory_space<vmem>> -> memref<128xi32, #tpu.memory_space<vmem>>
    %dma_wait3A_976 = arith.constant 0 : i32
    %dma_wait3A_977 = arith.constant 0 : i32
    %dma_wait3A_978 = tpu.memref_slice %arg3[%dma_wait3A_976, %dma_wait3A_977] : memref<1000001x16xf32, #tpu.memory_space<hbm>> -> memref<1000001x16xf32, #tpu.memory_space<hbm>>
    tpu.wait_indirect_dma semaphore(%arg9 : memref<!tpu.dma_semaphore, #tpu.memory_space<semaphore_mem>>) src(%dma_wait3A_978 : memref<1000001x16xf32, #tpu.memory_space<hbm>>) dst(%dma_wait3A_972 : memref<128x16xf32, #tpu.memory_space<vmem>>)
    %dma_wait3A_979 = arith.constant 40 : i32
    %dma_wait3A_980 = arith.constant 128 : i32
    %dma_wait3A_981 = arith.constant 0 : i32
    %dma_wait3A_982 = tpu.memref_slice %arg7[%dma_wait3A_980, %dma_wait3A_981] : memref<1664x16xf32, #tpu.memory_space<vmem>> -> memref<128x16xf32, #tpu.memory_space<vmem>>
    %dma_wait3A_983 = arith.constant 0 : i32
    %dma_wait3A_984 = tpu.memref_slice %arg5[%dma_wait3A_979, %dma_wait3A_983] : memref<104x128xi32, #tpu.memory_space<vmem>> -> memref<1x128xi32, #tpu.memory_space<vmem>>
    %dma_wait3A_985 = tpu.memref_squeeze %dma_wait3A_984 : memref<1x128xi32, #tpu.memory_space<vmem>> -> memref<128xi32, #tpu.memory_space<vmem>>
    %dma_wait3A_986 = arith.constant 0 : i32
    %dma_wait3A_987 = arith.constant 0 : i32
    %dma_wait3A_988 = tpu.memref_slice %arg3[%dma_wait3A_986, %dma_wait3A_987] : memref<1000001x16xf32, #tpu.memory_space<hbm>> -> memref<1000001x16xf32, #tpu.memory_space<hbm>>
    tpu.wait_indirect_dma semaphore(%arg9 : memref<!tpu.dma_semaphore, #tpu.memory_space<semaphore_mem>>) src(%dma_wait3A_988 : memref<1000001x16xf32, #tpu.memory_space<hbm>>) dst(%dma_wait3A_982 : memref<128x16xf32, #tpu.memory_space<vmem>>)
    %dma_wait3A_989 = arith.constant 41 : i32
    %dma_wait3A_990 = arith.constant 256 : i32
    %dma_wait3A_991 = arith.constant 0 : i32
    %dma_wait3A_992 = tpu.memref_slice %arg7[%dma_wait3A_990, %dma_wait3A_991] : memref<1664x16xf32, #tpu.memory_space<vmem>> -> memref<128x16xf32, #tpu.memory_space<vmem>>
    %dma_wait3A_993 = arith.constant 0 : i32
    %dma_wait3A_994 = tpu.memref_slice %arg5[%dma_wait3A_989, %dma_wait3A_993] : memref<104x128xi32, #tpu.memory_space<vmem>> -> memref<1x128xi32, #tpu.memory_space<vmem>>
    %dma_wait3A_995 = tpu.memref_squeeze %dma_wait3A_994 : memref<1x128xi32, #tpu.memory_space<vmem>> -> memref<128xi32, #tpu.memory_space<vmem>>
    %dma_wait3A_996 = arith.constant 0 : i32
    %dma_wait3A_997 = arith.constant 0 : i32
    %dma_wait3A_998 = tpu.memref_slice %arg3[%dma_wait3A_996, %dma_wait3A_997] : memref<1000001x16xf32, #tpu.memory_space<hbm>> -> memref<1000001x16xf32, #tpu.memory_space<hbm>>
    tpu.wait_indirect_dma semaphore(%arg9 : memref<!tpu.dma_semaphore, #tpu.memory_space<semaphore_mem>>) src(%dma_wait3A_998 : memref<1000001x16xf32, #tpu.memory_space<hbm>>) dst(%dma_wait3A_992 : memref<128x16xf32, #tpu.memory_space<vmem>>)
    %dma_wait3A_999 = arith.constant 42 : i32
    %dma_wait3A_1000 = arith.constant 384 : i32
    %dma_wait3A_1001 = arith.constant 0 : i32
    %dma_wait3A_1002 = tpu.memref_slice %arg7[%dma_wait3A_1000, %dma_wait3A_1001] : memref<1664x16xf32, #tpu.memory_space<vmem>> -> memref<128x16xf32, #tpu.memory_space<vmem>>
    %dma_wait3A_1003 = arith.constant 0 : i32
    %dma_wait3A_1004 = tpu.memref_slice %arg5[%dma_wait3A_999, %dma_wait3A_1003] : memref<104x128xi32, #tpu.memory_space<vmem>> -> memref<1x128xi32, #tpu.memory_space<vmem>>
    %dma_wait3A_1005 = tpu.memref_squeeze %dma_wait3A_1004 : memref<1x128xi32, #tpu.memory_space<vmem>> -> memref<128xi32, #tpu.memory_space<vmem>>
    %dma_wait3A_1006 = arith.constant 0 : i32
    %dma_wait3A_1007 = arith.constant 0 : i32
    %dma_wait3A_1008 = tpu.memref_slice %arg3[%dma_wait3A_1006, %dma_wait3A_1007] : memref<1000001x16xf32, #tpu.memory_space<hbm>> -> memref<1000001x16xf32, #tpu.memory_space<hbm>>
    tpu.wait_indirect_dma semaphore(%arg9 : memref<!tpu.dma_semaphore, #tpu.memory_space<semaphore_mem>>) src(%dma_wait3A_1008 : memref<1000001x16xf32, #tpu.memory_space<hbm>>) dst(%dma_wait3A_1002 : memref<128x16xf32, #tpu.memory_space<vmem>>)
    %dma_wait3A_1009 = arith.constant 43 : i32
    %dma_wait3A_1010 = arith.constant 512 : i32
    %dma_wait3A_1011 = arith.constant 0 : i32
    %dma_wait3A_1012 = tpu.memref_slice %arg7[%dma_wait3A_1010, %dma_wait3A_1011] : memref<1664x16xf32, #tpu.memory_space<vmem>> -> memref<128x16xf32, #tpu.memory_space<vmem>>
    %dma_wait3A_1013 = arith.constant 0 : i32
    %dma_wait3A_1014 = tpu.memref_slice %arg5[%dma_wait3A_1009, %dma_wait3A_1013] : memref<104x128xi32, #tpu.memory_space<vmem>> -> memref<1x128xi32, #tpu.memory_space<vmem>>
    %dma_wait3A_1015 = tpu.memref_squeeze %dma_wait3A_1014 : memref<1x128xi32, #tpu.memory_space<vmem>> -> memref<128xi32, #tpu.memory_space<vmem>>
    %dma_wait3A_1016 = arith.constant 0 : i32
    %dma_wait3A_1017 = arith.constant 0 : i32
    %dma_wait3A_1018 = tpu.memref_slice %arg3[%dma_wait3A_1016, %dma_wait3A_1017] : memref<1000001x16xf32, #tpu.memory_space<hbm>> -> memref<1000001x16xf32, #tpu.memory_space<hbm>>
    tpu.wait_indirect_dma semaphore(%arg9 : memref<!tpu.dma_semaphore, #tpu.memory_space<semaphore_mem>>) src(%dma_wait3A_1018 : memref<1000001x16xf32, #tpu.memory_space<hbm>>) dst(%dma_wait3A_1012 : memref<128x16xf32, #tpu.memory_space<vmem>>)
    %dma_wait3A_1019 = arith.constant 44 : i32
    %dma_wait3A_1020 = arith.constant 640 : i32
    %dma_wait3A_1021 = arith.constant 0 : i32
    %dma_wait3A_1022 = tpu.memref_slice %arg7[%dma_wait3A_1020, %dma_wait3A_1021] : memref<1664x16xf32, #tpu.memory_space<vmem>> -> memref<128x16xf32, #tpu.memory_space<vmem>>
    %dma_wait3A_1023 = arith.constant 0 : i32
    %dma_wait3A_1024 = tpu.memref_slice %arg5[%dma_wait3A_1019, %dma_wait3A_1023] : memref<104x128xi32, #tpu.memory_space<vmem>> -> memref<1x128xi32, #tpu.memory_space<vmem>>
    %dma_wait3A_1025 = tpu.memref_squeeze %dma_wait3A_1024 : memref<1x128xi32, #tpu.memory_space<vmem>> -> memref<128xi32, #tpu.memory_space<vmem>>
    %dma_wait3A_1026 = arith.constant 0 : i32
    %dma_wait3A_1027 = arith.constant 0 : i32
    %dma_wait3A_1028 = tpu.memref_slice %arg3[%dma_wait3A_1026, %dma_wait3A_1027] : memref<1000001x16xf32, #tpu.memory_space<hbm>> -> memref<1000001x16xf32, #tpu.memory_space<hbm>>
    tpu.wait_indirect_dma semaphore(%arg9 : memref<!tpu.dma_semaphore, #tpu.memory_space<semaphore_mem>>) src(%dma_wait3A_1028 : memref<1000001x16xf32, #tpu.memory_space<hbm>>) dst(%dma_wait3A_1022 : memref<128x16xf32, #tpu.memory_space<vmem>>)
    %dma_wait3A_1029 = arith.constant 45 : i32
    %dma_wait3A_1030 = arith.constant 768 : i32
    %dma_wait3A_1031 = arith.constant 0 : i32
    %dma_wait3A_1032 = tpu.memref_slice %arg7[%dma_wait3A_1030, %dma_wait3A_1031] : memref<1664x16xf32, #tpu.memory_space<vmem>> -> memref<128x16xf32, #tpu.memory_space<vmem>>
    %dma_wait3A_1033 = arith.constant 0 : i32
    %dma_wait3A_1034 = tpu.memref_slice %arg5[%dma_wait3A_1029, %dma_wait3A_1033] : memref<104x128xi32, #tpu.memory_space<vmem>> -> memref<1x128xi32, #tpu.memory_space<vmem>>
    %dma_wait3A_1035 = tpu.memref_squeeze %dma_wait3A_1034 : memref<1x128xi32, #tpu.memory_space<vmem>> -> memref<128xi32, #tpu.memory_space<vmem>>
    %dma_wait3A_1036 = arith.constant 0 : i32
    %dma_wait3A_1037 = arith.constant 0 : i32
    %dma_wait3A_1038 = tpu.memref_slice %arg3[%dma_wait3A_1036, %dma_wait3A_1037] : memref<1000001x16xf32, #tpu.memory_space<hbm>> -> memref<1000001x16xf32, #tpu.memory_space<hbm>>
    tpu.wait_indirect_dma semaphore(%arg9 : memref<!tpu.dma_semaphore, #tpu.memory_space<semaphore_mem>>) src(%dma_wait3A_1038 : memref<1000001x16xf32, #tpu.memory_space<hbm>>) dst(%dma_wait3A_1032 : memref<128x16xf32, #tpu.memory_space<vmem>>)
    %dma_wait3A_1039 = arith.constant 46 : i32
    %dma_wait3A_1040 = arith.constant 896 : i32
    %dma_wait3A_1041 = arith.constant 0 : i32
    %dma_wait3A_1042 = tpu.memref_slice %arg7[%dma_wait3A_1040, %dma_wait3A_1041] : memref<1664x16xf32, #tpu.memory_space<vmem>> -> memref<128x16xf32, #tpu.memory_space<vmem>>
    %dma_wait3A_1043 = arith.constant 0 : i32
    %dma_wait3A_1044 = tpu.memref_slice %arg5[%dma_wait3A_1039, %dma_wait3A_1043] : memref<104x128xi32, #tpu.memory_space<vmem>> -> memref<1x128xi32, #tpu.memory_space<vmem>>
    %dma_wait3A_1045 = tpu.memref_squeeze %dma_wait3A_1044 : memref<1x128xi32, #tpu.memory_space<vmem>> -> memref<128xi32, #tpu.memory_space<vmem>>
    %dma_wait3A_1046 = arith.constant 0 : i32
    %dma_wait3A_1047 = arith.constant 0 : i32
    %dma_wait3A_1048 = tpu.memref_slice %arg3[%dma_wait3A_1046, %dma_wait3A_1047] : memref<1000001x16xf32, #tpu.memory_space<hbm>> -> memref<1000001x16xf32, #tpu.memory_space<hbm>>
    tpu.wait_indirect_dma semaphore(%arg9 : memref<!tpu.dma_semaphore, #tpu.memory_space<semaphore_mem>>) src(%dma_wait3A_1048 : memref<1000001x16xf32, #tpu.memory_space<hbm>>) dst(%dma_wait3A_1042 : memref<128x16xf32, #tpu.memory_space<vmem>>)
    %dma_wait3A_1049 = arith.constant 47 : i32
    %dma_wait3A_1050 = arith.constant 1024 : i32
    %dma_wait3A_1051 = arith.constant 0 : i32
    %dma_wait3A_1052 = tpu.memref_slice %arg7[%dma_wait3A_1050, %dma_wait3A_1051] : memref<1664x16xf32, #tpu.memory_space<vmem>> -> memref<128x16xf32, #tpu.memory_space<vmem>>
    %dma_wait3A_1053 = arith.constant 0 : i32
    %dma_wait3A_1054 = tpu.memref_slice %arg5[%dma_wait3A_1049, %dma_wait3A_1053] : memref<104x128xi32, #tpu.memory_space<vmem>> -> memref<1x128xi32, #tpu.memory_space<vmem>>
    %dma_wait3A_1055 = tpu.memref_squeeze %dma_wait3A_1054 : memref<1x128xi32, #tpu.memory_space<vmem>> -> memref<128xi32, #tpu.memory_space<vmem>>
    %dma_wait3A_1056 = arith.constant 0 : i32
    %dma_wait3A_1057 = arith.constant 0 : i32
    %dma_wait3A_1058 = tpu.memref_slice %arg3[%dma_wait3A_1056, %dma_wait3A_1057] : memref<1000001x16xf32, #tpu.memory_space<hbm>> -> memref<1000001x16xf32, #tpu.memory_space<hbm>>
    tpu.wait_indirect_dma semaphore(%arg9 : memref<!tpu.dma_semaphore, #tpu.memory_space<semaphore_mem>>) src(%dma_wait3A_1058 : memref<1000001x16xf32, #tpu.memory_space<hbm>>) dst(%dma_wait3A_1052 : memref<128x16xf32, #tpu.memory_space<vmem>>)
    %dma_wait3A_1059 = arith.constant 48 : i32
    %dma_wait3A_1060 = arith.constant 1152 : i32
    %dma_wait3A_1061 = arith.constant 0 : i32
    %dma_wait3A_1062 = tpu.memref_slice %arg7[%dma_wait3A_1060, %dma_wait3A_1061] : memref<1664x16xf32, #tpu.memory_space<vmem>> -> memref<128x16xf32, #tpu.memory_space<vmem>>
    %dma_wait3A_1063 = arith.constant 0 : i32
    %dma_wait3A_1064 = tpu.memref_slice %arg5[%dma_wait3A_1059, %dma_wait3A_1063] : memref<104x128xi32, #tpu.memory_space<vmem>> -> memref<1x128xi32, #tpu.memory_space<vmem>>
    %dma_wait3A_1065 = tpu.memref_squeeze %dma_wait3A_1064 : memref<1x128xi32, #tpu.memory_space<vmem>> -> memref<128xi32, #tpu.memory_space<vmem>>
    %dma_wait3A_1066 = arith.constant 0 : i32
    %dma_wait3A_1067 = arith.constant 0 : i32
    %dma_wait3A_1068 = tpu.memref_slice %arg3[%dma_wait3A_1066, %dma_wait3A_1067] : memref<1000001x16xf32, #tpu.memory_space<hbm>> -> memref<1000001x16xf32, #tpu.memory_space<hbm>>
    tpu.wait_indirect_dma semaphore(%arg9 : memref<!tpu.dma_semaphore, #tpu.memory_space<semaphore_mem>>) src(%dma_wait3A_1068 : memref<1000001x16xf32, #tpu.memory_space<hbm>>) dst(%dma_wait3A_1062 : memref<128x16xf32, #tpu.memory_space<vmem>>)
    %dma_wait3A_1069 = arith.constant 49 : i32
    %dma_wait3A_1070 = arith.constant 1280 : i32
    %dma_wait3A_1071 = arith.constant 0 : i32
    %dma_wait3A_1072 = tpu.memref_slice %arg7[%dma_wait3A_1070, %dma_wait3A_1071] : memref<1664x16xf32, #tpu.memory_space<vmem>> -> memref<128x16xf32, #tpu.memory_space<vmem>>
    %dma_wait3A_1073 = arith.constant 0 : i32
    %dma_wait3A_1074 = tpu.memref_slice %arg5[%dma_wait3A_1069, %dma_wait3A_1073] : memref<104x128xi32, #tpu.memory_space<vmem>> -> memref<1x128xi32, #tpu.memory_space<vmem>>
    %dma_wait3A_1075 = tpu.memref_squeeze %dma_wait3A_1074 : memref<1x128xi32, #tpu.memory_space<vmem>> -> memref<128xi32, #tpu.memory_space<vmem>>
    %dma_wait3A_1076 = arith.constant 0 : i32
    %dma_wait3A_1077 = arith.constant 0 : i32
    %dma_wait3A_1078 = tpu.memref_slice %arg3[%dma_wait3A_1076, %dma_wait3A_1077] : memref<1000001x16xf32, #tpu.memory_space<hbm>> -> memref<1000001x16xf32, #tpu.memory_space<hbm>>
    tpu.wait_indirect_dma semaphore(%arg9 : memref<!tpu.dma_semaphore, #tpu.memory_space<semaphore_mem>>) src(%dma_wait3A_1078 : memref<1000001x16xf32, #tpu.memory_space<hbm>>) dst(%dma_wait3A_1072 : memref<128x16xf32, #tpu.memory_space<vmem>>)
    %dma_wait3A_1079 = arith.constant 50 : i32
    %dma_wait3A_1080 = arith.constant 1408 : i32
    %dma_wait3A_1081 = arith.constant 0 : i32
    %dma_wait3A_1082 = tpu.memref_slice %arg7[%dma_wait3A_1080, %dma_wait3A_1081] : memref<1664x16xf32, #tpu.memory_space<vmem>> -> memref<128x16xf32, #tpu.memory_space<vmem>>
    %dma_wait3A_1083 = arith.constant 0 : i32
    %dma_wait3A_1084 = tpu.memref_slice %arg5[%dma_wait3A_1079, %dma_wait3A_1083] : memref<104x128xi32, #tpu.memory_space<vmem>> -> memref<1x128xi32, #tpu.memory_space<vmem>>
    %dma_wait3A_1085 = tpu.memref_squeeze %dma_wait3A_1084 : memref<1x128xi32, #tpu.memory_space<vmem>> -> memref<128xi32, #tpu.memory_space<vmem>>
    %dma_wait3A_1086 = arith.constant 0 : i32
    %dma_wait3A_1087 = arith.constant 0 : i32
    %dma_wait3A_1088 = tpu.memref_slice %arg3[%dma_wait3A_1086, %dma_wait3A_1087] : memref<1000001x16xf32, #tpu.memory_space<hbm>> -> memref<1000001x16xf32, #tpu.memory_space<hbm>>
    tpu.wait_indirect_dma semaphore(%arg9 : memref<!tpu.dma_semaphore, #tpu.memory_space<semaphore_mem>>) src(%dma_wait3A_1088 : memref<1000001x16xf32, #tpu.memory_space<hbm>>) dst(%dma_wait3A_1082 : memref<128x16xf32, #tpu.memory_space<vmem>>)
    %dma_wait3A_1089 = arith.constant 51 : i32
    %dma_wait3A_1090 = arith.constant 1536 : i32
    %dma_wait3A_1091 = arith.constant 0 : i32
    %dma_wait3A_1092 = tpu.memref_slice %arg7[%dma_wait3A_1090, %dma_wait3A_1091] : memref<1664x16xf32, #tpu.memory_space<vmem>> -> memref<128x16xf32, #tpu.memory_space<vmem>>
    %dma_wait3A_1093 = arith.constant 0 : i32
    %dma_wait3A_1094 = tpu.memref_slice %arg5[%dma_wait3A_1089, %dma_wait3A_1093] : memref<104x128xi32, #tpu.memory_space<vmem>> -> memref<1x128xi32, #tpu.memory_space<vmem>>
    %dma_wait3A_1095 = tpu.memref_squeeze %dma_wait3A_1094 : memref<1x128xi32, #tpu.memory_space<vmem>> -> memref<128xi32, #tpu.memory_space<vmem>>
    %dma_wait3A_1096 = arith.constant 0 : i32
    %dma_wait3A_1097 = arith.constant 0 : i32
    %dma_wait3A_1098 = tpu.memref_slice %arg3[%dma_wait3A_1096, %dma_wait3A_1097] : memref<1000001x16xf32, #tpu.memory_space<hbm>> -> memref<1000001x16xf32, #tpu.memory_space<hbm>>
    tpu.wait_indirect_dma semaphore(%arg9 : memref<!tpu.dma_semaphore, #tpu.memory_space<semaphore_mem>>) src(%dma_wait3A_1098 : memref<1000001x16xf32, #tpu.memory_space<hbm>>) dst(%dma_wait3A_1092 : memref<128x16xf32, #tpu.memory_space<vmem>>)
    %mul3A_1099 = arith.constant 8 : i32
    %mul3A_1100 = arith.muli %add3A, %mul3A_1099 : i32
    %add3A_1101 = arith.constant 3 : i32
    %add3A_1102 = arith.addi %mul3A_1100, %add3A_1101 : i32
    %mul3A_1103 = arith.constant 13 : i32
    %mul3A_1104 = arith.muli %add3A_1102, %mul3A_1103 : i32
    %mul3A_1105 = arith.constant 128 : i32
    %mul3A_1106 = arith.muli %mul3A_1104, %mul3A_1105 : i32
    %dma_start3A_1107 = arith.constant 0 : i32
    %dma_start3A_1108 = tpu.memref_slice %arg4[%mul3A_1106, %dma_start3A_1107] : memref<425984x16xf32, #tpu.memory_space<hbm>> -> memref<1664x16xf32, #tpu.memory_space<hbm>>
    %dma_start3A_1109 = arith.constant 0 : i32
    %dma_start3A_1110 = tpu.memref_slice %arg4[%mul3A_1106, %dma_start3A_1109] : memref<425984x16xf32, #tpu.memory_space<hbm>> -> memref<1664x16xf32, #tpu.memory_space<hbm>>
    tpu.enqueue_dma source(%arg7 : memref<1664x16xf32, #tpu.memory_space<vmem>>) target(%dma_start3A_1110 : memref<1664x16xf32, #tpu.memory_space<hbm>>) target_semaphore(%arg11 : memref<!tpu.dma_semaphore, #tpu.memory_space<semaphore_mem>>)
    %mul3A_1111 = arith.constant 8 : i32
    %mul3A_1112 = arith.muli %add3A, %mul3A_1111 : i32
    %add3A_1113 = arith.constant 2 : i32
    %add3A_1114 = arith.addi %mul3A_1112, %add3A_1113 : i32
    %mul3A_1115 = arith.constant 13 : i32
    %mul3A_1116 = arith.muli %add3A_1114, %mul3A_1115 : i32
    %mul3A_1117 = arith.constant 128 : i32
    %mul3A_1118 = arith.muli %mul3A_1116, %mul3A_1117 : i32
    %dma_wait3A_1119 = arith.constant 0 : i32
    %dma_wait3A_1120 = tpu.memref_slice %arg4[%mul3A_1118, %dma_wait3A_1119] : memref<425984x16xf32, #tpu.memory_space<hbm>> -> memref<1664x16xf32, #tpu.memory_space<hbm>>
    %dma_wait3A_1121 = arith.constant 0 : i32
    %dma_wait3A_1122 = tpu.memref_slice %arg4[%mul3A_1118, %dma_wait3A_1121] : memref<425984x16xf32, #tpu.memory_space<hbm>> -> memref<1664x16xf32, #tpu.memory_space<hbm>>
    tpu.wait_dma2 semaphore(%arg10 : memref<!tpu.dma_semaphore, #tpu.memory_space<semaphore_mem>>) src(%arg6 : memref<1664x16xf32, #tpu.memory_space<vmem>>) dst(%dma_wait3A_1122 : memref<1664x16xf32, #tpu.memory_space<hbm>>)
    %dma_start3A_1123 = arith.constant 52 : i32
    %dma_start3A_1124 = arith.constant 0 : i32
    %dma_start3A_1125 = arith.constant 0 : i32
    %dma_start3A_1126 = tpu.memref_slice %arg6[%dma_start3A_1124, %dma_start3A_1125] : memref<1664x16xf32, #tpu.memory_space<vmem>> -> memref<128x16xf32, #tpu.memory_space<vmem>>
    %dma_start3A_1127 = arith.constant 0 : i32
    %dma_start3A_1128 = tpu.memref_slice %arg5[%dma_start3A_1123, %dma_start3A_1127] : memref<104x128xi32, #tpu.memory_space<vmem>> -> memref<1x128xi32, #tpu.memory_space<vmem>>
    %dma_start3A_1129 = tpu.memref_squeeze %dma_start3A_1128 : memref<1x128xi32, #tpu.memory_space<vmem>> -> memref<128xi32, #tpu.memory_space<vmem>>
    %dma_start3A_1130 = arith.constant 0 : i32
    %dma_start3A_1131 = arith.constant 0 : i32
    %dma_start3A_1132 = tpu.memref_slice %arg3[%dma_start3A_1130, %dma_start3A_1131] : memref<1000001x16xf32, #tpu.memory_space<hbm>> -> memref<1000001x16xf32, #tpu.memory_space<hbm>>
    tpu.enqueue_indirect_dma source(%dma_start3A_1132 : memref<1000001x16xf32, #tpu.memory_space<hbm>>) target(%dma_start3A_1126 : memref<128x16xf32, #tpu.memory_space<vmem>>) offsets(%dma_start3A_1129 : memref<128xi32, #tpu.memory_space<vmem>>) semaphore(%arg8 : memref<!tpu.dma_semaphore, #tpu.memory_space<semaphore_mem>>)
    %dma_start3A_1133 = arith.constant 53 : i32
    %dma_start3A_1134 = arith.constant 128 : i32
    %dma_start3A_1135 = arith.constant 0 : i32
    %dma_start3A_1136 = tpu.memref_slice %arg6[%dma_start3A_1134, %dma_start3A_1135] : memref<1664x16xf32, #tpu.memory_space<vmem>> -> memref<128x16xf32, #tpu.memory_space<vmem>>
    %dma_start3A_1137 = arith.constant 0 : i32
    %dma_start3A_1138 = tpu.memref_slice %arg5[%dma_start3A_1133, %dma_start3A_1137] : memref<104x128xi32, #tpu.memory_space<vmem>> -> memref<1x128xi32, #tpu.memory_space<vmem>>
    %dma_start3A_1139 = tpu.memref_squeeze %dma_start3A_1138 : memref<1x128xi32, #tpu.memory_space<vmem>> -> memref<128xi32, #tpu.memory_space<vmem>>
    %dma_start3A_1140 = arith.constant 0 : i32
    %dma_start3A_1141 = arith.constant 0 : i32
    %dma_start3A_1142 = tpu.memref_slice %arg3[%dma_start3A_1140, %dma_start3A_1141] : memref<1000001x16xf32, #tpu.memory_space<hbm>> -> memref<1000001x16xf32, #tpu.memory_space<hbm>>
    tpu.enqueue_indirect_dma source(%dma_start3A_1142 : memref<1000001x16xf32, #tpu.memory_space<hbm>>) target(%dma_start3A_1136 : memref<128x16xf32, #tpu.memory_space<vmem>>) offsets(%dma_start3A_1139 : memref<128xi32, #tpu.memory_space<vmem>>) semaphore(%arg8 : memref<!tpu.dma_semaphore, #tpu.memory_space<semaphore_mem>>)
    %dma_start3A_1143 = arith.constant 54 : i32
    %dma_start3A_1144 = arith.constant 256 : i32
    %dma_start3A_1145 = arith.constant 0 : i32
    %dma_start3A_1146 = tpu.memref_slice %arg6[%dma_start3A_1144, %dma_start3A_1145] : memref<1664x16xf32, #tpu.memory_space<vmem>> -> memref<128x16xf32, #tpu.memory_space<vmem>>
    %dma_start3A_1147 = arith.constant 0 : i32
    %dma_start3A_1148 = tpu.memref_slice %arg5[%dma_start3A_1143, %dma_start3A_1147] : memref<104x128xi32, #tpu.memory_space<vmem>> -> memref<1x128xi32, #tpu.memory_space<vmem>>
    %dma_start3A_1149 = tpu.memref_squeeze %dma_start3A_1148 : memref<1x128xi32, #tpu.memory_space<vmem>> -> memref<128xi32, #tpu.memory_space<vmem>>
    %dma_start3A_1150 = arith.constant 0 : i32
    %dma_start3A_1151 = arith.constant 0 : i32
    %dma_start3A_1152 = tpu.memref_slice %arg3[%dma_start3A_1150, %dma_start3A_1151] : memref<1000001x16xf32, #tpu.memory_space<hbm>> -> memref<1000001x16xf32, #tpu.memory_space<hbm>>
    tpu.enqueue_indirect_dma source(%dma_start3A_1152 : memref<1000001x16xf32, #tpu.memory_space<hbm>>) target(%dma_start3A_1146 : memref<128x16xf32, #tpu.memory_space<vmem>>) offsets(%dma_start3A_1149 : memref<128xi32, #tpu.memory_space<vmem>>) semaphore(%arg8 : memref<!tpu.dma_semaphore, #tpu.memory_space<semaphore_mem>>)
    %dma_start3A_1153 = arith.constant 55 : i32
    %dma_start3A_1154 = arith.constant 384 : i32
    %dma_start3A_1155 = arith.constant 0 : i32
    %dma_start3A_1156 = tpu.memref_slice %arg6[%dma_start3A_1154, %dma_start3A_1155] : memref<1664x16xf32, #tpu.memory_space<vmem>> -> memref<128x16xf32, #tpu.memory_space<vmem>>
    %dma_start3A_1157 = arith.constant 0 : i32
    %dma_start3A_1158 = tpu.memref_slice %arg5[%dma_start3A_1153, %dma_start3A_1157] : memref<104x128xi32, #tpu.memory_space<vmem>> -> memref<1x128xi32, #tpu.memory_space<vmem>>
    %dma_start3A_1159 = tpu.memref_squeeze %dma_start3A_1158 : memref<1x128xi32, #tpu.memory_space<vmem>> -> memref<128xi32, #tpu.memory_space<vmem>>
    %dma_start3A_1160 = arith.constant 0 : i32
    %dma_start3A_1161 = arith.constant 0 : i32
    %dma_start3A_1162 = tpu.memref_slice %arg3[%dma_start3A_1160, %dma_start3A_1161] : memref<1000001x16xf32, #tpu.memory_space<hbm>> -> memref<1000001x16xf32, #tpu.memory_space<hbm>>
    tpu.enqueue_indirect_dma source(%dma_start3A_1162 : memref<1000001x16xf32, #tpu.memory_space<hbm>>) target(%dma_start3A_1156 : memref<128x16xf32, #tpu.memory_space<vmem>>) offsets(%dma_start3A_1159 : memref<128xi32, #tpu.memory_space<vmem>>) semaphore(%arg8 : memref<!tpu.dma_semaphore, #tpu.memory_space<semaphore_mem>>)
    %dma_start3A_1163 = arith.constant 56 : i32
    %dma_start3A_1164 = arith.constant 512 : i32
    %dma_start3A_1165 = arith.constant 0 : i32
    %dma_start3A_1166 = tpu.memref_slice %arg6[%dma_start3A_1164, %dma_start3A_1165] : memref<1664x16xf32, #tpu.memory_space<vmem>> -> memref<128x16xf32, #tpu.memory_space<vmem>>
    %dma_start3A_1167 = arith.constant 0 : i32
    %dma_start3A_1168 = tpu.memref_slice %arg5[%dma_start3A_1163, %dma_start3A_1167] : memref<104x128xi32, #tpu.memory_space<vmem>> -> memref<1x128xi32, #tpu.memory_space<vmem>>
    %dma_start3A_1169 = tpu.memref_squeeze %dma_start3A_1168 : memref<1x128xi32, #tpu.memory_space<vmem>> -> memref<128xi32, #tpu.memory_space<vmem>>
    %dma_start3A_1170 = arith.constant 0 : i32
    %dma_start3A_1171 = arith.constant 0 : i32
    %dma_start3A_1172 = tpu.memref_slice %arg3[%dma_start3A_1170, %dma_start3A_1171] : memref<1000001x16xf32, #tpu.memory_space<hbm>> -> memref<1000001x16xf32, #tpu.memory_space<hbm>>
    tpu.enqueue_indirect_dma source(%dma_start3A_1172 : memref<1000001x16xf32, #tpu.memory_space<hbm>>) target(%dma_start3A_1166 : memref<128x16xf32, #tpu.memory_space<vmem>>) offsets(%dma_start3A_1169 : memref<128xi32, #tpu.memory_space<vmem>>) semaphore(%arg8 : memref<!tpu.dma_semaphore, #tpu.memory_space<semaphore_mem>>)
    %dma_start3A_1173 = arith.constant 57 : i32
    %dma_start3A_1174 = arith.constant 640 : i32
    %dma_start3A_1175 = arith.constant 0 : i32
    %dma_start3A_1176 = tpu.memref_slice %arg6[%dma_start3A_1174, %dma_start3A_1175] : memref<1664x16xf32, #tpu.memory_space<vmem>> -> memref<128x16xf32, #tpu.memory_space<vmem>>
    %dma_start3A_1177 = arith.constant 0 : i32
    %dma_start3A_1178 = tpu.memref_slice %arg5[%dma_start3A_1173, %dma_start3A_1177] : memref<104x128xi32, #tpu.memory_space<vmem>> -> memref<1x128xi32, #tpu.memory_space<vmem>>
    %dma_start3A_1179 = tpu.memref_squeeze %dma_start3A_1178 : memref<1x128xi32, #tpu.memory_space<vmem>> -> memref<128xi32, #tpu.memory_space<vmem>>
    %dma_start3A_1180 = arith.constant 0 : i32
    %dma_start3A_1181 = arith.constant 0 : i32
    %dma_start3A_1182 = tpu.memref_slice %arg3[%dma_start3A_1180, %dma_start3A_1181] : memref<1000001x16xf32, #tpu.memory_space<hbm>> -> memref<1000001x16xf32, #tpu.memory_space<hbm>>
    tpu.enqueue_indirect_dma source(%dma_start3A_1182 : memref<1000001x16xf32, #tpu.memory_space<hbm>>) target(%dma_start3A_1176 : memref<128x16xf32, #tpu.memory_space<vmem>>) offsets(%dma_start3A_1179 : memref<128xi32, #tpu.memory_space<vmem>>) semaphore(%arg8 : memref<!tpu.dma_semaphore, #tpu.memory_space<semaphore_mem>>)
    %dma_start3A_1183 = arith.constant 58 : i32
    %dma_start3A_1184 = arith.constant 768 : i32
    %dma_start3A_1185 = arith.constant 0 : i32
    %dma_start3A_1186 = tpu.memref_slice %arg6[%dma_start3A_1184, %dma_start3A_1185] : memref<1664x16xf32, #tpu.memory_space<vmem>> -> memref<128x16xf32, #tpu.memory_space<vmem>>
    %dma_start3A_1187 = arith.constant 0 : i32
    %dma_start3A_1188 = tpu.memref_slice %arg5[%dma_start3A_1183, %dma_start3A_1187] : memref<104x128xi32, #tpu.memory_space<vmem>> -> memref<1x128xi32, #tpu.memory_space<vmem>>
    %dma_start3A_1189 = tpu.memref_squeeze %dma_start3A_1188 : memref<1x128xi32, #tpu.memory_space<vmem>> -> memref<128xi32, #tpu.memory_space<vmem>>
    %dma_start3A_1190 = arith.constant 0 : i32
    %dma_start3A_1191 = arith.constant 0 : i32
    %dma_start3A_1192 = tpu.memref_slice %arg3[%dma_start3A_1190, %dma_start3A_1191] : memref<1000001x16xf32, #tpu.memory_space<hbm>> -> memref<1000001x16xf32, #tpu.memory_space<hbm>>
    tpu.enqueue_indirect_dma source(%dma_start3A_1192 : memref<1000001x16xf32, #tpu.memory_space<hbm>>) target(%dma_start3A_1186 : memref<128x16xf32, #tpu.memory_space<vmem>>) offsets(%dma_start3A_1189 : memref<128xi32, #tpu.memory_space<vmem>>) semaphore(%arg8 : memref<!tpu.dma_semaphore, #tpu.memory_space<semaphore_mem>>)
    %dma_start3A_1193 = arith.constant 59 : i32
    %dma_start3A_1194 = arith.constant 896 : i32
    %dma_start3A_1195 = arith.constant 0 : i32
    %dma_start3A_1196 = tpu.memref_slice %arg6[%dma_start3A_1194, %dma_start3A_1195] : memref<1664x16xf32, #tpu.memory_space<vmem>> -> memref<128x16xf32, #tpu.memory_space<vmem>>
    %dma_start3A_1197 = arith.constant 0 : i32
    %dma_start3A_1198 = tpu.memref_slice %arg5[%dma_start3A_1193, %dma_start3A_1197] : memref<104x128xi32, #tpu.memory_space<vmem>> -> memref<1x128xi32, #tpu.memory_space<vmem>>
    %dma_start3A_1199 = tpu.memref_squeeze %dma_start3A_1198 : memref<1x128xi32, #tpu.memory_space<vmem>> -> memref<128xi32, #tpu.memory_space<vmem>>
    %dma_start3A_1200 = arith.constant 0 : i32
    %dma_start3A_1201 = arith.constant 0 : i32
    %dma_start3A_1202 = tpu.memref_slice %arg3[%dma_start3A_1200, %dma_start3A_1201] : memref<1000001x16xf32, #tpu.memory_space<hbm>> -> memref<1000001x16xf32, #tpu.memory_space<hbm>>
    tpu.enqueue_indirect_dma source(%dma_start3A_1202 : memref<1000001x16xf32, #tpu.memory_space<hbm>>) target(%dma_start3A_1196 : memref<128x16xf32, #tpu.memory_space<vmem>>) offsets(%dma_start3A_1199 : memref<128xi32, #tpu.memory_space<vmem>>) semaphore(%arg8 : memref<!tpu.dma_semaphore, #tpu.memory_space<semaphore_mem>>)
    %dma_start3A_1203 = arith.constant 60 : i32
    %dma_start3A_1204 = arith.constant 1024 : i32
    %dma_start3A_1205 = arith.constant 0 : i32
    %dma_start3A_1206 = tpu.memref_slice %arg6[%dma_start3A_1204, %dma_start3A_1205] : memref<1664x16xf32, #tpu.memory_space<vmem>> -> memref<128x16xf32, #tpu.memory_space<vmem>>
    %dma_start3A_1207 = arith.constant 0 : i32
    %dma_start3A_1208 = tpu.memref_slice %arg5[%dma_start3A_1203, %dma_start3A_1207] : memref<104x128xi32, #tpu.memory_space<vmem>> -> memref<1x128xi32, #tpu.memory_space<vmem>>
    %dma_start3A_1209 = tpu.memref_squeeze %dma_start3A_1208 : memref<1x128xi32, #tpu.memory_space<vmem>> -> memref<128xi32, #tpu.memory_space<vmem>>
    %dma_start3A_1210 = arith.constant 0 : i32
    %dma_start3A_1211 = arith.constant 0 : i32
    %dma_start3A_1212 = tpu.memref_slice %arg3[%dma_start3A_1210, %dma_start3A_1211] : memref<1000001x16xf32, #tpu.memory_space<hbm>> -> memref<1000001x16xf32, #tpu.memory_space<hbm>>
    tpu.enqueue_indirect_dma source(%dma_start3A_1212 : memref<1000001x16xf32, #tpu.memory_space<hbm>>) target(%dma_start3A_1206 : memref<128x16xf32, #tpu.memory_space<vmem>>) offsets(%dma_start3A_1209 : memref<128xi32, #tpu.memory_space<vmem>>) semaphore(%arg8 : memref<!tpu.dma_semaphore, #tpu.memory_space<semaphore_mem>>)
    %dma_start3A_1213 = arith.constant 61 : i32
    %dma_start3A_1214 = arith.constant 1152 : i32
    %dma_start3A_1215 = arith.constant 0 : i32
    %dma_start3A_1216 = tpu.memref_slice %arg6[%dma_start3A_1214, %dma_start3A_1215] : memref<1664x16xf32, #tpu.memory_space<vmem>> -> memref<128x16xf32, #tpu.memory_space<vmem>>
    %dma_start3A_1217 = arith.constant 0 : i32
    %dma_start3A_1218 = tpu.memref_slice %arg5[%dma_start3A_1213, %dma_start3A_1217] : memref<104x128xi32, #tpu.memory_space<vmem>> -> memref<1x128xi32, #tpu.memory_space<vmem>>
    %dma_start3A_1219 = tpu.memref_squeeze %dma_start3A_1218 : memref<1x128xi32, #tpu.memory_space<vmem>> -> memref<128xi32, #tpu.memory_space<vmem>>
    %dma_start3A_1220 = arith.constant 0 : i32
    %dma_start3A_1221 = arith.constant 0 : i32
    %dma_start3A_1222 = tpu.memref_slice %arg3[%dma_start3A_1220, %dma_start3A_1221] : memref<1000001x16xf32, #tpu.memory_space<hbm>> -> memref<1000001x16xf32, #tpu.memory_space<hbm>>
    tpu.enqueue_indirect_dma source(%dma_start3A_1222 : memref<1000001x16xf32, #tpu.memory_space<hbm>>) target(%dma_start3A_1216 : memref<128x16xf32, #tpu.memory_space<vmem>>) offsets(%dma_start3A_1219 : memref<128xi32, #tpu.memory_space<vmem>>) semaphore(%arg8 : memref<!tpu.dma_semaphore, #tpu.memory_space<semaphore_mem>>)
    %dma_start3A_1223 = arith.constant 62 : i32
    %dma_start3A_1224 = arith.constant 1280 : i32
    %dma_start3A_1225 = arith.constant 0 : i32
    %dma_start3A_1226 = tpu.memref_slice %arg6[%dma_start3A_1224, %dma_start3A_1225] : memref<1664x16xf32, #tpu.memory_space<vmem>> -> memref<128x16xf32, #tpu.memory_space<vmem>>
    %dma_start3A_1227 = arith.constant 0 : i32
    %dma_start3A_1228 = tpu.memref_slice %arg5[%dma_start3A_1223, %dma_start3A_1227] : memref<104x128xi32, #tpu.memory_space<vmem>> -> memref<1x128xi32, #tpu.memory_space<vmem>>
    %dma_start3A_1229 = tpu.memref_squeeze %dma_start3A_1228 : memref<1x128xi32, #tpu.memory_space<vmem>> -> memref<128xi32, #tpu.memory_space<vmem>>
    %dma_start3A_1230 = arith.constant 0 : i32
    %dma_start3A_1231 = arith.constant 0 : i32
    %dma_start3A_1232 = tpu.memref_slice %arg3[%dma_start3A_1230, %dma_start3A_1231] : memref<1000001x16xf32, #tpu.memory_space<hbm>> -> memref<1000001x16xf32, #tpu.memory_space<hbm>>
    tpu.enqueue_indirect_dma source(%dma_start3A_1232 : memref<1000001x16xf32, #tpu.memory_space<hbm>>) target(%dma_start3A_1226 : memref<128x16xf32, #tpu.memory_space<vmem>>) offsets(%dma_start3A_1229 : memref<128xi32, #tpu.memory_space<vmem>>) semaphore(%arg8 : memref<!tpu.dma_semaphore, #tpu.memory_space<semaphore_mem>>)
    %dma_start3A_1233 = arith.constant 63 : i32
    %dma_start3A_1234 = arith.constant 1408 : i32
    %dma_start3A_1235 = arith.constant 0 : i32
    %dma_start3A_1236 = tpu.memref_slice %arg6[%dma_start3A_1234, %dma_start3A_1235] : memref<1664x16xf32, #tpu.memory_space<vmem>> -> memref<128x16xf32, #tpu.memory_space<vmem>>
    %dma_start3A_1237 = arith.constant 0 : i32
    %dma_start3A_1238 = tpu.memref_slice %arg5[%dma_start3A_1233, %dma_start3A_1237] : memref<104x128xi32, #tpu.memory_space<vmem>> -> memref<1x128xi32, #tpu.memory_space<vmem>>
    %dma_start3A_1239 = tpu.memref_squeeze %dma_start3A_1238 : memref<1x128xi32, #tpu.memory_space<vmem>> -> memref<128xi32, #tpu.memory_space<vmem>>
    %dma_start3A_1240 = arith.constant 0 : i32
    %dma_start3A_1241 = arith.constant 0 : i32
    %dma_start3A_1242 = tpu.memref_slice %arg3[%dma_start3A_1240, %dma_start3A_1241] : memref<1000001x16xf32, #tpu.memory_space<hbm>> -> memref<1000001x16xf32, #tpu.memory_space<hbm>>
    tpu.enqueue_indirect_dma source(%dma_start3A_1242 : memref<1000001x16xf32, #tpu.memory_space<hbm>>) target(%dma_start3A_1236 : memref<128x16xf32, #tpu.memory_space<vmem>>) offsets(%dma_start3A_1239 : memref<128xi32, #tpu.memory_space<vmem>>) semaphore(%arg8 : memref<!tpu.dma_semaphore, #tpu.memory_space<semaphore_mem>>)
    %dma_start3A_1243 = arith.constant 64 : i32
    %dma_start3A_1244 = arith.constant 1536 : i32
    %dma_start3A_1245 = arith.constant 0 : i32
    %dma_start3A_1246 = tpu.memref_slice %arg6[%dma_start3A_1244, %dma_start3A_1245] : memref<1664x16xf32, #tpu.memory_space<vmem>> -> memref<128x16xf32, #tpu.memory_space<vmem>>
    %dma_start3A_1247 = arith.constant 0 : i32
    %dma_start3A_1248 = tpu.memref_slice %arg5[%dma_start3A_1243, %dma_start3A_1247] : memref<104x128xi32, #tpu.memory_space<vmem>> -> memref<1x128xi32, #tpu.memory_space<vmem>>
    %dma_start3A_1249 = tpu.memref_squeeze %dma_start3A_1248 : memref<1x128xi32, #tpu.memory_space<vmem>> -> memref<128xi32, #tpu.memory_space<vmem>>
    %dma_start3A_1250 = arith.constant 0 : i32
    %dma_start3A_1251 = arith.constant 0 : i32
    %dma_start3A_1252 = tpu.memref_slice %arg3[%dma_start3A_1250, %dma_start3A_1251] : memref<1000001x16xf32, #tpu.memory_space<hbm>> -> memref<1000001x16xf32, #tpu.memory_space<hbm>>
    tpu.enqueue_indirect_dma source(%dma_start3A_1252 : memref<1000001x16xf32, #tpu.memory_space<hbm>>) target(%dma_start3A_1246 : memref<128x16xf32, #tpu.memory_space<vmem>>) offsets(%dma_start3A_1249 : memref<128xi32, #tpu.memory_space<vmem>>) semaphore(%arg8 : memref<!tpu.dma_semaphore, #tpu.memory_space<semaphore_mem>>)
    %dma_wait3A_1253 = arith.constant 52 : i32
    %dma_wait3A_1254 = arith.constant 0 : i32
    %dma_wait3A_1255 = arith.constant 0 : i32
    %dma_wait3A_1256 = tpu.memref_slice %arg6[%dma_wait3A_1254, %dma_wait3A_1255] : memref<1664x16xf32, #tpu.memory_space<vmem>> -> memref<128x16xf32, #tpu.memory_space<vmem>>
    %dma_wait3A_1257 = arith.constant 0 : i32
    %dma_wait3A_1258 = tpu.memref_slice %arg5[%dma_wait3A_1253, %dma_wait3A_1257] : memref<104x128xi32, #tpu.memory_space<vmem>> -> memref<1x128xi32, #tpu.memory_space<vmem>>
    %dma_wait3A_1259 = tpu.memref_squeeze %dma_wait3A_1258 : memref<1x128xi32, #tpu.memory_space<vmem>> -> memref<128xi32, #tpu.memory_space<vmem>>
    %dma_wait3A_1260 = arith.constant 0 : i32
    %dma_wait3A_1261 = arith.constant 0 : i32
    %dma_wait3A_1262 = tpu.memref_slice %arg3[%dma_wait3A_1260, %dma_wait3A_1261] : memref<1000001x16xf32, #tpu.memory_space<hbm>> -> memref<1000001x16xf32, #tpu.memory_space<hbm>>
    tpu.wait_indirect_dma semaphore(%arg8 : memref<!tpu.dma_semaphore, #tpu.memory_space<semaphore_mem>>) src(%dma_wait3A_1262 : memref<1000001x16xf32, #tpu.memory_space<hbm>>) dst(%dma_wait3A_1256 : memref<128x16xf32, #tpu.memory_space<vmem>>)
    %dma_wait3A_1263 = arith.constant 53 : i32
    %dma_wait3A_1264 = arith.constant 128 : i32
    %dma_wait3A_1265 = arith.constant 0 : i32
    %dma_wait3A_1266 = tpu.memref_slice %arg6[%dma_wait3A_1264, %dma_wait3A_1265] : memref<1664x16xf32, #tpu.memory_space<vmem>> -> memref<128x16xf32, #tpu.memory_space<vmem>>
    %dma_wait3A_1267 = arith.constant 0 : i32
    %dma_wait3A_1268 = tpu.memref_slice %arg5[%dma_wait3A_1263, %dma_wait3A_1267] : memref<104x128xi32, #tpu.memory_space<vmem>> -> memref<1x128xi32, #tpu.memory_space<vmem>>
    %dma_wait3A_1269 = tpu.memref_squeeze %dma_wait3A_1268 : memref<1x128xi32, #tpu.memory_space<vmem>> -> memref<128xi32, #tpu.memory_space<vmem>>
    %dma_wait3A_1270 = arith.constant 0 : i32
    %dma_wait3A_1271 = arith.constant 0 : i32
    %dma_wait3A_1272 = tpu.memref_slice %arg3[%dma_wait3A_1270, %dma_wait3A_1271] : memref<1000001x16xf32, #tpu.memory_space<hbm>> -> memref<1000001x16xf32, #tpu.memory_space<hbm>>
    tpu.wait_indirect_dma semaphore(%arg8 : memref<!tpu.dma_semaphore, #tpu.memory_space<semaphore_mem>>) src(%dma_wait3A_1272 : memref<1000001x16xf32, #tpu.memory_space<hbm>>) dst(%dma_wait3A_1266 : memref<128x16xf32, #tpu.memory_space<vmem>>)
    %dma_wait3A_1273 = arith.constant 54 : i32
    %dma_wait3A_1274 = arith.constant 256 : i32
    %dma_wait3A_1275 = arith.constant 0 : i32
    %dma_wait3A_1276 = tpu.memref_slice %arg6[%dma_wait3A_1274, %dma_wait3A_1275] : memref<1664x16xf32, #tpu.memory_space<vmem>> -> memref<128x16xf32, #tpu.memory_space<vmem>>
    %dma_wait3A_1277 = arith.constant 0 : i32
    %dma_wait3A_1278 = tpu.memref_slice %arg5[%dma_wait3A_1273, %dma_wait3A_1277] : memref<104x128xi32, #tpu.memory_space<vmem>> -> memref<1x128xi32, #tpu.memory_space<vmem>>
    %dma_wait3A_1279 = tpu.memref_squeeze %dma_wait3A_1278 : memref<1x128xi32, #tpu.memory_space<vmem>> -> memref<128xi32, #tpu.memory_space<vmem>>
    %dma_wait3A_1280 = arith.constant 0 : i32
    %dma_wait3A_1281 = arith.constant 0 : i32
    %dma_wait3A_1282 = tpu.memref_slice %arg3[%dma_wait3A_1280, %dma_wait3A_1281] : memref<1000001x16xf32, #tpu.memory_space<hbm>> -> memref<1000001x16xf32, #tpu.memory_space<hbm>>
    tpu.wait_indirect_dma semaphore(%arg8 : memref<!tpu.dma_semaphore, #tpu.memory_space<semaphore_mem>>) src(%dma_wait3A_1282 : memref<1000001x16xf32, #tpu.memory_space<hbm>>) dst(%dma_wait3A_1276 : memref<128x16xf32, #tpu.memory_space<vmem>>)
    %dma_wait3A_1283 = arith.constant 55 : i32
    %dma_wait3A_1284 = arith.constant 384 : i32
    %dma_wait3A_1285 = arith.constant 0 : i32
    %dma_wait3A_1286 = tpu.memref_slice %arg6[%dma_wait3A_1284, %dma_wait3A_1285] : memref<1664x16xf32, #tpu.memory_space<vmem>> -> memref<128x16xf32, #tpu.memory_space<vmem>>
    %dma_wait3A_1287 = arith.constant 0 : i32
    %dma_wait3A_1288 = tpu.memref_slice %arg5[%dma_wait3A_1283, %dma_wait3A_1287] : memref<104x128xi32, #tpu.memory_space<vmem>> -> memref<1x128xi32, #tpu.memory_space<vmem>>
    %dma_wait3A_1289 = tpu.memref_squeeze %dma_wait3A_1288 : memref<1x128xi32, #tpu.memory_space<vmem>> -> memref<128xi32, #tpu.memory_space<vmem>>
    %dma_wait3A_1290 = arith.constant 0 : i32
    %dma_wait3A_1291 = arith.constant 0 : i32
    %dma_wait3A_1292 = tpu.memref_slice %arg3[%dma_wait3A_1290, %dma_wait3A_1291] : memref<1000001x16xf32, #tpu.memory_space<hbm>> -> memref<1000001x16xf32, #tpu.memory_space<hbm>>
    tpu.wait_indirect_dma semaphore(%arg8 : memref<!tpu.dma_semaphore, #tpu.memory_space<semaphore_mem>>) src(%dma_wait3A_1292 : memref<1000001x16xf32, #tpu.memory_space<hbm>>) dst(%dma_wait3A_1286 : memref<128x16xf32, #tpu.memory_space<vmem>>)
    %dma_wait3A_1293 = arith.constant 56 : i32
    %dma_wait3A_1294 = arith.constant 512 : i32
    %dma_wait3A_1295 = arith.constant 0 : i32
    %dma_wait3A_1296 = tpu.memref_slice %arg6[%dma_wait3A_1294, %dma_wait3A_1295] : memref<1664x16xf32, #tpu.memory_space<vmem>> -> memref<128x16xf32, #tpu.memory_space<vmem>>
    %dma_wait3A_1297 = arith.constant 0 : i32
    %dma_wait3A_1298 = tpu.memref_slice %arg5[%dma_wait3A_1293, %dma_wait3A_1297] : memref<104x128xi32, #tpu.memory_space<vmem>> -> memref<1x128xi32, #tpu.memory_space<vmem>>
    %dma_wait3A_1299 = tpu.memref_squeeze %dma_wait3A_1298 : memref<1x128xi32, #tpu.memory_space<vmem>> -> memref<128xi32, #tpu.memory_space<vmem>>
    %dma_wait3A_1300 = arith.constant 0 : i32
    %dma_wait3A_1301 = arith.constant 0 : i32
    %dma_wait3A_1302 = tpu.memref_slice %arg3[%dma_wait3A_1300, %dma_wait3A_1301] : memref<1000001x16xf32, #tpu.memory_space<hbm>> -> memref<1000001x16xf32, #tpu.memory_space<hbm>>
    tpu.wait_indirect_dma semaphore(%arg8 : memref<!tpu.dma_semaphore, #tpu.memory_space<semaphore_mem>>) src(%dma_wait3A_1302 : memref<1000001x16xf32, #tpu.memory_space<hbm>>) dst(%dma_wait3A_1296 : memref<128x16xf32, #tpu.memory_space<vmem>>)
    %dma_wait3A_1303 = arith.constant 57 : i32
    %dma_wait3A_1304 = arith.constant 640 : i32
    %dma_wait3A_1305 = arith.constant 0 : i32
    %dma_wait3A_1306 = tpu.memref_slice %arg6[%dma_wait3A_1304, %dma_wait3A_1305] : memref<1664x16xf32, #tpu.memory_space<vmem>> -> memref<128x16xf32, #tpu.memory_space<vmem>>
    %dma_wait3A_1307 = arith.constant 0 : i32
    %dma_wait3A_1308 = tpu.memref_slice %arg5[%dma_wait3A_1303, %dma_wait3A_1307] : memref<104x128xi32, #tpu.memory_space<vmem>> -> memref<1x128xi32, #tpu.memory_space<vmem>>
    %dma_wait3A_1309 = tpu.memref_squeeze %dma_wait3A_1308 : memref<1x128xi32, #tpu.memory_space<vmem>> -> memref<128xi32, #tpu.memory_space<vmem>>
    %dma_wait3A_1310 = arith.constant 0 : i32
    %dma_wait3A_1311 = arith.constant 0 : i32
    %dma_wait3A_1312 = tpu.memref_slice %arg3[%dma_wait3A_1310, %dma_wait3A_1311] : memref<1000001x16xf32, #tpu.memory_space<hbm>> -> memref<1000001x16xf32, #tpu.memory_space<hbm>>
    tpu.wait_indirect_dma semaphore(%arg8 : memref<!tpu.dma_semaphore, #tpu.memory_space<semaphore_mem>>) src(%dma_wait3A_1312 : memref<1000001x16xf32, #tpu.memory_space<hbm>>) dst(%dma_wait3A_1306 : memref<128x16xf32, #tpu.memory_space<vmem>>)
    %dma_wait3A_1313 = arith.constant 58 : i32
    %dma_wait3A_1314 = arith.constant 768 : i32
    %dma_wait3A_1315 = arith.constant 0 : i32
    %dma_wait3A_1316 = tpu.memref_slice %arg6[%dma_wait3A_1314, %dma_wait3A_1315] : memref<1664x16xf32, #tpu.memory_space<vmem>> -> memref<128x16xf32, #tpu.memory_space<vmem>>
    %dma_wait3A_1317 = arith.constant 0 : i32
    %dma_wait3A_1318 = tpu.memref_slice %arg5[%dma_wait3A_1313, %dma_wait3A_1317] : memref<104x128xi32, #tpu.memory_space<vmem>> -> memref<1x128xi32, #tpu.memory_space<vmem>>
    %dma_wait3A_1319 = tpu.memref_squeeze %dma_wait3A_1318 : memref<1x128xi32, #tpu.memory_space<vmem>> -> memref<128xi32, #tpu.memory_space<vmem>>
    %dma_wait3A_1320 = arith.constant 0 : i32
    %dma_wait3A_1321 = arith.constant 0 : i32
    %dma_wait3A_1322 = tpu.memref_slice %arg3[%dma_wait3A_1320, %dma_wait3A_1321] : memref<1000001x16xf32, #tpu.memory_space<hbm>> -> memref<1000001x16xf32, #tpu.memory_space<hbm>>
    tpu.wait_indirect_dma semaphore(%arg8 : memref<!tpu.dma_semaphore, #tpu.memory_space<semaphore_mem>>) src(%dma_wait3A_1322 : memref<1000001x16xf32, #tpu.memory_space<hbm>>) dst(%dma_wait3A_1316 : memref<128x16xf32, #tpu.memory_space<vmem>>)
    %dma_wait3A_1323 = arith.constant 59 : i32
    %dma_wait3A_1324 = arith.constant 896 : i32
    %dma_wait3A_1325 = arith.constant 0 : i32
    %dma_wait3A_1326 = tpu.memref_slice %arg6[%dma_wait3A_1324, %dma_wait3A_1325] : memref<1664x16xf32, #tpu.memory_space<vmem>> -> memref<128x16xf32, #tpu.memory_space<vmem>>
    %dma_wait3A_1327 = arith.constant 0 : i32
    %dma_wait3A_1328 = tpu.memref_slice %arg5[%dma_wait3A_1323, %dma_wait3A_1327] : memref<104x128xi32, #tpu.memory_space<vmem>> -> memref<1x128xi32, #tpu.memory_space<vmem>>
    %dma_wait3A_1329 = tpu.memref_squeeze %dma_wait3A_1328 : memref<1x128xi32, #tpu.memory_space<vmem>> -> memref<128xi32, #tpu.memory_space<vmem>>
    %dma_wait3A_1330 = arith.constant 0 : i32
    %dma_wait3A_1331 = arith.constant 0 : i32
    %dma_wait3A_1332 = tpu.memref_slice %arg3[%dma_wait3A_1330, %dma_wait3A_1331] : memref<1000001x16xf32, #tpu.memory_space<hbm>> -> memref<1000001x16xf32, #tpu.memory_space<hbm>>
    tpu.wait_indirect_dma semaphore(%arg8 : memref<!tpu.dma_semaphore, #tpu.memory_space<semaphore_mem>>) src(%dma_wait3A_1332 : memref<1000001x16xf32, #tpu.memory_space<hbm>>) dst(%dma_wait3A_1326 : memref<128x16xf32, #tpu.memory_space<vmem>>)
    %dma_wait3A_1333 = arith.constant 60 : i32
    %dma_wait3A_1334 = arith.constant 1024 : i32
    %dma_wait3A_1335 = arith.constant 0 : i32
    %dma_wait3A_1336 = tpu.memref_slice %arg6[%dma_wait3A_1334, %dma_wait3A_1335] : memref<1664x16xf32, #tpu.memory_space<vmem>> -> memref<128x16xf32, #tpu.memory_space<vmem>>
    %dma_wait3A_1337 = arith.constant 0 : i32
    %dma_wait3A_1338 = tpu.memref_slice %arg5[%dma_wait3A_1333, %dma_wait3A_1337] : memref<104x128xi32, #tpu.memory_space<vmem>> -> memref<1x128xi32, #tpu.memory_space<vmem>>
    %dma_wait3A_1339 = tpu.memref_squeeze %dma_wait3A_1338 : memref<1x128xi32, #tpu.memory_space<vmem>> -> memref<128xi32, #tpu.memory_space<vmem>>
    %dma_wait3A_1340 = arith.constant 0 : i32
    %dma_wait3A_1341 = arith.constant 0 : i32
    %dma_wait3A_1342 = tpu.memref_slice %arg3[%dma_wait3A_1340, %dma_wait3A_1341] : memref<1000001x16xf32, #tpu.memory_space<hbm>> -> memref<1000001x16xf32, #tpu.memory_space<hbm>>
    tpu.wait_indirect_dma semaphore(%arg8 : memref<!tpu.dma_semaphore, #tpu.memory_space<semaphore_mem>>) src(%dma_wait3A_1342 : memref<1000001x16xf32, #tpu.memory_space<hbm>>) dst(%dma_wait3A_1336 : memref<128x16xf32, #tpu.memory_space<vmem>>)
    %dma_wait3A_1343 = arith.constant 61 : i32
    %dma_wait3A_1344 = arith.constant 1152 : i32
    %dma_wait3A_1345 = arith.constant 0 : i32
    %dma_wait3A_1346 = tpu.memref_slice %arg6[%dma_wait3A_1344, %dma_wait3A_1345] : memref<1664x16xf32, #tpu.memory_space<vmem>> -> memref<128x16xf32, #tpu.memory_space<vmem>>
    %dma_wait3A_1347 = arith.constant 0 : i32
    %dma_wait3A_1348 = tpu.memref_slice %arg5[%dma_wait3A_1343, %dma_wait3A_1347] : memref<104x128xi32, #tpu.memory_space<vmem>> -> memref<1x128xi32, #tpu.memory_space<vmem>>
    %dma_wait3A_1349 = tpu.memref_squeeze %dma_wait3A_1348 : memref<1x128xi32, #tpu.memory_space<vmem>> -> memref<128xi32, #tpu.memory_space<vmem>>
    %dma_wait3A_1350 = arith.constant 0 : i32
    %dma_wait3A_1351 = arith.constant 0 : i32
    %dma_wait3A_1352 = tpu.memref_slice %arg3[%dma_wait3A_1350, %dma_wait3A_1351] : memref<1000001x16xf32, #tpu.memory_space<hbm>> -> memref<1000001x16xf32, #tpu.memory_space<hbm>>
    tpu.wait_indirect_dma semaphore(%arg8 : memref<!tpu.dma_semaphore, #tpu.memory_space<semaphore_mem>>) src(%dma_wait3A_1352 : memref<1000001x16xf32, #tpu.memory_space<hbm>>) dst(%dma_wait3A_1346 : memref<128x16xf32, #tpu.memory_space<vmem>>)
    %dma_wait3A_1353 = arith.constant 62 : i32
    %dma_wait3A_1354 = arith.constant 1280 : i32
    %dma_wait3A_1355 = arith.constant 0 : i32
    %dma_wait3A_1356 = tpu.memref_slice %arg6[%dma_wait3A_1354, %dma_wait3A_1355] : memref<1664x16xf32, #tpu.memory_space<vmem>> -> memref<128x16xf32, #tpu.memory_space<vmem>>
    %dma_wait3A_1357 = arith.constant 0 : i32
    %dma_wait3A_1358 = tpu.memref_slice %arg5[%dma_wait3A_1353, %dma_wait3A_1357] : memref<104x128xi32, #tpu.memory_space<vmem>> -> memref<1x128xi32, #tpu.memory_space<vmem>>
    %dma_wait3A_1359 = tpu.memref_squeeze %dma_wait3A_1358 : memref<1x128xi32, #tpu.memory_space<vmem>> -> memref<128xi32, #tpu.memory_space<vmem>>
    %dma_wait3A_1360 = arith.constant 0 : i32
    %dma_wait3A_1361 = arith.constant 0 : i32
    %dma_wait3A_1362 = tpu.memref_slice %arg3[%dma_wait3A_1360, %dma_wait3A_1361] : memref<1000001x16xf32, #tpu.memory_space<hbm>> -> memref<1000001x16xf32, #tpu.memory_space<hbm>>
    tpu.wait_indirect_dma semaphore(%arg8 : memref<!tpu.dma_semaphore, #tpu.memory_space<semaphore_mem>>) src(%dma_wait3A_1362 : memref<1000001x16xf32, #tpu.memory_space<hbm>>) dst(%dma_wait3A_1356 : memref<128x16xf32, #tpu.memory_space<vmem>>)
    %dma_wait3A_1363 = arith.constant 63 : i32
    %dma_wait3A_1364 = arith.constant 1408 : i32
    %dma_wait3A_1365 = arith.constant 0 : i32
    %dma_wait3A_1366 = tpu.memref_slice %arg6[%dma_wait3A_1364, %dma_wait3A_1365] : memref<1664x16xf32, #tpu.memory_space<vmem>> -> memref<128x16xf32, #tpu.memory_space<vmem>>
    %dma_wait3A_1367 = arith.constant 0 : i32
    %dma_wait3A_1368 = tpu.memref_slice %arg5[%dma_wait3A_1363, %dma_wait3A_1367] : memref<104x128xi32, #tpu.memory_space<vmem>> -> memref<1x128xi32, #tpu.memory_space<vmem>>
    %dma_wait3A_1369 = tpu.memref_squeeze %dma_wait3A_1368 : memref<1x128xi32, #tpu.memory_space<vmem>> -> memref<128xi32, #tpu.memory_space<vmem>>
    %dma_wait3A_1370 = arith.constant 0 : i32
    %dma_wait3A_1371 = arith.constant 0 : i32
    %dma_wait3A_1372 = tpu.memref_slice %arg3[%dma_wait3A_1370, %dma_wait3A_1371] : memref<1000001x16xf32, #tpu.memory_space<hbm>> -> memref<1000001x16xf32, #tpu.memory_space<hbm>>
    tpu.wait_indirect_dma semaphore(%arg8 : memref<!tpu.dma_semaphore, #tpu.memory_space<semaphore_mem>>) src(%dma_wait3A_1372 : memref<1000001x16xf32, #tpu.memory_space<hbm>>) dst(%dma_wait3A_1366 : memref<128x16xf32, #tpu.memory_space<vmem>>)
    %dma_wait3A_1373 = arith.constant 64 : i32
    %dma_wait3A_1374 = arith.constant 1536 : i32
    %dma_wait3A_1375 = arith.constant 0 : i32
    %dma_wait3A_1376 = tpu.memref_slice %arg6[%dma_wait3A_1374, %dma_wait3A_1375] : memref<1664x16xf32, #tpu.memory_space<vmem>> -> memref<128x16xf32, #tpu.memory_space<vmem>>
    %dma_wait3A_1377 = arith.constant 0 : i32
    %dma_wait3A_1378 = tpu.memref_slice %arg5[%dma_wait3A_1373, %dma_wait3A_1377] : memref<104x128xi32, #tpu.memory_space<vmem>> -> memref<1x128xi32, #tpu.memory_space<vmem>>
    %dma_wait3A_1379 = tpu.memref_squeeze %dma_wait3A_1378 : memref<1x128xi32, #tpu.memory_space<vmem>> -> memref<128xi32, #tpu.memory_space<vmem>>
    %dma_wait3A_1380 = arith.constant 0 : i32
    %dma_wait3A_1381 = arith.constant 0 : i32
    %dma_wait3A_1382 = tpu.memref_slice %arg3[%dma_wait3A_1380, %dma_wait3A_1381] : memref<1000001x16xf32, #tpu.memory_space<hbm>> -> memref<1000001x16xf32, #tpu.memory_space<hbm>>
    tpu.wait_indirect_dma semaphore(%arg8 : memref<!tpu.dma_semaphore, #tpu.memory_space<semaphore_mem>>) src(%dma_wait3A_1382 : memref<1000001x16xf32, #tpu.memory_space<hbm>>) dst(%dma_wait3A_1376 : memref<128x16xf32, #tpu.memory_space<vmem>>)
    %mul3A_1383 = arith.constant 8 : i32
    %mul3A_1384 = arith.muli %add3A, %mul3A_1383 : i32
    %add3A_1385 = arith.constant 4 : i32
    %add3A_1386 = arith.addi %mul3A_1384, %add3A_1385 : i32
    %mul3A_1387 = arith.constant 13 : i32
    %mul3A_1388 = arith.muli %add3A_1386, %mul3A_1387 : i32
    %mul3A_1389 = arith.constant 128 : i32
    %mul3A_1390 = arith.muli %mul3A_1388, %mul3A_1389 : i32
    %dma_start3A_1391 = arith.constant 0 : i32
    %dma_start3A_1392 = tpu.memref_slice %arg4[%mul3A_1390, %dma_start3A_1391] : memref<425984x16xf32, #tpu.memory_space<hbm>> -> memref<1664x16xf32, #tpu.memory_space<hbm>>
    %dma_start3A_1393 = arith.constant 0 : i32
    %dma_start3A_1394 = tpu.memref_slice %arg4[%mul3A_1390, %dma_start3A_1393] : memref<425984x16xf32, #tpu.memory_space<hbm>> -> memref<1664x16xf32, #tpu.memory_space<hbm>>
    tpu.enqueue_dma source(%arg6 : memref<1664x16xf32, #tpu.memory_space<vmem>>) target(%dma_start3A_1394 : memref<1664x16xf32, #tpu.memory_space<hbm>>) target_semaphore(%arg10 : memref<!tpu.dma_semaphore, #tpu.memory_space<semaphore_mem>>)
    %mul3A_1395 = arith.constant 8 : i32
    %mul3A_1396 = arith.muli %add3A, %mul3A_1395 : i32
    %add3A_1397 = arith.constant 3 : i32
    %add3A_1398 = arith.addi %mul3A_1396, %add3A_1397 : i32
    %mul3A_1399 = arith.constant 13 : i32
    %mul3A_1400 = arith.muli %add3A_1398, %mul3A_1399 : i32
    %mul3A_1401 = arith.constant 128 : i32
    %mul3A_1402 = arith.muli %mul3A_1400, %mul3A_1401 : i32
    %dma_wait3A_1403 = arith.constant 0 : i32
    %dma_wait3A_1404 = tpu.memref_slice %arg4[%mul3A_1402, %dma_wait3A_1403] : memref<425984x16xf32, #tpu.memory_space<hbm>> -> memref<1664x16xf32, #tpu.memory_space<hbm>>
    %dma_wait3A_1405 = arith.constant 0 : i32
    %dma_wait3A_1406 = tpu.memref_slice %arg4[%mul3A_1402, %dma_wait3A_1405] : memref<425984x16xf32, #tpu.memory_space<hbm>> -> memref<1664x16xf32, #tpu.memory_space<hbm>>
    tpu.wait_dma2 semaphore(%arg11 : memref<!tpu.dma_semaphore, #tpu.memory_space<semaphore_mem>>) src(%arg7 : memref<1664x16xf32, #tpu.memory_space<vmem>>) dst(%dma_wait3A_1406 : memref<1664x16xf32, #tpu.memory_space<hbm>>)
    %dma_start3A_1407 = arith.constant 65 : i32
    %dma_start3A_1408 = arith.constant 0 : i32
    %dma_start3A_1409 = arith.constant 0 : i32
    %dma_start3A_1410 = tpu.memref_slice %arg7[%dma_start3A_1408, %dma_start3A_1409] : memref<1664x16xf32, #tpu.memory_space<vmem>> -> memref<128x16xf32, #tpu.memory_space<vmem>>
    %dma_start3A_1411 = arith.constant 0 : i32
    %dma_start3A_1412 = tpu.memref_slice %arg5[%dma_start3A_1407, %dma_start3A_1411] : memref<104x128xi32, #tpu.memory_space<vmem>> -> memref<1x128xi32, #tpu.memory_space<vmem>>
    %dma_start3A_1413 = tpu.memref_squeeze %dma_start3A_1412 : memref<1x128xi32, #tpu.memory_space<vmem>> -> memref<128xi32, #tpu.memory_space<vmem>>
    %dma_start3A_1414 = arith.constant 0 : i32
    %dma_start3A_1415 = arith.constant 0 : i32
    %dma_start3A_1416 = tpu.memref_slice %arg3[%dma_start3A_1414, %dma_start3A_1415] : memref<1000001x16xf32, #tpu.memory_space<hbm>> -> memref<1000001x16xf32, #tpu.memory_space<hbm>>
    tpu.enqueue_indirect_dma source(%dma_start3A_1416 : memref<1000001x16xf32, #tpu.memory_space<hbm>>) target(%dma_start3A_1410 : memref<128x16xf32, #tpu.memory_space<vmem>>) offsets(%dma_start3A_1413 : memref<128xi32, #tpu.memory_space<vmem>>) semaphore(%arg9 : memref<!tpu.dma_semaphore, #tpu.memory_space<semaphore_mem>>)
    %dma_start3A_1417 = arith.constant 66 : i32
    %dma_start3A_1418 = arith.constant 128 : i32
    %dma_start3A_1419 = arith.constant 0 : i32
    %dma_start3A_1420 = tpu.memref_slice %arg7[%dma_start3A_1418, %dma_start3A_1419] : memref<1664x16xf32, #tpu.memory_space<vmem>> -> memref<128x16xf32, #tpu.memory_space<vmem>>
    %dma_start3A_1421 = arith.constant 0 : i32
    %dma_start3A_1422 = tpu.memref_slice %arg5[%dma_start3A_1417, %dma_start3A_1421] : memref<104x128xi32, #tpu.memory_space<vmem>> -> memref<1x128xi32, #tpu.memory_space<vmem>>
    %dma_start3A_1423 = tpu.memref_squeeze %dma_start3A_1422 : memref<1x128xi32, #tpu.memory_space<vmem>> -> memref<128xi32, #tpu.memory_space<vmem>>
    %dma_start3A_1424 = arith.constant 0 : i32
    %dma_start3A_1425 = arith.constant 0 : i32
    %dma_start3A_1426 = tpu.memref_slice %arg3[%dma_start3A_1424, %dma_start3A_1425] : memref<1000001x16xf32, #tpu.memory_space<hbm>> -> memref<1000001x16xf32, #tpu.memory_space<hbm>>
    tpu.enqueue_indirect_dma source(%dma_start3A_1426 : memref<1000001x16xf32, #tpu.memory_space<hbm>>) target(%dma_start3A_1420 : memref<128x16xf32, #tpu.memory_space<vmem>>) offsets(%dma_start3A_1423 : memref<128xi32, #tpu.memory_space<vmem>>) semaphore(%arg9 : memref<!tpu.dma_semaphore, #tpu.memory_space<semaphore_mem>>)
    %dma_start3A_1427 = arith.constant 67 : i32
    %dma_start3A_1428 = arith.constant 256 : i32
    %dma_start3A_1429 = arith.constant 0 : i32
    %dma_start3A_1430 = tpu.memref_slice %arg7[%dma_start3A_1428, %dma_start3A_1429] : memref<1664x16xf32, #tpu.memory_space<vmem>> -> memref<128x16xf32, #tpu.memory_space<vmem>>
    %dma_start3A_1431 = arith.constant 0 : i32
    %dma_start3A_1432 = tpu.memref_slice %arg5[%dma_start3A_1427, %dma_start3A_1431] : memref<104x128xi32, #tpu.memory_space<vmem>> -> memref<1x128xi32, #tpu.memory_space<vmem>>
    %dma_start3A_1433 = tpu.memref_squeeze %dma_start3A_1432 : memref<1x128xi32, #tpu.memory_space<vmem>> -> memref<128xi32, #tpu.memory_space<vmem>>
    %dma_start3A_1434 = arith.constant 0 : i32
    %dma_start3A_1435 = arith.constant 0 : i32
    %dma_start3A_1436 = tpu.memref_slice %arg3[%dma_start3A_1434, %dma_start3A_1435] : memref<1000001x16xf32, #tpu.memory_space<hbm>> -> memref<1000001x16xf32, #tpu.memory_space<hbm>>
    tpu.enqueue_indirect_dma source(%dma_start3A_1436 : memref<1000001x16xf32, #tpu.memory_space<hbm>>) target(%dma_start3A_1430 : memref<128x16xf32, #tpu.memory_space<vmem>>) offsets(%dma_start3A_1433 : memref<128xi32, #tpu.memory_space<vmem>>) semaphore(%arg9 : memref<!tpu.dma_semaphore, #tpu.memory_space<semaphore_mem>>)
    %dma_start3A_1437 = arith.constant 68 : i32
    %dma_start3A_1438 = arith.constant 384 : i32
    %dma_start3A_1439 = arith.constant 0 : i32
    %dma_start3A_1440 = tpu.memref_slice %arg7[%dma_start3A_1438, %dma_start3A_1439] : memref<1664x16xf32, #tpu.memory_space<vmem>> -> memref<128x16xf32, #tpu.memory_space<vmem>>
    %dma_start3A_1441 = arith.constant 0 : i32
    %dma_start3A_1442 = tpu.memref_slice %arg5[%dma_start3A_1437, %dma_start3A_1441] : memref<104x128xi32, #tpu.memory_space<vmem>> -> memref<1x128xi32, #tpu.memory_space<vmem>>
    %dma_start3A_1443 = tpu.memref_squeeze %dma_start3A_1442 : memref<1x128xi32, #tpu.memory_space<vmem>> -> memref<128xi32, #tpu.memory_space<vmem>>
    %dma_start3A_1444 = arith.constant 0 : i32
    %dma_start3A_1445 = arith.constant 0 : i32
    %dma_start3A_1446 = tpu.memref_slice %arg3[%dma_start3A_1444, %dma_start3A_1445] : memref<1000001x16xf32, #tpu.memory_space<hbm>> -> memref<1000001x16xf32, #tpu.memory_space<hbm>>
    tpu.enqueue_indirect_dma source(%dma_start3A_1446 : memref<1000001x16xf32, #tpu.memory_space<hbm>>) target(%dma_start3A_1440 : memref<128x16xf32, #tpu.memory_space<vmem>>) offsets(%dma_start3A_1443 : memref<128xi32, #tpu.memory_space<vmem>>) semaphore(%arg9 : memref<!tpu.dma_semaphore, #tpu.memory_space<semaphore_mem>>)
    %dma_start3A_1447 = arith.constant 69 : i32
    %dma_start3A_1448 = arith.constant 512 : i32
    %dma_start3A_1449 = arith.constant 0 : i32
    %dma_start3A_1450 = tpu.memref_slice %arg7[%dma_start3A_1448, %dma_start3A_1449] : memref<1664x16xf32, #tpu.memory_space<vmem>> -> memref<128x16xf32, #tpu.memory_space<vmem>>
    %dma_start3A_1451 = arith.constant 0 : i32
    %dma_start3A_1452 = tpu.memref_slice %arg5[%dma_start3A_1447, %dma_start3A_1451] : memref<104x128xi32, #tpu.memory_space<vmem>> -> memref<1x128xi32, #tpu.memory_space<vmem>>
    %dma_start3A_1453 = tpu.memref_squeeze %dma_start3A_1452 : memref<1x128xi32, #tpu.memory_space<vmem>> -> memref<128xi32, #tpu.memory_space<vmem>>
    %dma_start3A_1454 = arith.constant 0 : i32
    %dma_start3A_1455 = arith.constant 0 : i32
    %dma_start3A_1456 = tpu.memref_slice %arg3[%dma_start3A_1454, %dma_start3A_1455] : memref<1000001x16xf32, #tpu.memory_space<hbm>> -> memref<1000001x16xf32, #tpu.memory_space<hbm>>
    tpu.enqueue_indirect_dma source(%dma_start3A_1456 : memref<1000001x16xf32, #tpu.memory_space<hbm>>) target(%dma_start3A_1450 : memref<128x16xf32, #tpu.memory_space<vmem>>) offsets(%dma_start3A_1453 : memref<128xi32, #tpu.memory_space<vmem>>) semaphore(%arg9 : memref<!tpu.dma_semaphore, #tpu.memory_space<semaphore_mem>>)
    %dma_start3A_1457 = arith.constant 70 : i32
    %dma_start3A_1458 = arith.constant 640 : i32
    %dma_start3A_1459 = arith.constant 0 : i32
    %dma_start3A_1460 = tpu.memref_slice %arg7[%dma_start3A_1458, %dma_start3A_1459] : memref<1664x16xf32, #tpu.memory_space<vmem>> -> memref<128x16xf32, #tpu.memory_space<vmem>>
    %dma_start3A_1461 = arith.constant 0 : i32
    %dma_start3A_1462 = tpu.memref_slice %arg5[%dma_start3A_1457, %dma_start3A_1461] : memref<104x128xi32, #tpu.memory_space<vmem>> -> memref<1x128xi32, #tpu.memory_space<vmem>>
    %dma_start3A_1463 = tpu.memref_squeeze %dma_start3A_1462 : memref<1x128xi32, #tpu.memory_space<vmem>> -> memref<128xi32, #tpu.memory_space<vmem>>
    %dma_start3A_1464 = arith.constant 0 : i32
    %dma_start3A_1465 = arith.constant 0 : i32
    %dma_start3A_1466 = tpu.memref_slice %arg3[%dma_start3A_1464, %dma_start3A_1465] : memref<1000001x16xf32, #tpu.memory_space<hbm>> -> memref<1000001x16xf32, #tpu.memory_space<hbm>>
    tpu.enqueue_indirect_dma source(%dma_start3A_1466 : memref<1000001x16xf32, #tpu.memory_space<hbm>>) target(%dma_start3A_1460 : memref<128x16xf32, #tpu.memory_space<vmem>>) offsets(%dma_start3A_1463 : memref<128xi32, #tpu.memory_space<vmem>>) semaphore(%arg9 : memref<!tpu.dma_semaphore, #tpu.memory_space<semaphore_mem>>)
    %dma_start3A_1467 = arith.constant 71 : i32
    %dma_start3A_1468 = arith.constant 768 : i32
    %dma_start3A_1469 = arith.constant 0 : i32
    %dma_start3A_1470 = tpu.memref_slice %arg7[%dma_start3A_1468, %dma_start3A_1469] : memref<1664x16xf32, #tpu.memory_space<vmem>> -> memref<128x16xf32, #tpu.memory_space<vmem>>
    %dma_start3A_1471 = arith.constant 0 : i32
    %dma_start3A_1472 = tpu.memref_slice %arg5[%dma_start3A_1467, %dma_start3A_1471] : memref<104x128xi32, #tpu.memory_space<vmem>> -> memref<1x128xi32, #tpu.memory_space<vmem>>
    %dma_start3A_1473 = tpu.memref_squeeze %dma_start3A_1472 : memref<1x128xi32, #tpu.memory_space<vmem>> -> memref<128xi32, #tpu.memory_space<vmem>>
    %dma_start3A_1474 = arith.constant 0 : i32
    %dma_start3A_1475 = arith.constant 0 : i32
    %dma_start3A_1476 = tpu.memref_slice %arg3[%dma_start3A_1474, %dma_start3A_1475] : memref<1000001x16xf32, #tpu.memory_space<hbm>> -> memref<1000001x16xf32, #tpu.memory_space<hbm>>
    tpu.enqueue_indirect_dma source(%dma_start3A_1476 : memref<1000001x16xf32, #tpu.memory_space<hbm>>) target(%dma_start3A_1470 : memref<128x16xf32, #tpu.memory_space<vmem>>) offsets(%dma_start3A_1473 : memref<128xi32, #tpu.memory_space<vmem>>) semaphore(%arg9 : memref<!tpu.dma_semaphore, #tpu.memory_space<semaphore_mem>>)
    %dma_start3A_1477 = arith.constant 72 : i32
    %dma_start3A_1478 = arith.constant 896 : i32
    %dma_start3A_1479 = arith.constant 0 : i32
    %dma_start3A_1480 = tpu.memref_slice %arg7[%dma_start3A_1478, %dma_start3A_1479] : memref<1664x16xf32, #tpu.memory_space<vmem>> -> memref<128x16xf32, #tpu.memory_space<vmem>>
    %dma_start3A_1481 = arith.constant 0 : i32
    %dma_start3A_1482 = tpu.memref_slice %arg5[%dma_start3A_1477, %dma_start3A_1481] : memref<104x128xi32, #tpu.memory_space<vmem>> -> memref<1x128xi32, #tpu.memory_space<vmem>>
    %dma_start3A_1483 = tpu.memref_squeeze %dma_start3A_1482 : memref<1x128xi32, #tpu.memory_space<vmem>> -> memref<128xi32, #tpu.memory_space<vmem>>
    %dma_start3A_1484 = arith.constant 0 : i32
    %dma_start3A_1485 = arith.constant 0 : i32
    %dma_start3A_1486 = tpu.memref_slice %arg3[%dma_start3A_1484, %dma_start3A_1485] : memref<1000001x16xf32, #tpu.memory_space<hbm>> -> memref<1000001x16xf32, #tpu.memory_space<hbm>>
    tpu.enqueue_indirect_dma source(%dma_start3A_1486 : memref<1000001x16xf32, #tpu.memory_space<hbm>>) target(%dma_start3A_1480 : memref<128x16xf32, #tpu.memory_space<vmem>>) offsets(%dma_start3A_1483 : memref<128xi32, #tpu.memory_space<vmem>>) semaphore(%arg9 : memref<!tpu.dma_semaphore, #tpu.memory_space<semaphore_mem>>)
    %dma_start3A_1487 = arith.constant 73 : i32
    %dma_start3A_1488 = arith.constant 1024 : i32
    %dma_start3A_1489 = arith.constant 0 : i32
    %dma_start3A_1490 = tpu.memref_slice %arg7[%dma_start3A_1488, %dma_start3A_1489] : memref<1664x16xf32, #tpu.memory_space<vmem>> -> memref<128x16xf32, #tpu.memory_space<vmem>>
    %dma_start3A_1491 = arith.constant 0 : i32
    %dma_start3A_1492 = tpu.memref_slice %arg5[%dma_start3A_1487, %dma_start3A_1491] : memref<104x128xi32, #tpu.memory_space<vmem>> -> memref<1x128xi32, #tpu.memory_space<vmem>>
    %dma_start3A_1493 = tpu.memref_squeeze %dma_start3A_1492 : memref<1x128xi32, #tpu.memory_space<vmem>> -> memref<128xi32, #tpu.memory_space<vmem>>
    %dma_start3A_1494 = arith.constant 0 : i32
    %dma_start3A_1495 = arith.constant 0 : i32
    %dma_start3A_1496 = tpu.memref_slice %arg3[%dma_start3A_1494, %dma_start3A_1495] : memref<1000001x16xf32, #tpu.memory_space<hbm>> -> memref<1000001x16xf32, #tpu.memory_space<hbm>>
    tpu.enqueue_indirect_dma source(%dma_start3A_1496 : memref<1000001x16xf32, #tpu.memory_space<hbm>>) target(%dma_start3A_1490 : memref<128x16xf32, #tpu.memory_space<vmem>>) offsets(%dma_start3A_1493 : memref<128xi32, #tpu.memory_space<vmem>>) semaphore(%arg9 : memref<!tpu.dma_semaphore, #tpu.memory_space<semaphore_mem>>)
    %dma_start3A_1497 = arith.constant 74 : i32
    %dma_start3A_1498 = arith.constant 1152 : i32
    %dma_start3A_1499 = arith.constant 0 : i32
    %dma_start3A_1500 = tpu.memref_slice %arg7[%dma_start3A_1498, %dma_start3A_1499] : memref<1664x16xf32, #tpu.memory_space<vmem>> -> memref<128x16xf32, #tpu.memory_space<vmem>>
    %dma_start3A_1501 = arith.constant 0 : i32
    %dma_start3A_1502 = tpu.memref_slice %arg5[%dma_start3A_1497, %dma_start3A_1501] : memref<104x128xi32, #tpu.memory_space<vmem>> -> memref<1x128xi32, #tpu.memory_space<vmem>>
    %dma_start3A_1503 = tpu.memref_squeeze %dma_start3A_1502 : memref<1x128xi32, #tpu.memory_space<vmem>> -> memref<128xi32, #tpu.memory_space<vmem>>
    %dma_start3A_1504 = arith.constant 0 : i32
    %dma_start3A_1505 = arith.constant 0 : i32
    %dma_start3A_1506 = tpu.memref_slice %arg3[%dma_start3A_1504, %dma_start3A_1505] : memref<1000001x16xf32, #tpu.memory_space<hbm>> -> memref<1000001x16xf32, #tpu.memory_space<hbm>>
    tpu.enqueue_indirect_dma source(%dma_start3A_1506 : memref<1000001x16xf32, #tpu.memory_space<hbm>>) target(%dma_start3A_1500 : memref<128x16xf32, #tpu.memory_space<vmem>>) offsets(%dma_start3A_1503 : memref<128xi32, #tpu.memory_space<vmem>>) semaphore(%arg9 : memref<!tpu.dma_semaphore, #tpu.memory_space<semaphore_mem>>)
    %dma_start3A_1507 = arith.constant 75 : i32
    %dma_start3A_1508 = arith.constant 1280 : i32
    %dma_start3A_1509 = arith.constant 0 : i32
    %dma_start3A_1510 = tpu.memref_slice %arg7[%dma_start3A_1508, %dma_start3A_1509] : memref<1664x16xf32, #tpu.memory_space<vmem>> -> memref<128x16xf32, #tpu.memory_space<vmem>>
    %dma_start3A_1511 = arith.constant 0 : i32
    %dma_start3A_1512 = tpu.memref_slice %arg5[%dma_start3A_1507, %dma_start3A_1511] : memref<104x128xi32, #tpu.memory_space<vmem>> -> memref<1x128xi32, #tpu.memory_space<vmem>>
    %dma_start3A_1513 = tpu.memref_squeeze %dma_start3A_1512 : memref<1x128xi32, #tpu.memory_space<vmem>> -> memref<128xi32, #tpu.memory_space<vmem>>
    %dma_start3A_1514 = arith.constant 0 : i32
    %dma_start3A_1515 = arith.constant 0 : i32
    %dma_start3A_1516 = tpu.memref_slice %arg3[%dma_start3A_1514, %dma_start3A_1515] : memref<1000001x16xf32, #tpu.memory_space<hbm>> -> memref<1000001x16xf32, #tpu.memory_space<hbm>>
    tpu.enqueue_indirect_dma source(%dma_start3A_1516 : memref<1000001x16xf32, #tpu.memory_space<hbm>>) target(%dma_start3A_1510 : memref<128x16xf32, #tpu.memory_space<vmem>>) offsets(%dma_start3A_1513 : memref<128xi32, #tpu.memory_space<vmem>>) semaphore(%arg9 : memref<!tpu.dma_semaphore, #tpu.memory_space<semaphore_mem>>)
    %dma_start3A_1517 = arith.constant 76 : i32
    %dma_start3A_1518 = arith.constant 1408 : i32
    %dma_start3A_1519 = arith.constant 0 : i32
    %dma_start3A_1520 = tpu.memref_slice %arg7[%dma_start3A_1518, %dma_start3A_1519] : memref<1664x16xf32, #tpu.memory_space<vmem>> -> memref<128x16xf32, #tpu.memory_space<vmem>>
    %dma_start3A_1521 = arith.constant 0 : i32
    %dma_start3A_1522 = tpu.memref_slice %arg5[%dma_start3A_1517, %dma_start3A_1521] : memref<104x128xi32, #tpu.memory_space<vmem>> -> memref<1x128xi32, #tpu.memory_space<vmem>>
    %dma_start3A_1523 = tpu.memref_squeeze %dma_start3A_1522 : memref<1x128xi32, #tpu.memory_space<vmem>> -> memref<128xi32, #tpu.memory_space<vmem>>
    %dma_start3A_1524 = arith.constant 0 : i32
    %dma_start3A_1525 = arith.constant 0 : i32
    %dma_start3A_1526 = tpu.memref_slice %arg3[%dma_start3A_1524, %dma_start3A_1525] : memref<1000001x16xf32, #tpu.memory_space<hbm>> -> memref<1000001x16xf32, #tpu.memory_space<hbm>>
    tpu.enqueue_indirect_dma source(%dma_start3A_1526 : memref<1000001x16xf32, #tpu.memory_space<hbm>>) target(%dma_start3A_1520 : memref<128x16xf32, #tpu.memory_space<vmem>>) offsets(%dma_start3A_1523 : memref<128xi32, #tpu.memory_space<vmem>>) semaphore(%arg9 : memref<!tpu.dma_semaphore, #tpu.memory_space<semaphore_mem>>)
    %dma_start3A_1527 = arith.constant 77 : i32
    %dma_start3A_1528 = arith.constant 1536 : i32
    %dma_start3A_1529 = arith.constant 0 : i32
    %dma_start3A_1530 = tpu.memref_slice %arg7[%dma_start3A_1528, %dma_start3A_1529] : memref<1664x16xf32, #tpu.memory_space<vmem>> -> memref<128x16xf32, #tpu.memory_space<vmem>>
    %dma_start3A_1531 = arith.constant 0 : i32
    %dma_start3A_1532 = tpu.memref_slice %arg5[%dma_start3A_1527, %dma_start3A_1531] : memref<104x128xi32, #tpu.memory_space<vmem>> -> memref<1x128xi32, #tpu.memory_space<vmem>>
    %dma_start3A_1533 = tpu.memref_squeeze %dma_start3A_1532 : memref<1x128xi32, #tpu.memory_space<vmem>> -> memref<128xi32, #tpu.memory_space<vmem>>
    %dma_start3A_1534 = arith.constant 0 : i32
    %dma_start3A_1535 = arith.constant 0 : i32
    %dma_start3A_1536 = tpu.memref_slice %arg3[%dma_start3A_1534, %dma_start3A_1535] : memref<1000001x16xf32, #tpu.memory_space<hbm>> -> memref<1000001x16xf32, #tpu.memory_space<hbm>>
    tpu.enqueue_indirect_dma source(%dma_start3A_1536 : memref<1000001x16xf32, #tpu.memory_space<hbm>>) target(%dma_start3A_1530 : memref<128x16xf32, #tpu.memory_space<vmem>>) offsets(%dma_start3A_1533 : memref<128xi32, #tpu.memory_space<vmem>>) semaphore(%arg9 : memref<!tpu.dma_semaphore, #tpu.memory_space<semaphore_mem>>)
    %dma_wait3A_1537 = arith.constant 65 : i32
    %dma_wait3A_1538 = arith.constant 0 : i32
    %dma_wait3A_1539 = arith.constant 0 : i32
    %dma_wait3A_1540 = tpu.memref_slice %arg7[%dma_wait3A_1538, %dma_wait3A_1539] : memref<1664x16xf32, #tpu.memory_space<vmem>> -> memref<128x16xf32, #tpu.memory_space<vmem>>
    %dma_wait3A_1541 = arith.constant 0 : i32
    %dma_wait3A_1542 = tpu.memref_slice %arg5[%dma_wait3A_1537, %dma_wait3A_1541] : memref<104x128xi32, #tpu.memory_space<vmem>> -> memref<1x128xi32, #tpu.memory_space<vmem>>
    %dma_wait3A_1543 = tpu.memref_squeeze %dma_wait3A_1542 : memref<1x128xi32, #tpu.memory_space<vmem>> -> memref<128xi32, #tpu.memory_space<vmem>>
    %dma_wait3A_1544 = arith.constant 0 : i32
    %dma_wait3A_1545 = arith.constant 0 : i32
    %dma_wait3A_1546 = tpu.memref_slice %arg3[%dma_wait3A_1544, %dma_wait3A_1545] : memref<1000001x16xf32, #tpu.memory_space<hbm>> -> memref<1000001x16xf32, #tpu.memory_space<hbm>>
    tpu.wait_indirect_dma semaphore(%arg9 : memref<!tpu.dma_semaphore, #tpu.memory_space<semaphore_mem>>) src(%dma_wait3A_1546 : memref<1000001x16xf32, #tpu.memory_space<hbm>>) dst(%dma_wait3A_1540 : memref<128x16xf32, #tpu.memory_space<vmem>>)
    %dma_wait3A_1547 = arith.constant 66 : i32
    %dma_wait3A_1548 = arith.constant 128 : i32
    %dma_wait3A_1549 = arith.constant 0 : i32
    %dma_wait3A_1550 = tpu.memref_slice %arg7[%dma_wait3A_1548, %dma_wait3A_1549] : memref<1664x16xf32, #tpu.memory_space<vmem>> -> memref<128x16xf32, #tpu.memory_space<vmem>>
    %dma_wait3A_1551 = arith.constant 0 : i32
    %dma_wait3A_1552 = tpu.memref_slice %arg5[%dma_wait3A_1547, %dma_wait3A_1551] : memref<104x128xi32, #tpu.memory_space<vmem>> -> memref<1x128xi32, #tpu.memory_space<vmem>>
    %dma_wait3A_1553 = tpu.memref_squeeze %dma_wait3A_1552 : memref<1x128xi32, #tpu.memory_space<vmem>> -> memref<128xi32, #tpu.memory_space<vmem>>
    %dma_wait3A_1554 = arith.constant 0 : i32
    %dma_wait3A_1555 = arith.constant 0 : i32
    %dma_wait3A_1556 = tpu.memref_slice %arg3[%dma_wait3A_1554, %dma_wait3A_1555] : memref<1000001x16xf32, #tpu.memory_space<hbm>> -> memref<1000001x16xf32, #tpu.memory_space<hbm>>
    tpu.wait_indirect_dma semaphore(%arg9 : memref<!tpu.dma_semaphore, #tpu.memory_space<semaphore_mem>>) src(%dma_wait3A_1556 : memref<1000001x16xf32, #tpu.memory_space<hbm>>) dst(%dma_wait3A_1550 : memref<128x16xf32, #tpu.memory_space<vmem>>)
    %dma_wait3A_1557 = arith.constant 67 : i32
    %dma_wait3A_1558 = arith.constant 256 : i32
    %dma_wait3A_1559 = arith.constant 0 : i32
    %dma_wait3A_1560 = tpu.memref_slice %arg7[%dma_wait3A_1558, %dma_wait3A_1559] : memref<1664x16xf32, #tpu.memory_space<vmem>> -> memref<128x16xf32, #tpu.memory_space<vmem>>
    %dma_wait3A_1561 = arith.constant 0 : i32
    %dma_wait3A_1562 = tpu.memref_slice %arg5[%dma_wait3A_1557, %dma_wait3A_1561] : memref<104x128xi32, #tpu.memory_space<vmem>> -> memref<1x128xi32, #tpu.memory_space<vmem>>
    %dma_wait3A_1563 = tpu.memref_squeeze %dma_wait3A_1562 : memref<1x128xi32, #tpu.memory_space<vmem>> -> memref<128xi32, #tpu.memory_space<vmem>>
    %dma_wait3A_1564 = arith.constant 0 : i32
    %dma_wait3A_1565 = arith.constant 0 : i32
    %dma_wait3A_1566 = tpu.memref_slice %arg3[%dma_wait3A_1564, %dma_wait3A_1565] : memref<1000001x16xf32, #tpu.memory_space<hbm>> -> memref<1000001x16xf32, #tpu.memory_space<hbm>>
    tpu.wait_indirect_dma semaphore(%arg9 : memref<!tpu.dma_semaphore, #tpu.memory_space<semaphore_mem>>) src(%dma_wait3A_1566 : memref<1000001x16xf32, #tpu.memory_space<hbm>>) dst(%dma_wait3A_1560 : memref<128x16xf32, #tpu.memory_space<vmem>>)
    %dma_wait3A_1567 = arith.constant 68 : i32
    %dma_wait3A_1568 = arith.constant 384 : i32
    %dma_wait3A_1569 = arith.constant 0 : i32
    %dma_wait3A_1570 = tpu.memref_slice %arg7[%dma_wait3A_1568, %dma_wait3A_1569] : memref<1664x16xf32, #tpu.memory_space<vmem>> -> memref<128x16xf32, #tpu.memory_space<vmem>>
    %dma_wait3A_1571 = arith.constant 0 : i32
    %dma_wait3A_1572 = tpu.memref_slice %arg5[%dma_wait3A_1567, %dma_wait3A_1571] : memref<104x128xi32, #tpu.memory_space<vmem>> -> memref<1x128xi32, #tpu.memory_space<vmem>>
    %dma_wait3A_1573 = tpu.memref_squeeze %dma_wait3A_1572 : memref<1x128xi32, #tpu.memory_space<vmem>> -> memref<128xi32, #tpu.memory_space<vmem>>
    %dma_wait3A_1574 = arith.constant 0 : i32
    %dma_wait3A_1575 = arith.constant 0 : i32
    %dma_wait3A_1576 = tpu.memref_slice %arg3[%dma_wait3A_1574, %dma_wait3A_1575] : memref<1000001x16xf32, #tpu.memory_space<hbm>> -> memref<1000001x16xf32, #tpu.memory_space<hbm>>
    tpu.wait_indirect_dma semaphore(%arg9 : memref<!tpu.dma_semaphore, #tpu.memory_space<semaphore_mem>>) src(%dma_wait3A_1576 : memref<1000001x16xf32, #tpu.memory_space<hbm>>) dst(%dma_wait3A_1570 : memref<128x16xf32, #tpu.memory_space<vmem>>)
    %dma_wait3A_1577 = arith.constant 69 : i32
    %dma_wait3A_1578 = arith.constant 512 : i32
    %dma_wait3A_1579 = arith.constant 0 : i32
    %dma_wait3A_1580 = tpu.memref_slice %arg7[%dma_wait3A_1578, %dma_wait3A_1579] : memref<1664x16xf32, #tpu.memory_space<vmem>> -> memref<128x16xf32, #tpu.memory_space<vmem>>
    %dma_wait3A_1581 = arith.constant 0 : i32
    %dma_wait3A_1582 = tpu.memref_slice %arg5[%dma_wait3A_1577, %dma_wait3A_1581] : memref<104x128xi32, #tpu.memory_space<vmem>> -> memref<1x128xi32, #tpu.memory_space<vmem>>
    %dma_wait3A_1583 = tpu.memref_squeeze %dma_wait3A_1582 : memref<1x128xi32, #tpu.memory_space<vmem>> -> memref<128xi32, #tpu.memory_space<vmem>>
    %dma_wait3A_1584 = arith.constant 0 : i32
    %dma_wait3A_1585 = arith.constant 0 : i32
    %dma_wait3A_1586 = tpu.memref_slice %arg3[%dma_wait3A_1584, %dma_wait3A_1585] : memref<1000001x16xf32, #tpu.memory_space<hbm>> -> memref<1000001x16xf32, #tpu.memory_space<hbm>>
    tpu.wait_indirect_dma semaphore(%arg9 : memref<!tpu.dma_semaphore, #tpu.memory_space<semaphore_mem>>) src(%dma_wait3A_1586 : memref<1000001x16xf32, #tpu.memory_space<hbm>>) dst(%dma_wait3A_1580 : memref<128x16xf32, #tpu.memory_space<vmem>>)
    %dma_wait3A_1587 = arith.constant 70 : i32
    %dma_wait3A_1588 = arith.constant 640 : i32
    %dma_wait3A_1589 = arith.constant 0 : i32
    %dma_wait3A_1590 = tpu.memref_slice %arg7[%dma_wait3A_1588, %dma_wait3A_1589] : memref<1664x16xf32, #tpu.memory_space<vmem>> -> memref<128x16xf32, #tpu.memory_space<vmem>>
    %dma_wait3A_1591 = arith.constant 0 : i32
    %dma_wait3A_1592 = tpu.memref_slice %arg5[%dma_wait3A_1587, %dma_wait3A_1591] : memref<104x128xi32, #tpu.memory_space<vmem>> -> memref<1x128xi32, #tpu.memory_space<vmem>>
    %dma_wait3A_1593 = tpu.memref_squeeze %dma_wait3A_1592 : memref<1x128xi32, #tpu.memory_space<vmem>> -> memref<128xi32, #tpu.memory_space<vmem>>
    %dma_wait3A_1594 = arith.constant 0 : i32
    %dma_wait3A_1595 = arith.constant 0 : i32
    %dma_wait3A_1596 = tpu.memref_slice %arg3[%dma_wait3A_1594, %dma_wait3A_1595] : memref<1000001x16xf32, #tpu.memory_space<hbm>> -> memref<1000001x16xf32, #tpu.memory_space<hbm>>
    tpu.wait_indirect_dma semaphore(%arg9 : memref<!tpu.dma_semaphore, #tpu.memory_space<semaphore_mem>>) src(%dma_wait3A_1596 : memref<1000001x16xf32, #tpu.memory_space<hbm>>) dst(%dma_wait3A_1590 : memref<128x16xf32, #tpu.memory_space<vmem>>)
    %dma_wait3A_1597 = arith.constant 71 : i32
    %dma_wait3A_1598 = arith.constant 768 : i32
    %dma_wait3A_1599 = arith.constant 0 : i32
    %dma_wait3A_1600 = tpu.memref_slice %arg7[%dma_wait3A_1598, %dma_wait3A_1599] : memref<1664x16xf32, #tpu.memory_space<vmem>> -> memref<128x16xf32, #tpu.memory_space<vmem>>
    %dma_wait3A_1601 = arith.constant 0 : i32
    %dma_wait3A_1602 = tpu.memref_slice %arg5[%dma_wait3A_1597, %dma_wait3A_1601] : memref<104x128xi32, #tpu.memory_space<vmem>> -> memref<1x128xi32, #tpu.memory_space<vmem>>
    %dma_wait3A_1603 = tpu.memref_squeeze %dma_wait3A_1602 : memref<1x128xi32, #tpu.memory_space<vmem>> -> memref<128xi32, #tpu.memory_space<vmem>>
    %dma_wait3A_1604 = arith.constant 0 : i32
    %dma_wait3A_1605 = arith.constant 0 : i32
    %dma_wait3A_1606 = tpu.memref_slice %arg3[%dma_wait3A_1604, %dma_wait3A_1605] : memref<1000001x16xf32, #tpu.memory_space<hbm>> -> memref<1000001x16xf32, #tpu.memory_space<hbm>>
    tpu.wait_indirect_dma semaphore(%arg9 : memref<!tpu.dma_semaphore, #tpu.memory_space<semaphore_mem>>) src(%dma_wait3A_1606 : memref<1000001x16xf32, #tpu.memory_space<hbm>>) dst(%dma_wait3A_1600 : memref<128x16xf32, #tpu.memory_space<vmem>>)
    %dma_wait3A_1607 = arith.constant 72 : i32
    %dma_wait3A_1608 = arith.constant 896 : i32
    %dma_wait3A_1609 = arith.constant 0 : i32
    %dma_wait3A_1610 = tpu.memref_slice %arg7[%dma_wait3A_1608, %dma_wait3A_1609] : memref<1664x16xf32, #tpu.memory_space<vmem>> -> memref<128x16xf32, #tpu.memory_space<vmem>>
    %dma_wait3A_1611 = arith.constant 0 : i32
    %dma_wait3A_1612 = tpu.memref_slice %arg5[%dma_wait3A_1607, %dma_wait3A_1611] : memref<104x128xi32, #tpu.memory_space<vmem>> -> memref<1x128xi32, #tpu.memory_space<vmem>>
    %dma_wait3A_1613 = tpu.memref_squeeze %dma_wait3A_1612 : memref<1x128xi32, #tpu.memory_space<vmem>> -> memref<128xi32, #tpu.memory_space<vmem>>
    %dma_wait3A_1614 = arith.constant 0 : i32
    %dma_wait3A_1615 = arith.constant 0 : i32
    %dma_wait3A_1616 = tpu.memref_slice %arg3[%dma_wait3A_1614, %dma_wait3A_1615] : memref<1000001x16xf32, #tpu.memory_space<hbm>> -> memref<1000001x16xf32, #tpu.memory_space<hbm>>
    tpu.wait_indirect_dma semaphore(%arg9 : memref<!tpu.dma_semaphore, #tpu.memory_space<semaphore_mem>>) src(%dma_wait3A_1616 : memref<1000001x16xf32, #tpu.memory_space<hbm>>) dst(%dma_wait3A_1610 : memref<128x16xf32, #tpu.memory_space<vmem>>)
    %dma_wait3A_1617 = arith.constant 73 : i32
    %dma_wait3A_1618 = arith.constant 1024 : i32
    %dma_wait3A_1619 = arith.constant 0 : i32
    %dma_wait3A_1620 = tpu.memref_slice %arg7[%dma_wait3A_1618, %dma_wait3A_1619] : memref<1664x16xf32, #tpu.memory_space<vmem>> -> memref<128x16xf32, #tpu.memory_space<vmem>>
    %dma_wait3A_1621 = arith.constant 0 : i32
    %dma_wait3A_1622 = tpu.memref_slice %arg5[%dma_wait3A_1617, %dma_wait3A_1621] : memref<104x128xi32, #tpu.memory_space<vmem>> -> memref<1x128xi32, #tpu.memory_space<vmem>>
    %dma_wait3A_1623 = tpu.memref_squeeze %dma_wait3A_1622 : memref<1x128xi32, #tpu.memory_space<vmem>> -> memref<128xi32, #tpu.memory_space<vmem>>
    %dma_wait3A_1624 = arith.constant 0 : i32
    %dma_wait3A_1625 = arith.constant 0 : i32
    %dma_wait3A_1626 = tpu.memref_slice %arg3[%dma_wait3A_1624, %dma_wait3A_1625] : memref<1000001x16xf32, #tpu.memory_space<hbm>> -> memref<1000001x16xf32, #tpu.memory_space<hbm>>
    tpu.wait_indirect_dma semaphore(%arg9 : memref<!tpu.dma_semaphore, #tpu.memory_space<semaphore_mem>>) src(%dma_wait3A_1626 : memref<1000001x16xf32, #tpu.memory_space<hbm>>) dst(%dma_wait3A_1620 : memref<128x16xf32, #tpu.memory_space<vmem>>)
    %dma_wait3A_1627 = arith.constant 74 : i32
    %dma_wait3A_1628 = arith.constant 1152 : i32
    %dma_wait3A_1629 = arith.constant 0 : i32
    %dma_wait3A_1630 = tpu.memref_slice %arg7[%dma_wait3A_1628, %dma_wait3A_1629] : memref<1664x16xf32, #tpu.memory_space<vmem>> -> memref<128x16xf32, #tpu.memory_space<vmem>>
    %dma_wait3A_1631 = arith.constant 0 : i32
    %dma_wait3A_1632 = tpu.memref_slice %arg5[%dma_wait3A_1627, %dma_wait3A_1631] : memref<104x128xi32, #tpu.memory_space<vmem>> -> memref<1x128xi32, #tpu.memory_space<vmem>>
    %dma_wait3A_1633 = tpu.memref_squeeze %dma_wait3A_1632 : memref<1x128xi32, #tpu.memory_space<vmem>> -> memref<128xi32, #tpu.memory_space<vmem>>
    %dma_wait3A_1634 = arith.constant 0 : i32
    %dma_wait3A_1635 = arith.constant 0 : i32
    %dma_wait3A_1636 = tpu.memref_slice %arg3[%dma_wait3A_1634, %dma_wait3A_1635] : memref<1000001x16xf32, #tpu.memory_space<hbm>> -> memref<1000001x16xf32, #tpu.memory_space<hbm>>
    tpu.wait_indirect_dma semaphore(%arg9 : memref<!tpu.dma_semaphore, #tpu.memory_space<semaphore_mem>>) src(%dma_wait3A_1636 : memref<1000001x16xf32, #tpu.memory_space<hbm>>) dst(%dma_wait3A_1630 : memref<128x16xf32, #tpu.memory_space<vmem>>)
    %dma_wait3A_1637 = arith.constant 75 : i32
    %dma_wait3A_1638 = arith.constant 1280 : i32
    %dma_wait3A_1639 = arith.constant 0 : i32
    %dma_wait3A_1640 = tpu.memref_slice %arg7[%dma_wait3A_1638, %dma_wait3A_1639] : memref<1664x16xf32, #tpu.memory_space<vmem>> -> memref<128x16xf32, #tpu.memory_space<vmem>>
    %dma_wait3A_1641 = arith.constant 0 : i32
    %dma_wait3A_1642 = tpu.memref_slice %arg5[%dma_wait3A_1637, %dma_wait3A_1641] : memref<104x128xi32, #tpu.memory_space<vmem>> -> memref<1x128xi32, #tpu.memory_space<vmem>>
    %dma_wait3A_1643 = tpu.memref_squeeze %dma_wait3A_1642 : memref<1x128xi32, #tpu.memory_space<vmem>> -> memref<128xi32, #tpu.memory_space<vmem>>
    %dma_wait3A_1644 = arith.constant 0 : i32
    %dma_wait3A_1645 = arith.constant 0 : i32
    %dma_wait3A_1646 = tpu.memref_slice %arg3[%dma_wait3A_1644, %dma_wait3A_1645] : memref<1000001x16xf32, #tpu.memory_space<hbm>> -> memref<1000001x16xf32, #tpu.memory_space<hbm>>
    tpu.wait_indirect_dma semaphore(%arg9 : memref<!tpu.dma_semaphore, #tpu.memory_space<semaphore_mem>>) src(%dma_wait3A_1646 : memref<1000001x16xf32, #tpu.memory_space<hbm>>) dst(%dma_wait3A_1640 : memref<128x16xf32, #tpu.memory_space<vmem>>)
    %dma_wait3A_1647 = arith.constant 76 : i32
    %dma_wait3A_1648 = arith.constant 1408 : i32
    %dma_wait3A_1649 = arith.constant 0 : i32
    %dma_wait3A_1650 = tpu.memref_slice %arg7[%dma_wait3A_1648, %dma_wait3A_1649] : memref<1664x16xf32, #tpu.memory_space<vmem>> -> memref<128x16xf32, #tpu.memory_space<vmem>>
    %dma_wait3A_1651 = arith.constant 0 : i32
    %dma_wait3A_1652 = tpu.memref_slice %arg5[%dma_wait3A_1647, %dma_wait3A_1651] : memref<104x128xi32, #tpu.memory_space<vmem>> -> memref<1x128xi32, #tpu.memory_space<vmem>>
    %dma_wait3A_1653 = tpu.memref_squeeze %dma_wait3A_1652 : memref<1x128xi32, #tpu.memory_space<vmem>> -> memref<128xi32, #tpu.memory_space<vmem>>
    %dma_wait3A_1654 = arith.constant 0 : i32
    %dma_wait3A_1655 = arith.constant 0 : i32
    %dma_wait3A_1656 = tpu.memref_slice %arg3[%dma_wait3A_1654, %dma_wait3A_1655] : memref<1000001x16xf32, #tpu.memory_space<hbm>> -> memref<1000001x16xf32, #tpu.memory_space<hbm>>
    tpu.wait_indirect_dma semaphore(%arg9 : memref<!tpu.dma_semaphore, #tpu.memory_space<semaphore_mem>>) src(%dma_wait3A_1656 : memref<1000001x16xf32, #tpu.memory_space<hbm>>) dst(%dma_wait3A_1650 : memref<128x16xf32, #tpu.memory_space<vmem>>)
    %dma_wait3A_1657 = arith.constant 77 : i32
    %dma_wait3A_1658 = arith.constant 1536 : i32
    %dma_wait3A_1659 = arith.constant 0 : i32
    %dma_wait3A_1660 = tpu.memref_slice %arg7[%dma_wait3A_1658, %dma_wait3A_1659] : memref<1664x16xf32, #tpu.memory_space<vmem>> -> memref<128x16xf32, #tpu.memory_space<vmem>>
    %dma_wait3A_1661 = arith.constant 0 : i32
    %dma_wait3A_1662 = tpu.memref_slice %arg5[%dma_wait3A_1657, %dma_wait3A_1661] : memref<104x128xi32, #tpu.memory_space<vmem>> -> memref<1x128xi32, #tpu.memory_space<vmem>>
    %dma_wait3A_1663 = tpu.memref_squeeze %dma_wait3A_1662 : memref<1x128xi32, #tpu.memory_space<vmem>> -> memref<128xi32, #tpu.memory_space<vmem>>
    %dma_wait3A_1664 = arith.constant 0 : i32
    %dma_wait3A_1665 = arith.constant 0 : i32
    %dma_wait3A_1666 = tpu.memref_slice %arg3[%dma_wait3A_1664, %dma_wait3A_1665] : memref<1000001x16xf32, #tpu.memory_space<hbm>> -> memref<1000001x16xf32, #tpu.memory_space<hbm>>
    tpu.wait_indirect_dma semaphore(%arg9 : memref<!tpu.dma_semaphore, #tpu.memory_space<semaphore_mem>>) src(%dma_wait3A_1666 : memref<1000001x16xf32, #tpu.memory_space<hbm>>) dst(%dma_wait3A_1660 : memref<128x16xf32, #tpu.memory_space<vmem>>)
    %mul3A_1667 = arith.constant 8 : i32
    %mul3A_1668 = arith.muli %add3A, %mul3A_1667 : i32
    %add3A_1669 = arith.constant 5 : i32
    %add3A_1670 = arith.addi %mul3A_1668, %add3A_1669 : i32
    %mul3A_1671 = arith.constant 13 : i32
    %mul3A_1672 = arith.muli %add3A_1670, %mul3A_1671 : i32
    %mul3A_1673 = arith.constant 128 : i32
    %mul3A_1674 = arith.muli %mul3A_1672, %mul3A_1673 : i32
    %dma_start3A_1675 = arith.constant 0 : i32
    %dma_start3A_1676 = tpu.memref_slice %arg4[%mul3A_1674, %dma_start3A_1675] : memref<425984x16xf32, #tpu.memory_space<hbm>> -> memref<1664x16xf32, #tpu.memory_space<hbm>>
    %dma_start3A_1677 = arith.constant 0 : i32
    %dma_start3A_1678 = tpu.memref_slice %arg4[%mul3A_1674, %dma_start3A_1677] : memref<425984x16xf32, #tpu.memory_space<hbm>> -> memref<1664x16xf32, #tpu.memory_space<hbm>>
    tpu.enqueue_dma source(%arg7 : memref<1664x16xf32, #tpu.memory_space<vmem>>) target(%dma_start3A_1678 : memref<1664x16xf32, #tpu.memory_space<hbm>>) target_semaphore(%arg11 : memref<!tpu.dma_semaphore, #tpu.memory_space<semaphore_mem>>)
    %mul3A_1679 = arith.constant 8 : i32
    %mul3A_1680 = arith.muli %add3A, %mul3A_1679 : i32
    %add3A_1681 = arith.constant 4 : i32
    %add3A_1682 = arith.addi %mul3A_1680, %add3A_1681 : i32
    %mul3A_1683 = arith.constant 13 : i32
    %mul3A_1684 = arith.muli %add3A_1682, %mul3A_1683 : i32
    %mul3A_1685 = arith.constant 128 : i32
    %mul3A_1686 = arith.muli %mul3A_1684, %mul3A_1685 : i32
    %dma_wait3A_1687 = arith.constant 0 : i32
    %dma_wait3A_1688 = tpu.memref_slice %arg4[%mul3A_1686, %dma_wait3A_1687] : memref<425984x16xf32, #tpu.memory_space<hbm>> -> memref<1664x16xf32, #tpu.memory_space<hbm>>
    %dma_wait3A_1689 = arith.constant 0 : i32
    %dma_wait3A_1690 = tpu.memref_slice %arg4[%mul3A_1686, %dma_wait3A_1689] : memref<425984x16xf32, #tpu.memory_space<hbm>> -> memref<1664x16xf32, #tpu.memory_space<hbm>>
    tpu.wait_dma2 semaphore(%arg10 : memref<!tpu.dma_semaphore, #tpu.memory_space<semaphore_mem>>) src(%arg6 : memref<1664x16xf32, #tpu.memory_space<vmem>>) dst(%dma_wait3A_1690 : memref<1664x16xf32, #tpu.memory_space<hbm>>)
    %dma_start3A_1691 = arith.constant 78 : i32
    %dma_start3A_1692 = arith.constant 0 : i32
    %dma_start3A_1693 = arith.constant 0 : i32
    %dma_start3A_1694 = tpu.memref_slice %arg6[%dma_start3A_1692, %dma_start3A_1693] : memref<1664x16xf32, #tpu.memory_space<vmem>> -> memref<128x16xf32, #tpu.memory_space<vmem>>
    %dma_start3A_1695 = arith.constant 0 : i32
    %dma_start3A_1696 = tpu.memref_slice %arg5[%dma_start3A_1691, %dma_start3A_1695] : memref<104x128xi32, #tpu.memory_space<vmem>> -> memref<1x128xi32, #tpu.memory_space<vmem>>
    %dma_start3A_1697 = tpu.memref_squeeze %dma_start3A_1696 : memref<1x128xi32, #tpu.memory_space<vmem>> -> memref<128xi32, #tpu.memory_space<vmem>>
    %dma_start3A_1698 = arith.constant 0 : i32
    %dma_start3A_1699 = arith.constant 0 : i32
    %dma_start3A_1700 = tpu.memref_slice %arg3[%dma_start3A_1698, %dma_start3A_1699] : memref<1000001x16xf32, #tpu.memory_space<hbm>> -> memref<1000001x16xf32, #tpu.memory_space<hbm>>
    tpu.enqueue_indirect_dma source(%dma_start3A_1700 : memref<1000001x16xf32, #tpu.memory_space<hbm>>) target(%dma_start3A_1694 : memref<128x16xf32, #tpu.memory_space<vmem>>) offsets(%dma_start3A_1697 : memref<128xi32, #tpu.memory_space<vmem>>) semaphore(%arg8 : memref<!tpu.dma_semaphore, #tpu.memory_space<semaphore_mem>>)
    %dma_start3A_1701 = arith.constant 79 : i32
    %dma_start3A_1702 = arith.constant 128 : i32
    %dma_start3A_1703 = arith.constant 0 : i32
    %dma_start3A_1704 = tpu.memref_slice %arg6[%dma_start3A_1702, %dma_start3A_1703] : memref<1664x16xf32, #tpu.memory_space<vmem>> -> memref<128x16xf32, #tpu.memory_space<vmem>>
    %dma_start3A_1705 = arith.constant 0 : i32
    %dma_start3A_1706 = tpu.memref_slice %arg5[%dma_start3A_1701, %dma_start3A_1705] : memref<104x128xi32, #tpu.memory_space<vmem>> -> memref<1x128xi32, #tpu.memory_space<vmem>>
    %dma_start3A_1707 = tpu.memref_squeeze %dma_start3A_1706 : memref<1x128xi32, #tpu.memory_space<vmem>> -> memref<128xi32, #tpu.memory_space<vmem>>
    %dma_start3A_1708 = arith.constant 0 : i32
    %dma_start3A_1709 = arith.constant 0 : i32
    %dma_start3A_1710 = tpu.memref_slice %arg3[%dma_start3A_1708, %dma_start3A_1709] : memref<1000001x16xf32, #tpu.memory_space<hbm>> -> memref<1000001x16xf32, #tpu.memory_space<hbm>>
    tpu.enqueue_indirect_dma source(%dma_start3A_1710 : memref<1000001x16xf32, #tpu.memory_space<hbm>>) target(%dma_start3A_1704 : memref<128x16xf32, #tpu.memory_space<vmem>>) offsets(%dma_start3A_1707 : memref<128xi32, #tpu.memory_space<vmem>>) semaphore(%arg8 : memref<!tpu.dma_semaphore, #tpu.memory_space<semaphore_mem>>)
    %dma_start3A_1711 = arith.constant 80 : i32
    %dma_start3A_1712 = arith.constant 256 : i32
    %dma_start3A_1713 = arith.constant 0 : i32
    %dma_start3A_1714 = tpu.memref_slice %arg6[%dma_start3A_1712, %dma_start3A_1713] : memref<1664x16xf32, #tpu.memory_space<vmem>> -> memref<128x16xf32, #tpu.memory_space<vmem>>
    %dma_start3A_1715 = arith.constant 0 : i32
    %dma_start3A_1716 = tpu.memref_slice %arg5[%dma_start3A_1711, %dma_start3A_1715] : memref<104x128xi32, #tpu.memory_space<vmem>> -> memref<1x128xi32, #tpu.memory_space<vmem>>
    %dma_start3A_1717 = tpu.memref_squeeze %dma_start3A_1716 : memref<1x128xi32, #tpu.memory_space<vmem>> -> memref<128xi32, #tpu.memory_space<vmem>>
    %dma_start3A_1718 = arith.constant 0 : i32
    %dma_start3A_1719 = arith.constant 0 : i32
    %dma_start3A_1720 = tpu.memref_slice %arg3[%dma_start3A_1718, %dma_start3A_1719] : memref<1000001x16xf32, #tpu.memory_space<hbm>> -> memref<1000001x16xf32, #tpu.memory_space<hbm>>
    tpu.enqueue_indirect_dma source(%dma_start3A_1720 : memref<1000001x16xf32, #tpu.memory_space<hbm>>) target(%dma_start3A_1714 : memref<128x16xf32, #tpu.memory_space<vmem>>) offsets(%dma_start3A_1717 : memref<128xi32, #tpu.memory_space<vmem>>) semaphore(%arg8 : memref<!tpu.dma_semaphore, #tpu.memory_space<semaphore_mem>>)
    %dma_start3A_1721 = arith.constant 81 : i32
    %dma_start3A_1722 = arith.constant 384 : i32
    %dma_start3A_1723 = arith.constant 0 : i32
    %dma_start3A_1724 = tpu.memref_slice %arg6[%dma_start3A_1722, %dma_start3A_1723] : memref<1664x16xf32, #tpu.memory_space<vmem>> -> memref<128x16xf32, #tpu.memory_space<vmem>>
    %dma_start3A_1725 = arith.constant 0 : i32
    %dma_start3A_1726 = tpu.memref_slice %arg5[%dma_start3A_1721, %dma_start3A_1725] : memref<104x128xi32, #tpu.memory_space<vmem>> -> memref<1x128xi32, #tpu.memory_space<vmem>>
    %dma_start3A_1727 = tpu.memref_squeeze %dma_start3A_1726 : memref<1x128xi32, #tpu.memory_space<vmem>> -> memref<128xi32, #tpu.memory_space<vmem>>
    %dma_start3A_1728 = arith.constant 0 : i32
    %dma_start3A_1729 = arith.constant 0 : i32
    %dma_start3A_1730 = tpu.memref_slice %arg3[%dma_start3A_1728, %dma_start3A_1729] : memref<1000001x16xf32, #tpu.memory_space<hbm>> -> memref<1000001x16xf32, #tpu.memory_space<hbm>>
    tpu.enqueue_indirect_dma source(%dma_start3A_1730 : memref<1000001x16xf32, #tpu.memory_space<hbm>>) target(%dma_start3A_1724 : memref<128x16xf32, #tpu.memory_space<vmem>>) offsets(%dma_start3A_1727 : memref<128xi32, #tpu.memory_space<vmem>>) semaphore(%arg8 : memref<!tpu.dma_semaphore, #tpu.memory_space<semaphore_mem>>)
    %dma_start3A_1731 = arith.constant 82 : i32
    %dma_start3A_1732 = arith.constant 512 : i32
    %dma_start3A_1733 = arith.constant 0 : i32
    %dma_start3A_1734 = tpu.memref_slice %arg6[%dma_start3A_1732, %dma_start3A_1733] : memref<1664x16xf32, #tpu.memory_space<vmem>> -> memref<128x16xf32, #tpu.memory_space<vmem>>
    %dma_start3A_1735 = arith.constant 0 : i32
    %dma_start3A_1736 = tpu.memref_slice %arg5[%dma_start3A_1731, %dma_start3A_1735] : memref<104x128xi32, #tpu.memory_space<vmem>> -> memref<1x128xi32, #tpu.memory_space<vmem>>
    %dma_start3A_1737 = tpu.memref_squeeze %dma_start3A_1736 : memref<1x128xi32, #tpu.memory_space<vmem>> -> memref<128xi32, #tpu.memory_space<vmem>>
    %dma_start3A_1738 = arith.constant 0 : i32
    %dma_start3A_1739 = arith.constant 0 : i32
    %dma_start3A_1740 = tpu.memref_slice %arg3[%dma_start3A_1738, %dma_start3A_1739] : memref<1000001x16xf32, #tpu.memory_space<hbm>> -> memref<1000001x16xf32, #tpu.memory_space<hbm>>
    tpu.enqueue_indirect_dma source(%dma_start3A_1740 : memref<1000001x16xf32, #tpu.memory_space<hbm>>) target(%dma_start3A_1734 : memref<128x16xf32, #tpu.memory_space<vmem>>) offsets(%dma_start3A_1737 : memref<128xi32, #tpu.memory_space<vmem>>) semaphore(%arg8 : memref<!tpu.dma_semaphore, #tpu.memory_space<semaphore_mem>>)
    %dma_start3A_1741 = arith.constant 83 : i32
    %dma_start3A_1742 = arith.constant 640 : i32
    %dma_start3A_1743 = arith.constant 0 : i32
    %dma_start3A_1744 = tpu.memref_slice %arg6[%dma_start3A_1742, %dma_start3A_1743] : memref<1664x16xf32, #tpu.memory_space<vmem>> -> memref<128x16xf32, #tpu.memory_space<vmem>>
    %dma_start3A_1745 = arith.constant 0 : i32
    %dma_start3A_1746 = tpu.memref_slice %arg5[%dma_start3A_1741, %dma_start3A_1745] : memref<104x128xi32, #tpu.memory_space<vmem>> -> memref<1x128xi32, #tpu.memory_space<vmem>>
    %dma_start3A_1747 = tpu.memref_squeeze %dma_start3A_1746 : memref<1x128xi32, #tpu.memory_space<vmem>> -> memref<128xi32, #tpu.memory_space<vmem>>
    %dma_start3A_1748 = arith.constant 0 : i32
    %dma_start3A_1749 = arith.constant 0 : i32
    %dma_start3A_1750 = tpu.memref_slice %arg3[%dma_start3A_1748, %dma_start3A_1749] : memref<1000001x16xf32, #tpu.memory_space<hbm>> -> memref<1000001x16xf32, #tpu.memory_space<hbm>>
    tpu.enqueue_indirect_dma source(%dma_start3A_1750 : memref<1000001x16xf32, #tpu.memory_space<hbm>>) target(%dma_start3A_1744 : memref<128x16xf32, #tpu.memory_space<vmem>>) offsets(%dma_start3A_1747 : memref<128xi32, #tpu.memory_space<vmem>>) semaphore(%arg8 : memref<!tpu.dma_semaphore, #tpu.memory_space<semaphore_mem>>)
    %dma_start3A_1751 = arith.constant 84 : i32
    %dma_start3A_1752 = arith.constant 768 : i32
    %dma_start3A_1753 = arith.constant 0 : i32
    %dma_start3A_1754 = tpu.memref_slice %arg6[%dma_start3A_1752, %dma_start3A_1753] : memref<1664x16xf32, #tpu.memory_space<vmem>> -> memref<128x16xf32, #tpu.memory_space<vmem>>
    %dma_start3A_1755 = arith.constant 0 : i32
    %dma_start3A_1756 = tpu.memref_slice %arg5[%dma_start3A_1751, %dma_start3A_1755] : memref<104x128xi32, #tpu.memory_space<vmem>> -> memref<1x128xi32, #tpu.memory_space<vmem>>
    %dma_start3A_1757 = tpu.memref_squeeze %dma_start3A_1756 : memref<1x128xi32, #tpu.memory_space<vmem>> -> memref<128xi32, #tpu.memory_space<vmem>>
    %dma_start3A_1758 = arith.constant 0 : i32
    %dma_start3A_1759 = arith.constant 0 : i32
    %dma_start3A_1760 = tpu.memref_slice %arg3[%dma_start3A_1758, %dma_start3A_1759] : memref<1000001x16xf32, #tpu.memory_space<hbm>> -> memref<1000001x16xf32, #tpu.memory_space<hbm>>
    tpu.enqueue_indirect_dma source(%dma_start3A_1760 : memref<1000001x16xf32, #tpu.memory_space<hbm>>) target(%dma_start3A_1754 : memref<128x16xf32, #tpu.memory_space<vmem>>) offsets(%dma_start3A_1757 : memref<128xi32, #tpu.memory_space<vmem>>) semaphore(%arg8 : memref<!tpu.dma_semaphore, #tpu.memory_space<semaphore_mem>>)
    %dma_start3A_1761 = arith.constant 85 : i32
    %dma_start3A_1762 = arith.constant 896 : i32
    %dma_start3A_1763 = arith.constant 0 : i32
    %dma_start3A_1764 = tpu.memref_slice %arg6[%dma_start3A_1762, %dma_start3A_1763] : memref<1664x16xf32, #tpu.memory_space<vmem>> -> memref<128x16xf32, #tpu.memory_space<vmem>>
    %dma_start3A_1765 = arith.constant 0 : i32
    %dma_start3A_1766 = tpu.memref_slice %arg5[%dma_start3A_1761, %dma_start3A_1765] : memref<104x128xi32, #tpu.memory_space<vmem>> -> memref<1x128xi32, #tpu.memory_space<vmem>>
    %dma_start3A_1767 = tpu.memref_squeeze %dma_start3A_1766 : memref<1x128xi32, #tpu.memory_space<vmem>> -> memref<128xi32, #tpu.memory_space<vmem>>
    %dma_start3A_1768 = arith.constant 0 : i32
    %dma_start3A_1769 = arith.constant 0 : i32
    %dma_start3A_1770 = tpu.memref_slice %arg3[%dma_start3A_1768, %dma_start3A_1769] : memref<1000001x16xf32, #tpu.memory_space<hbm>> -> memref<1000001x16xf32, #tpu.memory_space<hbm>>
    tpu.enqueue_indirect_dma source(%dma_start3A_1770 : memref<1000001x16xf32, #tpu.memory_space<hbm>>) target(%dma_start3A_1764 : memref<128x16xf32, #tpu.memory_space<vmem>>) offsets(%dma_start3A_1767 : memref<128xi32, #tpu.memory_space<vmem>>) semaphore(%arg8 : memref<!tpu.dma_semaphore, #tpu.memory_space<semaphore_mem>>)
    %dma_start3A_1771 = arith.constant 86 : i32
    %dma_start3A_1772 = arith.constant 1024 : i32
    %dma_start3A_1773 = arith.constant 0 : i32
    %dma_start3A_1774 = tpu.memref_slice %arg6[%dma_start3A_1772, %dma_start3A_1773] : memref<1664x16xf32, #tpu.memory_space<vmem>> -> memref<128x16xf32, #tpu.memory_space<vmem>>
    %dma_start3A_1775 = arith.constant 0 : i32
    %dma_start3A_1776 = tpu.memref_slice %arg5[%dma_start3A_1771, %dma_start3A_1775] : memref<104x128xi32, #tpu.memory_space<vmem>> -> memref<1x128xi32, #tpu.memory_space<vmem>>
    %dma_start3A_1777 = tpu.memref_squeeze %dma_start3A_1776 : memref<1x128xi32, #tpu.memory_space<vmem>> -> memref<128xi32, #tpu.memory_space<vmem>>
    %dma_start3A_1778 = arith.constant 0 : i32
    %dma_start3A_1779 = arith.constant 0 : i32
    %dma_start3A_1780 = tpu.memref_slice %arg3[%dma_start3A_1778, %dma_start3A_1779] : memref<1000001x16xf32, #tpu.memory_space<hbm>> -> memref<1000001x16xf32, #tpu.memory_space<hbm>>
    tpu.enqueue_indirect_dma source(%dma_start3A_1780 : memref<1000001x16xf32, #tpu.memory_space<hbm>>) target(%dma_start3A_1774 : memref<128x16xf32, #tpu.memory_space<vmem>>) offsets(%dma_start3A_1777 : memref<128xi32, #tpu.memory_space<vmem>>) semaphore(%arg8 : memref<!tpu.dma_semaphore, #tpu.memory_space<semaphore_mem>>)
    %dma_start3A_1781 = arith.constant 87 : i32
    %dma_start3A_1782 = arith.constant 1152 : i32
    %dma_start3A_1783 = arith.constant 0 : i32
    %dma_start3A_1784 = tpu.memref_slice %arg6[%dma_start3A_1782, %dma_start3A_1783] : memref<1664x16xf32, #tpu.memory_space<vmem>> -> memref<128x16xf32, #tpu.memory_space<vmem>>
    %dma_start3A_1785 = arith.constant 0 : i32
    %dma_start3A_1786 = tpu.memref_slice %arg5[%dma_start3A_1781, %dma_start3A_1785] : memref<104x128xi32, #tpu.memory_space<vmem>> -> memref<1x128xi32, #tpu.memory_space<vmem>>
    %dma_start3A_1787 = tpu.memref_squeeze %dma_start3A_1786 : memref<1x128xi32, #tpu.memory_space<vmem>> -> memref<128xi32, #tpu.memory_space<vmem>>
    %dma_start3A_1788 = arith.constant 0 : i32
    %dma_start3A_1789 = arith.constant 0 : i32
    %dma_start3A_1790 = tpu.memref_slice %arg3[%dma_start3A_1788, %dma_start3A_1789] : memref<1000001x16xf32, #tpu.memory_space<hbm>> -> memref<1000001x16xf32, #tpu.memory_space<hbm>>
    tpu.enqueue_indirect_dma source(%dma_start3A_1790 : memref<1000001x16xf32, #tpu.memory_space<hbm>>) target(%dma_start3A_1784 : memref<128x16xf32, #tpu.memory_space<vmem>>) offsets(%dma_start3A_1787 : memref<128xi32, #tpu.memory_space<vmem>>) semaphore(%arg8 : memref<!tpu.dma_semaphore, #tpu.memory_space<semaphore_mem>>)
    %dma_start3A_1791 = arith.constant 88 : i32
    %dma_start3A_1792 = arith.constant 1280 : i32
    %dma_start3A_1793 = arith.constant 0 : i32
    %dma_start3A_1794 = tpu.memref_slice %arg6[%dma_start3A_1792, %dma_start3A_1793] : memref<1664x16xf32, #tpu.memory_space<vmem>> -> memref<128x16xf32, #tpu.memory_space<vmem>>
    %dma_start3A_1795 = arith.constant 0 : i32
    %dma_start3A_1796 = tpu.memref_slice %arg5[%dma_start3A_1791, %dma_start3A_1795] : memref<104x128xi32, #tpu.memory_space<vmem>> -> memref<1x128xi32, #tpu.memory_space<vmem>>
    %dma_start3A_1797 = tpu.memref_squeeze %dma_start3A_1796 : memref<1x128xi32, #tpu.memory_space<vmem>> -> memref<128xi32, #tpu.memory_space<vmem>>
    %dma_start3A_1798 = arith.constant 0 : i32
    %dma_start3A_1799 = arith.constant 0 : i32
    %dma_start3A_1800 = tpu.memref_slice %arg3[%dma_start3A_1798, %dma_start3A_1799] : memref<1000001x16xf32, #tpu.memory_space<hbm>> -> memref<1000001x16xf32, #tpu.memory_space<hbm>>
    tpu.enqueue_indirect_dma source(%dma_start3A_1800 : memref<1000001x16xf32, #tpu.memory_space<hbm>>) target(%dma_start3A_1794 : memref<128x16xf32, #tpu.memory_space<vmem>>) offsets(%dma_start3A_1797 : memref<128xi32, #tpu.memory_space<vmem>>) semaphore(%arg8 : memref<!tpu.dma_semaphore, #tpu.memory_space<semaphore_mem>>)
    %dma_start3A_1801 = arith.constant 89 : i32
    %dma_start3A_1802 = arith.constant 1408 : i32
    %dma_start3A_1803 = arith.constant 0 : i32
    %dma_start3A_1804 = tpu.memref_slice %arg6[%dma_start3A_1802, %dma_start3A_1803] : memref<1664x16xf32, #tpu.memory_space<vmem>> -> memref<128x16xf32, #tpu.memory_space<vmem>>
    %dma_start3A_1805 = arith.constant 0 : i32
    %dma_start3A_1806 = tpu.memref_slice %arg5[%dma_start3A_1801, %dma_start3A_1805] : memref<104x128xi32, #tpu.memory_space<vmem>> -> memref<1x128xi32, #tpu.memory_space<vmem>>
    %dma_start3A_1807 = tpu.memref_squeeze %dma_start3A_1806 : memref<1x128xi32, #tpu.memory_space<vmem>> -> memref<128xi32, #tpu.memory_space<vmem>>
    %dma_start3A_1808 = arith.constant 0 : i32
    %dma_start3A_1809 = arith.constant 0 : i32
    %dma_start3A_1810 = tpu.memref_slice %arg3[%dma_start3A_1808, %dma_start3A_1809] : memref<1000001x16xf32, #tpu.memory_space<hbm>> -> memref<1000001x16xf32, #tpu.memory_space<hbm>>
    tpu.enqueue_indirect_dma source(%dma_start3A_1810 : memref<1000001x16xf32, #tpu.memory_space<hbm>>) target(%dma_start3A_1804 : memref<128x16xf32, #tpu.memory_space<vmem>>) offsets(%dma_start3A_1807 : memref<128xi32, #tpu.memory_space<vmem>>) semaphore(%arg8 : memref<!tpu.dma_semaphore, #tpu.memory_space<semaphore_mem>>)
    %dma_start3A_1811 = arith.constant 90 : i32
    %dma_start3A_1812 = arith.constant 1536 : i32
    %dma_start3A_1813 = arith.constant 0 : i32
    %dma_start3A_1814 = tpu.memref_slice %arg6[%dma_start3A_1812, %dma_start3A_1813] : memref<1664x16xf32, #tpu.memory_space<vmem>> -> memref<128x16xf32, #tpu.memory_space<vmem>>
    %dma_start3A_1815 = arith.constant 0 : i32
    %dma_start3A_1816 = tpu.memref_slice %arg5[%dma_start3A_1811, %dma_start3A_1815] : memref<104x128xi32, #tpu.memory_space<vmem>> -> memref<1x128xi32, #tpu.memory_space<vmem>>
    %dma_start3A_1817 = tpu.memref_squeeze %dma_start3A_1816 : memref<1x128xi32, #tpu.memory_space<vmem>> -> memref<128xi32, #tpu.memory_space<vmem>>
    %dma_start3A_1818 = arith.constant 0 : i32
    %dma_start3A_1819 = arith.constant 0 : i32
    %dma_start3A_1820 = tpu.memref_slice %arg3[%dma_start3A_1818, %dma_start3A_1819] : memref<1000001x16xf32, #tpu.memory_space<hbm>> -> memref<1000001x16xf32, #tpu.memory_space<hbm>>
    tpu.enqueue_indirect_dma source(%dma_start3A_1820 : memref<1000001x16xf32, #tpu.memory_space<hbm>>) target(%dma_start3A_1814 : memref<128x16xf32, #tpu.memory_space<vmem>>) offsets(%dma_start3A_1817 : memref<128xi32, #tpu.memory_space<vmem>>) semaphore(%arg8 : memref<!tpu.dma_semaphore, #tpu.memory_space<semaphore_mem>>)
    %dma_wait3A_1821 = arith.constant 78 : i32
    %dma_wait3A_1822 = arith.constant 0 : i32
    %dma_wait3A_1823 = arith.constant 0 : i32
    %dma_wait3A_1824 = tpu.memref_slice %arg6[%dma_wait3A_1822, %dma_wait3A_1823] : memref<1664x16xf32, #tpu.memory_space<vmem>> -> memref<128x16xf32, #tpu.memory_space<vmem>>
    %dma_wait3A_1825 = arith.constant 0 : i32
    %dma_wait3A_1826 = tpu.memref_slice %arg5[%dma_wait3A_1821, %dma_wait3A_1825] : memref<104x128xi32, #tpu.memory_space<vmem>> -> memref<1x128xi32, #tpu.memory_space<vmem>>
    %dma_wait3A_1827 = tpu.memref_squeeze %dma_wait3A_1826 : memref<1x128xi32, #tpu.memory_space<vmem>> -> memref<128xi32, #tpu.memory_space<vmem>>
    %dma_wait3A_1828 = arith.constant 0 : i32
    %dma_wait3A_1829 = arith.constant 0 : i32
    %dma_wait3A_1830 = tpu.memref_slice %arg3[%dma_wait3A_1828, %dma_wait3A_1829] : memref<1000001x16xf32, #tpu.memory_space<hbm>> -> memref<1000001x16xf32, #tpu.memory_space<hbm>>
    tpu.wait_indirect_dma semaphore(%arg8 : memref<!tpu.dma_semaphore, #tpu.memory_space<semaphore_mem>>) src(%dma_wait3A_1830 : memref<1000001x16xf32, #tpu.memory_space<hbm>>) dst(%dma_wait3A_1824 : memref<128x16xf32, #tpu.memory_space<vmem>>)
    %dma_wait3A_1831 = arith.constant 79 : i32
    %dma_wait3A_1832 = arith.constant 128 : i32
    %dma_wait3A_1833 = arith.constant 0 : i32
    %dma_wait3A_1834 = tpu.memref_slice %arg6[%dma_wait3A_1832, %dma_wait3A_1833] : memref<1664x16xf32, #tpu.memory_space<vmem>> -> memref<128x16xf32, #tpu.memory_space<vmem>>
    %dma_wait3A_1835 = arith.constant 0 : i32
    %dma_wait3A_1836 = tpu.memref_slice %arg5[%dma_wait3A_1831, %dma_wait3A_1835] : memref<104x128xi32, #tpu.memory_space<vmem>> -> memref<1x128xi32, #tpu.memory_space<vmem>>
    %dma_wait3A_1837 = tpu.memref_squeeze %dma_wait3A_1836 : memref<1x128xi32, #tpu.memory_space<vmem>> -> memref<128xi32, #tpu.memory_space<vmem>>
    %dma_wait3A_1838 = arith.constant 0 : i32
    %dma_wait3A_1839 = arith.constant 0 : i32
    %dma_wait3A_1840 = tpu.memref_slice %arg3[%dma_wait3A_1838, %dma_wait3A_1839] : memref<1000001x16xf32, #tpu.memory_space<hbm>> -> memref<1000001x16xf32, #tpu.memory_space<hbm>>
    tpu.wait_indirect_dma semaphore(%arg8 : memref<!tpu.dma_semaphore, #tpu.memory_space<semaphore_mem>>) src(%dma_wait3A_1840 : memref<1000001x16xf32, #tpu.memory_space<hbm>>) dst(%dma_wait3A_1834 : memref<128x16xf32, #tpu.memory_space<vmem>>)
    %dma_wait3A_1841 = arith.constant 80 : i32
    %dma_wait3A_1842 = arith.constant 256 : i32
    %dma_wait3A_1843 = arith.constant 0 : i32
    %dma_wait3A_1844 = tpu.memref_slice %arg6[%dma_wait3A_1842, %dma_wait3A_1843] : memref<1664x16xf32, #tpu.memory_space<vmem>> -> memref<128x16xf32, #tpu.memory_space<vmem>>
    %dma_wait3A_1845 = arith.constant 0 : i32
    %dma_wait3A_1846 = tpu.memref_slice %arg5[%dma_wait3A_1841, %dma_wait3A_1845] : memref<104x128xi32, #tpu.memory_space<vmem>> -> memref<1x128xi32, #tpu.memory_space<vmem>>
    %dma_wait3A_1847 = tpu.memref_squeeze %dma_wait3A_1846 : memref<1x128xi32, #tpu.memory_space<vmem>> -> memref<128xi32, #tpu.memory_space<vmem>>
    %dma_wait3A_1848 = arith.constant 0 : i32
    %dma_wait3A_1849 = arith.constant 0 : i32
    %dma_wait3A_1850 = tpu.memref_slice %arg3[%dma_wait3A_1848, %dma_wait3A_1849] : memref<1000001x16xf32, #tpu.memory_space<hbm>> -> memref<1000001x16xf32, #tpu.memory_space<hbm>>
    tpu.wait_indirect_dma semaphore(%arg8 : memref<!tpu.dma_semaphore, #tpu.memory_space<semaphore_mem>>) src(%dma_wait3A_1850 : memref<1000001x16xf32, #tpu.memory_space<hbm>>) dst(%dma_wait3A_1844 : memref<128x16xf32, #tpu.memory_space<vmem>>)
    %dma_wait3A_1851 = arith.constant 81 : i32
    %dma_wait3A_1852 = arith.constant 384 : i32
    %dma_wait3A_1853 = arith.constant 0 : i32
    %dma_wait3A_1854 = tpu.memref_slice %arg6[%dma_wait3A_1852, %dma_wait3A_1853] : memref<1664x16xf32, #tpu.memory_space<vmem>> -> memref<128x16xf32, #tpu.memory_space<vmem>>
    %dma_wait3A_1855 = arith.constant 0 : i32
    %dma_wait3A_1856 = tpu.memref_slice %arg5[%dma_wait3A_1851, %dma_wait3A_1855] : memref<104x128xi32, #tpu.memory_space<vmem>> -> memref<1x128xi32, #tpu.memory_space<vmem>>
    %dma_wait3A_1857 = tpu.memref_squeeze %dma_wait3A_1856 : memref<1x128xi32, #tpu.memory_space<vmem>> -> memref<128xi32, #tpu.memory_space<vmem>>
    %dma_wait3A_1858 = arith.constant 0 : i32
    %dma_wait3A_1859 = arith.constant 0 : i32
    %dma_wait3A_1860 = tpu.memref_slice %arg3[%dma_wait3A_1858, %dma_wait3A_1859] : memref<1000001x16xf32, #tpu.memory_space<hbm>> -> memref<1000001x16xf32, #tpu.memory_space<hbm>>
    tpu.wait_indirect_dma semaphore(%arg8 : memref<!tpu.dma_semaphore, #tpu.memory_space<semaphore_mem>>) src(%dma_wait3A_1860 : memref<1000001x16xf32, #tpu.memory_space<hbm>>) dst(%dma_wait3A_1854 : memref<128x16xf32, #tpu.memory_space<vmem>>)
    %dma_wait3A_1861 = arith.constant 82 : i32
    %dma_wait3A_1862 = arith.constant 512 : i32
    %dma_wait3A_1863 = arith.constant 0 : i32
    %dma_wait3A_1864 = tpu.memref_slice %arg6[%dma_wait3A_1862, %dma_wait3A_1863] : memref<1664x16xf32, #tpu.memory_space<vmem>> -> memref<128x16xf32, #tpu.memory_space<vmem>>
    %dma_wait3A_1865 = arith.constant 0 : i32
    %dma_wait3A_1866 = tpu.memref_slice %arg5[%dma_wait3A_1861, %dma_wait3A_1865] : memref<104x128xi32, #tpu.memory_space<vmem>> -> memref<1x128xi32, #tpu.memory_space<vmem>>
    %dma_wait3A_1867 = tpu.memref_squeeze %dma_wait3A_1866 : memref<1x128xi32, #tpu.memory_space<vmem>> -> memref<128xi32, #tpu.memory_space<vmem>>
    %dma_wait3A_1868 = arith.constant 0 : i32
    %dma_wait3A_1869 = arith.constant 0 : i32
    %dma_wait3A_1870 = tpu.memref_slice %arg3[%dma_wait3A_1868, %dma_wait3A_1869] : memref<1000001x16xf32, #tpu.memory_space<hbm>> -> memref<1000001x16xf32, #tpu.memory_space<hbm>>
    tpu.wait_indirect_dma semaphore(%arg8 : memref<!tpu.dma_semaphore, #tpu.memory_space<semaphore_mem>>) src(%dma_wait3A_1870 : memref<1000001x16xf32, #tpu.memory_space<hbm>>) dst(%dma_wait3A_1864 : memref<128x16xf32, #tpu.memory_space<vmem>>)
    %dma_wait3A_1871 = arith.constant 83 : i32
    %dma_wait3A_1872 = arith.constant 640 : i32
    %dma_wait3A_1873 = arith.constant 0 : i32
    %dma_wait3A_1874 = tpu.memref_slice %arg6[%dma_wait3A_1872, %dma_wait3A_1873] : memref<1664x16xf32, #tpu.memory_space<vmem>> -> memref<128x16xf32, #tpu.memory_space<vmem>>
    %dma_wait3A_1875 = arith.constant 0 : i32
    %dma_wait3A_1876 = tpu.memref_slice %arg5[%dma_wait3A_1871, %dma_wait3A_1875] : memref<104x128xi32, #tpu.memory_space<vmem>> -> memref<1x128xi32, #tpu.memory_space<vmem>>
    %dma_wait3A_1877 = tpu.memref_squeeze %dma_wait3A_1876 : memref<1x128xi32, #tpu.memory_space<vmem>> -> memref<128xi32, #tpu.memory_space<vmem>>
    %dma_wait3A_1878 = arith.constant 0 : i32
    %dma_wait3A_1879 = arith.constant 0 : i32
    %dma_wait3A_1880 = tpu.memref_slice %arg3[%dma_wait3A_1878, %dma_wait3A_1879] : memref<1000001x16xf32, #tpu.memory_space<hbm>> -> memref<1000001x16xf32, #tpu.memory_space<hbm>>
    tpu.wait_indirect_dma semaphore(%arg8 : memref<!tpu.dma_semaphore, #tpu.memory_space<semaphore_mem>>) src(%dma_wait3A_1880 : memref<1000001x16xf32, #tpu.memory_space<hbm>>) dst(%dma_wait3A_1874 : memref<128x16xf32, #tpu.memory_space<vmem>>)
    %dma_wait3A_1881 = arith.constant 84 : i32
    %dma_wait3A_1882 = arith.constant 768 : i32
    %dma_wait3A_1883 = arith.constant 0 : i32
    %dma_wait3A_1884 = tpu.memref_slice %arg6[%dma_wait3A_1882, %dma_wait3A_1883] : memref<1664x16xf32, #tpu.memory_space<vmem>> -> memref<128x16xf32, #tpu.memory_space<vmem>>
    %dma_wait3A_1885 = arith.constant 0 : i32
    %dma_wait3A_1886 = tpu.memref_slice %arg5[%dma_wait3A_1881, %dma_wait3A_1885] : memref<104x128xi32, #tpu.memory_space<vmem>> -> memref<1x128xi32, #tpu.memory_space<vmem>>
    %dma_wait3A_1887 = tpu.memref_squeeze %dma_wait3A_1886 : memref<1x128xi32, #tpu.memory_space<vmem>> -> memref<128xi32, #tpu.memory_space<vmem>>
    %dma_wait3A_1888 = arith.constant 0 : i32
    %dma_wait3A_1889 = arith.constant 0 : i32
    %dma_wait3A_1890 = tpu.memref_slice %arg3[%dma_wait3A_1888, %dma_wait3A_1889] : memref<1000001x16xf32, #tpu.memory_space<hbm>> -> memref<1000001x16xf32, #tpu.memory_space<hbm>>
    tpu.wait_indirect_dma semaphore(%arg8 : memref<!tpu.dma_semaphore, #tpu.memory_space<semaphore_mem>>) src(%dma_wait3A_1890 : memref<1000001x16xf32, #tpu.memory_space<hbm>>) dst(%dma_wait3A_1884 : memref<128x16xf32, #tpu.memory_space<vmem>>)
    %dma_wait3A_1891 = arith.constant 85 : i32
    %dma_wait3A_1892 = arith.constant 896 : i32
    %dma_wait3A_1893 = arith.constant 0 : i32
    %dma_wait3A_1894 = tpu.memref_slice %arg6[%dma_wait3A_1892, %dma_wait3A_1893] : memref<1664x16xf32, #tpu.memory_space<vmem>> -> memref<128x16xf32, #tpu.memory_space<vmem>>
    %dma_wait3A_1895 = arith.constant 0 : i32
    %dma_wait3A_1896 = tpu.memref_slice %arg5[%dma_wait3A_1891, %dma_wait3A_1895] : memref<104x128xi32, #tpu.memory_space<vmem>> -> memref<1x128xi32, #tpu.memory_space<vmem>>
    %dma_wait3A_1897 = tpu.memref_squeeze %dma_wait3A_1896 : memref<1x128xi32, #tpu.memory_space<vmem>> -> memref<128xi32, #tpu.memory_space<vmem>>
    %dma_wait3A_1898 = arith.constant 0 : i32
    %dma_wait3A_1899 = arith.constant 0 : i32
    %dma_wait3A_1900 = tpu.memref_slice %arg3[%dma_wait3A_1898, %dma_wait3A_1899] : memref<1000001x16xf32, #tpu.memory_space<hbm>> -> memref<1000001x16xf32, #tpu.memory_space<hbm>>
    tpu.wait_indirect_dma semaphore(%arg8 : memref<!tpu.dma_semaphore, #tpu.memory_space<semaphore_mem>>) src(%dma_wait3A_1900 : memref<1000001x16xf32, #tpu.memory_space<hbm>>) dst(%dma_wait3A_1894 : memref<128x16xf32, #tpu.memory_space<vmem>>)
    %dma_wait3A_1901 = arith.constant 86 : i32
    %dma_wait3A_1902 = arith.constant 1024 : i32
    %dma_wait3A_1903 = arith.constant 0 : i32
    %dma_wait3A_1904 = tpu.memref_slice %arg6[%dma_wait3A_1902, %dma_wait3A_1903] : memref<1664x16xf32, #tpu.memory_space<vmem>> -> memref<128x16xf32, #tpu.memory_space<vmem>>
    %dma_wait3A_1905 = arith.constant 0 : i32
    %dma_wait3A_1906 = tpu.memref_slice %arg5[%dma_wait3A_1901, %dma_wait3A_1905] : memref<104x128xi32, #tpu.memory_space<vmem>> -> memref<1x128xi32, #tpu.memory_space<vmem>>
    %dma_wait3A_1907 = tpu.memref_squeeze %dma_wait3A_1906 : memref<1x128xi32, #tpu.memory_space<vmem>> -> memref<128xi32, #tpu.memory_space<vmem>>
    %dma_wait3A_1908 = arith.constant 0 : i32
    %dma_wait3A_1909 = arith.constant 0 : i32
    %dma_wait3A_1910 = tpu.memref_slice %arg3[%dma_wait3A_1908, %dma_wait3A_1909] : memref<1000001x16xf32, #tpu.memory_space<hbm>> -> memref<1000001x16xf32, #tpu.memory_space<hbm>>
    tpu.wait_indirect_dma semaphore(%arg8 : memref<!tpu.dma_semaphore, #tpu.memory_space<semaphore_mem>>) src(%dma_wait3A_1910 : memref<1000001x16xf32, #tpu.memory_space<hbm>>) dst(%dma_wait3A_1904 : memref<128x16xf32, #tpu.memory_space<vmem>>)
    %dma_wait3A_1911 = arith.constant 87 : i32
    %dma_wait3A_1912 = arith.constant 1152 : i32
    %dma_wait3A_1913 = arith.constant 0 : i32
    %dma_wait3A_1914 = tpu.memref_slice %arg6[%dma_wait3A_1912, %dma_wait3A_1913] : memref<1664x16xf32, #tpu.memory_space<vmem>> -> memref<128x16xf32, #tpu.memory_space<vmem>>
    %dma_wait3A_1915 = arith.constant 0 : i32
    %dma_wait3A_1916 = tpu.memref_slice %arg5[%dma_wait3A_1911, %dma_wait3A_1915] : memref<104x128xi32, #tpu.memory_space<vmem>> -> memref<1x128xi32, #tpu.memory_space<vmem>>
    %dma_wait3A_1917 = tpu.memref_squeeze %dma_wait3A_1916 : memref<1x128xi32, #tpu.memory_space<vmem>> -> memref<128xi32, #tpu.memory_space<vmem>>
    %dma_wait3A_1918 = arith.constant 0 : i32
    %dma_wait3A_1919 = arith.constant 0 : i32
    %dma_wait3A_1920 = tpu.memref_slice %arg3[%dma_wait3A_1918, %dma_wait3A_1919] : memref<1000001x16xf32, #tpu.memory_space<hbm>> -> memref<1000001x16xf32, #tpu.memory_space<hbm>>
    tpu.wait_indirect_dma semaphore(%arg8 : memref<!tpu.dma_semaphore, #tpu.memory_space<semaphore_mem>>) src(%dma_wait3A_1920 : memref<1000001x16xf32, #tpu.memory_space<hbm>>) dst(%dma_wait3A_1914 : memref<128x16xf32, #tpu.memory_space<vmem>>)
    %dma_wait3A_1921 = arith.constant 88 : i32
    %dma_wait3A_1922 = arith.constant 1280 : i32
    %dma_wait3A_1923 = arith.constant 0 : i32
    %dma_wait3A_1924 = tpu.memref_slice %arg6[%dma_wait3A_1922, %dma_wait3A_1923] : memref<1664x16xf32, #tpu.memory_space<vmem>> -> memref<128x16xf32, #tpu.memory_space<vmem>>
    %dma_wait3A_1925 = arith.constant 0 : i32
    %dma_wait3A_1926 = tpu.memref_slice %arg5[%dma_wait3A_1921, %dma_wait3A_1925] : memref<104x128xi32, #tpu.memory_space<vmem>> -> memref<1x128xi32, #tpu.memory_space<vmem>>
    %dma_wait3A_1927 = tpu.memref_squeeze %dma_wait3A_1926 : memref<1x128xi32, #tpu.memory_space<vmem>> -> memref<128xi32, #tpu.memory_space<vmem>>
    %dma_wait3A_1928 = arith.constant 0 : i32
    %dma_wait3A_1929 = arith.constant 0 : i32
    %dma_wait3A_1930 = tpu.memref_slice %arg3[%dma_wait3A_1928, %dma_wait3A_1929] : memref<1000001x16xf32, #tpu.memory_space<hbm>> -> memref<1000001x16xf32, #tpu.memory_space<hbm>>
    tpu.wait_indirect_dma semaphore(%arg8 : memref<!tpu.dma_semaphore, #tpu.memory_space<semaphore_mem>>) src(%dma_wait3A_1930 : memref<1000001x16xf32, #tpu.memory_space<hbm>>) dst(%dma_wait3A_1924 : memref<128x16xf32, #tpu.memory_space<vmem>>)
    %dma_wait3A_1931 = arith.constant 89 : i32
    %dma_wait3A_1932 = arith.constant 1408 : i32
    %dma_wait3A_1933 = arith.constant 0 : i32
    %dma_wait3A_1934 = tpu.memref_slice %arg6[%dma_wait3A_1932, %dma_wait3A_1933] : memref<1664x16xf32, #tpu.memory_space<vmem>> -> memref<128x16xf32, #tpu.memory_space<vmem>>
    %dma_wait3A_1935 = arith.constant 0 : i32
    %dma_wait3A_1936 = tpu.memref_slice %arg5[%dma_wait3A_1931, %dma_wait3A_1935] : memref<104x128xi32, #tpu.memory_space<vmem>> -> memref<1x128xi32, #tpu.memory_space<vmem>>
    %dma_wait3A_1937 = tpu.memref_squeeze %dma_wait3A_1936 : memref<1x128xi32, #tpu.memory_space<vmem>> -> memref<128xi32, #tpu.memory_space<vmem>>
    %dma_wait3A_1938 = arith.constant 0 : i32
    %dma_wait3A_1939 = arith.constant 0 : i32
    %dma_wait3A_1940 = tpu.memref_slice %arg3[%dma_wait3A_1938, %dma_wait3A_1939] : memref<1000001x16xf32, #tpu.memory_space<hbm>> -> memref<1000001x16xf32, #tpu.memory_space<hbm>>
    tpu.wait_indirect_dma semaphore(%arg8 : memref<!tpu.dma_semaphore, #tpu.memory_space<semaphore_mem>>) src(%dma_wait3A_1940 : memref<1000001x16xf32, #tpu.memory_space<hbm>>) dst(%dma_wait3A_1934 : memref<128x16xf32, #tpu.memory_space<vmem>>)
    %dma_wait3A_1941 = arith.constant 90 : i32
    %dma_wait3A_1942 = arith.constant 1536 : i32
    %dma_wait3A_1943 = arith.constant 0 : i32
    %dma_wait3A_1944 = tpu.memref_slice %arg6[%dma_wait3A_1942, %dma_wait3A_1943] : memref<1664x16xf32, #tpu.memory_space<vmem>> -> memref<128x16xf32, #tpu.memory_space<vmem>>
    %dma_wait3A_1945 = arith.constant 0 : i32
    %dma_wait3A_1946 = tpu.memref_slice %arg5[%dma_wait3A_1941, %dma_wait3A_1945] : memref<104x128xi32, #tpu.memory_space<vmem>> -> memref<1x128xi32, #tpu.memory_space<vmem>>
    %dma_wait3A_1947 = tpu.memref_squeeze %dma_wait3A_1946 : memref<1x128xi32, #tpu.memory_space<vmem>> -> memref<128xi32, #tpu.memory_space<vmem>>
    %dma_wait3A_1948 = arith.constant 0 : i32
    %dma_wait3A_1949 = arith.constant 0 : i32
    %dma_wait3A_1950 = tpu.memref_slice %arg3[%dma_wait3A_1948, %dma_wait3A_1949] : memref<1000001x16xf32, #tpu.memory_space<hbm>> -> memref<1000001x16xf32, #tpu.memory_space<hbm>>
    tpu.wait_indirect_dma semaphore(%arg8 : memref<!tpu.dma_semaphore, #tpu.memory_space<semaphore_mem>>) src(%dma_wait3A_1950 : memref<1000001x16xf32, #tpu.memory_space<hbm>>) dst(%dma_wait3A_1944 : memref<128x16xf32, #tpu.memory_space<vmem>>)
    %mul3A_1951 = arith.constant 8 : i32
    %mul3A_1952 = arith.muli %add3A, %mul3A_1951 : i32
    %add3A_1953 = arith.constant 6 : i32
    %add3A_1954 = arith.addi %mul3A_1952, %add3A_1953 : i32
    %mul3A_1955 = arith.constant 13 : i32
    %mul3A_1956 = arith.muli %add3A_1954, %mul3A_1955 : i32
    %mul3A_1957 = arith.constant 128 : i32
    %mul3A_1958 = arith.muli %mul3A_1956, %mul3A_1957 : i32
    %dma_start3A_1959 = arith.constant 0 : i32
    %dma_start3A_1960 = tpu.memref_slice %arg4[%mul3A_1958, %dma_start3A_1959] : memref<425984x16xf32, #tpu.memory_space<hbm>> -> memref<1664x16xf32, #tpu.memory_space<hbm>>
    %dma_start3A_1961 = arith.constant 0 : i32
    %dma_start3A_1962 = tpu.memref_slice %arg4[%mul3A_1958, %dma_start3A_1961] : memref<425984x16xf32, #tpu.memory_space<hbm>> -> memref<1664x16xf32, #tpu.memory_space<hbm>>
    tpu.enqueue_dma source(%arg6 : memref<1664x16xf32, #tpu.memory_space<vmem>>) target(%dma_start3A_1962 : memref<1664x16xf32, #tpu.memory_space<hbm>>) target_semaphore(%arg10 : memref<!tpu.dma_semaphore, #tpu.memory_space<semaphore_mem>>)
    %mul3A_1963 = arith.constant 8 : i32
    %mul3A_1964 = arith.muli %add3A, %mul3A_1963 : i32
    %add3A_1965 = arith.constant 5 : i32
    %add3A_1966 = arith.addi %mul3A_1964, %add3A_1965 : i32
    %mul3A_1967 = arith.constant 13 : i32
    %mul3A_1968 = arith.muli %add3A_1966, %mul3A_1967 : i32
    %mul3A_1969 = arith.constant 128 : i32
    %mul3A_1970 = arith.muli %mul3A_1968, %mul3A_1969 : i32
    %dma_wait3A_1971 = arith.constant 0 : i32
    %dma_wait3A_1972 = tpu.memref_slice %arg4[%mul3A_1970, %dma_wait3A_1971] : memref<425984x16xf32, #tpu.memory_space<hbm>> -> memref<1664x16xf32, #tpu.memory_space<hbm>>
    %dma_wait3A_1973 = arith.constant 0 : i32
    %dma_wait3A_1974 = tpu.memref_slice %arg4[%mul3A_1970, %dma_wait3A_1973] : memref<425984x16xf32, #tpu.memory_space<hbm>> -> memref<1664x16xf32, #tpu.memory_space<hbm>>
    tpu.wait_dma2 semaphore(%arg11 : memref<!tpu.dma_semaphore, #tpu.memory_space<semaphore_mem>>) src(%arg7 : memref<1664x16xf32, #tpu.memory_space<vmem>>) dst(%dma_wait3A_1974 : memref<1664x16xf32, #tpu.memory_space<hbm>>)
    %dma_start3A_1975 = arith.constant 91 : i32
    %dma_start3A_1976 = arith.constant 0 : i32
    %dma_start3A_1977 = arith.constant 0 : i32
    %dma_start3A_1978 = tpu.memref_slice %arg7[%dma_start3A_1976, %dma_start3A_1977] : memref<1664x16xf32, #tpu.memory_space<vmem>> -> memref<128x16xf32, #tpu.memory_space<vmem>>
    %dma_start3A_1979 = arith.constant 0 : i32
    %dma_start3A_1980 = tpu.memref_slice %arg5[%dma_start3A_1975, %dma_start3A_1979] : memref<104x128xi32, #tpu.memory_space<vmem>> -> memref<1x128xi32, #tpu.memory_space<vmem>>
    %dma_start3A_1981 = tpu.memref_squeeze %dma_start3A_1980 : memref<1x128xi32, #tpu.memory_space<vmem>> -> memref<128xi32, #tpu.memory_space<vmem>>
    %dma_start3A_1982 = arith.constant 0 : i32
    %dma_start3A_1983 = arith.constant 0 : i32
    %dma_start3A_1984 = tpu.memref_slice %arg3[%dma_start3A_1982, %dma_start3A_1983] : memref<1000001x16xf32, #tpu.memory_space<hbm>> -> memref<1000001x16xf32, #tpu.memory_space<hbm>>
    tpu.enqueue_indirect_dma source(%dma_start3A_1984 : memref<1000001x16xf32, #tpu.memory_space<hbm>>) target(%dma_start3A_1978 : memref<128x16xf32, #tpu.memory_space<vmem>>) offsets(%dma_start3A_1981 : memref<128xi32, #tpu.memory_space<vmem>>) semaphore(%arg9 : memref<!tpu.dma_semaphore, #tpu.memory_space<semaphore_mem>>)
    %dma_start3A_1985 = arith.constant 92 : i32
    %dma_start3A_1986 = arith.constant 128 : i32
    %dma_start3A_1987 = arith.constant 0 : i32
    %dma_start3A_1988 = tpu.memref_slice %arg7[%dma_start3A_1986, %dma_start3A_1987] : memref<1664x16xf32, #tpu.memory_space<vmem>> -> memref<128x16xf32, #tpu.memory_space<vmem>>
    %dma_start3A_1989 = arith.constant 0 : i32
    %dma_start3A_1990 = tpu.memref_slice %arg5[%dma_start3A_1985, %dma_start3A_1989] : memref<104x128xi32, #tpu.memory_space<vmem>> -> memref<1x128xi32, #tpu.memory_space<vmem>>
    %dma_start3A_1991 = tpu.memref_squeeze %dma_start3A_1990 : memref<1x128xi32, #tpu.memory_space<vmem>> -> memref<128xi32, #tpu.memory_space<vmem>>
    %dma_start3A_1992 = arith.constant 0 : i32
    %dma_start3A_1993 = arith.constant 0 : i32
    %dma_start3A_1994 = tpu.memref_slice %arg3[%dma_start3A_1992, %dma_start3A_1993] : memref<1000001x16xf32, #tpu.memory_space<hbm>> -> memref<1000001x16xf32, #tpu.memory_space<hbm>>
    tpu.enqueue_indirect_dma source(%dma_start3A_1994 : memref<1000001x16xf32, #tpu.memory_space<hbm>>) target(%dma_start3A_1988 : memref<128x16xf32, #tpu.memory_space<vmem>>) offsets(%dma_start3A_1991 : memref<128xi32, #tpu.memory_space<vmem>>) semaphore(%arg9 : memref<!tpu.dma_semaphore, #tpu.memory_space<semaphore_mem>>)
    %dma_start3A_1995 = arith.constant 93 : i32
    %dma_start3A_1996 = arith.constant 256 : i32
    %dma_start3A_1997 = arith.constant 0 : i32
    %dma_start3A_1998 = tpu.memref_slice %arg7[%dma_start3A_1996, %dma_start3A_1997] : memref<1664x16xf32, #tpu.memory_space<vmem>> -> memref<128x16xf32, #tpu.memory_space<vmem>>
    %dma_start3A_1999 = arith.constant 0 : i32
    %dma_start3A_2000 = tpu.memref_slice %arg5[%dma_start3A_1995, %dma_start3A_1999] : memref<104x128xi32, #tpu.memory_space<vmem>> -> memref<1x128xi32, #tpu.memory_space<vmem>>
    %dma_start3A_2001 = tpu.memref_squeeze %dma_start3A_2000 : memref<1x128xi32, #tpu.memory_space<vmem>> -> memref<128xi32, #tpu.memory_space<vmem>>
    %dma_start3A_2002 = arith.constant 0 : i32
    %dma_start3A_2003 = arith.constant 0 : i32
    %dma_start3A_2004 = tpu.memref_slice %arg3[%dma_start3A_2002, %dma_start3A_2003] : memref<1000001x16xf32, #tpu.memory_space<hbm>> -> memref<1000001x16xf32, #tpu.memory_space<hbm>>
    tpu.enqueue_indirect_dma source(%dma_start3A_2004 : memref<1000001x16xf32, #tpu.memory_space<hbm>>) target(%dma_start3A_1998 : memref<128x16xf32, #tpu.memory_space<vmem>>) offsets(%dma_start3A_2001 : memref<128xi32, #tpu.memory_space<vmem>>) semaphore(%arg9 : memref<!tpu.dma_semaphore, #tpu.memory_space<semaphore_mem>>)
    %dma_start3A_2005 = arith.constant 94 : i32
    %dma_start3A_2006 = arith.constant 384 : i32
    %dma_start3A_2007 = arith.constant 0 : i32
    %dma_start3A_2008 = tpu.memref_slice %arg7[%dma_start3A_2006, %dma_start3A_2007] : memref<1664x16xf32, #tpu.memory_space<vmem>> -> memref<128x16xf32, #tpu.memory_space<vmem>>
    %dma_start3A_2009 = arith.constant 0 : i32
    %dma_start3A_2010 = tpu.memref_slice %arg5[%dma_start3A_2005, %dma_start3A_2009] : memref<104x128xi32, #tpu.memory_space<vmem>> -> memref<1x128xi32, #tpu.memory_space<vmem>>
    %dma_start3A_2011 = tpu.memref_squeeze %dma_start3A_2010 : memref<1x128xi32, #tpu.memory_space<vmem>> -> memref<128xi32, #tpu.memory_space<vmem>>
    %dma_start3A_2012 = arith.constant 0 : i32
    %dma_start3A_2013 = arith.constant 0 : i32
    %dma_start3A_2014 = tpu.memref_slice %arg3[%dma_start3A_2012, %dma_start3A_2013] : memref<1000001x16xf32, #tpu.memory_space<hbm>> -> memref<1000001x16xf32, #tpu.memory_space<hbm>>
    tpu.enqueue_indirect_dma source(%dma_start3A_2014 : memref<1000001x16xf32, #tpu.memory_space<hbm>>) target(%dma_start3A_2008 : memref<128x16xf32, #tpu.memory_space<vmem>>) offsets(%dma_start3A_2011 : memref<128xi32, #tpu.memory_space<vmem>>) semaphore(%arg9 : memref<!tpu.dma_semaphore, #tpu.memory_space<semaphore_mem>>)
    %dma_start3A_2015 = arith.constant 95 : i32
    %dma_start3A_2016 = arith.constant 512 : i32
    %dma_start3A_2017 = arith.constant 0 : i32
    %dma_start3A_2018 = tpu.memref_slice %arg7[%dma_start3A_2016, %dma_start3A_2017] : memref<1664x16xf32, #tpu.memory_space<vmem>> -> memref<128x16xf32, #tpu.memory_space<vmem>>
    %dma_start3A_2019 = arith.constant 0 : i32
    %dma_start3A_2020 = tpu.memref_slice %arg5[%dma_start3A_2015, %dma_start3A_2019] : memref<104x128xi32, #tpu.memory_space<vmem>> -> memref<1x128xi32, #tpu.memory_space<vmem>>
    %dma_start3A_2021 = tpu.memref_squeeze %dma_start3A_2020 : memref<1x128xi32, #tpu.memory_space<vmem>> -> memref<128xi32, #tpu.memory_space<vmem>>
    %dma_start3A_2022 = arith.constant 0 : i32
    %dma_start3A_2023 = arith.constant 0 : i32
    %dma_start3A_2024 = tpu.memref_slice %arg3[%dma_start3A_2022, %dma_start3A_2023] : memref<1000001x16xf32, #tpu.memory_space<hbm>> -> memref<1000001x16xf32, #tpu.memory_space<hbm>>
    tpu.enqueue_indirect_dma source(%dma_start3A_2024 : memref<1000001x16xf32, #tpu.memory_space<hbm>>) target(%dma_start3A_2018 : memref<128x16xf32, #tpu.memory_space<vmem>>) offsets(%dma_start3A_2021 : memref<128xi32, #tpu.memory_space<vmem>>) semaphore(%arg9 : memref<!tpu.dma_semaphore, #tpu.memory_space<semaphore_mem>>)
    %dma_start3A_2025 = arith.constant 96 : i32
    %dma_start3A_2026 = arith.constant 640 : i32
    %dma_start3A_2027 = arith.constant 0 : i32
    %dma_start3A_2028 = tpu.memref_slice %arg7[%dma_start3A_2026, %dma_start3A_2027] : memref<1664x16xf32, #tpu.memory_space<vmem>> -> memref<128x16xf32, #tpu.memory_space<vmem>>
    %dma_start3A_2029 = arith.constant 0 : i32
    %dma_start3A_2030 = tpu.memref_slice %arg5[%dma_start3A_2025, %dma_start3A_2029] : memref<104x128xi32, #tpu.memory_space<vmem>> -> memref<1x128xi32, #tpu.memory_space<vmem>>
    %dma_start3A_2031 = tpu.memref_squeeze %dma_start3A_2030 : memref<1x128xi32, #tpu.memory_space<vmem>> -> memref<128xi32, #tpu.memory_space<vmem>>
    %dma_start3A_2032 = arith.constant 0 : i32
    %dma_start3A_2033 = arith.constant 0 : i32
    %dma_start3A_2034 = tpu.memref_slice %arg3[%dma_start3A_2032, %dma_start3A_2033] : memref<1000001x16xf32, #tpu.memory_space<hbm>> -> memref<1000001x16xf32, #tpu.memory_space<hbm>>
    tpu.enqueue_indirect_dma source(%dma_start3A_2034 : memref<1000001x16xf32, #tpu.memory_space<hbm>>) target(%dma_start3A_2028 : memref<128x16xf32, #tpu.memory_space<vmem>>) offsets(%dma_start3A_2031 : memref<128xi32, #tpu.memory_space<vmem>>) semaphore(%arg9 : memref<!tpu.dma_semaphore, #tpu.memory_space<semaphore_mem>>)
    %dma_start3A_2035 = arith.constant 97 : i32
    %dma_start3A_2036 = arith.constant 768 : i32
    %dma_start3A_2037 = arith.constant 0 : i32
    %dma_start3A_2038 = tpu.memref_slice %arg7[%dma_start3A_2036, %dma_start3A_2037] : memref<1664x16xf32, #tpu.memory_space<vmem>> -> memref<128x16xf32, #tpu.memory_space<vmem>>
    %dma_start3A_2039 = arith.constant 0 : i32
    %dma_start3A_2040 = tpu.memref_slice %arg5[%dma_start3A_2035, %dma_start3A_2039] : memref<104x128xi32, #tpu.memory_space<vmem>> -> memref<1x128xi32, #tpu.memory_space<vmem>>
    %dma_start3A_2041 = tpu.memref_squeeze %dma_start3A_2040 : memref<1x128xi32, #tpu.memory_space<vmem>> -> memref<128xi32, #tpu.memory_space<vmem>>
    %dma_start3A_2042 = arith.constant 0 : i32
    %dma_start3A_2043 = arith.constant 0 : i32
    %dma_start3A_2044 = tpu.memref_slice %arg3[%dma_start3A_2042, %dma_start3A_2043] : memref<1000001x16xf32, #tpu.memory_space<hbm>> -> memref<1000001x16xf32, #tpu.memory_space<hbm>>
    tpu.enqueue_indirect_dma source(%dma_start3A_2044 : memref<1000001x16xf32, #tpu.memory_space<hbm>>) target(%dma_start3A_2038 : memref<128x16xf32, #tpu.memory_space<vmem>>) offsets(%dma_start3A_2041 : memref<128xi32, #tpu.memory_space<vmem>>) semaphore(%arg9 : memref<!tpu.dma_semaphore, #tpu.memory_space<semaphore_mem>>)
    %dma_start3A_2045 = arith.constant 98 : i32
    %dma_start3A_2046 = arith.constant 896 : i32
    %dma_start3A_2047 = arith.constant 0 : i32
    %dma_start3A_2048 = tpu.memref_slice %arg7[%dma_start3A_2046, %dma_start3A_2047] : memref<1664x16xf32, #tpu.memory_space<vmem>> -> memref<128x16xf32, #tpu.memory_space<vmem>>
    %dma_start3A_2049 = arith.constant 0 : i32
    %dma_start3A_2050 = tpu.memref_slice %arg5[%dma_start3A_2045, %dma_start3A_2049] : memref<104x128xi32, #tpu.memory_space<vmem>> -> memref<1x128xi32, #tpu.memory_space<vmem>>
    %dma_start3A_2051 = tpu.memref_squeeze %dma_start3A_2050 : memref<1x128xi32, #tpu.memory_space<vmem>> -> memref<128xi32, #tpu.memory_space<vmem>>
    %dma_start3A_2052 = arith.constant 0 : i32
    %dma_start3A_2053 = arith.constant 0 : i32
    %dma_start3A_2054 = tpu.memref_slice %arg3[%dma_start3A_2052, %dma_start3A_2053] : memref<1000001x16xf32, #tpu.memory_space<hbm>> -> memref<1000001x16xf32, #tpu.memory_space<hbm>>
    tpu.enqueue_indirect_dma source(%dma_start3A_2054 : memref<1000001x16xf32, #tpu.memory_space<hbm>>) target(%dma_start3A_2048 : memref<128x16xf32, #tpu.memory_space<vmem>>) offsets(%dma_start3A_2051 : memref<128xi32, #tpu.memory_space<vmem>>) semaphore(%arg9 : memref<!tpu.dma_semaphore, #tpu.memory_space<semaphore_mem>>)
    %dma_start3A_2055 = arith.constant 99 : i32
    %dma_start3A_2056 = arith.constant 1024 : i32
    %dma_start3A_2057 = arith.constant 0 : i32
    %dma_start3A_2058 = tpu.memref_slice %arg7[%dma_start3A_2056, %dma_start3A_2057] : memref<1664x16xf32, #tpu.memory_space<vmem>> -> memref<128x16xf32, #tpu.memory_space<vmem>>
    %dma_start3A_2059 = arith.constant 0 : i32
    %dma_start3A_2060 = tpu.memref_slice %arg5[%dma_start3A_2055, %dma_start3A_2059] : memref<104x128xi32, #tpu.memory_space<vmem>> -> memref<1x128xi32, #tpu.memory_space<vmem>>
    %dma_start3A_2061 = tpu.memref_squeeze %dma_start3A_2060 : memref<1x128xi32, #tpu.memory_space<vmem>> -> memref<128xi32, #tpu.memory_space<vmem>>
    %dma_start3A_2062 = arith.constant 0 : i32
    %dma_start3A_2063 = arith.constant 0 : i32
    %dma_start3A_2064 = tpu.memref_slice %arg3[%dma_start3A_2062, %dma_start3A_2063] : memref<1000001x16xf32, #tpu.memory_space<hbm>> -> memref<1000001x16xf32, #tpu.memory_space<hbm>>
    tpu.enqueue_indirect_dma source(%dma_start3A_2064 : memref<1000001x16xf32, #tpu.memory_space<hbm>>) target(%dma_start3A_2058 : memref<128x16xf32, #tpu.memory_space<vmem>>) offsets(%dma_start3A_2061 : memref<128xi32, #tpu.memory_space<vmem>>) semaphore(%arg9 : memref<!tpu.dma_semaphore, #tpu.memory_space<semaphore_mem>>)
    %dma_start3A_2065 = arith.constant 100 : i32
    %dma_start3A_2066 = arith.constant 1152 : i32
    %dma_start3A_2067 = arith.constant 0 : i32
    %dma_start3A_2068 = tpu.memref_slice %arg7[%dma_start3A_2066, %dma_start3A_2067] : memref<1664x16xf32, #tpu.memory_space<vmem>> -> memref<128x16xf32, #tpu.memory_space<vmem>>
    %dma_start3A_2069 = arith.constant 0 : i32
    %dma_start3A_2070 = tpu.memref_slice %arg5[%dma_start3A_2065, %dma_start3A_2069] : memref<104x128xi32, #tpu.memory_space<vmem>> -> memref<1x128xi32, #tpu.memory_space<vmem>>
    %dma_start3A_2071 = tpu.memref_squeeze %dma_start3A_2070 : memref<1x128xi32, #tpu.memory_space<vmem>> -> memref<128xi32, #tpu.memory_space<vmem>>
    %dma_start3A_2072 = arith.constant 0 : i32
    %dma_start3A_2073 = arith.constant 0 : i32
    %dma_start3A_2074 = tpu.memref_slice %arg3[%dma_start3A_2072, %dma_start3A_2073] : memref<1000001x16xf32, #tpu.memory_space<hbm>> -> memref<1000001x16xf32, #tpu.memory_space<hbm>>
    tpu.enqueue_indirect_dma source(%dma_start3A_2074 : memref<1000001x16xf32, #tpu.memory_space<hbm>>) target(%dma_start3A_2068 : memref<128x16xf32, #tpu.memory_space<vmem>>) offsets(%dma_start3A_2071 : memref<128xi32, #tpu.memory_space<vmem>>) semaphore(%arg9 : memref<!tpu.dma_semaphore, #tpu.memory_space<semaphore_mem>>)
    %dma_start3A_2075 = arith.constant 101 : i32
    %dma_start3A_2076 = arith.constant 1280 : i32
    %dma_start3A_2077 = arith.constant 0 : i32
    %dma_start3A_2078 = tpu.memref_slice %arg7[%dma_start3A_2076, %dma_start3A_2077] : memref<1664x16xf32, #tpu.memory_space<vmem>> -> memref<128x16xf32, #tpu.memory_space<vmem>>
    %dma_start3A_2079 = arith.constant 0 : i32
    %dma_start3A_2080 = tpu.memref_slice %arg5[%dma_start3A_2075, %dma_start3A_2079] : memref<104x128xi32, #tpu.memory_space<vmem>> -> memref<1x128xi32, #tpu.memory_space<vmem>>
    %dma_start3A_2081 = tpu.memref_squeeze %dma_start3A_2080 : memref<1x128xi32, #tpu.memory_space<vmem>> -> memref<128xi32, #tpu.memory_space<vmem>>
    %dma_start3A_2082 = arith.constant 0 : i32
    %dma_start3A_2083 = arith.constant 0 : i32
    %dma_start3A_2084 = tpu.memref_slice %arg3[%dma_start3A_2082, %dma_start3A_2083] : memref<1000001x16xf32, #tpu.memory_space<hbm>> -> memref<1000001x16xf32, #tpu.memory_space<hbm>>
    tpu.enqueue_indirect_dma source(%dma_start3A_2084 : memref<1000001x16xf32, #tpu.memory_space<hbm>>) target(%dma_start3A_2078 : memref<128x16xf32, #tpu.memory_space<vmem>>) offsets(%dma_start3A_2081 : memref<128xi32, #tpu.memory_space<vmem>>) semaphore(%arg9 : memref<!tpu.dma_semaphore, #tpu.memory_space<semaphore_mem>>)
    %dma_start3A_2085 = arith.constant 102 : i32
    %dma_start3A_2086 = arith.constant 1408 : i32
    %dma_start3A_2087 = arith.constant 0 : i32
    %dma_start3A_2088 = tpu.memref_slice %arg7[%dma_start3A_2086, %dma_start3A_2087] : memref<1664x16xf32, #tpu.memory_space<vmem>> -> memref<128x16xf32, #tpu.memory_space<vmem>>
    %dma_start3A_2089 = arith.constant 0 : i32
    %dma_start3A_2090 = tpu.memref_slice %arg5[%dma_start3A_2085, %dma_start3A_2089] : memref<104x128xi32, #tpu.memory_space<vmem>> -> memref<1x128xi32, #tpu.memory_space<vmem>>
    %dma_start3A_2091 = tpu.memref_squeeze %dma_start3A_2090 : memref<1x128xi32, #tpu.memory_space<vmem>> -> memref<128xi32, #tpu.memory_space<vmem>>
    %dma_start3A_2092 = arith.constant 0 : i32
    %dma_start3A_2093 = arith.constant 0 : i32
    %dma_start3A_2094 = tpu.memref_slice %arg3[%dma_start3A_2092, %dma_start3A_2093] : memref<1000001x16xf32, #tpu.memory_space<hbm>> -> memref<1000001x16xf32, #tpu.memory_space<hbm>>
    tpu.enqueue_indirect_dma source(%dma_start3A_2094 : memref<1000001x16xf32, #tpu.memory_space<hbm>>) target(%dma_start3A_2088 : memref<128x16xf32, #tpu.memory_space<vmem>>) offsets(%dma_start3A_2091 : memref<128xi32, #tpu.memory_space<vmem>>) semaphore(%arg9 : memref<!tpu.dma_semaphore, #tpu.memory_space<semaphore_mem>>)
    %dma_start3A_2095 = arith.constant 103 : i32
    %dma_start3A_2096 = arith.constant 1536 : i32
    %dma_start3A_2097 = arith.constant 0 : i32
    %dma_start3A_2098 = tpu.memref_slice %arg7[%dma_start3A_2096, %dma_start3A_2097] : memref<1664x16xf32, #tpu.memory_space<vmem>> -> memref<128x16xf32, #tpu.memory_space<vmem>>
    %dma_start3A_2099 = arith.constant 0 : i32
    %dma_start3A_2100 = tpu.memref_slice %arg5[%dma_start3A_2095, %dma_start3A_2099] : memref<104x128xi32, #tpu.memory_space<vmem>> -> memref<1x128xi32, #tpu.memory_space<vmem>>
    %dma_start3A_2101 = tpu.memref_squeeze %dma_start3A_2100 : memref<1x128xi32, #tpu.memory_space<vmem>> -> memref<128xi32, #tpu.memory_space<vmem>>
    %dma_start3A_2102 = arith.constant 0 : i32
    %dma_start3A_2103 = arith.constant 0 : i32
    %dma_start3A_2104 = tpu.memref_slice %arg3[%dma_start3A_2102, %dma_start3A_2103] : memref<1000001x16xf32, #tpu.memory_space<hbm>> -> memref<1000001x16xf32, #tpu.memory_space<hbm>>
    tpu.enqueue_indirect_dma source(%dma_start3A_2104 : memref<1000001x16xf32, #tpu.memory_space<hbm>>) target(%dma_start3A_2098 : memref<128x16xf32, #tpu.memory_space<vmem>>) offsets(%dma_start3A_2101 : memref<128xi32, #tpu.memory_space<vmem>>) semaphore(%arg9 : memref<!tpu.dma_semaphore, #tpu.memory_space<semaphore_mem>>)
    %dma_wait3A_2105 = arith.constant 91 : i32
    %dma_wait3A_2106 = arith.constant 0 : i32
    %dma_wait3A_2107 = arith.constant 0 : i32
    %dma_wait3A_2108 = tpu.memref_slice %arg7[%dma_wait3A_2106, %dma_wait3A_2107] : memref<1664x16xf32, #tpu.memory_space<vmem>> -> memref<128x16xf32, #tpu.memory_space<vmem>>
    %dma_wait3A_2109 = arith.constant 0 : i32
    %dma_wait3A_2110 = tpu.memref_slice %arg5[%dma_wait3A_2105, %dma_wait3A_2109] : memref<104x128xi32, #tpu.memory_space<vmem>> -> memref<1x128xi32, #tpu.memory_space<vmem>>
    %dma_wait3A_2111 = tpu.memref_squeeze %dma_wait3A_2110 : memref<1x128xi32, #tpu.memory_space<vmem>> -> memref<128xi32, #tpu.memory_space<vmem>>
    %dma_wait3A_2112 = arith.constant 0 : i32
    %dma_wait3A_2113 = arith.constant 0 : i32
    %dma_wait3A_2114 = tpu.memref_slice %arg3[%dma_wait3A_2112, %dma_wait3A_2113] : memref<1000001x16xf32, #tpu.memory_space<hbm>> -> memref<1000001x16xf32, #tpu.memory_space<hbm>>
    tpu.wait_indirect_dma semaphore(%arg9 : memref<!tpu.dma_semaphore, #tpu.memory_space<semaphore_mem>>) src(%dma_wait3A_2114 : memref<1000001x16xf32, #tpu.memory_space<hbm>>) dst(%dma_wait3A_2108 : memref<128x16xf32, #tpu.memory_space<vmem>>)
    %dma_wait3A_2115 = arith.constant 92 : i32
    %dma_wait3A_2116 = arith.constant 128 : i32
    %dma_wait3A_2117 = arith.constant 0 : i32
    %dma_wait3A_2118 = tpu.memref_slice %arg7[%dma_wait3A_2116, %dma_wait3A_2117] : memref<1664x16xf32, #tpu.memory_space<vmem>> -> memref<128x16xf32, #tpu.memory_space<vmem>>
    %dma_wait3A_2119 = arith.constant 0 : i32
    %dma_wait3A_2120 = tpu.memref_slice %arg5[%dma_wait3A_2115, %dma_wait3A_2119] : memref<104x128xi32, #tpu.memory_space<vmem>> -> memref<1x128xi32, #tpu.memory_space<vmem>>
    %dma_wait3A_2121 = tpu.memref_squeeze %dma_wait3A_2120 : memref<1x128xi32, #tpu.memory_space<vmem>> -> memref<128xi32, #tpu.memory_space<vmem>>
    %dma_wait3A_2122 = arith.constant 0 : i32
    %dma_wait3A_2123 = arith.constant 0 : i32
    %dma_wait3A_2124 = tpu.memref_slice %arg3[%dma_wait3A_2122, %dma_wait3A_2123] : memref<1000001x16xf32, #tpu.memory_space<hbm>> -> memref<1000001x16xf32, #tpu.memory_space<hbm>>
    tpu.wait_indirect_dma semaphore(%arg9 : memref<!tpu.dma_semaphore, #tpu.memory_space<semaphore_mem>>) src(%dma_wait3A_2124 : memref<1000001x16xf32, #tpu.memory_space<hbm>>) dst(%dma_wait3A_2118 : memref<128x16xf32, #tpu.memory_space<vmem>>)
    %dma_wait3A_2125 = arith.constant 93 : i32
    %dma_wait3A_2126 = arith.constant 256 : i32
    %dma_wait3A_2127 = arith.constant 0 : i32
    %dma_wait3A_2128 = tpu.memref_slice %arg7[%dma_wait3A_2126, %dma_wait3A_2127] : memref<1664x16xf32, #tpu.memory_space<vmem>> -> memref<128x16xf32, #tpu.memory_space<vmem>>
    %dma_wait3A_2129 = arith.constant 0 : i32
    %dma_wait3A_2130 = tpu.memref_slice %arg5[%dma_wait3A_2125, %dma_wait3A_2129] : memref<104x128xi32, #tpu.memory_space<vmem>> -> memref<1x128xi32, #tpu.memory_space<vmem>>
    %dma_wait3A_2131 = tpu.memref_squeeze %dma_wait3A_2130 : memref<1x128xi32, #tpu.memory_space<vmem>> -> memref<128xi32, #tpu.memory_space<vmem>>
    %dma_wait3A_2132 = arith.constant 0 : i32
    %dma_wait3A_2133 = arith.constant 0 : i32
    %dma_wait3A_2134 = tpu.memref_slice %arg3[%dma_wait3A_2132, %dma_wait3A_2133] : memref<1000001x16xf32, #tpu.memory_space<hbm>> -> memref<1000001x16xf32, #tpu.memory_space<hbm>>
    tpu.wait_indirect_dma semaphore(%arg9 : memref<!tpu.dma_semaphore, #tpu.memory_space<semaphore_mem>>) src(%dma_wait3A_2134 : memref<1000001x16xf32, #tpu.memory_space<hbm>>) dst(%dma_wait3A_2128 : memref<128x16xf32, #tpu.memory_space<vmem>>)
    %dma_wait3A_2135 = arith.constant 94 : i32
    %dma_wait3A_2136 = arith.constant 384 : i32
    %dma_wait3A_2137 = arith.constant 0 : i32
    %dma_wait3A_2138 = tpu.memref_slice %arg7[%dma_wait3A_2136, %dma_wait3A_2137] : memref<1664x16xf32, #tpu.memory_space<vmem>> -> memref<128x16xf32, #tpu.memory_space<vmem>>
    %dma_wait3A_2139 = arith.constant 0 : i32
    %dma_wait3A_2140 = tpu.memref_slice %arg5[%dma_wait3A_2135, %dma_wait3A_2139] : memref<104x128xi32, #tpu.memory_space<vmem>> -> memref<1x128xi32, #tpu.memory_space<vmem>>
    %dma_wait3A_2141 = tpu.memref_squeeze %dma_wait3A_2140 : memref<1x128xi32, #tpu.memory_space<vmem>> -> memref<128xi32, #tpu.memory_space<vmem>>
    %dma_wait3A_2142 = arith.constant 0 : i32
    %dma_wait3A_2143 = arith.constant 0 : i32
    %dma_wait3A_2144 = tpu.memref_slice %arg3[%dma_wait3A_2142, %dma_wait3A_2143] : memref<1000001x16xf32, #tpu.memory_space<hbm>> -> memref<1000001x16xf32, #tpu.memory_space<hbm>>
    tpu.wait_indirect_dma semaphore(%arg9 : memref<!tpu.dma_semaphore, #tpu.memory_space<semaphore_mem>>) src(%dma_wait3A_2144 : memref<1000001x16xf32, #tpu.memory_space<hbm>>) dst(%dma_wait3A_2138 : memref<128x16xf32, #tpu.memory_space<vmem>>)
    %dma_wait3A_2145 = arith.constant 95 : i32
    %dma_wait3A_2146 = arith.constant 512 : i32
    %dma_wait3A_2147 = arith.constant 0 : i32
    %dma_wait3A_2148 = tpu.memref_slice %arg7[%dma_wait3A_2146, %dma_wait3A_2147] : memref<1664x16xf32, #tpu.memory_space<vmem>> -> memref<128x16xf32, #tpu.memory_space<vmem>>
    %dma_wait3A_2149 = arith.constant 0 : i32
    %dma_wait3A_2150 = tpu.memref_slice %arg5[%dma_wait3A_2145, %dma_wait3A_2149] : memref<104x128xi32, #tpu.memory_space<vmem>> -> memref<1x128xi32, #tpu.memory_space<vmem>>
    %dma_wait3A_2151 = tpu.memref_squeeze %dma_wait3A_2150 : memref<1x128xi32, #tpu.memory_space<vmem>> -> memref<128xi32, #tpu.memory_space<vmem>>
    %dma_wait3A_2152 = arith.constant 0 : i32
    %dma_wait3A_2153 = arith.constant 0 : i32
    %dma_wait3A_2154 = tpu.memref_slice %arg3[%dma_wait3A_2152, %dma_wait3A_2153] : memref<1000001x16xf32, #tpu.memory_space<hbm>> -> memref<1000001x16xf32, #tpu.memory_space<hbm>>
    tpu.wait_indirect_dma semaphore(%arg9 : memref<!tpu.dma_semaphore, #tpu.memory_space<semaphore_mem>>) src(%dma_wait3A_2154 : memref<1000001x16xf32, #tpu.memory_space<hbm>>) dst(%dma_wait3A_2148 : memref<128x16xf32, #tpu.memory_space<vmem>>)
    %dma_wait3A_2155 = arith.constant 96 : i32
    %dma_wait3A_2156 = arith.constant 640 : i32
    %dma_wait3A_2157 = arith.constant 0 : i32
    %dma_wait3A_2158 = tpu.memref_slice %arg7[%dma_wait3A_2156, %dma_wait3A_2157] : memref<1664x16xf32, #tpu.memory_space<vmem>> -> memref<128x16xf32, #tpu.memory_space<vmem>>
    %dma_wait3A_2159 = arith.constant 0 : i32
    %dma_wait3A_2160 = tpu.memref_slice %arg5[%dma_wait3A_2155, %dma_wait3A_2159] : memref<104x128xi32, #tpu.memory_space<vmem>> -> memref<1x128xi32, #tpu.memory_space<vmem>>
    %dma_wait3A_2161 = tpu.memref_squeeze %dma_wait3A_2160 : memref<1x128xi32, #tpu.memory_space<vmem>> -> memref<128xi32, #tpu.memory_space<vmem>>
    %dma_wait3A_2162 = arith.constant 0 : i32
    %dma_wait3A_2163 = arith.constant 0 : i32
    %dma_wait3A_2164 = tpu.memref_slice %arg3[%dma_wait3A_2162, %dma_wait3A_2163] : memref<1000001x16xf32, #tpu.memory_space<hbm>> -> memref<1000001x16xf32, #tpu.memory_space<hbm>>
    tpu.wait_indirect_dma semaphore(%arg9 : memref<!tpu.dma_semaphore, #tpu.memory_space<semaphore_mem>>) src(%dma_wait3A_2164 : memref<1000001x16xf32, #tpu.memory_space<hbm>>) dst(%dma_wait3A_2158 : memref<128x16xf32, #tpu.memory_space<vmem>>)
    %dma_wait3A_2165 = arith.constant 97 : i32
    %dma_wait3A_2166 = arith.constant 768 : i32
    %dma_wait3A_2167 = arith.constant 0 : i32
    %dma_wait3A_2168 = tpu.memref_slice %arg7[%dma_wait3A_2166, %dma_wait3A_2167] : memref<1664x16xf32, #tpu.memory_space<vmem>> -> memref<128x16xf32, #tpu.memory_space<vmem>>
    %dma_wait3A_2169 = arith.constant 0 : i32
    %dma_wait3A_2170 = tpu.memref_slice %arg5[%dma_wait3A_2165, %dma_wait3A_2169] : memref<104x128xi32, #tpu.memory_space<vmem>> -> memref<1x128xi32, #tpu.memory_space<vmem>>
    %dma_wait3A_2171 = tpu.memref_squeeze %dma_wait3A_2170 : memref<1x128xi32, #tpu.memory_space<vmem>> -> memref<128xi32, #tpu.memory_space<vmem>>
    %dma_wait3A_2172 = arith.constant 0 : i32
    %dma_wait3A_2173 = arith.constant 0 : i32
    %dma_wait3A_2174 = tpu.memref_slice %arg3[%dma_wait3A_2172, %dma_wait3A_2173] : memref<1000001x16xf32, #tpu.memory_space<hbm>> -> memref<1000001x16xf32, #tpu.memory_space<hbm>>
    tpu.wait_indirect_dma semaphore(%arg9 : memref<!tpu.dma_semaphore, #tpu.memory_space<semaphore_mem>>) src(%dma_wait3A_2174 : memref<1000001x16xf32, #tpu.memory_space<hbm>>) dst(%dma_wait3A_2168 : memref<128x16xf32, #tpu.memory_space<vmem>>)
    %dma_wait3A_2175 = arith.constant 98 : i32
    %dma_wait3A_2176 = arith.constant 896 : i32
    %dma_wait3A_2177 = arith.constant 0 : i32
    %dma_wait3A_2178 = tpu.memref_slice %arg7[%dma_wait3A_2176, %dma_wait3A_2177] : memref<1664x16xf32, #tpu.memory_space<vmem>> -> memref<128x16xf32, #tpu.memory_space<vmem>>
    %dma_wait3A_2179 = arith.constant 0 : i32
    %dma_wait3A_2180 = tpu.memref_slice %arg5[%dma_wait3A_2175, %dma_wait3A_2179] : memref<104x128xi32, #tpu.memory_space<vmem>> -> memref<1x128xi32, #tpu.memory_space<vmem>>
    %dma_wait3A_2181 = tpu.memref_squeeze %dma_wait3A_2180 : memref<1x128xi32, #tpu.memory_space<vmem>> -> memref<128xi32, #tpu.memory_space<vmem>>
    %dma_wait3A_2182 = arith.constant 0 : i32
    %dma_wait3A_2183 = arith.constant 0 : i32
    %dma_wait3A_2184 = tpu.memref_slice %arg3[%dma_wait3A_2182, %dma_wait3A_2183] : memref<1000001x16xf32, #tpu.memory_space<hbm>> -> memref<1000001x16xf32, #tpu.memory_space<hbm>>
    tpu.wait_indirect_dma semaphore(%arg9 : memref<!tpu.dma_semaphore, #tpu.memory_space<semaphore_mem>>) src(%dma_wait3A_2184 : memref<1000001x16xf32, #tpu.memory_space<hbm>>) dst(%dma_wait3A_2178 : memref<128x16xf32, #tpu.memory_space<vmem>>)
    %dma_wait3A_2185 = arith.constant 99 : i32
    %dma_wait3A_2186 = arith.constant 1024 : i32
    %dma_wait3A_2187 = arith.constant 0 : i32
    %dma_wait3A_2188 = tpu.memref_slice %arg7[%dma_wait3A_2186, %dma_wait3A_2187] : memref<1664x16xf32, #tpu.memory_space<vmem>> -> memref<128x16xf32, #tpu.memory_space<vmem>>
    %dma_wait3A_2189 = arith.constant 0 : i32
    %dma_wait3A_2190 = tpu.memref_slice %arg5[%dma_wait3A_2185, %dma_wait3A_2189] : memref<104x128xi32, #tpu.memory_space<vmem>> -> memref<1x128xi32, #tpu.memory_space<vmem>>
    %dma_wait3A_2191 = tpu.memref_squeeze %dma_wait3A_2190 : memref<1x128xi32, #tpu.memory_space<vmem>> -> memref<128xi32, #tpu.memory_space<vmem>>
    %dma_wait3A_2192 = arith.constant 0 : i32
    %dma_wait3A_2193 = arith.constant 0 : i32
    %dma_wait3A_2194 = tpu.memref_slice %arg3[%dma_wait3A_2192, %dma_wait3A_2193] : memref<1000001x16xf32, #tpu.memory_space<hbm>> -> memref<1000001x16xf32, #tpu.memory_space<hbm>>
    tpu.wait_indirect_dma semaphore(%arg9 : memref<!tpu.dma_semaphore, #tpu.memory_space<semaphore_mem>>) src(%dma_wait3A_2194 : memref<1000001x16xf32, #tpu.memory_space<hbm>>) dst(%dma_wait3A_2188 : memref<128x16xf32, #tpu.memory_space<vmem>>)
    %dma_wait3A_2195 = arith.constant 100 : i32
    %dma_wait3A_2196 = arith.constant 1152 : i32
    %dma_wait3A_2197 = arith.constant 0 : i32
    %dma_wait3A_2198 = tpu.memref_slice %arg7[%dma_wait3A_2196, %dma_wait3A_2197] : memref<1664x16xf32, #tpu.memory_space<vmem>> -> memref<128x16xf32, #tpu.memory_space<vmem>>
    %dma_wait3A_2199 = arith.constant 0 : i32
    %dma_wait3A_2200 = tpu.memref_slice %arg5[%dma_wait3A_2195, %dma_wait3A_2199] : memref<104x128xi32, #tpu.memory_space<vmem>> -> memref<1x128xi32, #tpu.memory_space<vmem>>
    %dma_wait3A_2201 = tpu.memref_squeeze %dma_wait3A_2200 : memref<1x128xi32, #tpu.memory_space<vmem>> -> memref<128xi32, #tpu.memory_space<vmem>>
    %dma_wait3A_2202 = arith.constant 0 : i32
    %dma_wait3A_2203 = arith.constant 0 : i32
    %dma_wait3A_2204 = tpu.memref_slice %arg3[%dma_wait3A_2202, %dma_wait3A_2203] : memref<1000001x16xf32, #tpu.memory_space<hbm>> -> memref<1000001x16xf32, #tpu.memory_space<hbm>>
    tpu.wait_indirect_dma semaphore(%arg9 : memref<!tpu.dma_semaphore, #tpu.memory_space<semaphore_mem>>) src(%dma_wait3A_2204 : memref<1000001x16xf32, #tpu.memory_space<hbm>>) dst(%dma_wait3A_2198 : memref<128x16xf32, #tpu.memory_space<vmem>>)
    %dma_wait3A_2205 = arith.constant 101 : i32
    %dma_wait3A_2206 = arith.constant 1280 : i32
    %dma_wait3A_2207 = arith.constant 0 : i32
    %dma_wait3A_2208 = tpu.memref_slice %arg7[%dma_wait3A_2206, %dma_wait3A_2207] : memref<1664x16xf32, #tpu.memory_space<vmem>> -> memref<128x16xf32, #tpu.memory_space<vmem>>
    %dma_wait3A_2209 = arith.constant 0 : i32
    %dma_wait3A_2210 = tpu.memref_slice %arg5[%dma_wait3A_2205, %dma_wait3A_2209] : memref<104x128xi32, #tpu.memory_space<vmem>> -> memref<1x128xi32, #tpu.memory_space<vmem>>
    %dma_wait3A_2211 = tpu.memref_squeeze %dma_wait3A_2210 : memref<1x128xi32, #tpu.memory_space<vmem>> -> memref<128xi32, #tpu.memory_space<vmem>>
    %dma_wait3A_2212 = arith.constant 0 : i32
    %dma_wait3A_2213 = arith.constant 0 : i32
    %dma_wait3A_2214 = tpu.memref_slice %arg3[%dma_wait3A_2212, %dma_wait3A_2213] : memref<1000001x16xf32, #tpu.memory_space<hbm>> -> memref<1000001x16xf32, #tpu.memory_space<hbm>>
    tpu.wait_indirect_dma semaphore(%arg9 : memref<!tpu.dma_semaphore, #tpu.memory_space<semaphore_mem>>) src(%dma_wait3A_2214 : memref<1000001x16xf32, #tpu.memory_space<hbm>>) dst(%dma_wait3A_2208 : memref<128x16xf32, #tpu.memory_space<vmem>>)
    %dma_wait3A_2215 = arith.constant 102 : i32
    %dma_wait3A_2216 = arith.constant 1408 : i32
    %dma_wait3A_2217 = arith.constant 0 : i32
    %dma_wait3A_2218 = tpu.memref_slice %arg7[%dma_wait3A_2216, %dma_wait3A_2217] : memref<1664x16xf32, #tpu.memory_space<vmem>> -> memref<128x16xf32, #tpu.memory_space<vmem>>
    %dma_wait3A_2219 = arith.constant 0 : i32
    %dma_wait3A_2220 = tpu.memref_slice %arg5[%dma_wait3A_2215, %dma_wait3A_2219] : memref<104x128xi32, #tpu.memory_space<vmem>> -> memref<1x128xi32, #tpu.memory_space<vmem>>
    %dma_wait3A_2221 = tpu.memref_squeeze %dma_wait3A_2220 : memref<1x128xi32, #tpu.memory_space<vmem>> -> memref<128xi32, #tpu.memory_space<vmem>>
    %dma_wait3A_2222 = arith.constant 0 : i32
    %dma_wait3A_2223 = arith.constant 0 : i32
    %dma_wait3A_2224 = tpu.memref_slice %arg3[%dma_wait3A_2222, %dma_wait3A_2223] : memref<1000001x16xf32, #tpu.memory_space<hbm>> -> memref<1000001x16xf32, #tpu.memory_space<hbm>>
    tpu.wait_indirect_dma semaphore(%arg9 : memref<!tpu.dma_semaphore, #tpu.memory_space<semaphore_mem>>) src(%dma_wait3A_2224 : memref<1000001x16xf32, #tpu.memory_space<hbm>>) dst(%dma_wait3A_2218 : memref<128x16xf32, #tpu.memory_space<vmem>>)
    %dma_wait3A_2225 = arith.constant 103 : i32
    %dma_wait3A_2226 = arith.constant 1536 : i32
    %dma_wait3A_2227 = arith.constant 0 : i32
    %dma_wait3A_2228 = tpu.memref_slice %arg7[%dma_wait3A_2226, %dma_wait3A_2227] : memref<1664x16xf32, #tpu.memory_space<vmem>> -> memref<128x16xf32, #tpu.memory_space<vmem>>
    %dma_wait3A_2229 = arith.constant 0 : i32
    %dma_wait3A_2230 = tpu.memref_slice %arg5[%dma_wait3A_2225, %dma_wait3A_2229] : memref<104x128xi32, #tpu.memory_space<vmem>> -> memref<1x128xi32, #tpu.memory_space<vmem>>
    %dma_wait3A_2231 = tpu.memref_squeeze %dma_wait3A_2230 : memref<1x128xi32, #tpu.memory_space<vmem>> -> memref<128xi32, #tpu.memory_space<vmem>>
    %dma_wait3A_2232 = arith.constant 0 : i32
    %dma_wait3A_2233 = arith.constant 0 : i32
    %dma_wait3A_2234 = tpu.memref_slice %arg3[%dma_wait3A_2232, %dma_wait3A_2233] : memref<1000001x16xf32, #tpu.memory_space<hbm>> -> memref<1000001x16xf32, #tpu.memory_space<hbm>>
    tpu.wait_indirect_dma semaphore(%arg9 : memref<!tpu.dma_semaphore, #tpu.memory_space<semaphore_mem>>) src(%dma_wait3A_2234 : memref<1000001x16xf32, #tpu.memory_space<hbm>>) dst(%dma_wait3A_2228 : memref<128x16xf32, #tpu.memory_space<vmem>>)
    %mul3A_2235 = arith.constant 8 : i32
    %mul3A_2236 = arith.muli %add3A, %mul3A_2235 : i32
    %add3A_2237 = arith.constant 7 : i32
    %add3A_2238 = arith.addi %mul3A_2236, %add3A_2237 : i32
    %mul3A_2239 = arith.constant 13 : i32
    %mul3A_2240 = arith.muli %add3A_2238, %mul3A_2239 : i32
    %mul3A_2241 = arith.constant 128 : i32
    %mul3A_2242 = arith.muli %mul3A_2240, %mul3A_2241 : i32
    %dma_start3A_2243 = arith.constant 0 : i32
    %dma_start3A_2244 = tpu.memref_slice %arg4[%mul3A_2242, %dma_start3A_2243] : memref<425984x16xf32, #tpu.memory_space<hbm>> -> memref<1664x16xf32, #tpu.memory_space<hbm>>
    %dma_start3A_2245 = arith.constant 0 : i32
    %dma_start3A_2246 = tpu.memref_slice %arg4[%mul3A_2242, %dma_start3A_2245] : memref<425984x16xf32, #tpu.memory_space<hbm>> -> memref<1664x16xf32, #tpu.memory_space<hbm>>
    tpu.enqueue_dma source(%arg7 : memref<1664x16xf32, #tpu.memory_space<vmem>>) target(%dma_start3A_2246 : memref<1664x16xf32, #tpu.memory_space<hbm>>) target_semaphore(%arg11 : memref<!tpu.dma_semaphore, #tpu.memory_space<semaphore_mem>>)
    %mul3A_2247 = arith.constant 8 : i32
    %mul3A_2248 = arith.muli %add3A, %mul3A_2247 : i32
    %add3A_2249 = arith.constant 6 : i32
    %add3A_2250 = arith.addi %mul3A_2248, %add3A_2249 : i32
    %mul3A_2251 = arith.constant 13 : i32
    %mul3A_2252 = arith.muli %add3A_2250, %mul3A_2251 : i32
    %mul3A_2253 = arith.constant 128 : i32
    %mul3A_2254 = arith.muli %mul3A_2252, %mul3A_2253 : i32
    %dma_wait3A_2255 = arith.constant 0 : i32
    %dma_wait3A_2256 = tpu.memref_slice %arg4[%mul3A_2254, %dma_wait3A_2255] : memref<425984x16xf32, #tpu.memory_space<hbm>> -> memref<1664x16xf32, #tpu.memory_space<hbm>>
    %dma_wait3A_2257 = arith.constant 0 : i32
    %dma_wait3A_2258 = tpu.memref_slice %arg4[%mul3A_2254, %dma_wait3A_2257] : memref<425984x16xf32, #tpu.memory_space<hbm>> -> memref<1664x16xf32, #tpu.memory_space<hbm>>
    tpu.wait_dma2 semaphore(%arg10 : memref<!tpu.dma_semaphore, #tpu.memory_space<semaphore_mem>>) src(%arg6 : memref<1664x16xf32, #tpu.memory_space<vmem>>) dst(%dma_wait3A_2258 : memref<1664x16xf32, #tpu.memory_space<hbm>>)
    %mul3A_2259 = arith.constant 8 : i32
    %mul3A_2260 = arith.muli %add3A, %mul3A_2259 : i32
    %add3A_2261 = arith.constant 7 : i32
    %add3A_2262 = arith.addi %mul3A_2260, %add3A_2261 : i32
    %mul3A_2263 = arith.constant 13 : i32
    %mul3A_2264 = arith.muli %add3A_2262, %mul3A_2263 : i32
    %mul3A_2265 = arith.constant 128 : i32
    %mul3A_2266 = arith.muli %mul3A_2264, %mul3A_2265 : i32
    %dma_wait3A_2267 = arith.constant 0 : i32
    %dma_wait3A_2268 = tpu.memref_slice %arg4[%mul3A_2266, %dma_wait3A_2267] : memref<425984x16xf32, #tpu.memory_space<hbm>> -> memref<1664x16xf32, #tpu.memory_space<hbm>>
    %dma_wait3A_2269 = arith.constant 0 : i32
    %dma_wait3A_2270 = tpu.memref_slice %arg4[%mul3A_2266, %dma_wait3A_2269] : memref<425984x16xf32, #tpu.memory_space<hbm>> -> memref<1664x16xf32, #tpu.memory_space<hbm>>
    tpu.wait_dma2 semaphore(%arg11 : memref<!tpu.dma_semaphore, #tpu.memory_space<semaphore_mem>>) src(%arg7 : memref<1664x16xf32, #tpu.memory_space<vmem>>) dst(%dma_wait3A_2270 : memref<1664x16xf32, #tpu.memory_space<hbm>>)
    return
  }
}

module attributes {stable_mosaic.version = 14 : i64} {
  func.func @mm_k(%arg0: i32, %arg1: memref<512x416xf32, #tpu.memory_space<vmem>>, %arg2: memref<416x16xf32, #tpu.memory_space<vmem>>, %arg3: memref<1x16xf32, #tpu.memory_space<vmem>>, %arg4: memref<512x16xf32, #tpu.memory_space<vmem>>) attributes {dimension_semantics = [#tpu.dimension_semantics<arbitrary>], iteration_bounds = array<i64: 32>, scalar_prefetch = 0 : i64, scratch_operands = 0 : i64, tpu.core_type = #tpu.core_type<tc>, window_params = [{transform_indices = @transform_0, window_bounds = array<i64: 512, 416>}, {pipeline_mode = #tpu.pipeline_mode<synchronous>, transform_indices = @transform_1, window_bounds = array<i64: 416, 16>}, {pipeline_mode = #tpu.pipeline_mode<synchronous>, transform_indices = @transform_2, window_bounds = array<i64: 1, 16>}, {transform_indices = @transform_3, window_bounds = array<i64: 512, 16>}]} {
    %get3A = arith.constant 0 : index
    %get3A_0 = arith.constant 0 : index
    %get3A_1 = vector.load %arg3[%get3A, %get3A_0] : memref<1x16xf32, #tpu.memory_space<vmem>>, vector<1x16xf32>
    %broadcast_in_dim3A = vector.shape_cast %get3A_1 : vector<1x16xf32> to vector<1x16xf32>
    %broadcast_in_dim3A_2 = vector.broadcast %broadcast_in_dim3A : vector<1x16xf32> to vector<512x16xf32>
    %get3A_3 = arith.constant 0 : index
    %get3A_4 = arith.constant 0 : index
    %get3A_5 = vector.load %arg1[%get3A_3, %get3A_4] : memref<512x416xf32, #tpu.memory_space<vmem>>, vector<512x416xf32>
    %get3A_6 = arith.constant 0 : index
    %get3A_7 = arith.constant 0 : index
    %get3A_8 = vector.load %arg2[%get3A_6, %get3A_7] : memref<416x16xf32, #tpu.memory_space<vmem>>, vector<416x16xf32>
    %dot_general3A = arith.constant dense<0.000000e+00> : vector<512x16xf32>
    %dot_general3A_9 = tpu.matmul %get3A_5, %get3A_8, %dot_general3A {dimension_numbers = #tpu.dot_dimension_numbers<[1], [0], [0], [1], [0, 0, 1, 1], [], []>, transpose_lhs_hint = false} : vector<512x416xf32>, vector<416x16xf32>, vector<512x16xf32> -> vector<512x16xf32>
    %add3A = arith.addf %broadcast_in_dim3A_2, %dot_general3A_9 : vector<512x16xf32>
    %swap3A = arith.constant 0 : index
    %swap3A_10 = arith.constant 0 : index
    %swap3A_11 = vector.load %arg4[%swap3A, %swap3A_10] : memref<512x16xf32, #tpu.memory_space<vmem>>, vector<512x16xf32>
    tpu.vector_store %arg4[%swap3A, %swap3A_10], %add3A {strides = array<i32>} : memref<512x16xf32, #tpu.memory_space<vmem>>, vector<512x16xf32>,
    return
  }
  func.func @transform_0(%arg0: i32) -> (i32, i32) {
    %c0_i32 = arith.constant 0 : i32
    %c0_i32_0 = arith.constant 0 : i32
    return %arg0, %c0_i32 : i32, i32
  }
  func.func @transform_1(%arg0: i32) -> (i32, i32) {
    %c0_i32 = arith.constant 0 : i32
    %c0_i32_0 = arith.constant 0 : i32
    %c0_i32_1 = arith.constant 0 : i32
    return %c0_i32, %c0_i32_0 : i32, i32
  }
  func.func @transform_2(%arg0: i32) -> (i32, i32) {
    %c0_i32 = arith.constant 0 : i32
    %c0_i32_0 = arith.constant 0 : i32
    %c0_i32_1 = arith.constant 0 : i32
    return %c0_i32, %c0_i32_0 : i32, i32
  }
  func.func @transform_3(%arg0: i32) -> (i32, i32) {
    %c0_i32 = arith.constant 0 : i32
    %c0_i32_0 = arith.constant 0 : i32
    return %arg0, %c0_i32 : i32, i32
  }
}

</mosaic_0001>

<sc_bundles>
// kernel: kernel.4.cloned.1.call-start
scs
__scs_entry_jumppad:
0x0: {  	(pc) =	sbr.rel $0x88, $3  }
0x1: {  	(tag) =	ssettag $0x0;
	lr =	simm.s32 $0x1  }
0x2: {  	[smem:$0x3F9D] =	sst lr;
	_ =	strace $0xD0000000  }
0x3: {  	_ = 	snop  }
0x4: {  	_ = 	snop  }
0x5: {  	_ = 	snop  }
0x6: {  	_ = 	snop  }
0x7: {  	_ = 	snop  }
__scs_overlays_trampoline_lowered:
0x8: {  	[smem:$0x3FAC] =	sst s0  }
0x9: {  	[smem:$0x3FAD] =	sst s1  }
0xa: {  	[smem:$0x3FAE] =	sst s2  }
0xb: {  	[smem:$0x3FAF] =	sst s3  }
0xc: {  	[smem:$0x3FB0] =	sst s4  }
0xd: {  	[smem:$0x3FB1] =	sst s5  }
0xe: {  	[smem:$0x3FB2] =	sst s6  }
0xf: {  	[smem:$0x3FB3] =	sst s7  }
0x10: {  	[smem:$0x3FB4] =	sst s8  }
0x11: {  	[smem:$0x3FB5] =	sst s9;
	s0 =	simm.s32 @!p0 $0x0  }
0x12: {  	s1 =	sld [smem:$0x3F9B];
	s0 =	simm.s32 @p0 $0x1  }
0x13: {  	[smem:$0x3FB6] =	sst s0;
	s0 =	simm.s32 @!p1 $0x0  }
0x14: {  	s2 =	sld [smem:$0x3F9A];
	s0 =	simm.s32 @p1 $0x1  }
0x15: {  	[smem:$0x3FB7] =	sst s0;
	s0 =	simm.s32 @!p2 $0x0  }
0x16: {  	s3 =	sld [smem:$0x3FDB];
	s0 =	simm.s32 @p2 $0x1  }
0x17: {  	s4 =	simm.s32 $0x1BF5;
	[smem:$0x3FB9] =	sst s0  }
0x18: {  	s0 =	sld [smem:$0x3F9C];
	_ =	swait.ge [sflag:s4], $0x0  }
0x19: {  	s7 =	sld [smem:$0x3F9D]  }
0x1a: {  	s8 =	sadd.s32 $0xFFFFE003, lr  }
0x1b: {  	s9 =	sadd.s32 $0xFFFFFEF7, lr;
	s5 =	simm.s32 $0xFFFFFFFF;
	p2 =	slt.u32 s8, $0xFFFFF086  }
0x1c: {  	p1 =	slt.u32 s9, $0xF7A;
	s5 =	simm.s32 @!p2 $0x0  }
0x1d: {  	s5 =	simm.s32 @p1 $0x1;
	p0 =	seq.s32 s7, s2  }
0x1e: {  	s7 =	smul.u32 @!p0 $0xF7A, s2;
	p2 =	seq.s32 @!p0 s5, $0x0  }
0x1f: {  	s9 =	smul.u32 $0xF7A, s1;
	s8 =	simm.s32 @!p0 $0x1BF5;
	p2 =	por !p2, p0  }
0x20: {  	[sflag:s8] =	ssyncset.s32 @!p0 $0xFFFFF086;
	s6 =	sadd.s32 @!p0 s3, s7;
	s7 =	simm.s32 @!p0 $0x108  }
0x21: {  	s3 =	sadd.s32 s3, s9;
	s6 =	sadd.s32 @!p0 $0x88, s6;
	s7 =	simm.s32 @p2 $0x1082  }
0x22: {  	[simem:s7], [sflag:s8] =	dma.local @!p0 [hbm:s6], $0xF7A  }
0x23: {  	s9 =	sor.u32 $0xD0000000, s2;
	s6 =	simm.s32 $0x108;
	_ =	swait.ge @!p0 [sflag:s8], $0x0  }
0x24: {  	s3 =	sadd.s32 $0x88, s3;
	s6 =	simm.s32 @!p1 $0x1082;
	[sflag:s4] =	ssyncset.s32 $0xFFFFF086  }
0x25: {  	[simem:s6], [sflag:s4] =	dma.local [hbm:s3], $0xF7A  }
0x26: {  	[smem:$0x3F9D] =	sst s1;
	(tag) =	ssettag s2;
	_ =	strace s9  }
0x27: {  	s1 =	sld [smem:$0x3FAD]  }
0x28: {  	s2 =	sld [smem:$0x3FAE]  }
0x29: {  	s4 =	sld [smem:$0x3FB0]  }
0x2a: {  	p0 =	seq.s32 s5, $0x0;
	s5 =	sld [smem:$0x3FB1]  }
0x2b: {  	s6 =	sld [smem:$0x3FB2]  }
0x2c: {  	s7 =	sld [smem:$0x3FB3]  }
0x2d: {  	s3 =	simm.s32 $0x108;
	s8 =	sld [smem:$0x3FB4]  }
0x2e: {  	s3 =	simm.s32 @!p0 $0x1082;
	s9 =	sld [smem:$0x3FB5]  }
0x2f: {  	lr =	sadd.s32 s0, s3;
	s0 =	sld [smem:$0x3FAC]  }
0x30: {  	s3 =	sld [smem:$0x3FAF]  }
0x31: {  	[smem:$0x3FB8] =	sst s10  }
0x32: {  	s10 =	sld [smem:$0x3FB6];
	_ =	sdelay $0x3  }
0x33: {  	p0 =	seq.s32 s10, $0x1;
	s10 =	sld [smem:$0x3FB8];
	_ =	sdelay $0x3  }
0x34: {  	[smem:$0x3FB8] =	sst s10  }
0x35: {  	s10 =	sld [smem:$0x3FB7];
	_ =	sdelay $0x3  }
0x36: {  	p1 =	seq.s32 s10, $0x1;
	s10 =	sld [smem:$0x3FB8];
	_ =	sdelay $0x3  }
0x37: {  	[smem:$0x3FB8] =	sst s10  }
0x38: {  	s10 =	sld [smem:$0x3FB9]  }
0x39: {  	_ = 	snop;
	(pc) =	sbr.ind lr, $3  }
0x3a: {  	_ = 	snop  }
0x3b: {  	_ = 	snop  }
0x3c: {  	p2 =	seq.s32 s10, $0x1;
	s10 =	sld [smem:$0x3FB8]  }
0x3d: {  	_ =	shalt  }
0x3e: {  	_ =	shalt  }
0x3f: {  	_ =	shalt  }
0x40: {  	_ =	shalt  }
0x41: {  	_ =	shalt  }
0x42: {  	_ =	shalt  }
0x43: {  	_ =	shalt  }
0x44: {  	_ =	shalt  }
0x45: {  	_ =	shalt  }
0x46: {  	_ =	shalt  }
0x47: {  	_ =	shalt  }
0x48: {  	_ =	shalt  }
0x49: {  	_ =	shalt  }
0x4a: {  	_ =	shalt  }
0x4b: {  	_ =	shalt  }
0x4c: {  	_ =	shalt  }
0x4d: {  	_ =	shalt  }
0x4e: {  	_ =	shalt  }
0x4f: {  	_ =	shalt  }
0x50: {  	_ =	shalt  }
0x51: {  	_ =	shalt  }
0x52: {  	_ =	shalt  }
0x53: {  	_ =	shalt  }
0x54: {  	_ =	shalt  }
0x55: {  	_ =	shalt  }
0x56: {  	_ =	shalt  }
0x57: {  	_ =	shalt  }
0x58: {  	_ =	shalt  }
0x59: {  	_ =	shalt  }
0x5a: {  	_ =	shalt  }
0x5b: {  	_ =	shalt  }
0x5c: {  	_ =	shalt  }
0x5d: {  	_ =	shalt  }
0x5e: {  	_ =	shalt  }
0x5f: {  	_ =	shalt  }
0x60: {  	_ =	shalt  }
0x61: {  	_ =	shalt  }
0x62: {  	_ =	shalt  }
0x63: {  	_ =	shalt  }
0x64: {  	_ =	shalt  }
0x65: {  	_ =	shalt  }
0x66: {  	_ =	shalt  }
0x67: {  	_ =	shalt  }
0x68: {  	_ =	shalt  }
0x69: {  	_ =	shalt  }
0x6a: {  	_ =	shalt  }
0x6b: {  	_ =	shalt  }
0x6c: {  	_ =	shalt  }
0x6d: {  	_ =	shalt  }
0x6e: {  	_ =	shalt  }
0x6f: {  	_ =	shalt  }
0x70: {  	_ =	shalt  }
0x71: {  	_ =	shalt  }
0x72: {  	_ =	shalt  }
0x73: {  	_ =	shalt  }
0x74: {  	_ =	shalt  }
0x75: {  	_ =	shalt  }
0x76: {  	_ =	shalt  }
0x77: {  	_ =	shalt  }
0x78: {  	_ =	shalt  }
0x79: {  	_ =	shalt  }
0x7a: {  	_ =	shalt  }
0x7b: {  	_ =	shalt  }
0x7c: {  	_ =	shalt  }
0x7d: {  	_ =	shalt  }
0x7e: {  	_ =	shalt  }
0x7f: {  	_ =	shalt  }
0x80: {  	_ =	shalt  }
0x81: {  	_ =	shalt  }
0x82: {  	_ =	shalt  }
0x83: {  	_ =	shalt  }
0x84: {  	_ =	shalt  }
0x85: {  	_ =	shalt  }
0x86: {  	_ =	shalt  }
0x87: {  	_ =	shalt  }
.Lfunc_end0:
.L_simem_size_0:
called_computation_lowered:
.L_overlay_start_0:
0x88: {  	s2 =	sld [smem:$0x3FD9]  }
0x89: {  	s3 =	sld [smem:$0x3FFE];
	_ =	sdelay $0x1  }
0x8a: {  	s1 =	srdreg.scid  }
0x8b: {  	s0 =	sand.u32 $0x1, s1  }
0x8c: {  	s16 =	sshll.u32 s0, $0xA;
	s2 =	sadd.s32 s3, s2  }
0x8d: {  	s2 =	sadd.s32 s2, s16  }
0x8e: {  	[smem:$0x3FC4] =	sst s2  }
0x8f: {  	_ = 	snop  }
0x90: {  	(tm) =	ssettm $0x1  }
0x91: {  	s17 =	sld [smem:$0x3FFB];
	_ =	sdelay $0x3  }
0x92: {  	_ =	strace s17  }
0x93: {  	s2 =	sld [smem:$0x3FFC];
	_ =	sdelay $0x3  }
0x94: {  	_ =	strace s2  }
0x95: {  	s2 =	sld [smem:$0x3FFD];
	_ =	sdelay $0x3  }
0x96: {  	_ =	strace s2  }
0x97: {  	_ =	strace $0x8FFFFFFF  }
0x98: {  	s18 =	sld [smem:$0x3FDB];
	_ =	sdelay $0x1  }
0x99: {  	s19 =	simm.s32 $_scs_section_size  }
0x9a: {  	s4 =	simm.s32 $_size__tile_overlayer_lowered;
	s5 =	simm.s32 $_tile_overlayer_lowered  }
0x9b: {  	s22 =	simm.s32 $0x1BFF;
	s21 =	sshll.u32 s5, $0x1;
	s2 =	sadd.s32 s19, s18  }
0x9c: {  	s6 =	simm.s32 $0x0;
	s20 =	sshll.u32 s4, $0x1;
	s4 =	sadd.s32 s21, s2  }
0x9d: {  	[timem:s6], [sflag:s22] =	dma.local [hbm:s4], s20  }
0x9e: {  	_ =	swait.ge [sflag:s22], s20  }
0x9f: {  	s3 =	ssub.s32 $0x0, s20;
	[sflag:s22] =	ssyncset.done $0x0  }
0xa0: {  	[sflag:s22] =	ssyncadd.s32 s3;
	_ =	sdelay $0x1  }
0xa1: {  	s23 =	simm.s32 $0x1B8B  }
0xa2: {  	_ =	swait.ge [sflag:s23], $0x1  }
0xa3: {  	[sflag:s23] =	ssyncset.done $0x0  }
0xa4: {  	s25 =	simm.s32 $0x1B8E;
	s24 =	sld [smem:$0x3FFE];
	[sflag:s23] =	ssyncadd.s32 $0xFFFFFFFF  }
0xa5: {  	s26 =	simm.s32 $execute0_lowered;
	[smem:$0x3FD2] =	sst s25  }
0xa6: {  	s4 =	sshll.u32 s26, $0x1;
	_ =	strace $0x80000046;
	[dreg:$0x1] =	wrdreg $0xFFFFFFFF  }
0xa7: {  	s28 =	simm.s32 $_size_execute0_lowered;
	s2 =	sadd.s32 s2, s4;
	[dreg:$0x0] =	wrdreg $0x0  }
0xa8: {  	s4 =	sshll.u32 s28, $0x1;
	[dreg:$0x2] =	wrdreg s2  }
0xa9: {  	[dreg:$0x3] =	wrdreg s4  }
0xaa: {  	[dreg:$0x4] =	wrdreg $0xC0  }
0xab: {  	_ =	task [dreg:s6], $0x5FFFF  }
0xac: {  	[dreg:$0x1] =	wrdreg $0xFFFFFFFF  }
0xad: {  	[dreg:$0x0] =	wrdreg $0x60  }
0xae: {  	[dreg:$0x2] =	wrdreg s24  }
0xaf: {  	[dreg:$0x3] =	wrdreg $0x9  }
0xb0: {  	_ =	task.clear_ibuf [dreg:s6], $0x4FFFF;
	_ =	strace $0x90000046  }
0xb1: {  	s29 =	simm.s32 $0x9;
	_ =	strace $0x80000048  }
0xb2: {  	_ =	swait.ge [sflag:s29], $0x1  }
0xb3: {  	[sflag:s29] =	ssyncadd.s32 $0xFFFFFFFF  }
0xb4: {  	_ =	strace $0x90000048  }
0xb5: {  	_ =	sfence  }
0xb6: {  	s30 =	sld [smem:$0x0];
	_ =	sdelay $0x2  }
0xb7: {  	s31 =	sshll.u32 s1, $0xD;
	s1 =	sshrl.u32 s1, $0x2  }
0xb8: {  	s3 =	sand.u32 $0x4000, s31;
	s1 =	sadd.s32 s1, s30  }
0xb9: {  	s0 =	sor.u32 s3, s0;
	s1 =	sshll.u32 s1, $0x11  }
0xba: {  	s0 =	sor.u32 s1, s0  }
0xbb: {  	s0 =	sadd.s32 $0x8F2B, s0  }
0xbc: {  	[sflag:s0] =	ssyncadd.remote.s32 $0x1  }
0xbd: {  	_ =	sfence.sel $0xFFFF  }
0xbe: {  	[dreg:$0x0] =	wrdreg $0xFFFFFFFF;
	(pc) =	sbr.abs _section_cstart, $3  }
0xbf: {  	[dreg:$0x1] =	wrdreg $0xFFFFFFFF  }
0xc0: {  	_ =	task.clear_ibuf [dreg:s6], $0x2FFFF;
	_ =	strace $0x9FFFFFFF  }
0xc1: {  	(tm) =	ssettm $0x7FFFFFFF  }
tec
execute0_lowered:
.L_overlay_start_1:
0x0: {  	(tag) =	ssettag $0x1  }
0x1: {  	s0 =	srdreg.scid;
	s1 =	stileid.u32  }
0x2: {  	s0 =	sand.u32 $0x1, s0;
	s2 =	sshll.u32 s1, $0x1  }
0x3: {  	s1 =	rddreg [dreg:$0x0];
	s3 =	sor.u32 s0, s2;
	s2 =	simm.s32 $0x0  }
0x4: {  	s7 =	simm.s32 $0x280;
	[smem:$0x7FF] =	sst s2  }
0x5: {  	s8 =	simm.s32 $0x300;
	_ =	strace $0x80000047;
	[dreg:$0xe] =	wrdreg s7  }
0x6: {  	s9 =	simm.s32 $0x380;
	[dreg:$0xf] =	wrdreg s8  }
0x7: {  	s10 =	simm.s32 $0x400;
	[dreg:$0x10] =	wrdreg s9  }
0x8: {  	s11 =	simm.s32 $0x480;
	[dreg:$0x11] =	wrdreg s10  }
0x9: {  	s12 =	simm.s32 $0x500;
	[dreg:$0x12] =	wrdreg s11  }
0xa: {  	s13 =	simm.s32 $0x580;
	[dreg:$0x13] =	wrdreg s12  }
0xb: {  	s14 =	simm.s32 $0x600;
	[dreg:$0x14] =	wrdreg s13  }
0xc: {  	s15 =	simm.s32 $0x680;
	[dreg:$0x15] =	wrdreg s14  }
0xd: {  	s16 =	simm.s32 $0x700;
	[dreg:$0x16] =	wrdreg s15  }
0xe: {  	s17 =	simm.s32 $0x780;
	[dreg:$0x17] =	wrdreg s16  }
0xf: {  	s18 =	simm.s32 $0x800;
	[dreg:$0x18] =	wrdreg s17  }
0x10: {  	s19 =	simm.s32 $0x880;
	[dreg:$0x19] =	wrdreg s18  }
0x11: {  	s20 =	simm.s32 $0x900;
	[dreg:$0x1a] =	wrdreg s19  }
0x12: {  	s21 =	simm.s32 $0x980;
	[dreg:$0x1b] =	wrdreg s20  }
0x13: {  	[dreg:$0x1c] =	wrdreg s21;
	s7 =	simm.s32 $0xF80  }
0x14: {  	s8 =	simm.s32 $0x1000;
	[smem:$0x7B5] =	sst s7  }
0x15: {  	s9 =	simm.s32 $0x1080;
	[smem:$0x7B6] =	sst s8  }
0x16: {  	s10 =	simm.s32 $0x1100;
	[smem:$0x7B7] =	sst s9  }
0x17: {  	s11 =	simm.s32 $0x1180;
	[smem:$0x7B8] =	sst s10  }
0x18: {  	s12 =	simm.s32 $0x1200;
	[smem:$0x7B9] =	sst s11  }
0x19: {  	s13 =	simm.s32 $0x1280;
	[smem:$0x7BA] =	sst s12  }
0x1a: {  	s14 =	simm.s32 $0x1300;
	[smem:$0x7BB] =	sst s13  }
0x1b: {  	s15 =	simm.s32 $0x1380;
	[smem:$0x7BC] =	sst s14  }
0x1c: {  	s16 =	simm.s32 $0x1400;
	[smem:$0x7BD] =	sst s15  }
0x1d: {  	s17 =	simm.s32 $0x1480;
	[smem:$0x7BE] =	sst s16  }
0x1e: {  	s4 =	smul.u32 $0x680, s3;
	s18 =	simm.s32 $0x1500;
	[smem:$0x7BF] =	sst s17  }
0x1f: {  	s5 =	smul.u32 $0x34000, s3;
	s19 =	simm.s32 $0x1580;
	[smem:$0x7C0] =	sst s18  }
0x20: {  	s3 =	smul.u32 $0x6800, s3;
	s20 =	simm.s32 $0x1600;
	[smem:$0x7C1] =	sst s19  }
0x21: {  	s6 =	sadd.s32 $0xDA00, s1;
	s21 =	simm.s32 $0x1680;
	[smem:$0x7C2] =	sst s20  }
0x22: {  	s3 =	sadd.s32 s6, s3;
	[smem:$0x7C3] =	sst s21  }
0x23: {  	s7 =	simm.s32 $0x1C80;
	[dreg:$0x3] =	wrdreg s3  }
0x24: {  	s8 =	simm.s32 $0x1D00;
	[smem:$0x7CF] =	sst s7  }
0x25: {  	s9 =	simm.s32 $0x1D80;
	[smem:$0x7D0] =	sst s8  }
0x26: {  	s10 =	simm.s32 $0x1E00;
	[smem:$0x7D1] =	sst s9  }
0x27: {  	s11 =	simm.s32 $0x1E80;
	[smem:$0x7D2] =	sst s10  }
0x28: {  	s12 =	simm.s32 $0x1F00;
	[smem:$0x7D3] =	sst s11  }
0x29: {  	s13 =	simm.s32 $0x1F80;
	[smem:$0x7D4] =	sst s12  }
0x2a: {  	s14 =	simm.s32 $0x2000;
	[smem:$0x7D5] =	sst s13  }
0x2b: {  	s15 =	simm.s32 $0x2080;
	[smem:$0x7D6] =	sst s14  }
0x2c: {  	s16 =	simm.s32 $0x2100;
	[smem:$0x7D7] =	sst s15  }
0x2d: {  	s17 =	simm.s32 $0x2180;
	[smem:$0x7D8] =	sst s16  }
0x2e: {  	s18 =	simm.s32 $0x2200;
	[smem:$0x7D9] =	sst s17  }
0x2f: {  	s19 =	simm.s32 $0x2280;
	[smem:$0x7DA] =	sst s18  }
0x30: {  	s20 =	simm.s32 $0x2300;
	[smem:$0x7DB] =	sst s19  }
0x31: {  	s4 =	sadd.s32 s4, s1;
	s21 =	simm.s32 $0x2380;
	[smem:$0x7DC] =	sst s20  }
0x32: {  	s5 =	sshrl.u32 s5, $0x3;
	s4 =	sadd.s32 $0xA00, s4;
	[smem:$0x7DD] =	sst s21  }
0x33: {  	s22 =	sadd.s32 s6, s5;
	s5 =	simm.s32 $0x180;
	[dreg:$0x2] =	wrdreg s4  }
0x34: {  	s6 =	simm.s32 $0x200;
	[dreg:$0xc] =	wrdreg s5  }
0x35: {  	s8 =	simm.s32 $0x2900;
	[dreg:$0xd] =	wrdreg s6  }
0x36: {  	s9 =	simm.s32 $0x2980;
	[smem:$0x7E8] =	sst s8  }
0x37: {  	s11 =	simm.s32 $0x2A00;
	[smem:$0x7E9] =	sst s9  }
0x38: {  	s12 =	simm.s32 $0x2A80;
	[smem:$0x7EA] =	sst s11  }
0x39: {  	s13 =	simm.s32 $0x2B00;
	[smem:$0x7EB] =	sst s12  }
0x3a: {  	s14 =	simm.s32 $0x2B80;
	[smem:$0x7EC] =	sst s13  }
0x3b: {  	s15 =	simm.s32 $0x2C00;
	[smem:$0x7ED] =	sst s14  }
0x3c: {  	s16 =	simm.s32 $0x2C80;
	[smem:$0x7EE] =	sst s15  }
0x3d: {  	s17 =	simm.s32 $0x2D00;
	[smem:$0x7EF] =	sst s16  }
0x3e: {  	s18 =	simm.s32 $0x2D80;
	[smem:$0x7F0] =	sst s17  }
0x3f: {  	s19 =	simm.s32 $0x2E00;
	[smem:$0x7F1] =	sst s18  }
0x40: {  	s20 =	simm.s32 $0x2E80;
	[smem:$0x7F2] =	sst s19  }
0x41: {  	s21 =	simm.s32 $0x2F00;
	[smem:$0x7F3] =	sst s20  }
0x42: {  	s23 =	sadd.s32 $0xD00, s22;
	[smem:$0x7F4] =	sst s21  }
0x43: {  	s24 =	sadd.s32 $0x1A00, s22;
	[dreg:$0x4] =	wrdreg s23  }
0x44: {  	s25 =	sadd.s32 $0x2700, s22;
	[dreg:$0x5] =	wrdreg s24  }
0x45: {  	s26 =	sadd.s32 $0x3400, s22;
	[dreg:$0x6] =	wrdreg s25  }
0x46: {  	s28 =	sadd.s32 $0x4100, s22;
	[dreg:$0x7] =	wrdreg s26  }
0x47: {  	s30 =	sadd.s32 $0x4E00, s22;
	[dreg:$0x8] =	wrdreg s28  }
0x48: {  	s31 =	sadd.s32 $0x5B00, s22;
	[dreg:$0x9] =	wrdreg s30  }
0x49: {  	s4 =	simm.s32 $0x100;
	[dreg:$0xa] =	wrdreg s31  }
0x4a: {  	s22 =	simm.s32 $0xA00;
	[dreg:$0xb] =	wrdreg s4  }
0x4b: {  	s0 =	ssub.s32 $0x2, s0;
	s5 =	simm.s32 $0xE80;
	[dreg:$0x1d] =	wrdreg s22  }
0x4c: {  	s7 =	sshrl.u32 s0, $0x1;
	s6 =	simm.s32 $0xF00;
	[smem:$0x7B3] =	sst s5  }
0x4d: {  	s0 =	ssub.s32 s0, s7;
	s7 =	simm.s32 $0x3200;
	[smem:$0x7B4] =	sst s6  }
0x4e: {  	[smem:$0x7FA] =	sst s7  }
0x4f: {  	s23 =	simm.s32 $0xA80;
	s13 =	rddreg [dreg:$0x2]  }
0x50: {  	s24 =	simm.s32 $0xB00;
	[dreg:$0x1e] =	wrdreg s23  }
0x51: {  	s25 =	simm.s32 $0xB80;
	[dreg:$0x1f] =	wrdreg s24  }
0x52: {  	s26 =	simm.s32 $0xC00;
	[smem:$0x7AD] =	sst s25  }
0x53: {  	s28 =	simm.s32 $0xC80;
	[smem:$0x7AE] =	sst s26  }
0x54: {  	s30 =	simm.s32 $0xD00;
	[smem:$0x7AF] =	sst s28  }
0x55: {  	s31 =	simm.s32 $0xD80;
	[smem:$0x7B0] =	sst s30  }
0x56: {  	s4 =	simm.s32 $0xE00;
	[smem:$0x7B1] =	sst s31  }
0x57: {  	s22 =	simm.s32 $0x1700;
	[smem:$0x7B2] =	sst s4  }
0x58: {  	s5 =	simm.s32 $0x1B80;
	[smem:$0x7C4] =	sst s22  }
0x59: {  	s6 =	simm.s32 $0x1C00;
	[smem:$0x7CD] =	sst s5  }
0x5a: {  	s23 =	simm.s32 $0x1780;
	[smem:$0x7CE] =	sst s6  }
0x5b: {  	s24 =	simm.s32 $0x1800;
	[smem:$0x7C5] =	sst s23  }
0x5c: {  	s25 =	simm.s32 $0x1880;
	[smem:$0x7C6] =	sst s24  }
0x5d: {  	s26 =	simm.s32 $0x1900;
	[smem:$0x7C7] =	sst s25  }
0x5e: {  	s28 =	simm.s32 $0x1980;
	[smem:$0x7C8] =	sst s26  }
0x5f: {  	s30 =	simm.s32 $0x1A00;
	[smem:$0x7C9] =	sst s28  }
0x60: {  	s31 =	simm.s32 $0x1A80;
	[smem:$0x7CA] =	sst s30  }
0x61: {  	s4 =	simm.s32 $0x1B00;
	[smem:$0x7CB] =	sst s31  }
0x62: {  	s22 =	simm.s32 $0x2400;
	[smem:$0x7CC] =	sst s4  }
0x63: {  	s29 =	simm.s32 $0x5;
	s5 =	simm.s32 $0x2800;
	[smem:$0x7DE] =	sst s22  }
0x64: {  	p0 =	por $0x0, $0x0;
	s6 =	simm.s32 $0x2880;
	[smem:$0x7E6] =	sst s5  }
0x65: {  	s3 =	sadd.s32 $0xF43000, s1;
	s23 =	simm.s32 $0x2480;
	[smem:$0x7E7] =	sst s6  }
0x66: {  	s1 =	simm.s32 $0x7C00;
	s24 =	simm.s32 $0x2500;
	[smem:$0x7DF] =	sst s23  }
0x67: {  	s9 =	simm.s32 $0x3400;
	s25 =	simm.s32 $0x2580;
	[smem:$0x7E0] =	sst s24  }
0x68: {  	s12 =	simm.s32 $0x3C00;
	s26 =	simm.s32 $0x2600;
	[smem:$0x7E1] =	sst s25  }
0x69: {  	s14 =	simm.s32 $0x8400;
	s28 =	simm.s32 $0x2680;
	[smem:$0x7E2] =	sst s26  }
0x6a: {  	s16 =	simm.s32 $0x8C00;
	s30 =	simm.s32 $0x2700;
	[smem:$0x7E3] =	sst s28  }
0x6b: {  	s17 =	simm.s32 $0x9400;
	s31 =	simm.s32 $0x2780;
	[smem:$0x7E4] =	sst s30  }
0x6c: {  	s20 =	simm.s32 $0x1;
	s22 =	simm.s32 $0x2F80;
	[smem:$0x7E5] =	sst s31  }
0x6d: {  	s8 =	simm.s32 $0x2;
	[smem:$0x7F5] =	sst s22;
	s23 =	simm.s32 $0x3000  }
0x6e: {  	s10 =	smax.u32 s0, $0x1;
	s24 =	simm.s32 $0x3080;
	[smem:$0x7F6] =	sst s23  }
0x6f: {  	p1 =	sne.s32 s10, $0x1;
	s25 =	simm.s32 $0x3100;
	[smem:$0x7F7] =	sst s24  }
.Ltmp0:
0x70: {  	s26 =	simm.s32 $0x3180;
	[smem:$0x7F8] =	sst s25;
	(pc) =	sbr.rel @!p1 .LBB2_5-.Ltmp0, $4  }
0x71: {  	s7 =	simm.s32 $0x3;
	s28 =	simm.s32 $0x3280;
	[smem:$0x7F9] =	sst s26  }
0x72: {  	s0 =	sadd.s32 $0xFFFFFFFF, s10;
	s30 =	simm.s32 $0x3300;
	[smem:$0x7FB] =	sst s28  }
0x73: {  	s4 =	simm.s32 $0x80;
	s31 =	simm.s32 $0x3380;
	[smem:$0x7FC] =	sst s30  }
0x74: {  	s5 =	simm.s32 $0x9C00;
	s6 =	simm.s32 $0x4;
	[smem:$0x7FD] =	sst s31  }
0x75: {  	[tilespmem:s2], [sflag:$0x5] =	stream.linear.gather [hbm4b:s13+s2], $0x3400, $0x38;
	[tilespmem:$0x10400] =	vst v63  }
0x76: {  	_ =	swait.ge [sflag:s29], $0x3400  }
0x77: {  	[sflag:s29] =	ssyncset.done $0x0  }
0x78: {  	[sflag:s29] =	ssyncadd.s32 $0xFFFFCC00  }
0x79: {  	[tilespmem:s9], [sflag:$0x1] =	stream.indirect.gather [hbm4b:s3+s4], $0x10, s2, s4, $0xb8;
	[tilespmem:$0x10400] =	vst v63  }
0x7a: {  	_ = 	snop  }
0x7b: {  	[tilespmem:s12], [sflag:$0x1] =	stream.indirect.gather [hbm4b:s3+s4], $0x10, s4, s4, $0xb8;
	[tilespmem:$0x10400] =	vst v63  }
0x7c: {  	s31 =	simm.s32 $0x4400;
	s28 =	rddreg [dreg:$0xb]  }
0x7d: {  	[tilespmem:s31], [sflag:$0x1] =	stream.indirect.gather [hbm4b:s3+s4], $0x10, s28, s4, $0xb8;
	[tilespmem:$0x10400] =	vst v63  }
0x7e: {  	s29 =	rddreg [dreg:$0xc];
	s9 =	simm.s32 $0x4C00  }
0x7f: {  	[tilespmem:s9], [sflag:$0x1] =	stream.indirect.gather [hbm4b:s3+s4], $0x10, s29, s4, $0xb8;
	[tilespmem:$0x10400] =	vst v63  }
0x80: {  	s21 =	simm.s32 $0x5400;
	s6 =	rddreg [dreg:$0xd]  }
0x81: {  	[tilespmem:s21], [sflag:$0x1] =	stream.indirect.gather [hbm4b:s3+s4], $0x10, s6, s4, $0xb8;
	[tilespmem:$0x10400] =	vst v63  }
0x82: {  	s23 =	simm.s32 $0x5C00;
	s19 =	rddreg [dreg:$0xe]  }
0x83: {  	[tilespmem:s23], [sflag:$0x1] =	stream.indirect.gather [hbm4b:s3+s4], $0x10, s19, s4, $0xb8;
	[tilespmem:$0x10400] =	vst v63  }
0x84: {  	s25 =	simm.s32 $0x6400;
	s22 =	rddreg [dreg:$0xf]  }
0x85: {  	[tilespmem:s25], [sflag:$0x1] =	stream.indirect.gather [hbm4b:s3+s4], $0x10, s22, s4, $0xb8;
	[tilespmem:$0x10400] =	vst v63  }
0x86: {  	s24 =	rddreg [dreg:$0x10];
	s6 =	simm.s32 $0x6C00  }
0x87: {  	[tilespmem:s6], [sflag:$0x1] =	stream.indirect.gather [hbm4b:s3+s4], $0x10, s24, s4, $0xb8;
	[tilespmem:$0x10400] =	vst v63  }
0x88: {  	s31 =	rddreg [dreg:$0x11];
	s19 =	simm.s32 $0x7400  }
0x89: {  	[tilespmem:s19], [sflag:$0x1] =	stream.indirect.gather [hbm4b:s3+s4], $0x10, s31, s4, $0xb8;
	[tilespmem:$0x10400] =	vst v63  }
0x8a: {  	s9 =	rddreg [dreg:$0x12]  }
0x8b: {  	[tilespmem:s1], [sflag:$0x1] =	stream.indirect.gather [hbm4b:s3+s4], $0x10, s9, s4, $0xb8;
	[tilespmem:$0x10400] =	vst v63  }
0x8c: {  	s21 =	rddreg [dreg:$0x13]  }
0x8d: {  	[tilespmem:s14], [sflag:$0x1] =	stream.indirect.gather [hbm4b:s3+s4], $0x10, s21, s4, $0xb8;
	[tilespmem:$0x10400] =	vst v63  }
0x8e: {  	s22 =	rddreg [dreg:$0x14]  }
0x8f: {  	[tilespmem:s16], [sflag:$0x1] =	stream.indirect.gather [hbm4b:s3+s4], $0x10, s22, s4, $0xb8;
	[tilespmem:$0x10400] =	vst v63  }
0x90: {  	s23 =	rddreg [dreg:$0x15]  }
0x91: {  	[tilespmem:s17], [sflag:$0x1] =	stream.indirect.gather [hbm4b:s3+s4], $0x10, s23, s4, $0xb8;
	[tilespmem:$0x10400] =	vst v63  }
0x92: {  	_ =	swait.ge [sflag:s20], $0x800  }
0x93: {  	[sflag:s20] =	ssyncset.done $0x0  }
0x94: {  	[sflag:s20] =	ssyncadd.s32 $0xFFFFF800  }
0x95: {  	_ =	swait.ge [sflag:s20], $0x800  }
0x96: {  	[sflag:s20] =	ssyncset.done $0x0  }
0x97: {  	[sflag:s20] =	ssyncadd.s32 $0xFFFFF800  }
0x98: {  	_ =	swait.ge [sflag:s20], $0x800  }
0x99: {  	[sflag:s20] =	ssyncset.done $0x0  }
0x9a: {  	[sflag:s20] =	ssyncadd.s32 $0xFFFFF800  }
0x9b: {  	_ =	swait.ge [sflag:s20], $0x800  }
0x9c: {  	[sflag:s20] =	ssyncset.done $0x0  }
0x9d: {  	[sflag:s20] =	ssyncadd.s32 $0xFFFFF800  }
0x9e: {  	_ =	swait.ge [sflag:s20], $0x800  }
0x9f: {  	[sflag:s20] =	ssyncset.done $0x0  }
0xa0: {  	[sflag:s20] =	ssyncadd.s32 $0xFFFFF800  }
0xa1: {  	_ =	swait.ge [sflag:s20], $0x800  }
0xa2: {  	[sflag:s20] =	ssyncset.done $0x0  }
0xa3: {  	[sflag:s20] =	ssyncadd.s32 $0xFFFFF800  }
0xa4: {  	_ =	swait.ge [sflag:s20], $0x800  }
0xa5: {  	[sflag:s20] =	ssyncset.done $0x0  }
0xa6: {  	[sflag:s20] =	ssyncadd.s32 $0xFFFFF800  }
0xa7: {  	_ =	swait.ge [sflag:s20], $0x800  }
0xa8: {  	[sflag:s20] =	ssyncset.done $0x0  }
0xa9: {  	[sflag:s20] =	ssyncadd.s32 $0xFFFFF800  }
0xaa: {  	_ =	swait.ge [sflag:s20], $0x800  }
0xab: {  	[sflag:s20] =	ssyncset.done $0x0  }
0xac: {  	[sflag:s20] =	ssyncadd.s32 $0xFFFFF800  }
0xad: {  	_ =	swait.ge [sflag:s20], $0x800  }
0xae: {  	[sflag:s20] =	ssyncset.done $0x0  }
0xaf: {  	[sflag:s20] =	ssyncadd.s32 $0xFFFFF800  }
0xb0: {  	_ =	swait.ge [sflag:s20], $0x800  }
0xb1: {  	[sflag:s20] =	ssyncset.done $0x0  }
0xb2: {  	[sflag:s20] =	ssyncadd.s32 $0xFFFFF800  }
0xb3: {  	_ =	swait.ge [sflag:s20], $0x800  }
0xb4: {  	[sflag:s20] =	ssyncset.done $0x0  }
0xb5: {  	[sflag:s20] =	ssyncadd.s32 $0xFFFFF800  }
0xb6: {  	_ =	swait.ge [sflag:s20], $0x800  }
0xb7: {  	s15 =	simm.s32 $0x0;
	s31 =	rddreg [dreg:$0x3];
	[sflag:s20] =	ssyncset.done $0x0  }
0xb8: {  	s18 =	simm.s32 $0x3400;
	s1 =	rddreg [dreg:$0x16];
	[sflag:s20] =	ssyncadd.s32 $0xFFFFF800  }
0xb9: {  	[hbm4b:s31+s15] =	stream.linear.scatter [tilespmem:s18], [sflag:$0x3], $0x6800, $0x38;
	[tilespmem:$0x10400] =	vst v63  }
0xba: {  	s2 =	rddreg [dreg:$0x17]  }
0xbb: {  	[tilespmem:s5], [sflag:$0x2] =	stream.indirect.gather [hbm4b:s3+s4], $0x10, s1, s4, $0xb8;
	[tilespmem:$0x10400] =	vst v63  }
0xbc: {  	s14 =	simm.s32 $0xA400;
	s6 =	rddreg [dreg:$0x18]  }
0xbd: {  	[tilespmem:s14], [sflag:$0x2] =	stream.indirect.gather [hbm4b:s3+s4], $0x10, s2, s4, $0xb8;
	[tilespmem:$0x10400] =	vst v63  }
0xbe: {  	s17 =	simm.s32 $0xAC00;
	s16 =	rddreg [dreg:$0x19]  }
0xbf: {  	[tilespmem:s17], [sflag:$0x2] =	stream.indirect.gather [hbm4b:s3+s4], $0x10, s6, s4, $0xb8;
	[tilespmem:$0x10400] =	vst v63  }
0xc0: {  	s21 =	simm.s32 $0xB400;
	s19 =	rddreg [dreg:$0x1a]  }
0xc1: {  	[tilespmem:s21], [sflag:$0x2] =	stream.indirect.gather [hbm4b:s3+s4], $0x10, s16, s4, $0xb8;
	[tilespmem:$0x10400] =	vst v63  }
0xc2: {  	s23 =	simm.s32 $0xBC00;
	s22 =	rddreg [dreg:$0x1b]  }
0xc3: {  	[tilespmem:s23], [sflag:$0x2] =	stream.indirect.gather [hbm4b:s3+s4], $0x10, s19, s4, $0xb8;
	[tilespmem:$0x10400] =	vst v63  }
0xc4: {  	s31 =	rddreg [dreg:$0x1c];
	s2 =	simm.s32 $0xC400  }
0xc5: {  	[tilespmem:s2], [sflag:$0x2] =	stream.indirect.gather [hbm4b:s3+s4], $0x10, s22, s4, $0xb8;
	[tilespmem:$0x10400] =	vst v63  }
0xc6: {  	s5 =	rddreg [dreg:$0x1d];
	s16 =	simm.s32 $0xCC00  }
0xc7: {  	[tilespmem:s16], [sflag:$0x2] =	stream.indirect.gather [hbm4b:s3+s4], $0x10, s31, s4, $0xb8;
	[tilespmem:$0x10400] =	vst v63  }
0xc8: {  	s17 =	rddreg [dreg:$0x1e];
	s22 =	simm.s32 $0xD400  }
0xc9: {  	[tilespmem:s22], [sflag:$0x2] =	stream.indirect.gather [hbm4b:s3+s4], $0x10, s5, s4, $0xb8;
	[tilespmem:$0x10400] =	vst v63  }
0xca: {  	s23 =	rddreg [dreg:$0x1f];
	s31 =	simm.s32 $0xDC00  }
0xcb: {  	[tilespmem:s31], [sflag:$0x2] =	stream.indirect.gather [hbm4b:s3+s4], $0x10, s17, s4, $0xb8;
	[tilespmem:$0x10400] =	vst v63  }
0xcc: {  	s2 =	sld [smem:$0x7AD];
	s5 =	simm.s32 $0xE400  }
0xcd: {  	[tilespmem:s5], [sflag:$0x2] =	stream.indirect.gather [hbm4b:s3+s4], $0x10, s23, s4, $0xb8;
	[tilespmem:$0x10400] =	vst v63  }
0xce: {  	s16 =	sld [smem:$0x7AE];
	s17 =	simm.s32 $0xEC00  }
0xcf: {  	[tilespmem:s17], [sflag:$0x2] =	stream.indirect.gather [hbm4b:s3+s4], $0x10, s2, s4, $0xb8;
	[tilespmem:$0x10400] =	vst v63  }
0xd0: {  	s22 =	sld [smem:$0x7AF];
	s23 =	simm.s32 $0xF400  }
0xd1: {  	[tilespmem:s23], [sflag:$0x2] =	stream.indirect.gather [hbm4b:s3+s4], $0x10, s16, s4, $0xb8;
	[tilespmem:$0x10400] =	vst v63  }
0xd2: {  	s1 =	simm.s32 $0xFC00  }
0xd3: {  	[tilespmem:s1], [sflag:$0x2] =	stream.indirect.gather [hbm4b:s3+s4], $0x10, s22, s4, $0xb8;
	[tilespmem:$0x10400] =	vst v63  }
0xd4: {  	_ =	swait.ge [sflag:s8], $0x800  }
0xd5: {  	[sflag:s8] =	ssyncset.done $0x0  }
0xd6: {  	[sflag:s8] =	ssyncadd.s32 $0xFFFFF800  }
0xd7: {  	_ =	swait.ge [sflag:s8], $0x800  }
0xd8: {  	[sflag:s8] =	ssyncset.done $0x0  }
0xd9: {  	[sflag:s8] =	ssyncadd.s32 $0xFFFFF800  }
0xda: {  	_ =	swait.ge [sflag:s8], $0x800  }
0xdb: {  	[sflag:s8] =	ssyncset.done $0x0  }
0xdc: {  	[sflag:s8] =	ssyncadd.s32 $0xFFFFF800  }
0xdd: {  	_ =	swait.ge [sflag:s8], $0x800  }
0xde: {  	[sflag:s8] =	ssyncset.done $0x0  }
0xdf: {  	[sflag:s8] =	ssyncadd.s32 $0xFFFFF800  }
0xe0: {  	_ =	swait.ge [sflag:s8], $0x800  }
0xe1: {  	[sflag:s8] =	ssyncset.done $0x0  }
0xe2: {  	[sflag:s8] =	ssyncadd.s32 $0xFFFFF800  }
0xe3: {  	_ =	swait.ge [sflag:s8], $0x800  }
0xe4: {  	[sflag:s8] =	ssyncset.done $0x0  }
0xe5: {  	[sflag:s8] =	ssyncadd.s32 $0xFFFFF800  }
0xe6: {  	_ =	swait.ge [sflag:s8], $0x800  }
0xe7: {  	[sflag:s8] =	ssyncset.done $0x0  }
0xe8: {  	[sflag:s8] =	ssyncadd.s32 $0xFFFFF800  }
0xe9: {  	_ =	swait.ge [sflag:s8], $0x800  }
0xea: {  	[sflag:s8] =	ssyncset.done $0x0  }
0xeb: {  	[sflag:s8] =	ssyncadd.s32 $0xFFFFF800  }
0xec: {  	_ =	swait.ge [sflag:s8], $0x800  }
0xed: {  	[sflag:s8] =	ssyncset.done $0x0  }
0xee: {  	[sflag:s8] =	ssyncadd.s32 $0xFFFFF800  }
0xef: {  	_ =	swait.ge [sflag:s8], $0x800  }
0xf0: {  	[sflag:s8] =	ssyncset.done $0x0  }
0xf1: {  	[sflag:s8] =	ssyncadd.s32 $0xFFFFF800  }
0xf2: {  	_ =	swait.ge [sflag:s8], $0x800  }
0xf3: {  	[sflag:s8] =	ssyncset.done $0x0  }
0xf4: {  	[sflag:s8] =	ssyncadd.s32 $0xFFFFF800  }
0xf5: {  	_ =	swait.ge [sflag:s8], $0x800  }
0xf6: {  	[sflag:s8] =	ssyncset.done $0x0  }
0xf7: {  	[sflag:s8] =	ssyncadd.s32 $0xFFFFF800  }
0xf8: {  	_ =	swait.ge [sflag:s8], $0x800  }
0xf9: {  	s10 =	simm.s32 $0x3;
	[sflag:s8] =	ssyncset.done $0x0  }
0xfa: {  	s31 =	simm.s32 $0x9C00;
	s17 =	rddreg [dreg:$0x4];
	[sflag:s8] =	ssyncadd.s32 $0xFFFFF800  }
0xfb: {  	[hbm4b:s17+s15] =	stream.linear.scatter [tilespmem:s31], [sflag:$0x4], $0x6800, $0x38;
	[tilespmem:$0x10400] =	vst v63  }
0xfc: {  	_ =	swait.ge [sflag:s10], $0x6800  }
0xfd: {  	s22 =	sld [smem:$0x7B0]  }
0xfe: {  	[sflag:s10] =	ssyncset.done $0x0  }
0xff: {  	s16 =	smov.u32 s0;
	s0 =	sld [smem:$0x7B1];
	[sflag:s10] =	ssyncadd.s32 $0xFFFF9800  }
0x100: {  	[tilespmem:s18], [sflag:$0x1] =	stream.indirect.gather [hbm4b:s3+s4], $0x10, s22, s4, $0xb8;
	[tilespmem:$0x10400] =	vst v63  }
0x101: {  	s11 =	simm.s32 $0x3C00;
	s1 =	sld [smem:$0x7B2]  }
0x102: {  	[tilespmem:s11], [sflag:$0x1] =	stream.indirect.gather [hbm4b:s3+s4], $0x10, s0, s4, $0xb8;
	[tilespmem:$0x10400] =	vst v63  }
0x103: {  	s30 =	simm.s32 $0x4400;
	s17 =	sld [smem:$0x7B3]  }
0x104: {  	[tilespmem:s30], [sflag:$0x1] =	stream.indirect.gather [hbm4b:s3+s4], $0x10, s1, s4, $0xb8;
	[tilespmem:$0x10400] =	vst v63  }
0x105: {  	s29 =	simm.s32 $0x4C00;
	s0 =	sld [smem:$0x7B4]  }
0x106: {  	[tilespmem:s29], [sflag:$0x1] =	stream.indirect.gather [hbm4b:s3+s4], $0x10, s17, s4, $0xb8;
	[tilespmem:$0x10400] =	vst v63  }
0x107: {  	s28 =	simm.s32 $0x5400;
	s1 =	sld [smem:$0x7B5]  }
0x108: {  	[tilespmem:s28], [sflag:$0x1] =	stream.indirect.gather [hbm4b:s3+s4], $0x10, s0, s4, $0xb8;
	[tilespmem:$0x10400] =	vst v63  }
0x109: {  	s26 =	simm.s32 $0x5C00;
	s11 =	sld [smem:$0x7B6]  }
0x10a: {  	[tilespmem:s26], [sflag:$0x1] =	stream.indirect.gather [hbm4b:s3+s4], $0x10, s1, s4, $0xb8;
	[tilespmem:$0x10400] =	vst v63  }
0x10b: {  	s25 =	simm.s32 $0x6400;
	s17 =	sld [smem:$0x7B7]  }
0x10c: {  	[tilespmem:s25], [sflag:$0x1] =	stream.indirect.gather [hbm4b:s3+s4], $0x10, s11, s4, $0xb8;
	[tilespmem:$0x10400] =	vst v63  }
0x10d: {  	s24 =	simm.s32 $0x6C00;
	s26 =	sld [smem:$0x7B8]  }
0x10e: {  	[tilespmem:s24], [sflag:$0x1] =	stream.indirect.gather [hbm4b:s3+s4], $0x10, s17, s4, $0xb8;
	[tilespmem:$0x10400] =	vst v63  }
0x10f: {  	s28 =	sld [smem:$0x7B9];
	s17 =	simm.s32 $0x7400  }
0x110: {  	[tilespmem:s17], [sflag:$0x1] =	stream.indirect.gather [hbm4b:s3+s4], $0x10, s26, s4, $0xb8;
	[tilespmem:$0x10400] =	vst v63  }
0x111: {  	s2 =	simm.s32 $0x7C00;
	s29 =	sld [smem:$0x7BA]  }
0x112: {  	[tilespmem:s2], [sflag:$0x1] =	stream.indirect.gather [hbm4b:s3+s4], $0x10, s28, s4, $0xb8;
	[tilespmem:$0x10400] =	vst v63  }
0x113: {  	s5 =	simm.s32 $0x8400;
	s0 =	sld [smem:$0x7BB]  }
0x114: {  	[tilespmem:s5], [sflag:$0x1] =	stream.indirect.gather [hbm4b:s3+s4], $0x10, s29, s4, $0xb8;
	[tilespmem:$0x10400] =	vst v63  }
0x115: {  	s6 =	simm.s32 $0x8C00;
	s1 =	sld [smem:$0x7BC]  }
0x116: {  	[tilespmem:s6], [sflag:$0x1] =	stream.indirect.gather [hbm4b:s3+s4], $0x10, s0, s4, $0xb8;
	[tilespmem:$0x10400] =	vst v63  }
0x117: {  	s9 =	simm.s32 $0x9400  }
0x118: {  	[tilespmem:s9], [sflag:$0x1] =	stream.indirect.gather [hbm4b:s3+s4], $0x10, s1, s4, $0xb8;
	[tilespmem:$0x10400] =	vst v63  }
0x119: {  	_ =	swait.ge [sflag:s20], $0x800  }
0x11a: {  	[sflag:s20] =	ssyncset.done $0x0  }
0x11b: {  	[sflag:s20] =	ssyncadd.s32 $0xFFFFF800  }
0x11c: {  	_ =	swait.ge [sflag:s20], $0x800  }
0x11d: {  	[sflag:s20] =	ssyncset.done $0x0  }
0x11e: {  	[sflag:s20] =	ssyncadd.s32 $0xFFFFF800  }
0x11f: {  	_ =	swait.ge [sflag:s20], $0x800  }
0x120: {  	[sflag:s20] =	ssyncset.done $0x0  }
0x121: {  	[sflag:s20] =	ssyncadd.s32 $0xFFFFF800  }
0x122: {  	_ =	swait.ge [sflag:s20], $0x800  }
0x123: {  	[sflag:s20] =	ssyncset.done $0x0  }
0x124: {  	[sflag:s20] =	ssyncadd.s32 $0xFFFFF800  }
0x125: {  	_ =	swait.ge [sflag:s20], $0x800  }
0x126: {  	[sflag:s20] =	ssyncset.done $0x0  }
0x127: {  	[sflag:s20] =	ssyncadd.s32 $0xFFFFF800  }
0x128: {  	_ =	swait.ge [sflag:s20], $0x800  }
0x129: {  	[sflag:s20] =	ssyncset.done $0x0  }
0x12a: {  	[sflag:s20] =	ssyncadd.s32 $0xFFFFF800  }
0x12b: {  	_ =	swait.ge [sflag:s20], $0x800  }
0x12c: {  	[sflag:s20] =	ssyncset.done $0x0  }
0x12d: {  	[sflag:s20] =	ssyncadd.s32 $0xFFFFF800  }
0x12e: {  	_ =	swait.ge [sflag:s20], $0x800  }
0x12f: {  	[sflag:s20] =	ssyncset.done $0x0  }
0x130: {  	[sflag:s20] =	ssyncadd.s32 $0xFFFFF800  }
0x131: {  	_ =	swait.ge [sflag:s20], $0x800  }
0x132: {  	[sflag:s20] =	ssyncset.done $0x0  }
0x133: {  	[sflag:s20] =	ssyncadd.s32 $0xFFFFF800  }
0x134: {  	_ =	swait.ge [sflag:s20], $0x800  }
0x135: {  	[sflag:s20] =	ssyncset.done $0x0  }
0x136: {  	[sflag:s20] =	ssyncadd.s32 $0xFFFFF800  }
0x137: {  	_ =	swait.ge [sflag:s20], $0x800  }
0x138: {  	[sflag:s20] =	ssyncset.done $0x0  }
0x139: {  	[sflag:s20] =	ssyncadd.s32 $0xFFFFF800  }
0x13a: {  	_ =	swait.ge [sflag:s20], $0x800  }
0x13b: {  	[sflag:s20] =	ssyncset.done $0x0  }
0x13c: {  	[sflag:s20] =	ssyncadd.s32 $0xFFFFF800  }
0x13d: {  	_ =	swait.ge [sflag:s20], $0x800  }
0x13e: {  	[sflag:s20] =	ssyncset.done $0x0  }
0x13f: {  	s7 =	simm.s32 $0x4;
	s2 =	rddreg [dreg:$0x5];
	[sflag:s20] =	ssyncadd.s32 $0xFFFFF800  }
0x140: {  	[hbm4b:s2+s15] =	stream.linear.scatter [tilespmem:s18], [sflag:$0x3], $0x6800, $0x38;
	[tilespmem:$0x10400] =	vst v63  }
0x141: {  	_ =	swait.ge [sflag:s7], $0x6800  }
0x142: {  	s5 =	sld [smem:$0x7BD]  }
0x143: {  	[sflag:s7] =	ssyncset.done $0x0  }
0x144: {  	s6 =	sld [smem:$0x7BE];
	[sflag:s7] =	ssyncadd.s32 $0xFFFF9800  }
0x145: {  	[tilespmem:s31], [sflag:$0x2] =	stream.indirect.gather [hbm4b:s3+s4], $0x10, s5, s4, $0xb8;
	[tilespmem:$0x10400] =	vst v63  }
0x146: {  	s14 =	simm.s32 $0xA400;
	s9 =	sld [smem:$0x7BF]  }
0x147: {  	[tilespmem:s14], [sflag:$0x2] =	stream.indirect.gather [hbm4b:s3+s4], $0x10, s6, s4, $0xb8;
	[tilespmem:$0x10400] =	vst v63  }
0x148: {  	s2 =	simm.s32 $0xAC00;
	s11 =	sld [smem:$0x7C0]  }
0x149: {  	[tilespmem:s2], [sflag:$0x2] =	stream.indirect.gather [hbm4b:s3+s4], $0x10, s9, s4, $0xb8;
	[tilespmem:$0x10400] =	vst v63  }
0x14a: {  	s14 =	sld [smem:$0x7C1];
	s6 =	simm.s32 $0xB400  }
0x14b: {  	[tilespmem:s6], [sflag:$0x2] =	stream.indirect.gather [hbm4b:s3+s4], $0x10, s11, s4, $0xb8;
	[tilespmem:$0x10400] =	vst v63  }
0x14c: {  	s0 =	sld [smem:$0x7C2];
	s5 =	simm.s32 $0xBC00  }
0x14d: {  	[tilespmem:s5], [sflag:$0x2] =	stream.indirect.gather [hbm4b:s3+s4], $0x10, s14, s4, $0xb8;
	[tilespmem:$0x10400] =	vst v63  }
0x14e: {  	s1 =	sld [smem:$0x7C3];
	s14 =	simm.s32 $0xC400  }
0x14f: {  	[tilespmem:s14], [sflag:$0x2] =	stream.indirect.gather [hbm4b:s3+s4], $0x10, s0, s4, $0xb8;
	[tilespmem:$0x10400] =	vst v63  }
0x150: {  	s21 =	simm.s32 $0xCC00;
	s9 =	sld [smem:$0x7C4]  }
0x151: {  	[tilespmem:s21], [sflag:$0x2] =	stream.indirect.gather [hbm4b:s3+s4], $0x10, s1, s4, $0xb8;
	[tilespmem:$0x10400] =	vst v63  }
0x152: {  	s19 =	simm.s32 $0xD400;
	s11 =	sld [smem:$0x7C5]  }
0x153: {  	[tilespmem:s19], [sflag:$0x2] =	stream.indirect.gather [hbm4b:s3+s4], $0x10, s9, s4, $0xb8;
	[tilespmem:$0x10400] =	vst v63  }
0x154: {  	s21 =	sld [smem:$0x7C6];
	s9 =	simm.s32 $0xDC00  }
0x155: {  	[tilespmem:s9], [sflag:$0x2] =	stream.indirect.gather [hbm4b:s3+s4], $0x10, s11, s4, $0xb8;
	[tilespmem:$0x10400] =	vst v63  }
0x156: {  	s0 =	sld [smem:$0x7C7];
	s1 =	simm.s32 $0xE400  }
0x157: {  	[tilespmem:s1], [sflag:$0x2] =	stream.indirect.gather [hbm4b:s3+s4], $0x10, s21, s4, $0xb8;
	[tilespmem:$0x10400] =	vst v63  }
0x158: {  	s13 =	sld [smem:$0x7C8];
	s11 =	simm.s32 $0xEC00  }
0x159: {  	[tilespmem:s11], [sflag:$0x2] =	stream.indirect.gather [hbm4b:s3+s4], $0x10, s0, s4, $0xb8;
	[tilespmem:$0x10400] =	vst v63  }
0x15a: {  	s21 =	sld [smem:$0x7C9];
	s0 =	simm.s32 $0xF400  }
0x15b: {  	[tilespmem:s0], [sflag:$0x2] =	stream.indirect.gather [hbm4b:s3+s4], $0x10, s13, s4, $0xb8;
	[tilespmem:$0x10400] =	vst v63  }
0x15c: {  	s23 =	simm.s32 $0xFC00  }
0x15d: {  	[tilespmem:s23], [sflag:$0x2] =	stream.indirect.gather [hbm4b:s3+s4], $0x10, s21, s4, $0xb8;
	[tilespmem:$0x10400] =	vst v63  }
0x15e: {  	_ =	swait.ge [sflag:s8], $0x800  }
0x15f: {  	[sflag:s8] =	ssyncset.done $0x0  }
0x160: {  	[sflag:s8] =	ssyncadd.s32 $0xFFFFF800  }
0x161: {  	_ =	swait.ge [sflag:s8], $0x800  }
0x162: {  	[sflag:s8] =	ssyncset.done $0x0  }
0x163: {  	[sflag:s8] =	ssyncadd.s32 $0xFFFFF800  }
0x164: {  	_ =	swait.ge [sflag:s8], $0x800  }
0x165: {  	[sflag:s8] =	ssyncset.done $0x0  }
0x166: {  	[sflag:s8] =	ssyncadd.s32 $0xFFFFF800  }
0x167: {  	_ =	swait.ge [sflag:s8], $0x800  }
0x168: {  	[sflag:s8] =	ssyncset.done $0x0  }
0x169: {  	[sflag:s8] =	ssyncadd.s32 $0xFFFFF800  }
0x16a: {  	_ =	swait.ge [sflag:s8], $0x800  }
0x16b: {  	[sflag:s8] =	ssyncset.done $0x0  }
0x16c: {  	[sflag:s8] =	ssyncadd.s32 $0xFFFFF800  }
0x16d: {  	_ =	swait.ge [sflag:s8], $0x800  }
0x16e: {  	[sflag:s8] =	ssyncset.done $0x0  }
0x16f: {  	[sflag:s8] =	ssyncadd.s32 $0xFFFFF800  }
0x170: {  	_ =	swait.ge [sflag:s8], $0x800  }
0x171: {  	[sflag:s8] =	ssyncset.done $0x0  }
0x172: {  	[sflag:s8] =	ssyncadd.s32 $0xFFFFF800  }
0x173: {  	_ =	swait.ge [sflag:s8], $0x800  }
0x174: {  	[sflag:s8] =	ssyncset.done $0x0  }
0x175: {  	[sflag:s8] =	ssyncadd.s32 $0xFFFFF800  }
0x176: {  	_ =	swait.ge [sflag:s8], $0x800  }
0x177: {  	[sflag:s8] =	ssyncset.done $0x0  }
0x178: {  	[sflag:s8] =	ssyncadd.s32 $0xFFFFF800  }
0x179: {  	_ =	swait.ge [sflag:s8], $0x800  }
0x17a: {  	[sflag:s8] =	ssyncset.done $0x0  }
0x17b: {  	[sflag:s8] =	ssyncadd.s32 $0xFFFFF800  }
0x17c: {  	_ =	swait.ge [sflag:s8], $0x800  }
0x17d: {  	[sflag:s8] =	ssyncset.done $0x0  }
0x17e: {  	[sflag:s8] =	ssyncadd.s32 $0xFFFFF800  }
0x17f: {  	_ =	swait.ge [sflag:s8], $0x800  }
0x180: {  	[sflag:s8] =	ssyncset.done $0x0  }
0x181: {  	[sflag:s8] =	ssyncadd.s32 $0xFFFFF800  }
0x182: {  	_ =	swait.ge [sflag:s8], $0x800  }
0x183: {  	[sflag:s8] =	ssyncset.done $0x0  }
0x184: {  	s23 =	rddreg [dreg:$0x6];
	[sflag:s8] =	ssyncadd.s32 $0xFFFFF800  }
0x185: {  	[hbm4b:s23+s15] =	stream.linear.scatter [tilespmem:s31], [sflag:$0x4], $0x6800, $0x38;
	[tilespmem:$0x10400] =	vst v63  }
0x186: {  	_ =	swait.ge [sflag:s10], $0x6800  }
0x187: {  	s13 =	sld [smem:$0x7CA]  }
0x188: {  	[sflag:s10] =	ssyncset.done $0x0  }
0x189: {  	s23 =	sld [smem:$0x7CB];
	[sflag:s10] =	ssyncadd.s32 $0xFFFF9800  }
0x18a: {  	[tilespmem:s18], [sflag:$0x1] =	stream.indirect.gather [hbm4b:s3+s4], $0x10, s13, s4, $0xb8;
	[tilespmem:$0x10400] =	vst v63  }
0x18b: {  	s22 =	simm.s32 $0x3C00;
	s10 =	sld [smem:$0x7CC]  }
0x18c: {  	[tilespmem:s22], [sflag:$0x1] =	stream.indirect.gather [hbm4b:s3+s4], $0x10, s23, s4, $0xb8;
	[tilespmem:$0x10400] =	vst v63  }
0x18d: {  	s13 =	sld [smem:$0x7CD];
	s23 =	simm.s32 $0x4400  }
0x18e: {  	[tilespmem:s23], [sflag:$0x1] =	stream.indirect.gather [hbm4b:s3+s4], $0x10, s10, s4, $0xb8;
	[tilespmem:$0x10400] =	vst v63  }
0x18f: {  	s12 =	sld [smem:$0x7CE];
	s23 =	simm.s32 $0x4C00  }
0x190: {  	[tilespmem:s23], [sflag:$0x1] =	stream.indirect.gather [hbm4b:s3+s4], $0x10, s13, s4, $0xb8;
	[tilespmem:$0x10400] =	vst v63  }
0x191: {  	s13 =	sld [smem:$0x7CF];
	s23 =	simm.s32 $0x5400  }
0x192: {  	[tilespmem:s23], [sflag:$0x1] =	stream.indirect.gather [hbm4b:s3+s4], $0x10, s12, s4, $0xb8;
	[tilespmem:$0x10400] =	vst v63  }
0x193: {  	s12 =	sld [smem:$0x7D0];
	s23 =	simm.s32 $0x5C00  }
0x194: {  	[tilespmem:s23], [sflag:$0x1] =	stream.indirect.gather [hbm4b:s3+s4], $0x10, s13, s4, $0xb8;
	[tilespmem:$0x10400] =	vst v63  }
0x195: {  	s13 =	sld [smem:$0x7D1];
	s23 =	simm.s32 $0x6400  }
0x196: {  	[tilespmem:s23], [sflag:$0x1] =	stream.indirect.gather [hbm4b:s3+s4], $0x10, s12, s4, $0xb8;
	[tilespmem:$0x10400] =	vst v63  }
0x197: {  	s24 =	simm.s32 $0x6C00;
	s23 =	sld [smem:$0x7D2]  }
0x198: {  	[tilespmem:s24], [sflag:$0x1] =	stream.indirect.gather [hbm4b:s3+s4], $0x10, s13, s4, $0xb8;
	[tilespmem:$0x10400] =	vst v63  }
0x199: {  	s10 =	sld [smem:$0x7D3]  }
0x19a: {  	[tilespmem:s17], [sflag:$0x1] =	stream.indirect.gather [hbm4b:s3+s4], $0x10, s23, s4, $0xb8;
	[tilespmem:$0x10400] =	vst v63  }
0x19b: {  	s30 =	simm.s32 $0x7C00;
	s17 =	sld [smem:$0x7D4]  }
0x19c: {  	[tilespmem:s30], [sflag:$0x1] =	stream.indirect.gather [hbm4b:s3+s4], $0x10, s10, s4, $0xb8;
	[tilespmem:$0x10400] =	vst v63  }
0x19d: {  	s28 =	simm.s32 $0x8400;
	s23 =	sld [smem:$0x7D5]  }
0x19e: {  	[tilespmem:s28], [sflag:$0x1] =	stream.indirect.gather [hbm4b:s3+s4], $0x10, s17, s4, $0xb8;
	[tilespmem:$0x10400] =	vst v63  }
0x19f: {  	s26 =	simm.s32 $0x8C00;
	s10 =	sld [smem:$0x7D6]  }
0x1a0: {  	[tilespmem:s26], [sflag:$0x1] =	stream.indirect.gather [hbm4b:s3+s4], $0x10, s23, s4, $0xb8;
	[tilespmem:$0x10400] =	vst v63  }
0x1a1: {  	s25 =	simm.s32 $0x9400  }
0x1a2: {  	[tilespmem:s25], [sflag:$0x1] =	stream.indirect.gather [hbm4b:s3+s4], $0x10, s10, s4, $0xb8;
	[tilespmem:$0x10400] =	vst v63  }
0x1a3: {  	_ =	swait.ge [sflag:s20], $0x800  }
0x1a4: {  	[sflag:s20] =	ssyncset.done $0x0  }
0x1a5: {  	[sflag:s20] =	ssyncadd.s32 $0xFFFFF800  }
0x1a6: {  	_ =	swait.ge [sflag:s20], $0x800  }
0x1a7: {  	[sflag:s20] =	ssyncset.done $0x0  }
0x1a8: {  	[sflag:s20] =	ssyncadd.s32 $0xFFFFF800  }
0x1a9: {  	_ =	swait.ge [sflag:s20], $0x800  }
0x1aa: {  	[sflag:s20] =	ssyncset.done $0x0  }
0x1ab: {  	[sflag:s20] =	ssyncadd.s32 $0xFFFFF800  }
0x1ac: {  	_ =	swait.ge [sflag:s20], $0x800  }
0x1ad: {  	[sflag:s20] =	ssyncset.done $0x0  }
0x1ae: {  	[sflag:s20] =	ssyncadd.s32 $0xFFFFF800  }
0x1af: {  	_ =	swait.ge [sflag:s20], $0x800  }
0x1b0: {  	[sflag:s20] =	ssyncset.done $0x0  }
0x1b1: {  	[sflag:s20] =	ssyncadd.s32 $0xFFFFF800  }
0x1b2: {  	_ =	swait.ge [sflag:s20], $0x800  }
0x1b3: {  	[sflag:s20] =	ssyncset.done $0x0  }
0x1b4: {  	[sflag:s20] =	ssyncadd.s32 $0xFFFFF800  }
0x1b5: {  	_ =	swait.ge [sflag:s20], $0x800  }
0x1b6: {  	[sflag:s20] =	ssyncset.done $0x0  }
0x1b7: {  	[sflag:s20] =	ssyncadd.s32 $0xFFFFF800  }
0x1b8: {  	_ =	swait.ge [sflag:s20], $0x800  }
0x1b9: {  	[sflag:s20] =	ssyncset.done $0x0  }
0x1ba: {  	[sflag:s20] =	ssyncadd.s32 $0xFFFFF800  }
0x1bb: {  	_ =	swait.ge [sflag:s20], $0x800  }
0x1bc: {  	[sflag:s20] =	ssyncset.done $0x0  }
0x1bd: {  	[sflag:s20] =	ssyncadd.s32 $0xFFFFF800  }
0x1be: {  	_ =	swait.ge [sflag:s20], $0x800  }
0x1bf: {  	[sflag:s20] =	ssyncset.done $0x0  }
0x1c0: {  	[sflag:s20] =	ssyncadd.s32 $0xFFFFF800  }
0x1c1: {  	_ =	swait.ge [sflag:s20], $0x800  }
0x1c2: {  	[sflag:s20] =	ssyncset.done $0x0  }
0x1c3: {  	[sflag:s20] =	ssyncadd.s32 $0xFFFFF800  }
0x1c4: {  	_ =	swait.ge [sflag:s20], $0x800  }
0x1c5: {  	[sflag:s20] =	ssyncset.done $0x0  }
0x1c6: {  	[sflag:s20] =	ssyncadd.s32 $0xFFFFF800  }
0x1c7: {  	_ =	swait.ge [sflag:s20], $0x800  }
0x1c8: {  	[sflag:s20] =	ssyncset.done $0x0  }
0x1c9: {  	s13 =	rddreg [dreg:$0x7];
	[sflag:s20] =	ssyncadd.s32 $0xFFFFF800  }
0x1ca: {  	[hbm4b:s13+s15] =	stream.linear.scatter [tilespmem:s18], [sflag:$0x3], $0x6800, $0x38;
	[tilespmem:$0x10400] =	vst v63  }
0x1cb: {  	_ =	swait.ge [sflag:s7], $0x6800  }
0x1cc: {  	s17 =	sld [smem:$0x7D7]  }
0x1cd: {  	[sflag:s7] =	ssyncset.done $0x0  }
0x1ce: {  	s23 =	sld [smem:$0x7D8];
	[sflag:s7] =	ssyncadd.s32 $0xFFFF9800  }
0x1cf: {  	[tilespmem:s31], [sflag:$0x2] =	stream.indirect.gather [hbm4b:s3+s4], $0x10, s17, s4, $0xb8;
	[tilespmem:$0x10400] =	vst v63  }
0x1d0: {  	s29 =	simm.s32 $0xA400;
	s10 =	sld [smem:$0x7D9]  }
0x1d1: {  	[tilespmem:s29], [sflag:$0x2] =	stream.indirect.gather [hbm4b:s3+s4], $0x10, s23, s4, $0xb8;
	[tilespmem:$0x10400] =	vst v63  }
0x1d2: {  	s17 =	sld [smem:$0x7DA]  }
0x1d3: {  	[tilespmem:s2], [sflag:$0x2] =	stream.indirect.gather [hbm4b:s3+s4], $0x10, s10, s4, $0xb8;
	[tilespmem:$0x10400] =	vst v63  }
0x1d4: {  	s2 =	sld [smem:$0x7DB]  }
0x1d5: {  	[tilespmem:s6], [sflag:$0x2] =	stream.indirect.gather [hbm4b:s3+s4], $0x10, s17, s4, $0xb8;
	[tilespmem:$0x10400] =	vst v63  }
0x1d6: {  	s10 =	sld [smem:$0x7DC]  }
0x1d7: {  	[tilespmem:s5], [sflag:$0x2] =	stream.indirect.gather [hbm4b:s3+s4], $0x10, s2, s4, $0xb8;
	[tilespmem:$0x10400] =	vst v63  }
0x1d8: {  	s2 =	sld [smem:$0x7DD]  }
0x1d9: {  	[tilespmem:s14], [sflag:$0x2] =	stream.indirect.gather [hbm4b:s3+s4], $0x10, s10, s4, $0xb8;
	[tilespmem:$0x10400] =	vst v63  }
0x1da: {  	s13 =	sld [smem:$0x7DE];
	s6 =	simm.s32 $0xCC00  }
0x1db: {  	[tilespmem:s6], [sflag:$0x2] =	stream.indirect.gather [hbm4b:s3+s4], $0x10, s2, s4, $0xb8;
	[tilespmem:$0x10400] =	vst v63  }
0x1dc: {  	s19 =	simm.s32 $0xD400;
	s10 =	sld [smem:$0x7DF]  }
0x1dd: {  	[tilespmem:s19], [sflag:$0x2] =	stream.indirect.gather [hbm4b:s3+s4], $0x10, s13, s4, $0xb8;
	[tilespmem:$0x10400] =	vst v63  }
0x1de: {  	s2 =	sld [smem:$0x7E0]  }
0x1df: {  	[tilespmem:s9], [sflag:$0x2] =	stream.indirect.gather [hbm4b:s3+s4], $0x10, s10, s4, $0xb8;
	[tilespmem:$0x10400] =	vst v63  }
0x1e0: {  	s6 =	sld [smem:$0x7E1]  }
0x1e1: {  	[tilespmem:s1], [sflag:$0x2] =	stream.indirect.gather [hbm4b:s3+s4], $0x10, s2, s4, $0xb8;
	[tilespmem:$0x10400] =	vst v63  }
0x1e2: {  	s9 =	sld [smem:$0x7E2]  }
0x1e3: {  	[tilespmem:s11], [sflag:$0x2] =	stream.indirect.gather [hbm4b:s3+s4], $0x10, s6, s4, $0xb8;
	[tilespmem:$0x10400] =	vst v63  }
0x1e4: {  	s11 =	sld [smem:$0x7E3]  }
0x1e5: {  	[tilespmem:s0], [sflag:$0x2] =	stream.indirect.gather [hbm4b:s3+s4], $0x10, s9, s4, $0xb8;
	[tilespmem:$0x10400] =	vst v63  }
0x1e6: {  	s21 =	simm.s32 $0xFC00  }
0x1e7: {  	[tilespmem:s21], [sflag:$0x2] =	stream.indirect.gather [hbm4b:s3+s4], $0x10, s11, s4, $0xb8;
	[tilespmem:$0x10400] =	vst v63  }
0x1e8: {  	_ =	swait.ge [sflag:s8], $0x800  }
0x1e9: {  	[sflag:s8] =	ssyncset.done $0x0  }
0x1ea: {  	[sflag:s8] =	ssyncadd.s32 $0xFFFFF800  }
0x1eb: {  	_ =	swait.ge [sflag:s8], $0x800  }
0x1ec: {  	[sflag:s8] =	ssyncset.done $0x0  }
0x1ed: {  	[sflag:s8] =	ssyncadd.s32 $0xFFFFF800  }
0x1ee: {  	_ =	swait.ge [sflag:s8], $0x800  }
0x1ef: {  	[sflag:s8] =	ssyncset.done $0x0  }
0x1f0: {  	[sflag:s8] =	ssyncadd.s32 $0xFFFFF800  }
0x1f1: {  	_ =	swait.ge [sflag:s8], $0x800  }
0x1f2: {  	[sflag:s8] =	ssyncset.done $0x0  }
0x1f3: {  	[sflag:s8] =	ssyncadd.s32 $0xFFFFF800  }
0x1f4: {  	_ =	swait.ge [sflag:s8], $0x800  }
0x1f5: {  	[sflag:s8] =	ssyncset.done $0x0  }
0x1f6: {  	[sflag:s8] =	ssyncadd.s32 $0xFFFFF800  }
0x1f7: {  	_ =	swait.ge [sflag:s8], $0x800  }
0x1f8: {  	[sflag:s8] =	ssyncset.done $0x0  }
0x1f9: {  	[sflag:s8] =	ssyncadd.s32 $0xFFFFF800  }
0x1fa: {  	_ =	swait.ge [sflag:s8], $0x800  }
0x1fb: {  	[sflag:s8] =	ssyncset.done $0x0  }
0x1fc: {  	[sflag:s8] =	ssyncadd.s32 $0xFFFFF800  }
0x1fd: {  	_ =	swait.ge [sflag:s8], $0x800  }
0x1fe: {  	[sflag:s8] =	ssyncset.done $0x0  }
0x1ff: {  	[sflag:s8] =	ssyncadd.s32 $0xFFFFF800  }
0x200: {  	_ =	swait.ge [sflag:s8], $0x800  }
0x201: {  	[sflag:s8] =	ssyncset.done $0x0  }
0x202: {  	[sflag:s8] =	ssyncadd.s32 $0xFFFFF800  }
0x203: {  	_ =	swait.ge [sflag:s8], $0x800  }
0x204: {  	[sflag:s8] =	ssyncset.done $0x0  }
0x205: {  	[sflag:s8] =	ssyncadd.s32 $0xFFFFF800  }
0x206: {  	_ =	swait.ge [sflag:s8], $0x800  }
0x207: {  	[sflag:s8] =	ssyncset.done $0x0  }
0x208: {  	[sflag:s8] =	ssyncadd.s32 $0xFFFFF800  }
0x209: {  	_ =	swait.ge [sflag:s8], $0x800  }
0x20a: {  	[sflag:s8] =	ssyncset.done $0x0  }
0x20b: {  	[sflag:s8] =	ssyncadd.s32 $0xFFFFF800  }
0x20c: {  	_ =	swait.ge [sflag:s8], $0x800  }
0x20d: {  	[sflag:s8] =	ssyncset.done $0x0  }
0x20e: {  	s7 =	simm.s32 $0x3;
	s21 =	rddreg [dreg:$0x8];
	[sflag:s8] =	ssyncadd.s32 $0xFFFFF800  }
0x20f: {  	[hbm4b:s21+s15] =	stream.linear.scatter [tilespmem:s31], [sflag:$0x4], $0x6800, $0x38;
	[tilespmem:$0x10400] =	vst v63  }
0x210: {  	_ =	swait.ge [sflag:s7], $0x6800  }
0x211: {  	s2 =	sld [smem:$0x7E4]  }
0x212: {  	[sflag:s7] =	ssyncset.done $0x0  }
0x213: {  	s9 =	sld [smem:$0x7E5];
	[sflag:s7] =	ssyncadd.s32 $0xFFFF9800  }
0x214: {  	[tilespmem:s18], [sflag:$0x1] =	stream.indirect.gather [hbm4b:s3+s4], $0x10, s2, s4, $0xb8;
	[tilespmem:$0x10400] =	vst v63  }
0x215: {  	s22 =	simm.s32 $0x3C00;
	s15 =	sld [smem:$0x7E6]  }
0x216: {  	[tilespmem:s22], [sflag:$0x1] =	stream.indirect.gather [hbm4b:s3+s4], $0x10, s9, s4, $0xb8;
	[tilespmem:$0x10400] =	vst v63  }
0x217: {  	s13 =	sld [smem:$0x7E7];
	s18 =	simm.s32 $0x4400  }
0x218: {  	[tilespmem:s18], [sflag:$0x1] =	stream.indirect.gather [hbm4b:s3+s4], $0x10, s15, s4, $0xb8;
	[tilespmem:$0x10400] =	vst v63  }
0x219: {  	s21 =	sld [smem:$0x7E8];
	s22 =	simm.s32 $0x4C00  }
0x21a: {  	[tilespmem:s22], [sflag:$0x1] =	stream.indirect.gather [hbm4b:s3+s4], $0x10, s13, s4, $0xb8;
	[tilespmem:$0x10400] =	vst v63  }
0x21b: {  	s18 =	simm.s32 $0x5400;
	s13 =	sld [smem:$0x7E9]  }
0x21c: {  	[tilespmem:s18], [sflag:$0x1] =	stream.indirect.gather [hbm4b:s3+s4], $0x10, s21, s4, $0xb8;
	[tilespmem:$0x10400] =	vst v63  }
0x21d: {  	s22 =	simm.s32 $0x5C00;
	s21 =	sld [smem:$0x7EA]  }
0x21e: {  	[tilespmem:s22], [sflag:$0x1] =	stream.indirect.gather [hbm4b:s3+s4], $0x10, s13, s4, $0xb8;
	[tilespmem:$0x10400] =	vst v63  }
0x21f: {  	s18 =	simm.s32 $0x6400;
	s13 =	sld [smem:$0x7EB]  }
0x220: {  	[tilespmem:s18], [sflag:$0x1] =	stream.indirect.gather [hbm4b:s3+s4], $0x10, s21, s4, $0xb8;
	[tilespmem:$0x10400] =	vst v63  }
0x221: {  	s22 =	simm.s32 $0x6C00;
	s21 =	sld [smem:$0x7EC]  }
0x222: {  	[tilespmem:s22], [sflag:$0x1] =	stream.indirect.gather [hbm4b:s3+s4], $0x10, s13, s4, $0xb8;
	[tilespmem:$0x10400] =	vst v63  }
0x223: {  	s24 =	simm.s32 $0x7400;
	s18 =	sld [smem:$0x7ED]  }
0x224: {  	[tilespmem:s24], [sflag:$0x1] =	stream.indirect.gather [hbm4b:s3+s4], $0x10, s21, s4, $0xb8;
	[tilespmem:$0x10400] =	vst v63  }
0x225: {  	s30 =	simm.s32 $0x7C00;
	s21 =	sld [smem:$0x7EE]  }
0x226: {  	[tilespmem:s30], [sflag:$0x1] =	stream.indirect.gather [hbm4b:s3+s4], $0x10, s18, s4, $0xb8;
	[tilespmem:$0x10400] =	vst v63  }
0x227: {  	s28 =	simm.s32 $0x8400;
	s22 =	sld [smem:$0x7EF]  }
0x228: {  	[tilespmem:s28], [sflag:$0x1] =	stream.indirect.gather [hbm4b:s3+s4], $0x10, s21, s4, $0xb8;
	[tilespmem:$0x10400] =	vst v63  }
0x229: {  	s26 =	simm.s32 $0x8C00;
	s24 =	sld [smem:$0x7F0]  }
0x22a: {  	[tilespmem:s26], [sflag:$0x1] =	stream.indirect.gather [hbm4b:s3+s4], $0x10, s22, s4, $0xb8;
	[tilespmem:$0x10400] =	vst v63  }
0x22b: {  	s25 =	simm.s32 $0x9400  }
0x22c: {  	[tilespmem:s25], [sflag:$0x1] =	stream.indirect.gather [hbm4b:s3+s4], $0x10, s24, s4, $0xb8;
	[tilespmem:$0x10400] =	vst v63  }
0x22d: {  	_ =	swait.ge [sflag:s20], $0x800  }
0x22e: {  	[sflag:s20] =	ssyncset.done $0x0  }
0x22f: {  	[sflag:s20] =	ssyncadd.s32 $0xFFFFF800  }
0x230: {  	_ =	swait.ge [sflag:s20], $0x800  }
0x231: {  	[sflag:s20] =	ssyncset.done $0x0  }
0x232: {  	[sflag:s20] =	ssyncadd.s32 $0xFFFFF800  }
0x233: {  	_ =	swait.ge [sflag:s20], $0x800  }
0x234: {  	[sflag:s20] =	ssyncset.done $0x0  }
0x235: {  	[sflag:s20] =	ssyncadd.s32 $0xFFFFF800  }
0x236: {  	_ =	swait.ge [sflag:s20], $0x800  }
0x237: {  	[sflag:s20] =	ssyncset.done $0x0  }
0x238: {  	[sflag:s20] =	ssyncadd.s32 $0xFFFFF800  }
0x239: {  	_ =	swait.ge [sflag:s20], $0x800  }
0x23a: {  	[sflag:s20] =	ssyncset.done $0x0  }
0x23b: {  	[sflag:s20] =	ssyncadd.s32 $0xFFFFF800  }
0x23c: {  	_ =	swait.ge [sflag:s20], $0x800  }
0x23d: {  	[sflag:s20] =	ssyncset.done $0x0  }
0x23e: {  	[sflag:s20] =	ssyncadd.s32 $0xFFFFF800  }
0x23f: {  	_ =	swait.ge [sflag:s20], $0x800  }
0x240: {  	[sflag:s20] =	ssyncset.done $0x0  }
0x241: {  	[sflag:s20] =	ssyncadd.s32 $0xFFFFF800  }
0x242: {  	_ =	swait.ge [sflag:s20], $0x800  }
0x243: {  	[sflag:s20] =	ssyncset.done $0x0  }
0x244: {  	[sflag:s20] =	ssyncadd.s32 $0xFFFFF800  }
0x245: {  	_ =	swait.ge [sflag:s20], $0x800  }
0x246: {  	[sflag:s20] =	ssyncset.done $0x0  }
0x247: {  	[sflag:s20] =	ssyncadd.s32 $0xFFFFF800  }
0x248: {  	_ =	swait.ge [sflag:s20], $0x800  }
0x249: {  	[sflag:s20] =	ssyncset.done $0x0  }
0x24a: {  	[sflag:s20] =	ssyncadd.s32 $0xFFFFF800  }
0x24b: {  	_ =	swait.ge [sflag:s20], $0x800  }
0x24c: {  	[sflag:s20] =	ssyncset.done $0x0  }
0x24d: {  	[sflag:s20] =	ssyncadd.s32 $0xFFFFF800  }
0x24e: {  	_ =	swait.ge [sflag:s20], $0x800  }
0x24f: {  	[sflag:s20] =	ssyncset.done $0x0  }
0x250: {  	[sflag:s20] =	ssyncadd.s32 $0xFFFFF800  }
0x251: {  	_ =	swait.ge [sflag:s20], $0x800  }
0x252: {  	s6 =	simm.s32 $0x4;
	s2 =	simm.s32 $0x0;
	[sflag:s20] =	ssyncset.done $0x0  }
0x253: {  	s9 =	simm.s32 $0x3400;
	s25 =	rddreg [dreg:$0x9];
	[sflag:s20] =	ssyncadd.s32 $0xFFFFF800  }
0x254: {  	[hbm4b:s25+s2] =	stream.linear.scatter [tilespmem:s9], [sflag:$0x3], $0x6800, $0x38;
	[tilespmem:$0x10400] =	vst v63  }
0x255: {  	_ =	swait.ge [sflag:s6], $0x6800  }
0x256: {  	s26 =	sld [smem:$0x7F1]  }
0x257: {  	[sflag:s6] =	ssyncset.done $0x0  }
0x258: {  	s28 =	sld [smem:$0x7F2];
	[sflag:s6] =	ssyncadd.s32 $0xFFFF9800  }
0x259: {  	[tilespmem:s31], [sflag:$0x2] =	stream.indirect.gather [hbm4b:s3+s4], $0x10, s26, s4, $0xb8;
	[tilespmem:$0x10400] =	vst v63  }
0x25a: {  	s29 =	simm.s32 $0xA400;
	s30 =	sld [smem:$0x7F3]  }
0x25b: {  	[tilespmem:s29], [sflag:$0x2] =	stream.indirect.gather [hbm4b:s3+s4], $0x10, s28, s4, $0xb8;
	[tilespmem:$0x10400] =	vst v63  }
0x25c: {  	s23 =	simm.s32 $0xAC00;
	s31 =	sld [smem:$0x7F4]  }
0x25d: {  	[tilespmem:s23], [sflag:$0x2] =	stream.indirect.gather [hbm4b:s3+s4], $0x10, s30, s4, $0xb8;
	[tilespmem:$0x10400] =	vst v63  }
0x25e: {  	s17 =	simm.s32 $0xB400;
	s15 =	sld [smem:$0x7F5]  }
0x25f: {  	[tilespmem:s17], [sflag:$0x2] =	stream.indirect.gather [hbm4b:s3+s4], $0x10, s31, s4, $0xb8;
	[tilespmem:$0x10400] =	vst v63  }
0x260: {  	s5 =	simm.s32 $0xBC00;
	s18 =	sld [smem:$0x7F6]  }
0x261: {  	[tilespmem:s5], [sflag:$0x2] =	stream.indirect.gather [hbm4b:s3+s4], $0x10, s15, s4, $0xb8;
	[tilespmem:$0x10400] =	vst v63  }
0x262: {  	s14 =	simm.s32 $0xC400;
	s21 =	sld [smem:$0x7F7]  }
0x263: {  	[tilespmem:s14], [sflag:$0x2] =	stream.indirect.gather [hbm4b:s3+s4], $0x10, s18, s4, $0xb8;
	[tilespmem:$0x10400] =	vst v63  }
0x264: {  	s22 =	sld [smem:$0x7F8];
	s23 =	simm.s32 $0xCC00  }
0x265: {  	[tilespmem:s23], [sflag:$0x2] =	stream.indirect.gather [hbm4b:s3+s4], $0x10, s21, s4, $0xb8;
	[tilespmem:$0x10400] =	vst v63  }
0x266: {  	s25 =	simm.s32 $0xD400;
	s24 =	sld [smem:$0x7F9]  }
0x267: {  	[tilespmem:s25], [sflag:$0x2] =	stream.indirect.gather [hbm4b:s3+s4], $0x10, s22, s4, $0xb8;
	[tilespmem:$0x10400] =	vst v63  }
0x268: {  	s19 =	simm.s32 $0xDC00;
	s26 =	sld [smem:$0x7FA]  }
0x269: {  	[tilespmem:s19], [sflag:$0x2] =	stream.indirect.gather [hbm4b:s3+s4], $0x10, s24, s4, $0xb8;
	[tilespmem:$0x10400] =	vst v63  }
0x26a: {  	s1 =	simm.s32 $0xE400;
	s28 =	sld [smem:$0x7FB]  }
0x26b: {  	[tilespmem:s1], [sflag:$0x2] =	stream.indirect.gather [hbm4b:s3+s4], $0x10, s26, s4, $0xb8;
	[tilespmem:$0x10400] =	vst v63  }
0x26c: {  	s10 =	simm.s32 $0xEC00;
	s29 =	sld [smem:$0x7FC]  }
0x26d: {  	[tilespmem:s10], [sflag:$0x2] =	stream.indirect.gather [hbm4b:s3+s4], $0x10, s28, s4, $0xb8;
	[tilespmem:$0x10400] =	vst v63  }
0x26e: {  	s0 =	simm.s32 $0xF400;
	s30 =	sld [smem:$0x7FD]  }
0x26f: {  	[tilespmem:s0], [sflag:$0x2] =	stream.indirect.gather [hbm4b:s3+s4], $0x10, s29, s4, $0xb8;
	[tilespmem:$0x10400] =	vst v63  }
0x270: {  	s11 =	simm.s32 $0xFC00  }
0x271: {  	[tilespmem:s11], [sflag:$0x2] =	stream.indirect.gather [hbm4b:s3+s4], $0x10, s30, s4, $0xb8;
	[tilespmem:$0x10400] =	vst v63  }
0x272: {  	_ =	swait.ge [sflag:s8], $0x800  }
0x273: {  	[sflag:s8] =	ssyncset.done $0x0  }
0x274: {  	[sflag:s8] =	ssyncadd.s32 $0xFFFFF800  }
0x275: {  	_ =	swait.ge [sflag:s8], $0x800  }
0x276: {  	[sflag:s8] =	ssyncset.done $0x0  }
0x277: {  	[sflag:s8] =	ssyncadd.s32 $0xFFFFF800  }
0x278: {  	_ =	swait.ge [sflag:s8], $0x800  }
0x279: {  	[sflag:s8] =	ssyncset.done $0x0  }
0x27a: {  	[sflag:s8] =	ssyncadd.s32 $0xFFFFF800  }
0x27b: {  	_ =	swait.ge [sflag:s8], $0x800  }
0x27c: {  	[sflag:s8] =	ssyncset.done $0x0  }
0x27d: {  	[sflag:s8] =	ssyncadd.s32 $0xFFFFF800  }
0x27e: {  	_ =	swait.ge [sflag:s8], $0x800  }
0x27f: {  	[sflag:s8] =	ssyncset.done $0x0  }
0x280: {  	[sflag:s8] =	ssyncadd.s32 $0xFFFFF800  }
0x281: {  	_ =	swait.ge [sflag:s8], $0x800  }
0x282: {  	[sflag:s8] =	ssyncset.done $0x0  }
0x283: {  	[sflag:s8] =	ssyncadd.s32 $0xFFFFF800  }
0x284: {  	_ =	swait.ge [sflag:s8], $0x800  }
0x285: {  	[sflag:s8] =	ssyncset.done $0x0  }
0x286: {  	[sflag:s8] =	ssyncadd.s32 $0xFFFFF800  }
0x287: {  	_ =	swait.ge [sflag:s8], $0x800  }
0x288: {  	[sflag:s8] =	ssyncset.done $0x0  }
0x289: {  	[sflag:s8] =	ssyncadd.s32 $0xFFFFF800  }
0x28a: {  	_ =	swait.ge [sflag:s8], $0x800  }
0x28b: {  	[sflag:s8] =	ssyncset.done $0x0  }
0x28c: {  	[sflag:s8] =	ssyncadd.s32 $0xFFFFF800  }
0x28d: {  	_ =	swait.ge [sflag:s8], $0x800  }
0x28e: {  	[sflag:s8] =	ssyncset.done $0x0  }
0x28f: {  	[sflag:s8] =	ssyncadd.s32 $0xFFFFF800  }
0x290: {  	_ =	swait.ge [sflag:s8], $0x800  }
0x291: {  	[sflag:s8] =	ssyncset.done $0x0  }
0x292: {  	[sflag:s8] =	ssyncadd.s32 $0xFFFFF800  }
0x293: {  	_ =	swait.ge [sflag:s8], $0x800  }
0x294: {  	[sflag:s8] =	ssyncset.done $0x0  }
0x295: {  	[sflag:s8] =	ssyncadd.s32 $0xFFFFF800  }
0x296: {  	_ =	swait.ge [sflag:s8], $0x800  }
0x297: {  	p1 =	sne.s32 s16, $0x1;
	[sflag:s8] =	ssyncset.done $0x0  }
0x298: {  	s5 =	simm.s32 $0x9C00;
	s31 =	rddreg [dreg:$0xa];
	[sflag:s8] =	ssyncadd.s32 $0xFFFFF800  }
0x299: {  	[hbm4b:s31+s2] =	stream.linear.scatter [tilespmem:s5], [sflag:$0x4], $0x6800, $0x38;
	[tilespmem:$0x10400] =	vst v63  }
.Ltmp1:
0x29a: {  	_ =	swait.ge [sflag:s7], $0x6800;
	(pc) =	sbr.rel @!p1 .LBB2_6-.Ltmp1, $4  }
0x29b: {  	[sflag:s7] =	ssyncset.done $0x0  }
0x29c: {  	[sflag:s7] =	ssyncadd.s32 $0xFFFF9800  }
0x29d: {  	p0 =	por $0x1, $0x1;
	_ =	swait.ge [sflag:s6], $0x6800  }
0x29e: {  	s12 =	sadd.s32 $0xFFFFFFFF, s16;
	s13 =	rddreg [dreg:$0x2];
	[sflag:s6] =	ssyncset.done $0x0  }
0x29f: {  	s17 =	simm.s32 $0x3400;
	s31 =	simm.s32 $0x9C00  }
.LBB2_3:
0x2a0: {  	[sflag:s6] =	ssyncadd.s32 $0xFFFF9800;
	s0 =	simm.s32 $0x5  }
0x2a1: {  	[tilespmem:s2], [sflag:$0x5] =	stream.linear.gather [hbm4b:s13+s2], $0x3400, $0x38;
	[tilespmem:$0x10400] =	vst v63  }
0x2a2: {  	_ =	swait.ge [sflag:s0], $0x3400  }
0x2a3: {  	[sflag:s0] =	ssyncset.done $0x0  }
0x2a4: {  	[sflag:s0] =	ssyncadd.s32 $0xFFFFCC00  }
0x2a5: {  	[tilespmem:s9], [sflag:$0x1] =	stream.indirect.gather [hbm4b:s3+s4], $0x10, s2, s4, $0xb8;
	[tilespmem:$0x10400] =	vst v63  }
0x2a6: {  	s1 =	simm.s32 $0x3C00  }
0x2a7: {  	[tilespmem:s1], [sflag:$0x1] =	stream.indirect.gather [hbm4b:s3+s4], $0x10, s4, s4, $0xb8;
	[tilespmem:$0x10400] =	vst v63  }
0x2a8: {  	s10 =	simm.s32 $0x4400;
	s9 =	rddreg [dreg:$0xb]  }
0x2a9: {  	[tilespmem:s10], [sflag:$0x1] =	stream.indirect.gather [hbm4b:s3+s4], $0x10, s9, s4, $0xb8;
	[tilespmem:$0x10400] =	vst v63  }
0x2aa: {  	s15 =	simm.s32 $0x4C00;
	s14 =	rddreg [dreg:$0xc]  }
0x2ab: {  	[tilespmem:s15], [sflag:$0x1] =	stream.indirect.gather [hbm4b:s3+s4], $0x10, s14, s4, $0xb8;
	[tilespmem:$0x10400] =	vst v63  }
0x2ac: {  	s19 =	simm.s32 $0x5400;
	s11 =	rddreg [dreg:$0xd]  }
0x2ad: {  	[tilespmem:s19], [sflag:$0x1] =	stream.indirect.gather [hbm4b:s3+s4], $0x10, s11, s4, $0xb8;
	[tilespmem:$0x10400] =	vst v63  }
0x2ae: {  	s22 =	simm.s32 $0x5C00;
	s18 =	rddreg [dreg:$0xe]  }
0x2af: {  	[tilespmem:s22], [sflag:$0x1] =	stream.indirect.gather [hbm4b:s3+s4], $0x10, s18, s4, $0xb8;
	[tilespmem:$0x10400] =	vst v63  }
0x2b0: {  	s24 =	simm.s32 $0x6400;
	s21 =	rddreg [dreg:$0xf]  }
0x2b1: {  	[tilespmem:s24], [sflag:$0x1] =	stream.indirect.gather [hbm4b:s3+s4], $0x10, s21, s4, $0xb8;
	[tilespmem:$0x10400] =	vst v63  }
0x2b2: {  	s30 =	simm.s32 $0x6C00;
	s23 =	rddreg [dreg:$0x10]  }
0x2b3: {  	[tilespmem:s30], [sflag:$0x1] =	stream.indirect.gather [hbm4b:s3+s4], $0x10, s23, s4, $0xb8;
	[tilespmem:$0x10400] =	vst v63  }
0x2b4: {  	s26 =	rddreg [dreg:$0x11];
	s9 =	simm.s32 $0x7400  }
0x2b5: {  	[tilespmem:s9], [sflag:$0x1] =	stream.indirect.gather [hbm4b:s3+s4], $0x10, s26, s4, $0xb8;
	[tilespmem:$0x10400] =	vst v63  }
0x2b6: {  	s2 =	rddreg [dreg:$0x12];
	s11 =	simm.s32 $0x7C00  }
0x2b7: {  	[tilespmem:s11], [sflag:$0x1] =	stream.indirect.gather [hbm4b:s3+s4], $0x10, s2, s4, $0xb8;
	[tilespmem:$0x10400] =	vst v63  }
0x2b8: {  	s10 =	rddreg [dreg:$0x13];
	s19 =	simm.s32 $0x8400  }
0x2b9: {  	[tilespmem:s19], [sflag:$0x1] =	stream.indirect.gather [hbm4b:s3+s4], $0x10, s10, s4, $0xb8;
	[tilespmem:$0x10400] =	vst v63  }
0x2ba: {  	s18 =	rddreg [dreg:$0x14];
	s26 =	simm.s32 $0x8C00  }
0x2bb: {  	[tilespmem:s26], [sflag:$0x1] =	stream.indirect.gather [hbm4b:s3+s4], $0x10, s18, s4, $0xb8;
	[tilespmem:$0x10400] =	vst v63  }
0x2bc: {  	s24 =	rddreg [dreg:$0x15];
	s30 =	simm.s32 $0x9400  }
0x2bd: {  	[tilespmem:s30], [sflag:$0x1] =	stream.indirect.gather [hbm4b:s3+s4], $0x10, s24, s4, $0xb8;
	[tilespmem:$0x10400] =	vst v63  }
0x2be: {  	_ =	swait.ge [sflag:s20], $0x800  }
0x2bf: {  	[sflag:s20] =	ssyncset.done $0x0  }
0x2c0: {  	[sflag:s20] =	ssyncadd.s32 $0xFFFFF800  }
0x2c1: {  	_ =	swait.ge [sflag:s20], $0x800  }
0x2c2: {  	[sflag:s20] =	ssyncset.done $0x0  }
0x2c3: {  	[sflag:s20] =	ssyncadd.s32 $0xFFFFF800  }
0x2c4: {  	_ =	swait.ge [sflag:s20], $0x800  }
0x2c5: {  	[sflag:s20] =	ssyncset.done $0x0  }
0x2c6: {  	[sflag:s20] =	ssyncadd.s32 $0xFFFFF800  }
0x2c7: {  	_ =	swait.ge [sflag:s20], $0x800  }
0x2c8: {  	[sflag:s20] =	ssyncset.done $0x0  }
0x2c9: {  	[sflag:s20] =	ssyncadd.s32 $0xFFFFF800  }
0x2ca: {  	_ =	swait.ge [sflag:s20], $0x800  }
0x2cb: {  	[sflag:s20] =	ssyncset.done $0x0  }
0x2cc: {  	[sflag:s20] =	ssyncadd.s32 $0xFFFFF800  }
0x2cd: {  	_ =	swait.ge [sflag:s20], $0x800  }
0x2ce: {  	[sflag:s20] =	ssyncset.done $0x0  }
0x2cf: {  	[sflag:s20] =	ssyncadd.s32 $0xFFFFF800  }
0x2d0: {  	_ =	swait.ge [sflag:s20], $0x800  }
0x2d1: {  	[sflag:s20] =	ssyncset.done $0x0  }
0x2d2: {  	[sflag:s20] =	ssyncadd.s32 $0xFFFFF800  }
0x2d3: {  	_ =	swait.ge [sflag:s20], $0x800  }
0x2d4: {  	[sflag:s20] =	ssyncset.done $0x0  }
0x2d5: {  	[sflag:s20] =	ssyncadd.s32 $0xFFFFF800  }
0x2d6: {  	_ =	swait.ge [sflag:s20], $0x800  }
0x2d7: {  	[sflag:s20] =	ssyncset.done $0x0  }
0x2d8: {  	[sflag:s20] =	ssyncadd.s32 $0xFFFFF800  }
0x2d9: {  	_ =	swait.ge [sflag:s20], $0x800  }
0x2da: {  	[sflag:s20] =	ssyncset.done $0x0  }
0x2db: {  	[sflag:s20] =	ssyncadd.s32 $0xFFFFF800  }
0x2dc: {  	_ =	swait.ge [sflag:s20], $0x800  }
0x2dd: {  	[sflag:s20] =	ssyncset.done $0x0  }
0x2de: {  	[sflag:s20] =	ssyncadd.s32 $0xFFFFF800  }
0x2df: {  	_ =	swait.ge [sflag:s20], $0x800  }
0x2e0: {  	[sflag:s20] =	ssyncset.done $0x0  }
0x2e1: {  	[sflag:s20] =	ssyncadd.s32 $0xFFFFF800  }
0x2e2: {  	_ =	swait.ge [sflag:s20], $0x800  }
0x2e3: {  	s1 =	rddreg [dreg:$0x3];
	[sflag:s20] =	ssyncset.done $0x0  }
0x2e4: {  	s16 =	simm.s32 $0x0;
	s2 =	rddreg [dreg:$0x16];
	[sflag:s20] =	ssyncadd.s32 $0xFFFFF800  }
0x2e5: {  	[hbm4b:s1+s16] =	stream.linear.scatter [tilespmem:s17], [sflag:$0x3], $0x6800, $0x38;
	[tilespmem:$0x10400] =	vst v63  }
0x2e6: {  	s10 =	rddreg [dreg:$0x17]  }
0x2e7: {  	[tilespmem:s5], [sflag:$0x2] =	stream.indirect.gather [hbm4b:s3+s4], $0x10, s2, s4, $0xb8;
	[tilespmem:$0x10400] =	vst v63  }
0x2e8: {  	s18 =	simm.s32 $0xA400;
	s11 =	rddreg [dreg:$0x18]  }
0x2e9: {  	[tilespmem:s18], [sflag:$0x2] =	stream.indirect.gather [hbm4b:s3+s4], $0x10, s10, s4, $0xb8;
	[tilespmem:$0x10400] =	vst v63  }
0x2ea: {  	s30 =	simm.s32 $0xAC00;
	s26 =	rddreg [dreg:$0x19]  }
0x2eb: {  	[tilespmem:s30], [sflag:$0x2] =	stream.indirect.gather [hbm4b:s3+s4], $0x10, s11, s4, $0xb8;
	[tilespmem:$0x10400] =	vst v63  }
0x2ec: {  	s1 =	rddreg [dreg:$0x1a];
	s2 =	simm.s32 $0xB400  }
0x2ed: {  	[tilespmem:s2], [sflag:$0x2] =	stream.indirect.gather [hbm4b:s3+s4], $0x10, s26, s4, $0xb8;
	[tilespmem:$0x10400] =	vst v63  }
0x2ee: {  	s5 =	rddreg [dreg:$0x1e];
	s11 =	simm.s32 $0xBC00  }
0x2ef: {  	[tilespmem:s11], [sflag:$0x2] =	stream.indirect.gather [hbm4b:s3+s4], $0x10, s1, s4, $0xb8;
	[tilespmem:$0x10400] =	vst v63  }
0x2f0: {  	s10 =	rddreg [dreg:$0x1b];
	s26 =	simm.s32 $0xC400  }
0x2f1: {  	[tilespmem:s26], [sflag:$0x2] =	stream.indirect.gather [hbm4b:s3+s4], $0x10, s10, s4, $0xb8;
	[tilespmem:$0x10400] =	vst v63  }
0x2f2: {  	s18 =	rddreg [dreg:$0x1c];
	s2 =	simm.s32 $0xCC00  }
0x2f3: {  	[tilespmem:s2], [sflag:$0x2] =	stream.indirect.gather [hbm4b:s3+s4], $0x10, s18, s4, $0xb8;
	[tilespmem:$0x10400] =	vst v63  }
0x2f4: {  	s30 =	rddreg [dreg:$0x1d];
	s18 =	simm.s32 $0xD400  }
0x2f5: {  	[tilespmem:s18], [sflag:$0x2] =	stream.indirect.gather [hbm4b:s3+s4], $0x10, s30, s4, $0xb8;
	[tilespmem:$0x10400] =	vst v63  }
0x2f6: {  	s1 =	sld [smem:$0x7AD];
	s30 =	simm.s32 $0xDC00  }
0x2f7: {  	[tilespmem:s30], [sflag:$0x2] =	stream.indirect.gather [hbm4b:s3+s4], $0x10, s5, s4, $0xb8;
	[tilespmem:$0x10400] =	vst v63  }
0x2f8: {  	s26 =	rddreg [dreg:$0x1f];
	s2 =	simm.s32 $0xE400  }
0x2f9: {  	[tilespmem:s2], [sflag:$0x2] =	stream.indirect.gather [hbm4b:s3+s4], $0x10, s26, s4, $0xb8;
	[tilespmem:$0x10400] =	vst v63  }
0x2fa: {  	s18 =	sld [smem:$0x7AE];
	s26 =	simm.s32 $0xEC00  }
0x2fb: {  	[tilespmem:s26], [sflag:$0x2] =	stream.indirect.gather [hbm4b:s3+s4], $0x10, s1, s4, $0xb8;
	[tilespmem:$0x10400] =	vst v63  }
0x2fc: {  	s30 =	sld [smem:$0x7AF];
	s1 =	simm.s32 $0xF400  }
0x2fd: {  	[tilespmem:s1], [sflag:$0x2] =	stream.indirect.gather [hbm4b:s3+s4], $0x10, s18, s4, $0xb8;
	[tilespmem:$0x10400] =	vst v63  }
0x2fe: {  	s13 =	simm.s32 $0xFC00  }
0x2ff: {  	[tilespmem:s13], [sflag:$0x2] =	stream.indirect.gather [hbm4b:s3+s4], $0x10, s30, s4, $0xb8;
	[tilespmem:$0x10400] =	vst v63  }
0x300: {  	_ =	swait.ge [sflag:s8], $0x800  }
0x301: {  	[sflag:s8] =	ssyncset.done $0x0  }
0x302: {  	[sflag:s8] =	ssyncadd.s32 $0xFFFFF800  }
0x303: {  	_ =	swait.ge [sflag:s8], $0x800  }
0x304: {  	[sflag:s8] =	ssyncset.done $0x0  }
0x305: {  	[sflag:s8] =	ssyncadd.s32 $0xFFFFF800  }
0x306: {  	_ =	swait.ge [sflag:s8], $0x800  }
0x307: {  	[sflag:s8] =	ssyncset.done $0x0  }
0x308: {  	[sflag:s8] =	ssyncadd.s32 $0xFFFFF800  }
0x309: {  	_ =	swait.ge [sflag:s8], $0x800  }
0x30a: {  	[sflag:s8] =	ssyncset.done $0x0  }
0x30b: {  	[sflag:s8] =	ssyncadd.s32 $0xFFFFF800  }
0x30c: {  	_ =	swait.ge [sflag:s8], $0x800  }
0x30d: {  	[sflag:s8] =	ssyncset.done $0x0  }
0x30e: {  	[sflag:s8] =	ssyncadd.s32 $0xFFFFF800  }
0x30f: {  	_ =	swait.ge [sflag:s8], $0x800  }
0x310: {  	[sflag:s8] =	ssyncset.done $0x0  }
0x311: {  	[sflag:s8] =	ssyncadd.s32 $0xFFFFF800  }
0x312: {  	_ =	swait.ge [sflag:s8], $0x800  }
0x313: {  	[sflag:s8] =	ssyncset.done $0x0  }
0x314: {  	[sflag:s8] =	ssyncadd.s32 $0xFFFFF800  }
0x315: {  	_ =	swait.ge [sflag:s8], $0x800  }
0x316: {  	[sflag:s8] =	ssyncset.done $0x0  }
0x317: {  	[sflag:s8] =	ssyncadd.s32 $0xFFFFF800  }
0x318: {  	_ =	swait.ge [sflag:s8], $0x800  }
0x319: {  	[sflag:s8] =	ssyncset.done $0x0  }
0x31a: {  	[sflag:s8] =	ssyncadd.s32 $0xFFFFF800  }
0x31b: {  	_ =	swait.ge [sflag:s8], $0x800  }
0x31c: {  	[sflag:s8] =	ssyncset.done $0x0  }
0x31d: {  	[sflag:s8] =	ssyncadd.s32 $0xFFFFF800  }
0x31e: {  	_ =	swait.ge [sflag:s8], $0x800  }
0x31f: {  	[sflag:s8] =	ssyncset.done $0x0  }
0x320: {  	[sflag:s8] =	ssyncadd.s32 $0xFFFFF800  }
0x321: {  	_ =	swait.ge [sflag:s8], $0x800  }
0x322: {  	[sflag:s8] =	ssyncset.done $0x0  }
0x323: {  	[sflag:s8] =	ssyncadd.s32 $0xFFFFF800  }
0x324: {  	_ =	swait.ge [sflag:s8], $0x800  }
0x325: {  	[sflag:s8] =	ssyncset.done $0x0  }
0x326: {  	s0 =	simm.s32 $0x3;
	s14 =	rddreg [dreg:$0x4];
	[sflag:s8] =	ssyncadd.s32 $0xFFFFF800  }
0x327: {  	[hbm4b:s14+s16] =	stream.linear.scatter [tilespmem:s31], [sflag:$0x4], $0x6800, $0x38;
	[tilespmem:$0x10400] =	vst v63  }
0x328: {  	_ =	swait.ge [sflag:s0], $0x6800  }
0x329: {  	s30 =	sld [smem:$0x7B0]  }
0x32a: {  	[sflag:s0] =	ssyncset.done $0x0  }
0x32b: {  	s1 =	sld [smem:$0x7B1];
	[sflag:s0] =	ssyncadd.s32 $0xFFFF9800  }
0x32c: {  	[tilespmem:s17], [sflag:$0x1] =	stream.indirect.gather [hbm4b:s3+s4], $0x10, s30, s4, $0xb8;
	[tilespmem:$0x10400] =	vst v63  }
0x32d: {  	s29 =	simm.s32 $0x3C00;
	s5 =	sld [smem:$0x7B2]  }
0x32e: {  	[tilespmem:s29], [sflag:$0x1] =	stream.indirect.gather [hbm4b:s3+s4], $0x10, s1, s4, $0xb8;
	[tilespmem:$0x10400] =	vst v63  }
0x32f: {  	s28 =	simm.s32 $0x4400;
	s30 =	sld [smem:$0x7B3]  }
0x330: {  	[tilespmem:s28], [sflag:$0x1] =	stream.indirect.gather [hbm4b:s3+s4], $0x10, s5, s4, $0xb8;
	[tilespmem:$0x10400] =	vst v63  }
0x331: {  	s25 =	simm.s32 $0x4C00;
	s1 =	sld [smem:$0x7B4]  }
0x332: {  	[tilespmem:s25], [sflag:$0x1] =	stream.indirect.gather [hbm4b:s3+s4], $0x10, s30, s4, $0xb8;
	[tilespmem:$0x10400] =	vst v63  }
0x333: {  	s15 =	simm.s32 $0x5400;
	s5 =	sld [smem:$0x7B5]  }
0x334: {  	[tilespmem:s15], [sflag:$0x1] =	stream.indirect.gather [hbm4b:s3+s4], $0x10, s1, s4, $0xb8;
	[tilespmem:$0x10400] =	vst v63  }
0x335: {  	s6 =	simm.s32 $0x5C00;
	s15 =	sld [smem:$0x7B6]  }
0x336: {  	[tilespmem:s6], [sflag:$0x1] =	stream.indirect.gather [hbm4b:s3+s4], $0x10, s5, s4, $0xb8;
	[tilespmem:$0x10400] =	vst v63  }
0x337: {  	s21 =	simm.s32 $0x6400;
	s28 =	sld [smem:$0x7B7]  }
0x338: {  	[tilespmem:s21], [sflag:$0x1] =	stream.indirect.gather [hbm4b:s3+s4], $0x10, s15, s4, $0xb8;
	[tilespmem:$0x10400] =	vst v63  }
0x339: {  	s22 =	simm.s32 $0x6C00;
	s29 =	sld [smem:$0x7B8]  }
0x33a: {  	[tilespmem:s22], [sflag:$0x1] =	stream.indirect.gather [hbm4b:s3+s4], $0x10, s28, s4, $0xb8;
	[tilespmem:$0x10400] =	vst v63  }
0x33b: {  	s23 =	simm.s32 $0x7400;
	s1 =	sld [smem:$0x7B9]  }
0x33c: {  	[tilespmem:s23], [sflag:$0x1] =	stream.indirect.gather [hbm4b:s3+s4], $0x10, s29, s4, $0xb8;
	[tilespmem:$0x10400] =	vst v63  }
0x33d: {  	s5 =	sld [smem:$0x7BA];
	s15 =	simm.s32 $0x7C00  }
0x33e: {  	[tilespmem:s15], [sflag:$0x1] =	stream.indirect.gather [hbm4b:s3+s4], $0x10, s1, s4, $0xb8;
	[tilespmem:$0x10400] =	vst v63  }
0x33f: {  	s9 =	simm.s32 $0x8400;
	s6 =	sld [smem:$0x7BB]  }
0x340: {  	[tilespmem:s9], [sflag:$0x1] =	stream.indirect.gather [hbm4b:s3+s4], $0x10, s5, s4, $0xb8;
	[tilespmem:$0x10400] =	vst v63  }
0x341: {  	s19 =	simm.s32 $0x8C00;
	s21 =	sld [smem:$0x7BC]  }
0x342: {  	[tilespmem:s19], [sflag:$0x1] =	stream.indirect.gather [hbm4b:s3+s4], $0x10, s6, s4, $0xb8;
	[tilespmem:$0x10400] =	vst v63  }
0x343: {  	s24 =	simm.s32 $0x9400  }
0x344: {  	[tilespmem:s24], [sflag:$0x1] =	stream.indirect.gather [hbm4b:s3+s4], $0x10, s21, s4, $0xb8;
	[tilespmem:$0x10400] =	vst v63  }
0x345: {  	_ =	swait.ge [sflag:s20], $0x800  }
0x346: {  	[sflag:s20] =	ssyncset.done $0x0  }
0x347: {  	[sflag:s20] =	ssyncadd.s32 $0xFFFFF800  }
0x348: {  	_ =	swait.ge [sflag:s20], $0x800  }
0x349: {  	[sflag:s20] =	ssyncset.done $0x0  }
0x34a: {  	[sflag:s20] =	ssyncadd.s32 $0xFFFFF800  }
0x34b: {  	_ =	swait.ge [sflag:s20], $0x800  }
0x34c: {  	[sflag:s20] =	ssyncset.done $0x0  }
0x34d: {  	[sflag:s20] =	ssyncadd.s32 $0xFFFFF800  }
0x34e: {  	_ =	swait.ge [sflag:s20], $0x800  }
0x34f: {  	[sflag:s20] =	ssyncset.done $0x0  }
0x350: {  	[sflag:s20] =	ssyncadd.s32 $0xFFFFF800  }
0x351: {  	_ =	swait.ge [sflag:s20], $0x800  }
0x352: {  	[sflag:s20] =	ssyncset.done $0x0  }
0x353: {  	[sflag:s20] =	ssyncadd.s32 $0xFFFFF800  }
0x354: {  	_ =	swait.ge [sflag:s20], $0x800  }
0x355: {  	[sflag:s20] =	ssyncset.done $0x0  }
0x356: {  	[sflag:s20] =	ssyncadd.s32 $0xFFFFF800  }
0x357: {  	_ =	swait.ge [sflag:s20], $0x800  }
0x358: {  	[sflag:s20] =	ssyncset.done $0x0  }
0x359: {  	[sflag:s20] =	ssyncadd.s32 $0xFFFFF800  }
0x35a: {  	_ =	swait.ge [sflag:s20], $0x800  }
0x35b: {  	[sflag:s20] =	ssyncset.done $0x0  }
0x35c: {  	[sflag:s20] =	ssyncadd.s32 $0xFFFFF800  }
0x35d: {  	_ =	swait.ge [sflag:s20], $0x800  }
0x35e: {  	[sflag:s20] =	ssyncset.done $0x0  }
0x35f: {  	[sflag:s20] =	ssyncadd.s32 $0xFFFFF800  }
0x360: {  	_ =	swait.ge [sflag:s20], $0x800  }
0x361: {  	[sflag:s20] =	ssyncset.done $0x0  }
0x362: {  	[sflag:s20] =	ssyncadd.s32 $0xFFFFF800  }
0x363: {  	_ =	swait.ge [sflag:s20], $0x800  }
0x364: {  	[sflag:s20] =	ssyncset.done $0x0  }
0x365: {  	[sflag:s20] =	ssyncadd.s32 $0xFFFFF800  }
0x366: {  	_ =	swait.ge [sflag:s20], $0x800  }
0x367: {  	[sflag:s20] =	ssyncset.done $0x0  }
0x368: {  	[sflag:s20] =	ssyncadd.s32 $0xFFFFF800  }
0x369: {  	_ =	swait.ge [sflag:s20], $0x800  }
0x36a: {  	[sflag:s20] =	ssyncset.done $0x0  }
0x36b: {  	s7 =	simm.s32 $0x4;
	s22 =	rddreg [dreg:$0x5];
	[sflag:s20] =	ssyncadd.s32 $0xFFFFF800  }
0x36c: {  	[hbm4b:s22+s16] =	stream.linear.scatter [tilespmem:s17], [sflag:$0x3], $0x6800, $0x38;
	[tilespmem:$0x10400] =	vst v63  }
0x36d: {  	_ =	swait.ge [sflag:s7], $0x6800  }
0x36e: {  	s23 =	sld [smem:$0x7BD]  }
0x36f: {  	[sflag:s7] =	ssyncset.done $0x0  }
0x370: {  	s24 =	sld [smem:$0x7BE];
	[sflag:s7] =	ssyncadd.s32 $0xFFFF9800  }
0x371: {  	[tilespmem:s31], [sflag:$0x2] =	stream.indirect.gather [hbm4b:s3+s4], $0x10, s23, s4, $0xb8;
	[tilespmem:$0x10400] =	vst v63  }
0x372: {  	s5 =	simm.s32 $0xA400;
	s1 =	sld [smem:$0x7BF]  }
0x373: {  	[tilespmem:s5], [sflag:$0x2] =	stream.indirect.gather [hbm4b:s3+s4], $0x10, s24, s4, $0xb8;
	[tilespmem:$0x10400] =	vst v63  }
0x374: {  	s6 =	simm.s32 $0xAC00;
	s9 =	sld [smem:$0x7C0]  }
0x375: {  	[tilespmem:s6], [sflag:$0x2] =	stream.indirect.gather [hbm4b:s3+s4], $0x10, s1, s4, $0xb8;
	[tilespmem:$0x10400] =	vst v63  }
0x376: {  	s19 =	sld [smem:$0x7C1];
	s1 =	simm.s32 $0xB400  }
0x377: {  	[tilespmem:s1], [sflag:$0x2] =	stream.indirect.gather [hbm4b:s3+s4], $0x10, s9, s4, $0xb8;
	[tilespmem:$0x10400] =	vst v63  }
0x378: {  	s21 =	sld [smem:$0x7C2];
	s9 =	simm.s32 $0xBC00  }
0x379: {  	[tilespmem:s9], [sflag:$0x2] =	stream.indirect.gather [hbm4b:s3+s4], $0x10, s19, s4, $0xb8;
	[tilespmem:$0x10400] =	vst v63  }
0x37a: {  	s11 =	simm.s32 $0xC400;
	s22 =	sld [smem:$0x7C3]  }
0x37b: {  	[tilespmem:s11], [sflag:$0x2] =	stream.indirect.gather [hbm4b:s3+s4], $0x10, s21, s4, $0xb8;
	[tilespmem:$0x10400] =	vst v63  }
0x37c: {  	s23 =	sld [smem:$0x7C4];
	s11 =	simm.s32 $0xCC00  }
0x37d: {  	[tilespmem:s11], [sflag:$0x2] =	stream.indirect.gather [hbm4b:s3+s4], $0x10, s22, s4, $0xb8;
	[tilespmem:$0x10400] =	vst v63  }
0x37e: {  	s10 =	simm.s32 $0xD400;
	s19 =	sld [smem:$0x7C5]  }
0x37f: {  	[tilespmem:s10], [sflag:$0x2] =	stream.indirect.gather [hbm4b:s3+s4], $0x10, s23, s4, $0xb8;
	[tilespmem:$0x10400] =	vst v63  }
0x380: {  	s21 =	sld [smem:$0x7C6];
	s10 =	simm.s32 $0xDC00  }
0x381: {  	[tilespmem:s10], [sflag:$0x2] =	stream.indirect.gather [hbm4b:s3+s4], $0x10, s19, s4, $0xb8;
	[tilespmem:$0x10400] =	vst v63  }
0x382: {  	s2 =	simm.s32 $0xE400;
	s22 =	sld [smem:$0x7C7]  }
0x383: {  	[tilespmem:s2], [sflag:$0x2] =	stream.indirect.gather [hbm4b:s3+s4], $0x10, s21, s4, $0xb8;
	[tilespmem:$0x10400] =	vst v63  }
0x384: {  	s21 =	sld [smem:$0x7C8];
	s2 =	simm.s32 $0xEC00  }
0x385: {  	[tilespmem:s2], [sflag:$0x2] =	stream.indirect.gather [hbm4b:s3+s4], $0x10, s22, s4, $0xb8;
	[tilespmem:$0x10400] =	vst v63  }
0x386: {  	s26 =	simm.s32 $0xF400;
	s22 =	sld [smem:$0x7C9]  }
0x387: {  	[tilespmem:s26], [sflag:$0x2] =	stream.indirect.gather [hbm4b:s3+s4], $0x10, s21, s4, $0xb8;
	[tilespmem:$0x10400] =	vst v63  }
0x388: {  	s18 =	simm.s32 $0xFC00  }
0x389: {  	[tilespmem:s18], [sflag:$0x2] =	stream.indirect.gather [hbm4b:s3+s4], $0x10, s22, s4, $0xb8;
	[tilespmem:$0x10400] =	vst v63  }
0x38a: {  	_ =	swait.ge [sflag:s8], $0x800  }
0x38b: {  	[sflag:s8] =	ssyncset.done $0x0  }
0x38c: {  	[sflag:s8] =	ssyncadd.s32 $0xFFFFF800  }
0x38d: {  	_ =	swait.ge [sflag:s8], $0x800  }
0x38e: {  	[sflag:s8] =	ssyncset.done $0x0  }
0x38f: {  	[sflag:s8] =	ssyncadd.s32 $0xFFFFF800  }
0x390: {  	_ =	swait.ge [sflag:s8], $0x800  }
0x391: {  	[sflag:s8] =	ssyncset.done $0x0  }
0x392: {  	[sflag:s8] =	ssyncadd.s32 $0xFFFFF800  }
0x393: {  	_ =	swait.ge [sflag:s8], $0x800  }
0x394: {  	[sflag:s8] =	ssyncset.done $0x0  }
0x395: {  	[sflag:s8] =	ssyncadd.s32 $0xFFFFF800  }
0x396: {  	_ =	swait.ge [sflag:s8], $0x800  }
0x397: {  	[sflag:s8] =	ssyncset.done $0x0  }
0x398: {  	[sflag:s8] =	ssyncadd.s32 $0xFFFFF800  }
0x399: {  	_ =	swait.ge [sflag:s8], $0x800  }
0x39a: {  	[sflag:s8] =	ssyncset.done $0x0  }
0x39b: {  	[sflag:s8] =	ssyncadd.s32 $0xFFFFF800  }
0x39c: {  	_ =	swait.ge [sflag:s8], $0x800  }
0x39d: {  	[sflag:s8] =	ssyncset.done $0x0  }
0x39e: {  	[sflag:s8] =	ssyncadd.s32 $0xFFFFF800  }
0x39f: {  	_ =	swait.ge [sflag:s8], $0x800  }
0x3a0: {  	[sflag:s8] =	ssyncset.done $0x0  }
0x3a1: {  	[sflag:s8] =	ssyncadd.s32 $0xFFFFF800  }
0x3a2: {  	_ =	swait.ge [sflag:s8], $0x800  }
0x3a3: {  	[sflag:s8] =	ssyncset.done $0x0  }
0x3a4: {  	[sflag:s8] =	ssyncadd.s32 $0xFFFFF800  }
0x3a5: {  	_ =	swait.ge [sflag:s8], $0x800  }
0x3a6: {  	[sflag:s8] =	ssyncset.done $0x0  }
0x3a7: {  	[sflag:s8] =	ssyncadd.s32 $0xFFFFF800  }
0x3a8: {  	_ =	swait.ge [sflag:s8], $0x800  }
0x3a9: {  	[sflag:s8] =	ssyncset.done $0x0  }
0x3aa: {  	[sflag:s8] =	ssyncadd.s32 $0xFFFFF800  }
0x3ab: {  	_ =	swait.ge [sflag:s8], $0x800  }
0x3ac: {  	[sflag:s8] =	ssyncset.done $0x0  }
0x3ad: {  	[sflag:s8] =	ssyncadd.s32 $0xFFFFF800  }
0x3ae: {  	_ =	swait.ge [sflag:s8], $0x800  }
0x3af: {  	[sflag:s8] =	ssyncset.done $0x0  }
0x3b0: {  	s26 =	rddreg [dreg:$0x6];
	[sflag:s8] =	ssyncadd.s32 $0xFFFFF800  }
0x3b1: {  	[hbm4b:s26+s16] =	stream.linear.scatter [tilespmem:s31], [sflag:$0x4], $0x6800, $0x38;
	[tilespmem:$0x10400] =	vst v63  }
0x3b2: {  	_ =	swait.ge [sflag:s0], $0x6800  }
0x3b3: {  	s14 =	sld [smem:$0x7CA]  }
0x3b4: {  	[sflag:s0] =	ssyncset.done $0x0  }
0x3b5: {  	s18 =	sld [smem:$0x7CB];
	[sflag:s0] =	ssyncadd.s32 $0xFFFF9800  }
0x3b6: {  	[tilespmem:s17], [sflag:$0x1] =	stream.indirect.gather [hbm4b:s3+s4], $0x10, s14, s4, $0xb8;
	[tilespmem:$0x10400] =	vst v63  }
0x3b7: {  	s26 =	simm.s32 $0x3C00;
	s13 =	sld [smem:$0x7CC]  }
0x3b8: {  	[tilespmem:s26], [sflag:$0x1] =	stream.indirect.gather [hbm4b:s3+s4], $0x10, s18, s4, $0xb8;
	[tilespmem:$0x10400] =	vst v63  }
0x3b9: {  	s14 =	sld [smem:$0x7CD];
	s18 =	simm.s32 $0x4400  }
0x3ba: {  	[tilespmem:s18], [sflag:$0x1] =	stream.indirect.gather [hbm4b:s3+s4], $0x10, s13, s4, $0xb8;
	[tilespmem:$0x10400] =	vst v63  }
0x3bb: {  	s26 =	simm.s32 $0x4C00;
	s13 =	sld [smem:$0x7CE]  }
0x3bc: {  	[tilespmem:s26], [sflag:$0x1] =	stream.indirect.gather [hbm4b:s3+s4], $0x10, s14, s4, $0xb8;
	[tilespmem:$0x10400] =	vst v63  }
0x3bd: {  	s18 =	simm.s32 $0x5400;
	s14 =	sld [smem:$0x7CF]  }
0x3be: {  	[tilespmem:s18], [sflag:$0x1] =	stream.indirect.gather [hbm4b:s3+s4], $0x10, s13, s4, $0xb8;
	[tilespmem:$0x10400] =	vst v63  }
0x3bf: {  	s25 =	simm.s32 $0x5C00;
	s26 =	sld [smem:$0x7D0]  }
0x3c0: {  	[tilespmem:s25], [sflag:$0x1] =	stream.indirect.gather [hbm4b:s3+s4], $0x10, s14, s4, $0xb8;
	[tilespmem:$0x10400] =	vst v63  }
0x3c1: {  	s30 =	simm.s32 $0x6400;
	s0 =	sld [smem:$0x7D1]  }
0x3c2: {  	[tilespmem:s30], [sflag:$0x1] =	stream.indirect.gather [hbm4b:s3+s4], $0x10, s26, s4, $0xb8;
	[tilespmem:$0x10400] =	vst v63  }
0x3c3: {  	s13 =	sld [smem:$0x7D2];
	s18 =	simm.s32 $0x6C00  }
0x3c4: {  	[tilespmem:s18], [sflag:$0x1] =	stream.indirect.gather [hbm4b:s3+s4], $0x10, s0, s4, $0xb8;
	[tilespmem:$0x10400] =	vst v63  }
0x3c5: {  	s14 =	sld [smem:$0x7D3];
	s26 =	simm.s32 $0x7400  }
0x3c6: {  	[tilespmem:s26], [sflag:$0x1] =	stream.indirect.gather [hbm4b:s3+s4], $0x10, s13, s4, $0xb8;
	[tilespmem:$0x10400] =	vst v63  }
0x3c7: {  	s18 =	sld [smem:$0x7D4]  }
0x3c8: {  	[tilespmem:s15], [sflag:$0x1] =	stream.indirect.gather [hbm4b:s3+s4], $0x10, s14, s4, $0xb8;
	[tilespmem:$0x10400] =	vst v63  }
0x3c9: {  	s28 =	simm.s32 $0x8400;
	s0 =	sld [smem:$0x7D5]  }
0x3ca: {  	[tilespmem:s28], [sflag:$0x1] =	stream.indirect.gather [hbm4b:s3+s4], $0x10, s18, s4, $0xb8;
	[tilespmem:$0x10400] =	vst v63  }
0x3cb: {  	s29 =	simm.s32 $0x8C00;
	s15 =	sld [smem:$0x7D6]  }
0x3cc: {  	[tilespmem:s29], [sflag:$0x1] =	stream.indirect.gather [hbm4b:s3+s4], $0x10, s0, s4, $0xb8;
	[tilespmem:$0x10400] =	vst v63  }
0x3cd: {  	s18 =	simm.s32 $0x9400  }
0x3ce: {  	[tilespmem:s18], [sflag:$0x1] =	stream.indirect.gather [hbm4b:s3+s4], $0x10, s15, s4, $0xb8;
	[tilespmem:$0x10400] =	vst v63  }
0x3cf: {  	_ =	swait.ge [sflag:s20], $0x800  }
0x3d0: {  	[sflag:s20] =	ssyncset.done $0x0  }
0x3d1: {  	[sflag:s20] =	ssyncadd.s32 $0xFFFFF800  }
0x3d2: {  	_ =	swait.ge [sflag:s20], $0x800  }
0x3d3: {  	[sflag:s20] =	ssyncset.done $0x0  }
0x3d4: {  	[sflag:s20] =	ssyncadd.s32 $0xFFFFF800  }
0x3d5: {  	_ =	swait.ge [sflag:s20], $0x800  }
0x3d6: {  	[sflag:s20] =	ssyncset.done $0x0  }
0x3d7: {  	[sflag:s20] =	ssyncadd.s32 $0xFFFFF800  }
0x3d8: {  	_ =	swait.ge [sflag:s20], $0x800  }
0x3d9: {  	[sflag:s20] =	ssyncset.done $0x0  }
0x3da: {  	[sflag:s20] =	ssyncadd.s32 $0xFFFFF800  }
0x3db: {  	_ =	swait.ge [sflag:s20], $0x800  }
0x3dc: {  	[sflag:s20] =	ssyncset.done $0x0  }
0x3dd: {  	[sflag:s20] =	ssyncadd.s32 $0xFFFFF800  }
0x3de: {  	_ =	swait.ge [sflag:s20], $0x800  }
0x3df: {  	[sflag:s20] =	ssyncset.done $0x0  }
0x3e0: {  	[sflag:s20] =	ssyncadd.s32 $0xFFFFF800  }
0x3e1: {  	_ =	swait.ge [sflag:s20], $0x800  }
0x3e2: {  	[sflag:s20] =	ssyncset.done $0x0  }
0x3e3: {  	[sflag:s20] =	ssyncadd.s32 $0xFFFFF800  }
0x3e4: {  	_ =	swait.ge [sflag:s20], $0x800  }
0x3e5: {  	[sflag:s20] =	ssyncset.done $0x0  }
0x3e6: {  	[sflag:s20] =	ssyncadd.s32 $0xFFFFF800  }
0x3e7: {  	_ =	swait.ge [sflag:s20], $0x800  }
0x3e8: {  	[sflag:s20] =	ssyncset.done $0x0  }
0x3e9: {  	[sflag:s20] =	ssyncadd.s32 $0xFFFFF800  }
0x3ea: {  	_ =	swait.ge [sflag:s20], $0x800  }
0x3eb: {  	[sflag:s20] =	ssyncset.done $0x0  }
0x3ec: {  	[sflag:s20] =	ssyncadd.s32 $0xFFFFF800  }
0x3ed: {  	_ =	swait.ge [sflag:s20], $0x800  }
0x3ee: {  	[sflag:s20] =	ssyncset.done $0x0  }
0x3ef: {  	[sflag:s20] =	ssyncadd.s32 $0xFFFFF800  }
0x3f0: {  	_ =	swait.ge [sflag:s20], $0x800  }
0x3f1: {  	[sflag:s20] =	ssyncset.done $0x0  }
0x3f2: {  	[sflag:s20] =	ssyncadd.s32 $0xFFFFF800  }
0x3f3: {  	_ =	swait.ge [sflag:s20], $0x800  }
0x3f4: {  	[sflag:s20] =	ssyncset.done $0x0  }
0x3f5: {  	s0 =	rddreg [dreg:$0x7];
	[sflag:s20] =	ssyncadd.s32 $0xFFFFF800  }
0x3f6: {  	[hbm4b:s0+s16] =	stream.linear.scatter [tilespmem:s17], [sflag:$0x3], $0x6800, $0x38;
	[tilespmem:$0x10400] =	vst v63  }
0x3f7: {  	_ =	swait.ge [sflag:s7], $0x6800  }
0x3f8: {  	s14 =	sld [smem:$0x7D7]  }
0x3f9: {  	[sflag:s7] =	ssyncset.done $0x0  }
0x3fa: {  	s15 =	sld [smem:$0x7D8];
	[sflag:s7] =	ssyncadd.s32 $0xFFFF9800  }
0x3fb: {  	[tilespmem:s31], [sflag:$0x2] =	stream.indirect.gather [hbm4b:s3+s4], $0x10, s14, s4, $0xb8;
	[tilespmem:$0x10400] =	vst v63  }
0x3fc: {  	s18 =	sld [smem:$0x7D9]  }
0x3fd: {  	[tilespmem:s5], [sflag:$0x2] =	stream.indirect.gather [hbm4b:s3+s4], $0x10, s15, s4, $0xb8;
	[tilespmem:$0x10400] =	vst v63  }
0x3fe: {  	s15 =	sld [smem:$0x7DA]  }
0x3ff: {  	[tilespmem:s6], [sflag:$0x2] =	stream.indirect.gather [hbm4b:s3+s4], $0x10, s18, s4, $0xb8;
	[tilespmem:$0x10400] =	vst v63  }
0x400: {  	s18 =	sld [smem:$0x7DB]  }
0x401: {  	[tilespmem:s1], [sflag:$0x2] =	stream.indirect.gather [hbm4b:s3+s4], $0x10, s15, s4, $0xb8;
	[tilespmem:$0x10400] =	vst v63  }
0x402: {  	s6 =	sld [smem:$0x7DC]  }
0x403: {  	[tilespmem:s9], [sflag:$0x2] =	stream.indirect.gather [hbm4b:s3+s4], $0x10, s18, s4, $0xb8;
	[tilespmem:$0x10400] =	vst v63  }
0x404: {  	s24 =	simm.s32 $0xC400;
	s9 =	sld [smem:$0x7DD]  }
0x405: {  	[tilespmem:s24], [sflag:$0x2] =	stream.indirect.gather [hbm4b:s3+s4], $0x10, s6, s4, $0xb8;
	[tilespmem:$0x10400] =	vst v63  }
0x406: {  	s15 =	sld [smem:$0x7DE]  }
0x407: {  	[tilespmem:s11], [sflag:$0x2] =	stream.indirect.gather [hbm4b:s3+s4], $0x10, s9, s4, $0xb8;
	[tilespmem:$0x10400] =	vst v63  }
0x408: {  	s23 =	simm.s32 $0xD400;
	s6 =	sld [smem:$0x7DF]  }
0x409: {  	[tilespmem:s23], [sflag:$0x2] =	stream.indirect.gather [hbm4b:s3+s4], $0x10, s15, s4, $0xb8;
	[tilespmem:$0x10400] =	vst v63  }
0x40a: {  	s9 =	sld [smem:$0x7E0]  }
0x40b: {  	[tilespmem:s10], [sflag:$0x2] =	stream.indirect.gather [hbm4b:s3+s4], $0x10, s6, s4, $0xb8;
	[tilespmem:$0x10400] =	vst v63  }
0x40c: {  	s19 =	simm.s32 $0xE400;
	s10 =	sld [smem:$0x7E1]  }
0x40d: {  	[tilespmem:s19], [sflag:$0x2] =	stream.indirect.gather [hbm4b:s3+s4], $0x10, s9, s4, $0xb8;
	[tilespmem:$0x10400] =	vst v63  }
0x40e: {  	s6 =	sld [smem:$0x7E2]  }
0x40f: {  	[tilespmem:s2], [sflag:$0x2] =	stream.indirect.gather [hbm4b:s3+s4], $0x10, s10, s4, $0xb8;
	[tilespmem:$0x10400] =	vst v63  }
0x410: {  	s21 =	simm.s32 $0xF400;
	s9 =	sld [smem:$0x7E3]  }
0x411: {  	[tilespmem:s21], [sflag:$0x2] =	stream.indirect.gather [hbm4b:s3+s4], $0x10, s6, s4, $0xb8;
	[tilespmem:$0x10400] =	vst v63  }
0x412: {  	s22 =	simm.s32 $0xFC00  }
0x413: {  	[tilespmem:s22], [sflag:$0x2] =	stream.indirect.gather [hbm4b:s3+s4], $0x10, s9, s4, $0xb8;
	[tilespmem:$0x10400] =	vst v63  }
0x414: {  	_ =	swait.ge [sflag:s8], $0x800  }
0x415: {  	[sflag:s8] =	ssyncset.done $0x0  }
0x416: {  	[sflag:s8] =	ssyncadd.s32 $0xFFFFF800  }
0x417: {  	_ =	swait.ge [sflag:s8], $0x800  }
0x418: {  	[sflag:s8] =	ssyncset.done $0x0  }
0x419: {  	[sflag:s8] =	ssyncadd.s32 $0xFFFFF800  }
0x41a: {  	_ =	swait.ge [sflag:s8], $0x800  }
0x41b: {  	[sflag:s8] =	ssyncset.done $0x0  }
0x41c: {  	[sflag:s8] =	ssyncadd.s32 $0xFFFFF800  }
0x41d: {  	_ =	swait.ge [sflag:s8], $0x800  }
0x41e: {  	[sflag:s8] =	ssyncset.done $0x0  }
0x41f: {  	[sflag:s8] =	ssyncadd.s32 $0xFFFFF800  }
0x420: {  	_ =	swait.ge [sflag:s8], $0x800  }
0x421: {  	[sflag:s8] =	ssyncset.done $0x0  }
0x422: {  	[sflag:s8] =	ssyncadd.s32 $0xFFFFF800  }
0x423: {  	_ =	swait.ge [sflag:s8], $0x800  }
0x424: {  	[sflag:s8] =	ssyncset.done $0x0  }
0x425: {  	[sflag:s8] =	ssyncadd.s32 $0xFFFFF800  }
0x426: {  	_ =	swait.ge [sflag:s8], $0x800  }
0x427: {  	[sflag:s8] =	ssyncset.done $0x0  }
0x428: {  	[sflag:s8] =	ssyncadd.s32 $0xFFFFF800  }
0x429: {  	_ =	swait.ge [sflag:s8], $0x800  }
0x42a: {  	[sflag:s8] =	ssyncset.done $0x0  }
0x42b: {  	[sflag:s8] =	ssyncadd.s32 $0xFFFFF800  }
0x42c: {  	_ =	swait.ge [sflag:s8], $0x800  }
0x42d: {  	[sflag:s8] =	ssyncset.done $0x0  }
0x42e: {  	[sflag:s8] =	ssyncadd.s32 $0xFFFFF800  }
0x42f: {  	_ =	swait.ge [sflag:s8], $0x800  }
0x430: {  	[sflag:s8] =	ssyncset.done $0x0  }
0x431: {  	[sflag:s8] =	ssyncadd.s32 $0xFFFFF800  }
0x432: {  	_ =	swait.ge [sflag:s8], $0x800  }
0x433: {  	[sflag:s8] =	ssyncset.done $0x0  }
0x434: {  	[sflag:s8] =	ssyncadd.s32 $0xFFFFF800  }
0x435: {  	_ =	swait.ge [sflag:s8], $0x800  }
0x436: {  	[sflag:s8] =	ssyncset.done $0x0  }
0x437: {  	[sflag:s8] =	ssyncadd.s32 $0xFFFFF800  }
0x438: {  	_ =	swait.ge [sflag:s8], $0x800  }
0x439: {  	[sflag:s8] =	ssyncset.done $0x0  }
0x43a: {  	s7 =	simm.s32 $0x3;
	s14 =	rddreg [dreg:$0x8];
	[sflag:s8] =	ssyncadd.s32 $0xFFFFF800  }
0x43b: {  	[hbm4b:s14+s16] =	stream.linear.scatter [tilespmem:s31], [sflag:$0x4], $0x6800, $0x38;
	[tilespmem:$0x10400] =	vst v63  }
0x43c: {  	_ =	swait.ge [sflag:s7], $0x6800  }
0x43d: {  	s2 =	sld [smem:$0x7E4]  }
0x43e: {  	[sflag:s7] =	ssyncset.done $0x0  }
0x43f: {  	s9 =	sld [smem:$0x7E5];
	[sflag:s7] =	ssyncadd.s32 $0xFFFF9800  }
0x440: {  	[tilespmem:s17], [sflag:$0x1] =	stream.indirect.gather [hbm4b:s3+s4], $0x10, s2, s4, $0xb8;
	[tilespmem:$0x10400] =	vst v63  }
0x441: {  	s16 =	simm.s32 $0x3C00;
	s13 =	sld [smem:$0x7E6]  }
0x442: {  	[tilespmem:s16], [sflag:$0x1] =	stream.indirect.gather [hbm4b:s3+s4], $0x10, s9, s4, $0xb8;
	[tilespmem:$0x10400] =	vst v63  }
0x443: {  	s14 =	sld [smem:$0x7E7];
	s16 =	simm.s32 $0x4400  }
0x444: {  	[tilespmem:s16], [sflag:$0x1] =	stream.indirect.gather [hbm4b:s3+s4], $0x10, s13, s4, $0xb8;
	[tilespmem:$0x10400] =	vst v63  }
0x445: {  	s13 =	sld [smem:$0x7E8];
	s16 =	simm.s32 $0x4C00  }
0x446: {  	[tilespmem:s16], [sflag:$0x1] =	stream.indirect.gather [hbm4b:s3+s4], $0x10, s14, s4, $0xb8;
	[tilespmem:$0x10400] =	vst v63  }
0x447: {  	s14 =	sld [smem:$0x7E9];
	s16 =	simm.s32 $0x5400  }
0x448: {  	[tilespmem:s16], [sflag:$0x1] =	stream.indirect.gather [hbm4b:s3+s4], $0x10, s13, s4, $0xb8;
	[tilespmem:$0x10400] =	vst v63  }
0x449: {  	s25 =	simm.s32 $0x5C00;
	s13 =	sld [smem:$0x7EA]  }
0x44a: {  	[tilespmem:s25], [sflag:$0x1] =	stream.indirect.gather [hbm4b:s3+s4], $0x10, s14, s4, $0xb8;
	[tilespmem:$0x10400] =	vst v63  }
0x44b: {  	s30 =	simm.s32 $0x6400;
	s16 =	sld [smem:$0x7EB]  }
0x44c: {  	[tilespmem:s30], [sflag:$0x1] =	stream.indirect.gather [hbm4b:s3+s4], $0x10, s13, s4, $0xb8;
	[tilespmem:$0x10400] =	vst v63  }
0x44d: {  	s25 =	simm.s32 $0x6C00;
	s13 =	sld [smem:$0x7EC]  }
0x44e: {  	[tilespmem:s25], [sflag:$0x1] =	stream.indirect.gather [hbm4b:s3+s4], $0x10, s16, s4, $0xb8;
	[tilespmem:$0x10400] =	vst v63  }
0x44f: {  	s14 =	sld [smem:$0x7ED];
	s30 =	simm.s32 $0x7400  }
0x450: {  	[tilespmem:s30], [sflag:$0x1] =	stream.indirect.gather [hbm4b:s3+s4], $0x10, s13, s4, $0xb8;
	[tilespmem:$0x10400] =	vst v63  }
0x451: {  	s26 =	simm.s32 $0x7C00;
	s25 =	sld [smem:$0x7EE]  }
0x452: {  	[tilespmem:s26], [sflag:$0x1] =	stream.indirect.gather [hbm4b:s3+s4], $0x10, s14, s4, $0xb8;
	[tilespmem:$0x10400] =	vst v63  }
0x453: {  	s28 =	simm.s32 $0x8400;
	s26 =	sld [smem:$0x7EF]  }
0x454: {  	[tilespmem:s28], [sflag:$0x1] =	stream.indirect.gather [hbm4b:s3+s4], $0x10, s25, s4, $0xb8;
	[tilespmem:$0x10400] =	vst v63  }
0x455: {  	s29 =	simm.s32 $0x8C00;
	s30 =	sld [smem:$0x7F0]  }
0x456: {  	[tilespmem:s29], [sflag:$0x1] =	stream.indirect.gather [hbm4b:s3+s4], $0x10, s26, s4, $0xb8;
	[tilespmem:$0x10400] =	vst v63  }
0x457: {  	s16 =	simm.s32 $0x9400  }
0x458: {  	[tilespmem:s16], [sflag:$0x1] =	stream.indirect.gather [hbm4b:s3+s4], $0x10, s30, s4, $0xb8;
	[tilespmem:$0x10400] =	vst v63  }
0x459: {  	_ =	swait.ge [sflag:s20], $0x800  }
0x45a: {  	[sflag:s20] =	ssyncset.done $0x0  }
0x45b: {  	[sflag:s20] =	ssyncadd.s32 $0xFFFFF800  }
0x45c: {  	_ =	swait.ge [sflag:s20], $0x800  }
0x45d: {  	[sflag:s20] =	ssyncset.done $0x0  }
0x45e: {  	[sflag:s20] =	ssyncadd.s32 $0xFFFFF800  }
0x45f: {  	_ =	swait.ge [sflag:s20], $0x800  }
0x460: {  	[sflag:s20] =	ssyncset.done $0x0  }
0x461: {  	[sflag:s20] =	ssyncadd.s32 $0xFFFFF800  }
0x462: {  	_ =	swait.ge [sflag:s20], $0x800  }
0x463: {  	[sflag:s20] =	ssyncset.done $0x0  }
0x464: {  	[sflag:s20] =	ssyncadd.s32 $0xFFFFF800  }
0x465: {  	_ =	swait.ge [sflag:s20], $0x800  }
0x466: {  	[sflag:s20] =	ssyncset.done $0x0  }
0x467: {  	[sflag:s20] =	ssyncadd.s32 $0xFFFFF800  }
0x468: {  	_ =	swait.ge [sflag:s20], $0x800  }
0x469: {  	[sflag:s20] =	ssyncset.done $0x0  }
0x46a: {  	[sflag:s20] =	ssyncadd.s32 $0xFFFFF800  }
0x46b: {  	_ =	swait.ge [sflag:s20], $0x800  }
0x46c: {  	[sflag:s20] =	ssyncset.done $0x0  }
0x46d: {  	[sflag:s20] =	ssyncadd.s32 $0xFFFFF800  }
0x46e: {  	_ =	swait.ge [sflag:s20], $0x800  }
0x46f: {  	[sflag:s20] =	ssyncset.done $0x0  }
0x470: {  	[sflag:s20] =	ssyncadd.s32 $0xFFFFF800  }
0x471: {  	_ =	swait.ge [sflag:s20], $0x800  }
0x472: {  	[sflag:s20] =	ssyncset.done $0x0  }
0x473: {  	[sflag:s20] =	ssyncadd.s32 $0xFFFFF800  }
0x474: {  	_ =	swait.ge [sflag:s20], $0x800  }
0x475: {  	[sflag:s20] =	ssyncset.done $0x0  }
0x476: {  	[sflag:s20] =	ssyncadd.s32 $0xFFFFF800  }
0x477: {  	_ =	swait.ge [sflag:s20], $0x800  }
0x478: {  	[sflag:s20] =	ssyncset.done $0x0  }
0x479: {  	[sflag:s20] =	ssyncadd.s32 $0xFFFFF800  }
0x47a: {  	_ =	swait.ge [sflag:s20], $0x800  }
0x47b: {  	[sflag:s20] =	ssyncset.done $0x0  }
0x47c: {  	[sflag:s20] =	ssyncadd.s32 $0xFFFFF800  }
0x47d: {  	_ =	swait.ge [sflag:s20], $0x800  }
0x47e: {  	s6 =	simm.s32 $0x4;
	s2 =	simm.s32 $0x0;
	[sflag:s20] =	ssyncset.done $0x0  }
0x47f: {  	s9 =	simm.s32 $0x3400;
	s25 =	rddreg [dreg:$0x9];
	[sflag:s20] =	ssyncadd.s32 $0xFFFFF800  }
0x480: {  	[hbm4b:s25+s2] =	stream.linear.scatter [tilespmem:s9], [sflag:$0x3], $0x6800, $0x38;
	[tilespmem:$0x10400] =	vst v63  }
0x481: {  	_ =	swait.ge [sflag:s6], $0x6800  }
0x482: {  	s26 =	sld [smem:$0x7F1]  }
0x483: {  	[sflag:s6] =	ssyncset.done $0x0  }
0x484: {  	s28 =	sld [smem:$0x7F2];
	[sflag:s6] =	ssyncadd.s32 $0xFFFF9800  }
0x485: {  	[tilespmem:s31], [sflag:$0x2] =	stream.indirect.gather [hbm4b:s3+s4], $0x10, s26, s4, $0xb8;
	[tilespmem:$0x10400] =	vst v63  }
0x486: {  	s0 =	simm.s32 $0xA400;
	s29 =	sld [smem:$0x7F3]  }
0x487: {  	[tilespmem:s0], [sflag:$0x2] =	stream.indirect.gather [hbm4b:s3+s4], $0x10, s28, s4, $0xb8;
	[tilespmem:$0x10400] =	vst v63  }
0x488: {  	s5 =	simm.s32 $0xAC00;
	s30 =	sld [smem:$0x7F4]  }
0x489: {  	[tilespmem:s5], [sflag:$0x2] =	stream.indirect.gather [hbm4b:s3+s4], $0x10, s29, s4, $0xb8;
	[tilespmem:$0x10400] =	vst v63  }
0x48a: {  	s1 =	simm.s32 $0xB400;
	s0 =	sld [smem:$0x7F5]  }
0x48b: {  	[tilespmem:s1], [sflag:$0x2] =	stream.indirect.gather [hbm4b:s3+s4], $0x10, s30, s4, $0xb8;
	[tilespmem:$0x10400] =	vst v63  }
0x48c: {  	s18 =	simm.s32 $0xBC00;
	s5 =	sld [smem:$0x7F6]  }
0x48d: {  	[tilespmem:s18], [sflag:$0x2] =	stream.indirect.gather [hbm4b:s3+s4], $0x10, s0, s4, $0xb8;
	[tilespmem:$0x10400] =	vst v63  }
0x48e: {  	s24 =	simm.s32 $0xC400;
	s16 =	sld [smem:$0x7F7]  }
0x48f: {  	[tilespmem:s24], [sflag:$0x2] =	stream.indirect.gather [hbm4b:s3+s4], $0x10, s5, s4, $0xb8;
	[tilespmem:$0x10400] =	vst v63  }
0x490: {  	s11 =	simm.s32 $0xCC00;
	s18 =	sld [smem:$0x7F8]  }
0x491: {  	[tilespmem:s11], [sflag:$0x2] =	stream.indirect.gather [hbm4b:s3+s4], $0x10, s16, s4, $0xb8;
	[tilespmem:$0x10400] =	vst v63  }
0x492: {  	s23 =	simm.s32 $0xD400;
	s24 =	sld [smem:$0x7F9]  }
0x493: {  	[tilespmem:s23], [sflag:$0x2] =	stream.indirect.gather [hbm4b:s3+s4], $0x10, s18, s4, $0xb8;
	[tilespmem:$0x10400] =	vst v63  }
0x494: {  	s15 =	simm.s32 $0xDC00;
	s25 =	sld [smem:$0x7FA]  }
0x495: {  	[tilespmem:s15], [sflag:$0x2] =	stream.indirect.gather [hbm4b:s3+s4], $0x10, s24, s4, $0xb8;
	[tilespmem:$0x10400] =	vst v63  }
0x496: {  	s19 =	simm.s32 $0xE400;
	s26 =	sld [smem:$0x7FB]  }
0x497: {  	[tilespmem:s19], [sflag:$0x2] =	stream.indirect.gather [hbm4b:s3+s4], $0x10, s25, s4, $0xb8;
	[tilespmem:$0x10400] =	vst v63  }
0x498: {  	s10 =	simm.s32 $0xEC00;
	s28 =	sld [smem:$0x7FC]  }
0x499: {  	[tilespmem:s10], [sflag:$0x2] =	stream.indirect.gather [hbm4b:s3+s4], $0x10, s26, s4, $0xb8;
	[tilespmem:$0x10400] =	vst v63  }
0x49a: {  	s21 =	simm.s32 $0xF400;
	s29 =	sld [smem:$0x7FD]  }
0x49b: {  	[tilespmem:s21], [sflag:$0x2] =	stream.indirect.gather [hbm4b:s3+s4], $0x10, s28, s4, $0xb8;
	[tilespmem:$0x10400] =	vst v63  }
0x49c: {  	s22 =	simm.s32 $0xFC00  }
0x49d: {  	[tilespmem:s22], [sflag:$0x2] =	stream.indirect.gather [hbm4b:s3+s4], $0x10, s29, s4, $0xb8;
	[tilespmem:$0x10400] =	vst v63  }
0x49e: {  	_ =	swait.ge [sflag:s8], $0x800  }
0x49f: {  	[sflag:s8] =	ssyncset.done $0x0  }
0x4a0: {  	[sflag:s8] =	ssyncadd.s32 $0xFFFFF800  }
0x4a1: {  	_ =	swait.ge [sflag:s8], $0x800  }
0x4a2: {  	[sflag:s8] =	ssyncset.done $0x0  }
0x4a3: {  	[sflag:s8] =	ssyncadd.s32 $0xFFFFF800  }
0x4a4: {  	_ =	swait.ge [sflag:s8], $0x800  }
0x4a5: {  	[sflag:s8] =	ssyncset.done $0x0  }
0x4a6: {  	[sflag:s8] =	ssyncadd.s32 $0xFFFFF800  }
0x4a7: {  	_ =	swait.ge [sflag:s8], $0x800  }
0x4a8: {  	[sflag:s8] =	ssyncset.done $0x0  }
0x4a9: {  	[sflag:s8] =	ssyncadd.s32 $0xFFFFF800  }
0x4aa: {  	_ =	swait.ge [sflag:s8], $0x800  }
0x4ab: {  	[sflag:s8] =	ssyncset.done $0x0  }
0x4ac: {  	[sflag:s8] =	ssyncadd.s32 $0xFFFFF800  }
0x4ad: {  	_ =	swait.ge [sflag:s8], $0x800  }
0x4ae: {  	[sflag:s8] =	ssyncset.done $0x0  }
0x4af: {  	[sflag:s8] =	ssyncadd.s32 $0xFFFFF800  }
0x4b0: {  	_ =	swait.ge [sflag:s8], $0x800  }
0x4b1: {  	[sflag:s8] =	ssyncset.done $0x0  }
0x4b2: {  	[sflag:s8] =	ssyncadd.s32 $0xFFFFF800  }
0x4b3: {  	_ =	swait.ge [sflag:s8], $0x800  }
0x4b4: {  	[sflag:s8] =	ssyncset.done $0x0  }
0x4b5: {  	[sflag:s8] =	ssyncadd.s32 $0xFFFFF800  }
0x4b6: {  	_ =	swait.ge [sflag:s8], $0x800  }
0x4b7: {  	[sflag:s8] =	ssyncset.done $0x0  }
0x4b8: {  	[sflag:s8] =	ssyncadd.s32 $0xFFFFF800  }
0x4b9: {  	_ =	swait.ge [sflag:s8], $0x800  }
0x4ba: {  	[sflag:s8] =	ssyncset.done $0x0  }
0x4bb: {  	[sflag:s8] =	ssyncadd.s32 $0xFFFFF800  }
0x4bc: {  	_ =	swait.ge [sflag:s8], $0x800  }
0x4bd: {  	[sflag:s8] =	ssyncset.done $0x0  }
0x4be: {  	[sflag:s8] =	ssyncadd.s32 $0xFFFFF800  }
0x4bf: {  	_ =	swait.ge [sflag:s8], $0x800  }
0x4c0: {  	[sflag:s8] =	ssyncset.done $0x0  }
0x4c1: {  	[sflag:s8] =	ssyncadd.s32 $0xFFFFF800  }
0x4c2: {  	_ =	swait.ge [sflag:s8], $0x800  }
0x4c3: {  	p1 =	sne.s32 s12, $0x1;
	[sflag:s8] =	ssyncset.done $0x0  }
0x4c4: {  	s5 =	simm.s32 $0x9C00;
	s30 =	rddreg [dreg:$0xa];
	[sflag:s8] =	ssyncadd.s32 $0xFFFFF800  }
0x4c5: {  	[hbm4b:s30+s2] =	stream.linear.scatter [tilespmem:s5], [sflag:$0x4], $0x6800, $0x38;
	[tilespmem:$0x10400] =	vst v63  }
.Ltmp2:
0x4c6: {  	_ =	swait.ge [sflag:s7], $0x6800;
	(pc) =	sbr.rel @p1 .LBB2_3-.Ltmp2, $4  }
0x4c7: {  	[sflag:s7] =	ssyncset.done $0x0  }
0x4c8: {  	[sflag:s7] =	ssyncadd.s32 $0xFFFF9800  }
0x4c9: {  	_ =	swait.ge [sflag:s6], $0x6800  }
0x4ca: {  	s12 =	sadd.s32 $0xFFFFFFFF, s12;
	s13 =	rddreg [dreg:$0x2];
	[sflag:s6] =	ssyncset.done $0x0  }
0x4cb: {  	s29 =	simm.s32 $0x5  }
.LBB2_5:
0x4cc: {  	[sflag:s6] =	ssyncadd.s32 @p0 $0xFFFF9800  }
0x4cd: {  	[tilespmem:s2], [sflag:$0x5] =	stream.linear.gather [hbm4b:s13+s2], $0x3400, $0x38;
	[tilespmem:$0x10400] =	vst v63  }
0x4ce: {  	_ =	swait.ge [sflag:s29], $0x3400  }
0x4cf: {  	[sflag:s29] =	ssyncset.done $0x0  }
0x4d0: {  	[sflag:s29] =	ssyncadd.s32 $0xFFFFCC00  }
0x4d1: {  	[tilespmem:s9], [sflag:$0x1] =	stream.indirect.gather [hbm4b:s3+s4], $0x10, s2, s4, $0xb8;
	[tilespmem:$0x10400] =	vst v63  }
0x4d2: {  	s0 =	simm.s32 $0x3C00  }
0x4d3: {  	[tilespmem:s0], [sflag:$0x1] =	stream.indirect.gather [hbm4b:s3+s4], $0x10, s4, s4, $0xb8;
	[tilespmem:$0x10400] =	vst v63  }
0x4d4: {  	s25 =	simm.s32 $0x4400;
	s12 =	rddreg [dreg:$0xb]  }
0x4d5: {  	[tilespmem:s25], [sflag:$0x1] =	stream.indirect.gather [hbm4b:s3+s4], $0x10, s12, s4, $0xb8;
	[tilespmem:$0x10400] =	vst v63  }
0x4d6: {  	s28 =	simm.s32 $0x4C00;
	s23 =	rddreg [dreg:$0xc]  }
0x4d7: {  	[tilespmem:s28], [sflag:$0x1] =	stream.indirect.gather [hbm4b:s3+s4], $0x10, s23, s4, $0xb8;
	[tilespmem:$0x10400] =	vst v63  }
0x4d8: {  	s30 =	simm.s32 $0x5400;
	s26 =	rddreg [dreg:$0xd]  }
0x4d9: {  	[tilespmem:s30], [sflag:$0x1] =	stream.indirect.gather [hbm4b:s3+s4], $0x10, s26, s4, $0xb8;
	[tilespmem:$0x10400] =	vst v63  }
0x4da: {  	s1 =	simm.s32 $0x5C00;
	s29 =	rddreg [dreg:$0xe]  }
0x4db: {  	[tilespmem:s1], [sflag:$0x1] =	stream.indirect.gather [hbm4b:s3+s4], $0x10, s29, s4, $0xb8;
	[tilespmem:$0x10400] =	vst v63  }
0x4dc: {  	s11 =	simm.s32 $0x6400;
	s31 =	rddreg [dreg:$0xf]  }
0x4dd: {  	[tilespmem:s11], [sflag:$0x1] =	stream.indirect.gather [hbm4b:s3+s4], $0x10, s31, s4, $0xb8;
	[tilespmem:$0x10400] =	vst v63  }
0x4de: {  	s19 =	simm.s32 $0x6C00;
	s10 =	rddreg [dreg:$0x10]  }
0x4df: {  	[tilespmem:s19], [sflag:$0x1] =	stream.indirect.gather [hbm4b:s3+s4], $0x10, s10, s4, $0xb8;
	[tilespmem:$0x10400] =	vst v63  }
0x4e0: {  	s15 =	rddreg [dreg:$0x11];
	s23 =	simm.s32 $0x7400  }
0x4e1: {  	[tilespmem:s23], [sflag:$0x1] =	stream.indirect.gather [hbm4b:s3+s4], $0x10, s15, s4, $0xb8;
	[tilespmem:$0x10400] =	vst v63  }
0x4e2: {  	s21 =	rddreg [dreg:$0x12];
	s26 =	simm.s32 $0x7C00  }
0x4e3: {  	[tilespmem:s26], [sflag:$0x1] =	stream.indirect.gather [hbm4b:s3+s4], $0x10, s21, s4, $0xb8;
	[tilespmem:$0x10400] =	vst v63  }
0x4e4: {  	s25 =	rddreg [dreg:$0x13];
	s30 =	simm.s32 $0x8400  }
0x4e5: {  	[tilespmem:s30], [sflag:$0x1] =	stream.indirect.gather [hbm4b:s3+s4], $0x10, s25, s4, $0xb8;
	[tilespmem:$0x10400] =	vst v63  }
0x4e6: {  	s28 =	rddreg [dreg:$0x14];
	s1 =	simm.s32 $0x8C00  }
0x4e7: {  	[tilespmem:s1], [sflag:$0x1] =	stream.indirect.gather [hbm4b:s3+s4], $0x10, s28, s4, $0xb8;
	[tilespmem:$0x10400] =	vst v63  }
0x4e8: {  	s13 =	simm.s32 $0x9400;
	s31 =	rddreg [dreg:$0x15]  }
0x4e9: {  	[tilespmem:s13], [sflag:$0x1] =	stream.indirect.gather [hbm4b:s3+s4], $0x10, s31, s4, $0xb8;
	[tilespmem:$0x10400] =	vst v63  }
0x4ea: {  	_ =	swait.ge [sflag:s20], $0x800  }
0x4eb: {  	[sflag:s20] =	ssyncset.done $0x0  }
0x4ec: {  	[sflag:s20] =	ssyncadd.s32 $0xFFFFF800  }
0x4ed: {  	_ =	swait.ge [sflag:s20], $0x800  }
0x4ee: {  	[sflag:s20] =	ssyncset.done $0x0  }
0x4ef: {  	[sflag:s20] =	ssyncadd.s32 $0xFFFFF800  }
0x4f0: {  	_ =	swait.ge [sflag:s20], $0x800  }
0x4f1: {  	[sflag:s20] =	ssyncset.done $0x0  }
0x4f2: {  	[sflag:s20] =	ssyncadd.s32 $0xFFFFF800  }
0x4f3: {  	_ =	swait.ge [sflag:s20], $0x800  }
0x4f4: {  	[sflag:s20] =	ssyncset.done $0x0  }
0x4f5: {  	[sflag:s20] =	ssyncadd.s32 $0xFFFFF800  }
0x4f6: {  	_ =	swait.ge [sflag:s20], $0x800  }
0x4f7: {  	[sflag:s20] =	ssyncset.done $0x0  }
0x4f8: {  	[sflag:s20] =	ssyncadd.s32 $0xFFFFF800  }
0x4f9: {  	_ =	swait.ge [sflag:s20], $0x800  }
0x4fa: {  	[sflag:s20] =	ssyncset.done $0x0  }
0x4fb: {  	[sflag:s20] =	ssyncadd.s32 $0xFFFFF800  }
0x4fc: {  	_ =	swait.ge [sflag:s20], $0x800  }
0x4fd: {  	[sflag:s20] =	ssyncset.done $0x0  }
0x4fe: {  	[sflag:s20] =	ssyncadd.s32 $0xFFFFF800  }
0x4ff: {  	_ =	swait.ge [sflag:s20], $0x800  }
0x500: {  	[sflag:s20] =	ssyncset.done $0x0  }
0x501: {  	[sflag:s20] =	ssyncadd.s32 $0xFFFFF800  }
0x502: {  	_ =	swait.ge [sflag:s20], $0x800  }
0x503: {  	[sflag:s20] =	ssyncset.done $0x0  }
0x504: {  	[sflag:s20] =	ssyncadd.s32 $0xFFFFF800  }
0x505: {  	_ =	swait.ge [sflag:s20], $0x800  }
0x506: {  	[sflag:s20] =	ssyncset.done $0x0  }
0x507: {  	[sflag:s20] =	ssyncadd.s32 $0xFFFFF800  }
0x508: {  	_ =	swait.ge [sflag:s20], $0x800  }
0x509: {  	[sflag:s20] =	ssyncset.done $0x0  }
0x50a: {  	[sflag:s20] =	ssyncadd.s32 $0xFFFFF800  }
0x50b: {  	_ =	swait.ge [sflag:s20], $0x800  }
0x50c: {  	[sflag:s20] =	ssyncset.done $0x0  }
0x50d: {  	[sflag:s20] =	ssyncadd.s32 $0xFFFFF800  }
0x50e: {  	_ =	swait.ge [sflag:s20], $0x800  }
0x50f: {  	s19 =	rddreg [dreg:$0x3];
	[sflag:s20] =	ssyncset.done $0x0  }
0x510: {  	s21 =	rddreg [dreg:$0x16];
	[sflag:s20] =	ssyncadd.s32 $0xFFFFF800  }
0x511: {  	[hbm4b:s19+s2] =	stream.linear.scatter [tilespmem:s9], [sflag:$0x3], $0x6800, $0x38;
	[tilespmem:$0x10400] =	vst v63  }
0x512: {  	s25 =	rddreg [dreg:$0x17]  }
0x513: {  	[tilespmem:s5], [sflag:$0x2] =	stream.indirect.gather [hbm4b:s3+s4], $0x10, s21, s4, $0xb8;
	[tilespmem:$0x10400] =	vst v63  }
0x514: {  	s26 =	rddreg [dreg:$0x18];
	s19 =	simm.s32 $0xA400  }
0x515: {  	[tilespmem:s19], [sflag:$0x2] =	stream.indirect.gather [hbm4b:s3+s4], $0x10, s25, s4, $0xb8;
	[tilespmem:$0x10400] =	vst v63  }
0x516: {  	s30 =	simm.s32 $0xAC00;
	s28 =	rddreg [dreg:$0x19]  }
0x517: {  	[tilespmem:s30], [sflag:$0x2] =	stream.indirect.gather [hbm4b:s3+s4], $0x10, s26, s4, $0xb8;
	[tilespmem:$0x10400] =	vst v63  }
0x518: {  	s1 =	simm.s32 $0xB400;
	s31 =	rddreg [dreg:$0x1a]  }
0x519: {  	[tilespmem:s1], [sflag:$0x2] =	stream.indirect.gather [hbm4b:s3+s4], $0x10, s28, s4, $0xb8;
	[tilespmem:$0x10400] =	vst v63  }
0x51a: {  	s21 =	simm.s32 $0xBC00;
	s19 =	rddreg [dreg:$0x1b]  }
0x51b: {  	[tilespmem:s21], [sflag:$0x2] =	stream.indirect.gather [hbm4b:s3+s4], $0x10, s31, s4, $0xb8;
	[tilespmem:$0x10400] =	vst v63  }
0x51c: {  	s25 =	rddreg [dreg:$0x1c];
	s26 =	simm.s32 $0xC400  }
0x51d: {  	[tilespmem:s26], [sflag:$0x2] =	stream.indirect.gather [hbm4b:s3+s4], $0x10, s19, s4, $0xb8;
	[tilespmem:$0x10400] =	vst v63  }
0x51e: {  	s30 =	simm.s32 $0xCC00;
	s28 =	rddreg [dreg:$0x1d]  }
0x51f: {  	[tilespmem:s30], [sflag:$0x2] =	stream.indirect.gather [hbm4b:s3+s4], $0x10, s25, s4, $0xb8;
	[tilespmem:$0x10400] =	vst v63  }
0x520: {  	s31 =	rddreg [dreg:$0x1e];
	s19 =	simm.s32 $0xD400  }
0x521: {  	[tilespmem:s19], [sflag:$0x2] =	stream.indirect.gather [hbm4b:s3+s4], $0x10, s28, s4, $0xb8;
	[tilespmem:$0x10400] =	vst v63  }
0x522: {  	s21 =	rddreg [dreg:$0x1f];
	s25 =	simm.s32 $0xDC00  }
0x523: {  	[tilespmem:s25], [sflag:$0x2] =	stream.indirect.gather [hbm4b:s3+s4], $0x10, s31, s4, $0xb8;
	[tilespmem:$0x10400] =	vst v63  }
0x524: {  	s26 =	sld [smem:$0x7AD];
	s28 =	simm.s32 $0xE400  }
0x525: {  	[tilespmem:s28], [sflag:$0x2] =	stream.indirect.gather [hbm4b:s3+s4], $0x10, s21, s4, $0xb8;
	[tilespmem:$0x10400] =	vst v63  }
0x526: {  	s30 =	sld [smem:$0x7AE];
	s31 =	simm.s32 $0xEC00  }
0x527: {  	[tilespmem:s31], [sflag:$0x2] =	stream.indirect.gather [hbm4b:s3+s4], $0x10, s26, s4, $0xb8;
	[tilespmem:$0x10400] =	vst v63  }
0x528: {  	s0 =	sld [smem:$0x7AF];
	s21 =	simm.s32 $0xF400  }
0x529: {  	[tilespmem:s21], [sflag:$0x2] =	stream.indirect.gather [hbm4b:s3+s4], $0x10, s30, s4, $0xb8;
	[tilespmem:$0x10400] =	vst v63  }
0x52a: {  	s25 =	simm.s32 $0xFC00  }
0x52b: {  	[tilespmem:s25], [sflag:$0x2] =	stream.indirect.gather [hbm4b:s3+s4], $0x10, s0, s4, $0xb8;
	[tilespmem:$0x10400] =	vst v63  }
0x52c: {  	_ =	swait.ge [sflag:s8], $0x800  }
0x52d: {  	[sflag:s8] =	ssyncset.done $0x0  }
0x52e: {  	[sflag:s8] =	ssyncadd.s32 $0xFFFFF800  }
0x52f: {  	_ =	swait.ge [sflag:s8], $0x800  }
0x530: {  	[sflag:s8] =	ssyncset.done $0x0  }
0x531: {  	[sflag:s8] =	ssyncadd.s32 $0xFFFFF800  }
0x532: {  	_ =	swait.ge [sflag:s8], $0x800  }
0x533: {  	[sflag:s8] =	ssyncset.done $0x0  }
0x534: {  	[sflag:s8] =	ssyncadd.s32 $0xFFFFF800  }
0x535: {  	_ =	swait.ge [sflag:s8], $0x800  }
0x536: {  	[sflag:s8] =	ssyncset.done $0x0  }
0x537: {  	[sflag:s8] =	ssyncadd.s32 $0xFFFFF800  }
0x538: {  	_ =	swait.ge [sflag:s8], $0x800  }
0x539: {  	[sflag:s8] =	ssyncset.done $0x0  }
0x53a: {  	[sflag:s8] =	ssyncadd.s32 $0xFFFFF800  }
0x53b: {  	_ =	swait.ge [sflag:s8], $0x800  }
0x53c: {  	[sflag:s8] =	ssyncset.done $0x0  }
0x53d: {  	[sflag:s8] =	ssyncadd.s32 $0xFFFFF800  }
0x53e: {  	_ =	swait.ge [sflag:s8], $0x800  }
0x53f: {  	[sflag:s8] =	ssyncset.done $0x0  }
0x540: {  	[sflag:s8] =	ssyncadd.s32 $0xFFFFF800  }
0x541: {  	_ =	swait.ge [sflag:s8], $0x800  }
0x542: {  	[sflag:s8] =	ssyncset.done $0x0  }
0x543: {  	[sflag:s8] =	ssyncadd.s32 $0xFFFFF800  }
0x544: {  	_ =	swait.ge [sflag:s8], $0x800  }
0x545: {  	[sflag:s8] =	ssyncset.done $0x0  }
0x546: {  	[sflag:s8] =	ssyncadd.s32 $0xFFFFF800  }
0x547: {  	_ =	swait.ge [sflag:s8], $0x800  }
0x548: {  	[sflag:s8] =	ssyncset.done $0x0  }
0x549: {  	[sflag:s8] =	ssyncadd.s32 $0xFFFFF800  }
0x54a: {  	_ =	swait.ge [sflag:s8], $0x800  }
0x54b: {  	[sflag:s8] =	ssyncset.done $0x0  }
0x54c: {  	[sflag:s8] =	ssyncadd.s32 $0xFFFFF800  }
0x54d: {  	_ =	swait.ge [sflag:s8], $0x800  }
0x54e: {  	[sflag:s8] =	ssyncset.done $0x0  }
0x54f: {  	[sflag:s8] =	ssyncadd.s32 $0xFFFFF800  }
0x550: {  	_ =	swait.ge [sflag:s8], $0x800  }
0x551: {  	[sflag:s8] =	ssyncset.done $0x0  }
0x552: {  	s26 =	rddreg [dreg:$0x4];
	[sflag:s8] =	ssyncadd.s32 $0xFFFFF800  }
0x553: {  	[hbm4b:s26+s2] =	stream.linear.scatter [tilespmem:s5], [sflag:$0x4], $0x6800, $0x38;
	[tilespmem:$0x10400] =	vst v63  }
0x554: {  	_ =	swait.ge [sflag:s7], $0x6800  }
0x555: {  	s28 =	sld [smem:$0x7B0]  }
0x556: {  	[sflag:s7] =	ssyncset.done $0x0  }
0x557: {  	s30 =	sld [smem:$0x7B1];
	[sflag:s7] =	ssyncadd.s32 $0xFFFF9800  }
0x558: {  	[tilespmem:s9], [sflag:$0x1] =	stream.indirect.gather [hbm4b:s3+s4], $0x10, s28, s4, $0xb8;
	[tilespmem:$0x10400] =	vst v63  }
0x559: {  	s16 =	simm.s32 $0x3C00;
	s31 =	sld [smem:$0x7B2]  }
0x55a: {  	[tilespmem:s16], [sflag:$0x1] =	stream.indirect.gather [hbm4b:s3+s4], $0x10, s30, s4, $0xb8;
	[tilespmem:$0x10400] =	vst v63  }
0x55b: {  	s24 =	simm.s32 $0x4400;
	s0 =	sld [smem:$0x7B3]  }
0x55c: {  	[tilespmem:s24], [sflag:$0x1] =	stream.indirect.gather [hbm4b:s3+s4], $0x10, s31, s4, $0xb8;
	[tilespmem:$0x10400] =	vst v63  }
0x55d: {  	s17 =	simm.s32 $0x4C00;
	s16 =	sld [smem:$0x7B4]  }
0x55e: {  	[tilespmem:s17], [sflag:$0x1] =	stream.indirect.gather [hbm4b:s3+s4], $0x10, s0, s4, $0xb8;
	[tilespmem:$0x10400] =	vst v63  }
0x55f: {  	s18 =	simm.s32 $0x5400;
	s17 =	sld [smem:$0x7B5]  }
0x560: {  	[tilespmem:s18], [sflag:$0x1] =	stream.indirect.gather [hbm4b:s3+s4], $0x10, s16, s4, $0xb8;
	[tilespmem:$0x10400] =	vst v63  }
0x561: {  	s14 =	simm.s32 $0x5C00;
	s18 =	sld [smem:$0x7B6]  }
0x562: {  	[tilespmem:s14], [sflag:$0x1] =	stream.indirect.gather [hbm4b:s3+s4], $0x10, s17, s4, $0xb8;
	[tilespmem:$0x10400] =	vst v63  }
0x563: {  	s22 =	simm.s32 $0x6400;
	s19 =	sld [smem:$0x7B7]  }
0x564: {  	[tilespmem:s22], [sflag:$0x1] =	stream.indirect.gather [hbm4b:s3+s4], $0x10, s18, s4, $0xb8;
	[tilespmem:$0x10400] =	vst v63  }
0x565: {  	s11 =	simm.s32 $0x6C00;
	s24 =	sld [smem:$0x7B8]  }
0x566: {  	[tilespmem:s11], [sflag:$0x1] =	stream.indirect.gather [hbm4b:s3+s4], $0x10, s19, s4, $0xb8;
	[tilespmem:$0x10400] =	vst v63  }
0x567: {  	s23 =	simm.s32 $0x7400;
	s25 =	sld [smem:$0x7B9]  }
0x568: {  	[tilespmem:s23], [sflag:$0x1] =	stream.indirect.gather [hbm4b:s3+s4], $0x10, s24, s4, $0xb8;
	[tilespmem:$0x10400] =	vst v63  }
0x569: {  	s10 =	simm.s32 $0x7C00;
	s0 =	sld [smem:$0x7BA]  }
0x56a: {  	[tilespmem:s10], [sflag:$0x1] =	stream.indirect.gather [hbm4b:s3+s4], $0x10, s25, s4, $0xb8;
	[tilespmem:$0x10400] =	vst v63  }
0x56b: {  	s29 =	simm.s32 $0x8400;
	s11 =	sld [smem:$0x7BB]  }
0x56c: {  	[tilespmem:s29], [sflag:$0x1] =	stream.indirect.gather [hbm4b:s3+s4], $0x10, s0, s4, $0xb8;
	[tilespmem:$0x10400] =	vst v63  }
0x56d: {  	s15 =	simm.s32 $0x8C00;
	s14 =	sld [smem:$0x7BC]  }
0x56e: {  	[tilespmem:s15], [sflag:$0x1] =	stream.indirect.gather [hbm4b:s3+s4], $0x10, s11, s4, $0xb8;
	[tilespmem:$0x10400] =	vst v63  }
0x56f: {  	s0 =	simm.s32 $0x9400  }
0x570: {  	[tilespmem:s0], [sflag:$0x1] =	stream.indirect.gather [hbm4b:s3+s4], $0x10, s14, s4, $0xb8;
	[tilespmem:$0x10400] =	vst v63  }
0x571: {  	_ =	swait.ge [sflag:s20], $0x800  }
0x572: {  	[sflag:s20] =	ssyncset.done $0x0  }
0x573: {  	[sflag:s20] =	ssyncadd.s32 $0xFFFFF800  }
0x574: {  	_ =	swait.ge [sflag:s20], $0x800  }
0x575: {  	[sflag:s20] =	ssyncset.done $0x0  }
0x576: {  	[sflag:s20] =	ssyncadd.s32 $0xFFFFF800  }
0x577: {  	_ =	swait.ge [sflag:s20], $0x800  }
0x578: {  	[sflag:s20] =	ssyncset.done $0x0  }
0x579: {  	[sflag:s20] =	ssyncadd.s32 $0xFFFFF800  }
0x57a: {  	_ =	swait.ge [sflag:s20], $0x800  }
0x57b: {  	[sflag:s20] =	ssyncset.done $0x0  }
0x57c: {  	[sflag:s20] =	ssyncadd.s32 $0xFFFFF800  }
0x57d: {  	_ =	swait.ge [sflag:s20], $0x800  }
0x57e: {  	[sflag:s20] =	ssyncset.done $0x0  }
0x57f: {  	[sflag:s20] =	ssyncadd.s32 $0xFFFFF800  }
0x580: {  	_ =	swait.ge [sflag:s20], $0x800  }
0x581: {  	[sflag:s20] =	ssyncset.done $0x0  }
0x582: {  	[sflag:s20] =	ssyncadd.s32 $0xFFFFF800  }
0x583: {  	_ =	swait.ge [sflag:s20], $0x800  }
0x584: {  	[sflag:s20] =	ssyncset.done $0x0  }
0x585: {  	[sflag:s20] =	ssyncadd.s32 $0xFFFFF800  }
0x586: {  	_ =	swait.ge [sflag:s20], $0x800  }
0x587: {  	[sflag:s20] =	ssyncset.done $0x0  }
0x588: {  	[sflag:s20] =	ssyncadd.s32 $0xFFFFF800  }
0x589: {  	_ =	swait.ge [sflag:s20], $0x800  }
0x58a: {  	[sflag:s20] =	ssyncset.done $0x0  }
0x58b: {  	[sflag:s20] =	ssyncadd.s32 $0xFFFFF800  }
0x58c: {  	_ =	swait.ge [sflag:s20], $0x800  }
0x58d: {  	[sflag:s20] =	ssyncset.done $0x0  }
0x58e: {  	[sflag:s20] =	ssyncadd.s32 $0xFFFFF800  }
0x58f: {  	_ =	swait.ge [sflag:s20], $0x800  }
0x590: {  	[sflag:s20] =	ssyncset.done $0x0  }
0x591: {  	[sflag:s20] =	ssyncadd.s32 $0xFFFFF800  }
0x592: {  	_ =	swait.ge [sflag:s20], $0x800  }
0x593: {  	[sflag:s20] =	ssyncset.done $0x0  }
0x594: {  	[sflag:s20] =	ssyncadd.s32 $0xFFFFF800  }
0x595: {  	_ =	swait.ge [sflag:s20], $0x800  }
0x596: {  	[sflag:s20] =	ssyncset.done $0x0  }
0x597: {  	s15 =	rddreg [dreg:$0x5];
	[sflag:s20] =	ssyncadd.s32 $0xFFFFF800  }
0x598: {  	[hbm4b:s15+s2] =	stream.linear.scatter [tilespmem:s9], [sflag:$0x3], $0x6800, $0x38;
	[tilespmem:$0x10400] =	vst v63  }
0x599: {  	_ =	swait.ge [sflag:s6], $0x6800  }
0x59a: {  	s16 =	sld [smem:$0x7BD]  }
0x59b: {  	[sflag:s6] =	ssyncset.done $0x0  }
0x59c: {  	s17 =	sld [smem:$0x7BE];
	[sflag:s6] =	ssyncadd.s32 $0xFFFF9800  }
0x59d: {  	[tilespmem:s5], [sflag:$0x2] =	stream.indirect.gather [hbm4b:s3+s4], $0x10, s16, s4, $0xb8;
	[tilespmem:$0x10400] =	vst v63  }
0x59e: {  	s10 =	simm.s32 $0xA400;
	s18 =	sld [smem:$0x7BF]  }
0x59f: {  	[tilespmem:s10], [sflag:$0x2] =	stream.indirect.gather [hbm4b:s3+s4], $0x10, s17, s4, $0xb8;
	[tilespmem:$0x10400] =	vst v63  }
0x5a0: {  	s14 =	simm.s32 $0xAC00;
	s19 =	sld [smem:$0x7C0]  }
0x5a1: {  	[tilespmem:s14], [sflag:$0x2] =	stream.indirect.gather [hbm4b:s3+s4], $0x10, s18, s4, $0xb8;
	[tilespmem:$0x10400] =	vst v63  }
0x5a2: {  	s15 =	simm.s32 $0xB400;
	s22 =	sld [smem:$0x7C1]  }
0x5a3: {  	[tilespmem:s15], [sflag:$0x2] =	stream.indirect.gather [hbm4b:s3+s4], $0x10, s19, s4, $0xb8;
	[tilespmem:$0x10400] =	vst v63  }
0x5a4: {  	s23 =	sld [smem:$0x7C2];
	s16 =	simm.s32 $0xBC00  }
0x5a5: {  	[tilespmem:s16], [sflag:$0x2] =	stream.indirect.gather [hbm4b:s3+s4], $0x10, s22, s4, $0xb8;
	[tilespmem:$0x10400] =	vst v63  }
0x5a6: {  	s1 =	simm.s32 $0xC400;
	s24 =	sld [smem:$0x7C3]  }
0x5a7: {  	[tilespmem:s1], [sflag:$0x2] =	stream.indirect.gather [hbm4b:s3+s4], $0x10, s23, s4, $0xb8;
	[tilespmem:$0x10400] =	vst v63  }
0x5a8: {  	s11 =	sld [smem:$0x7C4];
	s18 =	simm.s32 $0xCC00  }
0x5a9: {  	[tilespmem:s18], [sflag:$0x2] =	stream.indirect.gather [hbm4b:s3+s4], $0x10, s24, s4, $0xb8;
	[tilespmem:$0x10400] =	vst v63  }
0x5aa: {  	s17 =	simm.s32 $0xD400;
	s19 =	sld [smem:$0x7C5]  }
0x5ab: {  	[tilespmem:s17], [sflag:$0x2] =	stream.indirect.gather [hbm4b:s3+s4], $0x10, s11, s4, $0xb8;
	[tilespmem:$0x10400] =	vst v63  }
0x5ac: {  	s22 =	sld [smem:$0x7C6];
	s11 =	simm.s32 $0xDC00  }
0x5ad: {  	[tilespmem:s11], [sflag:$0x2] =	stream.indirect.gather [hbm4b:s3+s4], $0x10, s19, s4, $0xb8;
	[tilespmem:$0x10400] =	vst v63  }
0x5ae: {  	s1 =	simm.s32 $0xE400;
	s24 =	sld [smem:$0x7C7]  }
0x5af: {  	[tilespmem:s1], [sflag:$0x2] =	stream.indirect.gather [hbm4b:s3+s4], $0x10, s22, s4, $0xb8;
	[tilespmem:$0x10400] =	vst v63  }
0x5b0: {  	s19 =	simm.s32 $0xEC00;
	s22 =	sld [smem:$0x7C8]  }
0x5b1: {  	[tilespmem:s19], [sflag:$0x2] =	stream.indirect.gather [hbm4b:s3+s4], $0x10, s24, s4, $0xb8;
	[tilespmem:$0x10400] =	vst v63  }
0x5b2: {  	s12 =	sld [smem:$0x7C9];
	s24 =	simm.s32 $0xF400  }
0x5b3: {  	[tilespmem:s24], [sflag:$0x2] =	stream.indirect.gather [hbm4b:s3+s4], $0x10, s22, s4, $0xb8;
	[tilespmem:$0x10400] =	vst v63  }
0x5b4: {  	s21 =	simm.s32 $0xFC00  }
0x5b5: {  	[tilespmem:s21], [sflag:$0x2] =	stream.indirect.gather [hbm4b:s3+s4], $0x10, s12, s4, $0xb8;
	[tilespmem:$0x10400] =	vst v63  }
0x5b6: {  	_ =	swait.ge [sflag:s8], $0x800  }
0x5b7: {  	[sflag:s8] =	ssyncset.done $0x0  }
0x5b8: {  	[sflag:s8] =	ssyncadd.s32 $0xFFFFF800  }
0x5b9: {  	_ =	swait.ge [sflag:s8], $0x800  }
0x5ba: {  	[sflag:s8] =	ssyncset.done $0x0  }
0x5bb: {  	[sflag:s8] =	ssyncadd.s32 $0xFFFFF800  }
0x5bc: {  	_ =	swait.ge [sflag:s8], $0x800  }
0x5bd: {  	[sflag:s8] =	ssyncset.done $0x0  }
0x5be: {  	[sflag:s8] =	ssyncadd.s32 $0xFFFFF800  }
0x5bf: {  	_ =	swait.ge [sflag:s8], $0x800  }
0x5c0: {  	[sflag:s8] =	ssyncset.done $0x0  }
0x5c1: {  	[sflag:s8] =	ssyncadd.s32 $0xFFFFF800  }
0x5c2: {  	_ =	swait.ge [sflag:s8], $0x800  }
0x5c3: {  	[sflag:s8] =	ssyncset.done $0x0  }
0x5c4: {  	[sflag:s8] =	ssyncadd.s32 $0xFFFFF800  }
0x5c5: {  	_ =	swait.ge [sflag:s8], $0x800  }
0x5c6: {  	[sflag:s8] =	ssyncset.done $0x0  }
0x5c7: {  	[sflag:s8] =	ssyncadd.s32 $0xFFFFF800  }
0x5c8: {  	_ =	swait.ge [sflag:s8], $0x800  }
0x5c9: {  	[sflag:s8] =	ssyncset.done $0x0  }
0x5ca: {  	[sflag:s8] =	ssyncadd.s32 $0xFFFFF800  }
0x5cb: {  	_ =	swait.ge [sflag:s8], $0x800  }
0x5cc: {  	[sflag:s8] =	ssyncset.done $0x0  }
0x5cd: {  	[sflag:s8] =	ssyncadd.s32 $0xFFFFF800  }
0x5ce: {  	_ =	swait.ge [sflag:s8], $0x800  }
0x5cf: {  	[sflag:s8] =	ssyncset.done $0x0  }
0x5d0: {  	[sflag:s8] =	ssyncadd.s32 $0xFFFFF800  }
0x5d1: {  	_ =	swait.ge [sflag:s8], $0x800  }
0x5d2: {  	[sflag:s8] =	ssyncset.done $0x0  }
0x5d3: {  	[sflag:s8] =	ssyncadd.s32 $0xFFFFF800  }
0x5d4: {  	_ =	swait.ge [sflag:s8], $0x800  }
0x5d5: {  	[sflag:s8] =	ssyncset.done $0x0  }
0x5d6: {  	[sflag:s8] =	ssyncadd.s32 $0xFFFFF800  }
0x5d7: {  	_ =	swait.ge [sflag:s8], $0x800  }
0x5d8: {  	[sflag:s8] =	ssyncset.done $0x0  }
0x5d9: {  	[sflag:s8] =	ssyncadd.s32 $0xFFFFF800  }
0x5da: {  	_ =	swait.ge [sflag:s8], $0x800  }
0x5db: {  	[sflag:s8] =	ssyncset.done $0x0  }
0x5dc: {  	s21 =	rddreg [dreg:$0x6];
	[sflag:s8] =	ssyncadd.s32 $0xFFFFF800  }
0x5dd: {  	[hbm4b:s21+s2] =	stream.linear.scatter [tilespmem:s5], [sflag:$0x4], $0x6800, $0x38;
	[tilespmem:$0x10400] =	vst v63  }
0x5de: {  	_ =	swait.ge [sflag:s7], $0x6800  }
0x5df: {  	s13 =	sld [smem:$0x7CA]  }
0x5e0: {  	[sflag:s7] =	ssyncset.done $0x0  }
0x5e1: {  	s21 =	sld [smem:$0x7CB];
	[sflag:s7] =	ssyncadd.s32 $0xFFFF9800  }
0x5e2: {  	[tilespmem:s9], [sflag:$0x1] =	stream.indirect.gather [hbm4b:s3+s4], $0x10, s13, s4, $0xb8;
	[tilespmem:$0x10400] =	vst v63  }
0x5e3: {  	s30 =	simm.s32 $0x3C00;
	s12 =	sld [smem:$0x7CC]  }
0x5e4: {  	[tilespmem:s30], [sflag:$0x1] =	stream.indirect.gather [hbm4b:s3+s4], $0x10, s21, s4, $0xb8;
	[tilespmem:$0x10400] =	vst v63  }
0x5e5: {  	s13 =	sld [smem:$0x7CD];
	s21 =	simm.s32 $0x4400  }
0x5e6: {  	[tilespmem:s21], [sflag:$0x1] =	stream.indirect.gather [hbm4b:s3+s4], $0x10, s12, s4, $0xb8;
	[tilespmem:$0x10400] =	vst v63  }
0x5e7: {  	s31 =	simm.s32 $0x4C00;
	s12 =	sld [smem:$0x7CE]  }
0x5e8: {  	[tilespmem:s31], [sflag:$0x1] =	stream.indirect.gather [hbm4b:s3+s4], $0x10, s13, s4, $0xb8;
	[tilespmem:$0x10400] =	vst v63  }
0x5e9: {  	s21 =	simm.s32 $0x5400;
	s13 =	sld [smem:$0x7CF]  }
0x5ea: {  	[tilespmem:s21], [sflag:$0x1] =	stream.indirect.gather [hbm4b:s3+s4], $0x10, s12, s4, $0xb8;
	[tilespmem:$0x10400] =	vst v63  }
0x5eb: {  	s28 =	simm.s32 $0x5C00;
	s12 =	sld [smem:$0x7D0]  }
0x5ec: {  	[tilespmem:s28], [sflag:$0x1] =	stream.indirect.gather [hbm4b:s3+s4], $0x10, s13, s4, $0xb8;
	[tilespmem:$0x10400] =	vst v63  }
0x5ed: {  	s21 =	simm.s32 $0x6400;
	s13 =	sld [smem:$0x7D1]  }
0x5ee: {  	[tilespmem:s21], [sflag:$0x1] =	stream.indirect.gather [hbm4b:s3+s4], $0x10, s12, s4, $0xb8;
	[tilespmem:$0x10400] =	vst v63  }
0x5ef: {  	s26 =	simm.s32 $0x6C00;
	s12 =	sld [smem:$0x7D2]  }
0x5f0: {  	[tilespmem:s26], [sflag:$0x1] =	stream.indirect.gather [hbm4b:s3+s4], $0x10, s13, s4, $0xb8;
	[tilespmem:$0x10400] =	vst v63  }
0x5f1: {  	s21 =	simm.s32 $0x7400;
	s13 =	sld [smem:$0x7D3]  }
0x5f2: {  	[tilespmem:s21], [sflag:$0x1] =	stream.indirect.gather [hbm4b:s3+s4], $0x10, s12, s4, $0xb8;
	[tilespmem:$0x10400] =	vst v63  }
0x5f3: {  	s25 =	simm.s32 $0x7C00;
	s12 =	sld [smem:$0x7D4]  }
0x5f4: {  	[tilespmem:s25], [sflag:$0x1] =	stream.indirect.gather [hbm4b:s3+s4], $0x10, s13, s4, $0xb8;
	[tilespmem:$0x10400] =	vst v63  }
0x5f5: {  	s21 =	simm.s32 $0x8400;
	s13 =	sld [smem:$0x7D5]  }
0x5f6: {  	[tilespmem:s21], [sflag:$0x1] =	stream.indirect.gather [hbm4b:s3+s4], $0x10, s12, s4, $0xb8;
	[tilespmem:$0x10400] =	vst v63  }
0x5f7: {  	s29 =	simm.s32 $0x8C00;
	s21 =	sld [smem:$0x7D6]  }
0x5f8: {  	[tilespmem:s29], [sflag:$0x1] =	stream.indirect.gather [hbm4b:s3+s4], $0x10, s13, s4, $0xb8;
	[tilespmem:$0x10400] =	vst v63  }
0x5f9: {  	_ = 	snop  }
0x5fa: {  	[tilespmem:s0], [sflag:$0x1] =	stream.indirect.gather [hbm4b:s3+s4], $0x10, s21, s4, $0xb8;
	[tilespmem:$0x10400] =	vst v63  }
0x5fb: {  	_ =	swait.ge [sflag:s20], $0x800  }
0x5fc: {  	[sflag:s20] =	ssyncset.done $0x0  }
0x5fd: {  	[sflag:s20] =	ssyncadd.s32 $0xFFFFF800  }
0x5fe: {  	_ =	swait.ge [sflag:s20], $0x800  }
0x5ff: {  	[sflag:s20] =	ssyncset.done $0x0  }
0x600: {  	[sflag:s20] =	ssyncadd.s32 $0xFFFFF800  }
0x601: {  	_ =	swait.ge [sflag:s20], $0x800  }
0x602: {  	[sflag:s20] =	ssyncset.done $0x0  }
0x603: {  	[sflag:s20] =	ssyncadd.s32 $0xFFFFF800  }
0x604: {  	_ =	swait.ge [sflag:s20], $0x800  }
0x605: {  	[sflag:s20] =	ssyncset.done $0x0  }
0x606: {  	[sflag:s20] =	ssyncadd.s32 $0xFFFFF800  }
0x607: {  	_ =	swait.ge [sflag:s20], $0x800  }
0x608: {  	[sflag:s20] =	ssyncset.done $0x0  }
0x609: {  	[sflag:s20] =	ssyncadd.s32 $0xFFFFF800  }
0x60a: {  	_ =	swait.ge [sflag:s20], $0x800  }
0x60b: {  	[sflag:s20] =	ssyncset.done $0x0  }
0x60c: {  	[sflag:s20] =	ssyncadd.s32 $0xFFFFF800  }
0x60d: {  	_ =	swait.ge [sflag:s20], $0x800  }
0x60e: {  	[sflag:s20] =	ssyncset.done $0x0  }
0x60f: {  	[sflag:s20] =	ssyncadd.s32 $0xFFFFF800  }
0x610: {  	_ =	swait.ge [sflag:s20], $0x800  }
0x611: {  	[sflag:s20] =	ssyncset.done $0x0  }
0x612: {  	[sflag:s20] =	ssyncadd.s32 $0xFFFFF800  }
0x613: {  	_ =	swait.ge [sflag:s20], $0x800  }
0x614: {  	[sflag:s20] =	ssyncset.done $0x0  }
0x615: {  	[sflag:s20] =	ssyncadd.s32 $0xFFFFF800  }
0x616: {  	_ =	swait.ge [sflag:s20], $0x800  }
0x617: {  	[sflag:s20] =	ssyncset.done $0x0  }
0x618: {  	[sflag:s20] =	ssyncadd.s32 $0xFFFFF800  }
0x619: {  	_ =	swait.ge [sflag:s20], $0x800  }
0x61a: {  	[sflag:s20] =	ssyncset.done $0x0  }
0x61b: {  	[sflag:s20] =	ssyncadd.s32 $0xFFFFF800  }
0x61c: {  	_ =	swait.ge [sflag:s20], $0x800  }
0x61d: {  	[sflag:s20] =	ssyncset.done $0x0  }
0x61e: {  	[sflag:s20] =	ssyncadd.s32 $0xFFFFF800  }
0x61f: {  	_ =	swait.ge [sflag:s20], $0x800  }
0x620: {  	[sflag:s20] =	ssyncset.done $0x0  }
0x621: {  	s0 =	rddreg [dreg:$0x7];
	[sflag:s20] =	ssyncadd.s32 $0xFFFFF800  }
0x622: {  	[hbm4b:s0+s2] =	stream.linear.scatter [tilespmem:s9], [sflag:$0x3], $0x6800, $0x38;
	[tilespmem:$0x10400] =	vst v63  }
0x623: {  	_ =	swait.ge [sflag:s6], $0x6800  }
0x624: {  	s13 =	sld [smem:$0x7D7]  }
0x625: {  	[sflag:s6] =	ssyncset.done $0x0  }
0x626: {  	s21 =	sld [smem:$0x7D8];
	[sflag:s6] =	ssyncadd.s32 $0xFFFF9800  }
0x627: {  	[tilespmem:s5], [sflag:$0x2] =	stream.indirect.gather [hbm4b:s3+s4], $0x10, s13, s4, $0xb8;
	[tilespmem:$0x10400] =	vst v63  }
0x628: {  	s12 =	sld [smem:$0x7D9]  }
0x629: {  	[tilespmem:s10], [sflag:$0x2] =	stream.indirect.gather [hbm4b:s3+s4], $0x10, s21, s4, $0xb8;
	[tilespmem:$0x10400] =	vst v63  }
0x62a: {  	s0 =	sld [smem:$0x7DA]  }
0x62b: {  	[tilespmem:s14], [sflag:$0x2] =	stream.indirect.gather [hbm4b:s3+s4], $0x10, s12, s4, $0xb8;
	[tilespmem:$0x10400] =	vst v63  }
0x62c: {  	s10 =	sld [smem:$0x7DB]  }
0x62d: {  	[tilespmem:s15], [sflag:$0x2] =	stream.indirect.gather [hbm4b:s3+s4], $0x10, s0, s4, $0xb8;
	[tilespmem:$0x10400] =	vst v63  }
0x62e: {  	s14 =	sld [smem:$0x7DC]  }
0x62f: {  	[tilespmem:s16], [sflag:$0x2] =	stream.indirect.gather [hbm4b:s3+s4], $0x10, s10, s4, $0xb8;
	[tilespmem:$0x10400] =	vst v63  }
0x630: {  	s23 =	simm.s32 $0xC400;
	s0 =	sld [smem:$0x7DD]  }
0x631: {  	[tilespmem:s23], [sflag:$0x2] =	stream.indirect.gather [hbm4b:s3+s4], $0x10, s14, s4, $0xb8;
	[tilespmem:$0x10400] =	vst v63  }
0x632: {  	s10 =	sld [smem:$0x7DE]  }
0x633: {  	[tilespmem:s18], [sflag:$0x2] =	stream.indirect.gather [hbm4b:s3+s4], $0x10, s0, s4, $0xb8;
	[tilespmem:$0x10400] =	vst v63  }
0x634: {  	s14 =	sld [smem:$0x7DF]  }
0x635: {  	[tilespmem:s17], [sflag:$0x2] =	stream.indirect.gather [hbm4b:s3+s4], $0x10, s10, s4, $0xb8;
	[tilespmem:$0x10400] =	vst v63  }
0x636: {  	s0 =	sld [smem:$0x7E0]  }
0x637: {  	[tilespmem:s11], [sflag:$0x2] =	stream.indirect.gather [hbm4b:s3+s4], $0x10, s14, s4, $0xb8;
	[tilespmem:$0x10400] =	vst v63  }
0x638: {  	s10 =	sld [smem:$0x7E1]  }
0x639: {  	[tilespmem:s1], [sflag:$0x2] =	stream.indirect.gather [hbm4b:s3+s4], $0x10, s0, s4, $0xb8;
	[tilespmem:$0x10400] =	vst v63  }
0x63a: {  	s0 =	sld [smem:$0x7E2]  }
0x63b: {  	[tilespmem:s19], [sflag:$0x2] =	stream.indirect.gather [hbm4b:s3+s4], $0x10, s10, s4, $0xb8;
	[tilespmem:$0x10400] =	vst v63  }
0x63c: {  	s22 =	simm.s32 $0xF400;
	s1 =	sld [smem:$0x7E3]  }
0x63d: {  	[tilespmem:s22], [sflag:$0x2] =	stream.indirect.gather [hbm4b:s3+s4], $0x10, s0, s4, $0xb8;
	[tilespmem:$0x10400] =	vst v63  }
0x63e: {  	s24 =	simm.s32 $0xFC00  }
0x63f: {  	[tilespmem:s24], [sflag:$0x2] =	stream.indirect.gather [hbm4b:s3+s4], $0x10, s1, s4, $0xb8;
	[tilespmem:$0x10400] =	vst v63  }
0x640: {  	_ =	swait.ge [sflag:s8], $0x800  }
0x641: {  	[sflag:s8] =	ssyncset.done $0x0  }
0x642: {  	[sflag:s8] =	ssyncadd.s32 $0xFFFFF800  }
0x643: {  	_ =	swait.ge [sflag:s8], $0x800  }
0x644: {  	[sflag:s8] =	ssyncset.done $0x0  }
0x645: {  	[sflag:s8] =	ssyncadd.s32 $0xFFFFF800  }
0x646: {  	_ =	swait.ge [sflag:s8], $0x800  }
0x647: {  	[sflag:s8] =	ssyncset.done $0x0  }
0x648: {  	[sflag:s8] =	ssyncadd.s32 $0xFFFFF800  }
0x649: {  	_ =	swait.ge [sflag:s8], $0x800  }
0x64a: {  	[sflag:s8] =	ssyncset.done $0x0  }
0x64b: {  	[sflag:s8] =	ssyncadd.s32 $0xFFFFF800  }
0x64c: {  	_ =	swait.ge [sflag:s8], $0x800  }
0x64d: {  	[sflag:s8] =	ssyncset.done $0x0  }
0x64e: {  	[sflag:s8] =	ssyncadd.s32 $0xFFFFF800  }
0x64f: {  	_ =	swait.ge [sflag:s8], $0x800  }
0x650: {  	[sflag:s8] =	ssyncset.done $0x0  }
0x651: {  	[sflag:s8] =	ssyncadd.s32 $0xFFFFF800  }
0x652: {  	_ =	swait.ge [sflag:s8], $0x800  }
0x653: {  	[sflag:s8] =	ssyncset.done $0x0  }
0x654: {  	[sflag:s8] =	ssyncadd.s32 $0xFFFFF800  }
0x655: {  	_ =	swait.ge [sflag:s8], $0x800  }
0x656: {  	[sflag:s8] =	ssyncset.done $0x0  }
0x657: {  	[sflag:s8] =	ssyncadd.s32 $0xFFFFF800  }
0x658: {  	_ =	swait.ge [sflag:s8], $0x800  }
0x659: {  	[sflag:s8] =	ssyncset.done $0x0  }
0x65a: {  	[sflag:s8] =	ssyncadd.s32 $0xFFFFF800  }
0x65b: {  	_ =	swait.ge [sflag:s8], $0x800  }
0x65c: {  	[sflag:s8] =	ssyncset.done $0x0  }
0x65d: {  	[sflag:s8] =	ssyncadd.s32 $0xFFFFF800  }
0x65e: {  	_ =	swait.ge [sflag:s8], $0x800  }
0x65f: {  	[sflag:s8] =	ssyncset.done $0x0  }
0x660: {  	[sflag:s8] =	ssyncadd.s32 $0xFFFFF800  }
0x661: {  	_ =	swait.ge [sflag:s8], $0x800  }
0x662: {  	[sflag:s8] =	ssyncset.done $0x0  }
0x663: {  	[sflag:s8] =	ssyncadd.s32 $0xFFFFF800  }
0x664: {  	_ =	swait.ge [sflag:s8], $0x800  }
0x665: {  	[sflag:s8] =	ssyncset.done $0x0  }
0x666: {  	s13 =	rddreg [dreg:$0x8];
	[sflag:s8] =	ssyncadd.s32 $0xFFFFF800  }
0x667: {  	[hbm4b:s13+s2] =	stream.linear.scatter [tilespmem:s5], [sflag:$0x4], $0x6800, $0x38;
	[tilespmem:$0x10400] =	vst v63  }
0x668: {  	_ =	swait.ge [sflag:s7], $0x6800  }
0x669: {  	s19 =	sld [smem:$0x7E4]  }
0x66a: {  	[sflag:s7] =	ssyncset.done $0x0  }
0x66b: {  	s0 =	sld [smem:$0x7E5];
	[sflag:s7] =	ssyncadd.s32 $0xFFFF9800  }
0x66c: {  	[tilespmem:s9], [sflag:$0x1] =	stream.indirect.gather [hbm4b:s3+s4], $0x10, s19, s4, $0xb8;
	[tilespmem:$0x10400] =	vst v63  }
0x66d: {  	s30 =	simm.s32 $0x3C00;
	s1 =	sld [smem:$0x7E6]  }
0x66e: {  	[tilespmem:s30], [sflag:$0x1] =	stream.indirect.gather [hbm4b:s3+s4], $0x10, s0, s4, $0xb8;
	[tilespmem:$0x10400] =	vst v63  }
0x66f: {  	s19 =	sld [smem:$0x7E7];
	s30 =	simm.s32 $0x4400  }
0x670: {  	[tilespmem:s30], [sflag:$0x1] =	stream.indirect.gather [hbm4b:s3+s4], $0x10, s1, s4, $0xb8;
	[tilespmem:$0x10400] =	vst v63  }
0x671: {  	s31 =	simm.s32 $0x4C00;
	s0 =	sld [smem:$0x7E8]  }
0x672: {  	[tilespmem:s31], [sflag:$0x1] =	stream.indirect.gather [hbm4b:s3+s4], $0x10, s19, s4, $0xb8;
	[tilespmem:$0x10400] =	vst v63  }
0x673: {  	s1 =	sld [smem:$0x7E9];
	s19 =	simm.s32 $0x5400  }
0x674: {  	[tilespmem:s19], [sflag:$0x1] =	stream.indirect.gather [hbm4b:s3+s4], $0x10, s0, s4, $0xb8;
	[tilespmem:$0x10400] =	vst v63  }
0x675: {  	s28 =	simm.s32 $0x5C00;
	s30 =	sld [smem:$0x7EA]  }
0x676: {  	[tilespmem:s28], [sflag:$0x1] =	stream.indirect.gather [hbm4b:s3+s4], $0x10, s1, s4, $0xb8;
	[tilespmem:$0x10400] =	vst v63  }
0x677: {  	s31 =	sld [smem:$0x7EB];
	s1 =	simm.s32 $0x6400  }
0x678: {  	[tilespmem:s1], [sflag:$0x1] =	stream.indirect.gather [hbm4b:s3+s4], $0x10, s30, s4, $0xb8;
	[tilespmem:$0x10400] =	vst v63  }
0x679: {  	s26 =	simm.s32 $0x6C00;
	s19 =	sld [smem:$0x7EC]  }
0x67a: {  	[tilespmem:s26], [sflag:$0x1] =	stream.indirect.gather [hbm4b:s3+s4], $0x10, s31, s4, $0xb8;
	[tilespmem:$0x10400] =	vst v63  }
0x67b: {  	s28 =	simm.s32 $0x7400;
	s26 =	sld [smem:$0x7ED]  }
0x67c: {  	[tilespmem:s28], [sflag:$0x1] =	stream.indirect.gather [hbm4b:s3+s4], $0x10, s19, s4, $0xb8;
	[tilespmem:$0x10400] =	vst v63  }
0x67d: {  	s25 =	simm.s32 $0x7C00;
	s30 =	sld [smem:$0x7EE]  }
0x67e: {  	[tilespmem:s25], [sflag:$0x1] =	stream.indirect.gather [hbm4b:s3+s4], $0x10, s26, s4, $0xb8;
	[tilespmem:$0x10400] =	vst v63  }
0x67f: {  	s13 =	simm.s32 $0x8400;
	s31 =	sld [smem:$0x7EF]  }
0x680: {  	[tilespmem:s13], [sflag:$0x1] =	stream.indirect.gather [hbm4b:s3+s4], $0x10, s30, s4, $0xb8;
	[tilespmem:$0x10400] =	vst v63  }
0x681: {  	s29 =	simm.s32 $0x8C00;
	s19 =	sld [smem:$0x7F0]  }
0x682: {  	[tilespmem:s29], [sflag:$0x1] =	stream.indirect.gather [hbm4b:s3+s4], $0x10, s31, s4, $0xb8;
	[tilespmem:$0x10400] =	vst v63  }
0x683: {  	s25 =	simm.s32 $0x9400  }
0x684: {  	[tilespmem:s25], [sflag:$0x1] =	stream.indirect.gather [hbm4b:s3+s4], $0x10, s19, s4, $0xb8;
	[tilespmem:$0x10400] =	vst v63  }
0x685: {  	_ =	swait.ge [sflag:s20], $0x800  }
0x686: {  	[sflag:s20] =	ssyncset.done $0x0  }
0x687: {  	[sflag:s20] =	ssyncadd.s32 $0xFFFFF800  }
0x688: {  	_ =	swait.ge [sflag:s20], $0x800  }
0x689: {  	[sflag:s20] =	ssyncset.done $0x0  }
0x68a: {  	[sflag:s20] =	ssyncadd.s32 $0xFFFFF800  }
0x68b: {  	_ =	swait.ge [sflag:s20], $0x800  }
0x68c: {  	[sflag:s20] =	ssyncset.done $0x0  }
0x68d: {  	[sflag:s20] =	ssyncadd.s32 $0xFFFFF800  }
0x68e: {  	_ =	swait.ge [sflag:s20], $0x800  }
0x68f: {  	[sflag:s20] =	ssyncset.done $0x0  }
0x690: {  	[sflag:s20] =	ssyncadd.s32 $0xFFFFF800  }
0x691: {  	_ =	swait.ge [sflag:s20], $0x800  }
0x692: {  	[sflag:s20] =	ssyncset.done $0x0  }
0x693: {  	[sflag:s20] =	ssyncadd.s32 $0xFFFFF800  }
0x694: {  	_ =	swait.ge [sflag:s20], $0x800  }
0x695: {  	[sflag:s20] =	ssyncset.done $0x0  }
0x696: {  	[sflag:s20] =	ssyncadd.s32 $0xFFFFF800  }
0x697: {  	_ =	swait.ge [sflag:s20], $0x800  }
0x698: {  	[sflag:s20] =	ssyncset.done $0x0  }
0x699: {  	[sflag:s20] =	ssyncadd.s32 $0xFFFFF800  }
0x69a: {  	_ =	swait.ge [sflag:s20], $0x800  }
0x69b: {  	[sflag:s20] =	ssyncset.done $0x0  }
0x69c: {  	[sflag:s20] =	ssyncadd.s32 $0xFFFFF800  }
0x69d: {  	_ =	swait.ge [sflag:s20], $0x800  }
0x69e: {  	[sflag:s20] =	ssyncset.done $0x0  }
0x69f: {  	[sflag:s20] =	ssyncadd.s32 $0xFFFFF800  }
0x6a0: {  	_ =	swait.ge [sflag:s20], $0x800  }
0x6a1: {  	[sflag:s20] =	ssyncset.done $0x0  }
0x6a2: {  	[sflag:s20] =	ssyncadd.s32 $0xFFFFF800  }
0x6a3: {  	_ =	swait.ge [sflag:s20], $0x800  }
0x6a4: {  	[sflag:s20] =	ssyncset.done $0x0  }
0x6a5: {  	[sflag:s20] =	ssyncadd.s32 $0xFFFFF800  }
0x6a6: {  	_ =	swait.ge [sflag:s20], $0x800  }
0x6a7: {  	[sflag:s20] =	ssyncset.done $0x0  }
0x6a8: {  	[sflag:s20] =	ssyncadd.s32 $0xFFFFF800  }
0x6a9: {  	_ =	swait.ge [sflag:s20], $0x800  }
0x6aa: {  	[sflag:s20] =	ssyncset.done $0x0  }
0x6ab: {  	s26 =	rddreg [dreg:$0x9];
	[sflag:s20] =	ssyncadd.s32 $0xFFFFF800  }
0x6ac: {  	[hbm4b:s26+s2] =	stream.linear.scatter [tilespmem:s9], [sflag:$0x3], $0x6800, $0x38;
	[tilespmem:$0x10400] =	vst v63  }
0x6ad: {  	_ =	swait.ge [sflag:s6], $0x6800  }
0x6ae: {  	s28 =	sld [smem:$0x7F1]  }
0x6af: {  	[sflag:s6] =	ssyncset.done $0x0  }
0x6b0: {  	s29 =	sld [smem:$0x7F2];
	[sflag:s6] =	ssyncadd.s32 $0xFFFF9800  }
0x6b1: {  	[tilespmem:s5], [sflag:$0x2] =	stream.indirect.gather [hbm4b:s3+s4], $0x10, s28, s4, $0xb8;
	[tilespmem:$0x10400] =	vst v63  }
0x6b2: {  	s21 =	simm.s32 $0xA400;
	s30 =	sld [smem:$0x7F3]  }
0x6b3: {  	[tilespmem:s21], [sflag:$0x2] =	stream.indirect.gather [hbm4b:s3+s4], $0x10, s29, s4, $0xb8;
	[tilespmem:$0x10400] =	vst v63  }
0x6b4: {  	s12 =	simm.s32 $0xAC00;
	s31 =	sld [smem:$0x7F4]  }
0x6b5: {  	[tilespmem:s12], [sflag:$0x2] =	stream.indirect.gather [hbm4b:s3+s4], $0x10, s30, s4, $0xb8;
	[tilespmem:$0x10400] =	vst v63  }
0x6b6: {  	s15 =	simm.s32 $0xB400;
	s13 =	sld [smem:$0x7F5]  }
0x6b7: {  	[tilespmem:s15], [sflag:$0x2] =	stream.indirect.gather [hbm4b:s3+s4], $0x10, s31, s4, $0xb8;
	[tilespmem:$0x10400] =	vst v63  }
0x6b8: {  	s16 =	simm.s32 $0xBC00;
	s19 =	sld [smem:$0x7F6]  }
0x6b9: {  	[tilespmem:s16], [sflag:$0x2] =	stream.indirect.gather [hbm4b:s3+s4], $0x10, s13, s4, $0xb8;
	[tilespmem:$0x10400] =	vst v63  }
0x6ba: {  	s23 =	simm.s32 $0xC400;
	s20 =	sld [smem:$0x7F7]  }
0x6bb: {  	[tilespmem:s23], [sflag:$0x2] =	stream.indirect.gather [hbm4b:s3+s4], $0x10, s19, s4, $0xb8;
	[tilespmem:$0x10400] =	vst v63  }
0x6bc: {  	s18 =	simm.s32 $0xCC00;
	s21 =	sld [smem:$0x7F8]  }
0x6bd: {  	[tilespmem:s18], [sflag:$0x2] =	stream.indirect.gather [hbm4b:s3+s4], $0x10, s20, s4, $0xb8;
	[tilespmem:$0x10400] =	vst v63  }
0x6be: {  	s17 =	simm.s32 $0xD400;
	s23 =	sld [smem:$0x7F9]  }
0x6bf: {  	[tilespmem:s17], [sflag:$0x2] =	stream.indirect.gather [hbm4b:s3+s4], $0x10, s21, s4, $0xb8;
	[tilespmem:$0x10400] =	vst v63  }
0x6c0: {  	s11 =	simm.s32 $0xDC00;
	s25 =	sld [smem:$0x7FA]  }
0x6c1: {  	[tilespmem:s11], [sflag:$0x2] =	stream.indirect.gather [hbm4b:s3+s4], $0x10, s23, s4, $0xb8;
	[tilespmem:$0x10400] =	vst v63  }
0x6c2: {  	s14 =	simm.s32 $0xE400;
	s26 =	sld [smem:$0x7FB]  }
0x6c3: {  	[tilespmem:s14], [sflag:$0x2] =	stream.indirect.gather [hbm4b:s3+s4], $0x10, s25, s4, $0xb8;
	[tilespmem:$0x10400] =	vst v63  }
0x6c4: {  	s10 =	simm.s32 $0xEC00;
	s28 =	sld [smem:$0x7FC]  }
0x6c5: {  	[tilespmem:s10], [sflag:$0x2] =	stream.indirect.gather [hbm4b:s3+s4], $0x10, s26, s4, $0xb8;
	[tilespmem:$0x10400] =	vst v63  }
0x6c6: {  	s22 =	simm.s32 $0xF400;
	s29 =	sld [smem:$0x7FD]  }
0x6c7: {  	[tilespmem:s22], [sflag:$0x2] =	stream.indirect.gather [hbm4b:s3+s4], $0x10, s28, s4, $0xb8;
	[tilespmem:$0x10400] =	vst v63  }
0x6c8: {  	s24 =	simm.s32 $0xFC00  }
0x6c9: {  	[tilespmem:s24], [sflag:$0x2] =	stream.indirect.gather [hbm4b:s3+s4], $0x10, s29, s4, $0xb8;
	[tilespmem:$0x10400] =	vst v63  }
0x6ca: {  	_ =	swait.ge [sflag:s8], $0x800  }
0x6cb: {  	[sflag:s8] =	ssyncset.done $0x0  }
0x6cc: {  	[sflag:s8] =	ssyncadd.s32 $0xFFFFF800  }
0x6cd: {  	_ =	swait.ge [sflag:s8], $0x800  }
0x6ce: {  	[sflag:s8] =	ssyncset.done $0x0  }
0x6cf: {  	[sflag:s8] =	ssyncadd.s32 $0xFFFFF800  }
0x6d0: {  	_ =	swait.ge [sflag:s8], $0x800  }
0x6d1: {  	[sflag:s8] =	ssyncset.done $0x0  }
0x6d2: {  	[sflag:s8] =	ssyncadd.s32 $0xFFFFF800  }
0x6d3: {  	_ =	swait.ge [sflag:s8], $0x800  }
0x6d4: {  	[sflag:s8] =	ssyncset.done $0x0  }
0x6d5: {  	[sflag:s8] =	ssyncadd.s32 $0xFFFFF800  }
0x6d6: {  	_ =	swait.ge [sflag:s8], $0x800  }
0x6d7: {  	[sflag:s8] =	ssyncset.done $0x0  }
0x6d8: {  	[sflag:s8] =	ssyncadd.s32 $0xFFFFF800  }
0x6d9: {  	_ =	swait.ge [sflag:s8], $0x800  }
0x6da: {  	[sflag:s8] =	ssyncset.done $0x0  }
0x6db: {  	[sflag:s8] =	ssyncadd.s32 $0xFFFFF800  }
0x6dc: {  	_ =	swait.ge [sflag:s8], $0x800  }
0x6dd: {  	[sflag:s8] =	ssyncset.done $0x0  }
0x6de: {  	[sflag:s8] =	ssyncadd.s32 $0xFFFFF800  }
0x6df: {  	_ =	swait.ge [sflag:s8], $0x800  }
0x6e0: {  	[sflag:s8] =	ssyncset.done $0x0  }
0x6e1: {  	[sflag:s8] =	ssyncadd.s32 $0xFFFFF800  }
0x6e2: {  	_ =	swait.ge [sflag:s8], $0x800  }
0x6e3: {  	[sflag:s8] =	ssyncset.done $0x0  }
0x6e4: {  	[sflag:s8] =	ssyncadd.s32 $0xFFFFF800  }
0x6e5: {  	_ =	swait.ge [sflag:s8], $0x800  }
0x6e6: {  	[sflag:s8] =	ssyncset.done $0x0  }
0x6e7: {  	[sflag:s8] =	ssyncadd.s32 $0xFFFFF800  }
0x6e8: {  	_ =	swait.ge [sflag:s8], $0x800  }
0x6e9: {  	[sflag:s8] =	ssyncset.done $0x0  }
0x6ea: {  	[sflag:s8] =	ssyncadd.s32 $0xFFFFF800  }
0x6eb: {  	_ =	swait.ge [sflag:s8], $0x800  }
0x6ec: {  	[sflag:s8] =	ssyncset.done $0x0  }
0x6ed: {  	[sflag:s8] =	ssyncadd.s32 $0xFFFFF800  }
0x6ee: {  	_ =	swait.ge [sflag:s8], $0x800  }
0x6ef: {  	[sflag:s8] =	ssyncset.done $0x0  }
0x6f0: {  	s30 =	rddreg [dreg:$0xa];
	[sflag:s8] =	ssyncadd.s32 $0xFFFFF800  }
0x6f1: {  	[hbm4b:s30+s2] =	stream.linear.scatter [tilespmem:s5], [sflag:$0x4], $0x6800, $0x38;
	[tilespmem:$0x10400] =	vst v63  }
0x6f2: {  	_ =	swait.ge [sflag:s7], $0x6800  }
0x6f3: {  	[sflag:s7] =	ssyncset.done $0x0  }
0x6f4: {  	[sflag:s7] =	ssyncadd.s32 $0xFFFF9800  }
0x6f5: {  	_ =	swait.ge [sflag:s6], $0x6800  }
0x6f6: {  	[sflag:s6] =	ssyncset.done $0x0  }
0x6f7: {  	[sflag:s6] =	ssyncadd.s32 $0xFFFF9800  }
0x6f8: {  	_ =	sfence.sel $0x180000  }
0x6f9: {  	[bflag:$0x0] =	sbarrier.arrive $0xFFFF  }
0x6fa: {  	_ =	strace $0x90000047  }
0x6fb: {  	s31 =	stileid.u32;
	[bflag:$0x2] =	sbarrier.arrive $0xFFFF  }
0x6fc: {  	p0 =	sne.s32 s31, $0x0;
	s0 =	rddreg [dreg:$0x1]  }
0x6fd: {  	s0 =	sadd.s32 @!p0 $0x100000, s0  }
0x6fe: {  	[sflag:s0] =	ssyncadd.tile.s32 @!p0 $0x1;
	_ =	shalt  }
.LBB2_6:
.Ltmp3:
0x6ff: {  	(pc) =	sbr.rel .LBB2_5-.Ltmp3, $2  }
0x700: {  	_ =	sdelay $0x2  }
0x701: {  	s29 =	simm.s32 $0x5  }
.Lfunc_end2:
_tile_overlayer_lowered:
.L_overlay_start_2:
0x702: {  	(tag) =	ssettag $0x2  }
0x703: {  	s0 =	rddreg [dreg:$0x0];
	s2 =	stileid.u32  }
0x704: {  	s1 =	rddreg [dreg:$0x1];
	p0 =	sne.s32 s2, $0x0  }
0x705: {  	s3 =	rddreg [dreg:$0x2];
	[bflag:$0x3] =	sbarrier.arrive $0xFFFF;
	s2 =	simm.s32 @!p0 $0x1C05  }
0x706: {  	[timem:s3], [sflag:s2] =	dma.local @!p0 [hbm:s0], s1  }
0x707: {  	s0 =	simm.s32 @!p0 $0x5  }
0x708: {  	_ =	swait.ge @!p0 [sflag:s0], s1  }
0x709: {  	s1 =	ssub.s32 @!p0 $0x0, s1;
	[sflag:s0] =	ssyncset.done @!p0 $0x0  }
0x70a: {  	[sflag:s0] =	ssyncadd.s32 @!p0 s1  }
0x70b: {  	[bflag:$0x3] =	sbarrier.arrive $0xFFFF  }
0x70c: {  	_ =	shalt  }

</sc_bundles>
